<compile_context>
chip_gen: v7x
topology: tpu7x:2x2x1
jax: 0.10.2.dev20260603
libtpu: 0.0.44.dev20260713+nightly
codegen_flags: <defaults>
</compile_context>

<pallas_src>
import functools

import jax
import jax.numpy as jnp
from jax import lax
from jax.experimental import pallas as pl
from jax.experimental.pallas import tpu as pltpu
from jax.experimental.pallas import tpu_sc as plsc

_NBUF = 4


def _gather_kernel(NB, S, D, BPC):
    SP = (S + 7) // 8 * 8
    DP = (D + 127) // 128 * 128
    CH = BPC * S
    info = plsc.get_sparse_core_info()
    NC, NS = info.num_cores, info.num_subcores
    NW = NC * NS
    nb_per_w = NB // NW
    n_ch = nb_per_w // BPC
    n_outer = n_ch // _NBUF
    assert nb_per_w % BPC == 0 and n_ch % _NBUF == 0 and n_outer >= 3
    mesh = plsc.VectorSubcoreMesh(core_axis_name="c", subcore_axis_name="s")

    @functools.partial(
        pl.kernel,
        mesh=mesh,
        out_type=jax.ShapeDtypeStruct((NB, SP, DP), jnp.float32),
        scratch_types=[
            pltpu.VMEM((n_ch, CH), jnp.int32),
            pltpu.VMEM((_NBUF, CH, D), jnp.float32),
            pltpu.SemaphoreType.DMA((_NBUF,)),
            pltpu.SemaphoreType.DMA((_NBUF,)),
        ],
        compiler_params=pltpu.CompilerParams(use_tc_tiling_on_sc=False),
    )
    def k(idx_hbm, table_hbm, out_hbm, idx_v, rows_v, sem_g, sem_o):
        wid = lax.axis_index("s") * NC + lax.axis_index("c")
        c0 = wid * n_ch

        pltpu.sync_copy(idx_hbm.at[pl.ds(c0, n_ch)], idx_v)

        def gat(i, b):
            return pltpu.make_async_copy(
                table_hbm.at[idx_v.at[i]], rows_v.at[b], sem_g.at[b])

        def _sto(i, b, kq):
            return pltpu.make_async_copy(
                rows_v.at[b, pl.ds(kq * S, S)],
                out_hbm.at[(c0 + i) * BPC + kq, pl.ds(0, S), pl.ds(0, D)],
                sem_o.at[b])

        def sto_start(i, b):
            for kq in range(BPC):
                _sto(i, b, kq).start()

        def sto_wait(i, b):
            for kq in range(BPC):
                _sto(i, b, kq).wait()

        for b in range(_NBUF - 1):
            gat(b, b).start()

        for b in range(_NBUF):
            gat(b, b).wait()
            sto_start(b, b)
            if b > 0:
                sto_wait(b - 1, b - 1)
            gat(b + _NBUF - 1, (b + _NBUF - 1) % _NBUF).start()

        def outer(g, carry):
            i0 = g * _NBUF
            for b in range(_NBUF):
                i = i0 + b
                gat(i, b).wait()
                sto_start(i, b)
                bp = (b - 1) % _NBUF
                sto_wait(i - 1, bp)
                gat(i + _NBUF - 1, bp).start()
            return carry

        lax.fori_loop(1, n_outer - 1, outer, 0)

        i0 = (n_outer - 1) * _NBUF
        for b in range(_NBUF):
            i = i0 + b
            gat(i, b).wait()
            sto_start(i, b)
            bp = (b - 1) % _NBUF
            sto_wait(i - 1, bp)
            if b == 0:
                gat(i + _NBUF - 1, bp).start()
        sto_wait(i0 + _NBUF - 1, _NBUF - 1)

    return k


def kernel(element, table):
    NB, S = element.shape
    V, D = table.shape
    BPC = 4
    idx = element.reshape(NB // BPC, BPC * S)
    padded = _gather_kernel(NB, S, D, BPC)(idx, table)
    return padded[:, :S, :D]

# --- scband reference (transcript-rebuilt; emitter-appended) ---
"""Pipeline reference for scband-element-encoder-22402549416362 (READ-ONLY COPY).

The authoritative reference and input builder live on the scoring server;
editing this copy changes nothing except your own understanding.
"""

import jax, jax.numpy as jnp
import numpy as np

NUM_ELEMENTS = 1000000
EMBEDDING_DIM = 64

def setup_inputs(seed: int = 0) -> dict:
    key = jax.random.key(seed)
    k1, k2 = jax.random.split(key)
    element = jax.random.randint(k1, (16384, 50), 0, NUM_ELEMENTS, dtype=jnp.int64 if jax.config.jax_enable_x64 else jnp.int32).astype(jnp.int32)
    table = jax.random.normal(k2, (NUM_ELEMENTS, EMBEDDING_DIM), dtype=jnp.float32)
    # padding_idx=0: row 0 is zeroed (as in nn.Embedding(padding_idx=0))
    table = table.at[0].set(0.0)
    return {"element": element, "table": table}

def reference(element, table):
    # element_vector = self.embedding(element.long())
    element_vector = jnp.take(table, element, axis=0)
    return element_vector

if __name__ == "__main__":
    import jax
    _d = setup_inputs()
    print(jax.jit(kernel)(*tuple(_d.values())))

</pallas_src>

<mosaic_0001>
#map = affine_map<(d0, d1) -> (0, 0)>
#map1 = affine_map<(d0, d1) -> (0, 0, 0)>
module attributes {stable_mosaic.version = 14 : i64} {
  func.func @k(%arg0: i32, %arg1: i32, %arg2: memref<4096x200xi32, #tpu.memory_space<hbm>>, %arg3: memref<1000000x64xf32, #tpu.memory_space<hbm>>, %arg4: memref<16384x56x128xf32, #tpu.memory_space<hbm>>, %arg5: memref<128x200xi32, #tpu.memory_space<vmem>>, %arg6: memref<4x200x64xf32, #tpu.memory_space<vmem>>, %arg7: memref<4x!tpu.dma_semaphore, #tpu.memory_space<semaphore_mem>>, %arg8: memref<4x!tpu.dma_semaphore, #tpu.memory_space<semaphore_mem>>) attributes {dimension_semantics = [#tpu.dimension_semantics<core_parallel>, #tpu.dimension_semantics<subcore_parallel>], iteration_bounds = array<i64: 2, 16>, scalar_prefetch = 0 : i64, scratch_operands = 4 : i64, tpu.core_type = #tpu.core_type<sc_vector_subcore>, window_params = [{transform_indices = #map}, {transform_indices = #map}, {transform_indices = #map1}]} {
    %mul3A = arith.constant 2 : i32
    %mul3A_0 = arith.muli %arg1, %mul3A : i32
    %add3A = arith.addi %mul3A_0, %arg0 : i32
    %mul3A_1 = arith.constant 128 : i32
    %mul3A_2 = arith.muli %add3A, %mul3A_1 : i32
    "tpu.region"() ({
      %run_scoped3A = tpu.sem_alloc : memref<!tpu.dma_semaphore, #tpu.memory_space<semaphore_mem>>
      %dma_start3A_1910 = arith.constant 0 : i32
      %dma_start3A_1911 = tpu.memref_slice %arg2[%mul3A_2, %dma_start3A_1910] : memref<4096x200xi32, #tpu.memory_space<hbm>> -> memref<128x200xi32, #tpu.memory_space<hbm>>
      %dma_start3A_1912 = arith.constant 0 : i32
      %dma_start3A_1913 = tpu.memref_slice %arg2[%mul3A_2, %dma_start3A_1912] : memref<4096x200xi32, #tpu.memory_space<hbm>> -> memref<128x200xi32, #tpu.memory_space<hbm>>
      tpu.enqueue_dma source(%dma_start3A_1913 : memref<128x200xi32, #tpu.memory_space<hbm>>) target(%arg5 : memref<128x200xi32, #tpu.memory_space<vmem>>) target_semaphore(%run_scoped3A : memref<!tpu.dma_semaphore, #tpu.memory_space<semaphore_mem>>)
      %dma_wait3A_1914 = arith.constant 0 : i32
      %dma_wait3A_1915 = tpu.memref_slice %arg2[%mul3A_2, %dma_wait3A_1914] : memref<4096x200xi32, #tpu.memory_space<hbm>> -> memref<128x200xi32, #tpu.memory_space<hbm>>
      %dma_wait3A_1916 = arith.constant 0 : i32
      %dma_wait3A_1917 = tpu.memref_slice %arg2[%mul3A_2, %dma_wait3A_1916] : memref<4096x200xi32, #tpu.memory_space<hbm>> -> memref<128x200xi32, #tpu.memory_space<hbm>>
      tpu.wait_dma2 semaphore(%run_scoped3A : memref<!tpu.dma_semaphore, #tpu.memory_space<semaphore_mem>>) src(%dma_wait3A_1917 : memref<128x200xi32, #tpu.memory_space<hbm>>) dst(%arg5 : memref<128x200xi32, #tpu.memory_space<vmem>>)
      tpu.yield
    }) : () -> ()
    %dma_start3A = arith.constant 0 : i32
    %dma_start3A_3 = arith.constant 0 : i32
    %dma_start3A_4 = arith.constant 0 : i32
    %dma_start3A_5 = arith.constant 0 : i32
    %dma_start3A_6 = arith.constant 0 : i32
    %dma_start3A_7 = tpu.memref_slice %arg6[%dma_start3A_3, %dma_start3A_5, %dma_start3A_6] : memref<4x200x64xf32, #tpu.memory_space<vmem>> -> memref<1x200x64xf32, #tpu.memory_space<vmem>>
    %dma_start3A_8 = tpu.memref_squeeze %dma_start3A_7 : memref<1x200x64xf32, #tpu.memory_space<vmem>> -> memref<200x64xf32, #tpu.memory_space<vmem>>
    %dma_start3A_9 = arith.constant 0 : i32
    %dma_start3A_10 = tpu.memref_slice %arg5[%dma_start3A, %dma_start3A_9] : memref<128x200xi32, #tpu.memory_space<vmem>> -> memref<1x200xi32, #tpu.memory_space<vmem>>
    %dma_start3A_11 = tpu.memref_squeeze %dma_start3A_10 : memref<1x200xi32, #tpu.memory_space<vmem>> -> memref<200xi32, #tpu.memory_space<vmem>>
    %dma_start3A_12 = arith.constant 0 : i32
    %dma_start3A_13 = arith.constant 0 : i32
    %dma_start3A_14 = tpu.memref_slice %arg3[%dma_start3A_12, %dma_start3A_13] : memref<1000000x64xf32, #tpu.memory_space<hbm>> -> memref<1000000x64xf32, #tpu.memory_space<hbm>>
    %dma_start3A_15 = tpu.memref_slice %arg7[%dma_start3A_4] : memref<4x!tpu.dma_semaphore, #tpu.memory_space<semaphore_mem>> -> memref<1x!tpu.dma_semaphore, #tpu.memory_space<semaphore_mem>>
    %dma_start3A_16 = tpu.memref_squeeze %dma_start3A_15 : memref<1x!tpu.dma_semaphore, #tpu.memory_space<semaphore_mem>> -> memref<!tpu.dma_semaphore, #tpu.memory_space<semaphore_mem>>
    tpu.enqueue_indirect_dma source(%dma_start3A_14 : memref<1000000x64xf32, #tpu.memory_space<hbm>>) target(%dma_start3A_8 : memref<200x64xf32, #tpu.memory_space<vmem>>) offsets(%dma_start3A_11 : memref<200xi32, #tpu.memory_space<vmem>>) semaphore(%dma_start3A_16 : memref<!tpu.dma_semaphore, #tpu.memory_space<semaphore_mem>>)
    %dma_start3A_17 = arith.constant 1 : i32
    %dma_start3A_18 = arith.constant 1 : i32
    %dma_start3A_19 = arith.constant 1 : i32
    %dma_start3A_20 = arith.constant 0 : i32
    %dma_start3A_21 = arith.constant 0 : i32
    %dma_start3A_22 = tpu.memref_slice %arg6[%dma_start3A_18, %dma_start3A_20, %dma_start3A_21] : memref<4x200x64xf32, #tpu.memory_space<vmem>> -> memref<1x200x64xf32, #tpu.memory_space<vmem>>
    %dma_start3A_23 = tpu.memref_squeeze %dma_start3A_22 : memref<1x200x64xf32, #tpu.memory_space<vmem>> -> memref<200x64xf32, #tpu.memory_space<vmem>>
    %dma_start3A_24 = arith.constant 0 : i32
    %dma_start3A_25 = tpu.memref_slice %arg5[%dma_start3A_17, %dma_start3A_24] : memref<128x200xi32, #tpu.memory_space<vmem>> -> memref<1x200xi32, #tpu.memory_space<vmem>>
    %dma_start3A_26 = tpu.memref_squeeze %dma_start3A_25 : memref<1x200xi32, #tpu.memory_space<vmem>> -> memref<200xi32, #tpu.memory_space<vmem>>
    %dma_start3A_27 = arith.constant 0 : i32
    %dma_start3A_28 = arith.constant 0 : i32
    %dma_start3A_29 = tpu.memref_slice %arg3[%dma_start3A_27, %dma_start3A_28] : memref<1000000x64xf32, #tpu.memory_space<hbm>> -> memref<1000000x64xf32, #tpu.memory_space<hbm>>
    %dma_start3A_30 = tpu.memref_slice %arg7[%dma_start3A_19] : memref<4x!tpu.dma_semaphore, #tpu.memory_space<semaphore_mem>> -> memref<1x!tpu.dma_semaphore, #tpu.memory_space<semaphore_mem>>
    %dma_start3A_31 = tpu.memref_squeeze %dma_start3A_30 : memref<1x!tpu.dma_semaphore, #tpu.memory_space<semaphore_mem>> -> memref<!tpu.dma_semaphore, #tpu.memory_space<semaphore_mem>>
    tpu.enqueue_indirect_dma source(%dma_start3A_29 : memref<1000000x64xf32, #tpu.memory_space<hbm>>) target(%dma_start3A_23 : memref<200x64xf32, #tpu.memory_space<vmem>>) offsets(%dma_start3A_26 : memref<200xi32, #tpu.memory_space<vmem>>) semaphore(%dma_start3A_31 : memref<!tpu.dma_semaphore, #tpu.memory_space<semaphore_mem>>)
    %dma_start3A_32 = arith.constant 2 : i32
    %dma_start3A_33 = arith.constant 2 : i32
    %dma_start3A_34 = arith.constant 2 : i32
    %dma_start3A_35 = arith.constant 0 : i32
    %dma_start3A_36 = arith.constant 0 : i32
    %dma_start3A_37 = tpu.memref_slice %arg6[%dma_start3A_33, %dma_start3A_35, %dma_start3A_36] : memref<4x200x64xf32, #tpu.memory_space<vmem>> -> memref<1x200x64xf32, #tpu.memory_space<vmem>>
    %dma_start3A_38 = tpu.memref_squeeze %dma_start3A_37 : memref<1x200x64xf32, #tpu.memory_space<vmem>> -> memref<200x64xf32, #tpu.memory_space<vmem>>
    %dma_start3A_39 = arith.constant 0 : i32
    %dma_start3A_40 = tpu.memref_slice %arg5[%dma_start3A_32, %dma_start3A_39] : memref<128x200xi32, #tpu.memory_space<vmem>> -> memref<1x200xi32, #tpu.memory_space<vmem>>
    %dma_start3A_41 = tpu.memref_squeeze %dma_start3A_40 : memref<1x200xi32, #tpu.memory_space<vmem>> -> memref<200xi32, #tpu.memory_space<vmem>>
    %dma_start3A_42 = arith.constant 0 : i32
    %dma_start3A_43 = arith.constant 0 : i32
    %dma_start3A_44 = tpu.memref_slice %arg3[%dma_start3A_42, %dma_start3A_43] : memref<1000000x64xf32, #tpu.memory_space<hbm>> -> memref<1000000x64xf32, #tpu.memory_space<hbm>>
    %dma_start3A_45 = tpu.memref_slice %arg7[%dma_start3A_34] : memref<4x!tpu.dma_semaphore, #tpu.memory_space<semaphore_mem>> -> memref<1x!tpu.dma_semaphore, #tpu.memory_space<semaphore_mem>>
    %dma_start3A_46 = tpu.memref_squeeze %dma_start3A_45 : memref<1x!tpu.dma_semaphore, #tpu.memory_space<semaphore_mem>> -> memref<!tpu.dma_semaphore, #tpu.memory_space<semaphore_mem>>
    tpu.enqueue_indirect_dma source(%dma_start3A_44 : memref<1000000x64xf32, #tpu.memory_space<hbm>>) target(%dma_start3A_38 : memref<200x64xf32, #tpu.memory_space<vmem>>) offsets(%dma_start3A_41 : memref<200xi32, #tpu.memory_space<vmem>>) semaphore(%dma_start3A_46 : memref<!tpu.dma_semaphore, #tpu.memory_space<semaphore_mem>>)
    %dma_wait3A = arith.constant 0 : i32
    %dma_wait3A_47 = arith.constant 0 : i32
    %dma_wait3A_48 = arith.constant 0 : i32
    %dma_wait3A_49 = arith.constant 0 : i32
    %dma_wait3A_50 = arith.constant 0 : i32
    %dma_wait3A_51 = tpu.memref_slice %arg6[%dma_wait3A_47, %dma_wait3A_49, %dma_wait3A_50] : memref<4x200x64xf32, #tpu.memory_space<vmem>> -> memref<1x200x64xf32, #tpu.memory_space<vmem>>
    %dma_wait3A_52 = tpu.memref_squeeze %dma_wait3A_51 : memref<1x200x64xf32, #tpu.memory_space<vmem>> -> memref<200x64xf32, #tpu.memory_space<vmem>>
    %dma_wait3A_53 = arith.constant 0 : i32
    %dma_wait3A_54 = tpu.memref_slice %arg5[%dma_wait3A, %dma_wait3A_53] : memref<128x200xi32, #tpu.memory_space<vmem>> -> memref<1x200xi32, #tpu.memory_space<vmem>>
    %dma_wait3A_55 = tpu.memref_squeeze %dma_wait3A_54 : memref<1x200xi32, #tpu.memory_space<vmem>> -> memref<200xi32, #tpu.memory_space<vmem>>
    %dma_wait3A_56 = arith.constant 0 : i32
    %dma_wait3A_57 = arith.constant 0 : i32
    %dma_wait3A_58 = tpu.memref_slice %arg3[%dma_wait3A_56, %dma_wait3A_57] : memref<1000000x64xf32, #tpu.memory_space<hbm>> -> memref<1000000x64xf32, #tpu.memory_space<hbm>>
    %dma_wait3A_59 = tpu.memref_slice %arg7[%dma_wait3A_48] : memref<4x!tpu.dma_semaphore, #tpu.memory_space<semaphore_mem>> -> memref<1x!tpu.dma_semaphore, #tpu.memory_space<semaphore_mem>>
    %dma_wait3A_60 = tpu.memref_squeeze %dma_wait3A_59 : memref<1x!tpu.dma_semaphore, #tpu.memory_space<semaphore_mem>> -> memref<!tpu.dma_semaphore, #tpu.memory_space<semaphore_mem>>
    tpu.wait_indirect_dma semaphore(%dma_wait3A_60 : memref<!tpu.dma_semaphore, #tpu.memory_space<semaphore_mem>>) src(%dma_wait3A_58 : memref<1000000x64xf32, #tpu.memory_space<hbm>>) dst(%dma_wait3A_52 : memref<200x64xf32, #tpu.memory_space<vmem>>)
    %add3A_61 = arith.constant 0 : i32
    %add3A_62 = arith.addi %mul3A_2, %add3A_61 : i32
    %mul3A_63 = arith.constant 4 : i32
    %mul3A_64 = arith.muli %add3A_62, %mul3A_63 : i32
    %add3A_65 = arith.constant 0 : i32
    %add3A_66 = arith.addi %mul3A_64, %add3A_65 : i32
    %dma_start3A_67 = arith.constant 0 : i32
    %dma_start3A_68 = arith.constant 0 : i32
    %dma_start3A_69 = arith.constant 0 : i32
    %dma_start3A_70 = arith.constant 0 : i32
    %dma_start3A_71 = tpu.memref_slice %arg6[%dma_start3A_67, %dma_start3A_69, %dma_start3A_70] : memref<4x200x64xf32, #tpu.memory_space<vmem>> -> memref<1x50x64xf32, #tpu.memory_space<vmem>>
    %dma_start3A_72 = tpu.memref_squeeze %dma_start3A_71 : memref<1x50x64xf32, #tpu.memory_space<vmem>> -> memref<50x64xf32, #tpu.memory_space<vmem>>
    %dma_start3A_73 = arith.constant 0 : i32
    %dma_start3A_74 = arith.constant 0 : i32
    %dma_start3A_75 = tpu.memref_slice %arg4[%add3A_66, %dma_start3A_73, %dma_start3A_74] : memref<16384x56x128xf32, #tpu.memory_space<hbm>> -> memref<1x50x64xf32, #tpu.memory_space<hbm>>
    %dma_start3A_76 = tpu.memref_squeeze %dma_start3A_75 : memref<1x50x64xf32, #tpu.memory_space<hbm>> -> memref<50x64xf32, #tpu.memory_space<hbm>>
    %dma_start3A_77 = tpu.memref_slice %arg8[%dma_start3A_68] : memref<4x!tpu.dma_semaphore, #tpu.memory_space<semaphore_mem>> -> memref<1x!tpu.dma_semaphore, #tpu.memory_space<semaphore_mem>>
    %dma_start3A_78 = tpu.memref_squeeze %dma_start3A_77 : memref<1x!tpu.dma_semaphore, #tpu.memory_space<semaphore_mem>> -> memref<!tpu.dma_semaphore, #tpu.memory_space<semaphore_mem>>
    %dma_start3A_79 = arith.constant 0 : i32
    %dma_start3A_80 = arith.constant 0 : i32
    %dma_start3A_81 = tpu.memref_slice %arg4[%add3A_66, %dma_start3A_79, %dma_start3A_80] : memref<16384x56x128xf32, #tpu.memory_space<hbm>> -> memref<1x50x64xf32, #tpu.memory_space<hbm>>
    %dma_start3A_82 = tpu.memref_squeeze %dma_start3A_81 : memref<1x50x64xf32, #tpu.memory_space<hbm>> -> memref<50x64xf32, #tpu.memory_space<hbm>>
    %dma_start3A_83 = arith.constant 0 : i32
    %dma_start3A_84 = arith.constant 0 : i32
    %dma_start3A_85 = tpu.memref_slice %arg6[%dma_start3A_67, %dma_start3A_83, %dma_start3A_84] : memref<4x200x64xf32, #tpu.memory_space<vmem>> -> memref<1x50x64xf32, #tpu.memory_space<vmem>>
    %dma_start3A_86 = tpu.memref_squeeze %dma_start3A_85 : memref<1x50x64xf32, #tpu.memory_space<vmem>> -> memref<50x64xf32, #tpu.memory_space<vmem>>
    tpu.enqueue_dma source(%dma_start3A_86 : memref<50x64xf32, #tpu.memory_space<vmem>>) target(%dma_start3A_82 : memref<50x64xf32, #tpu.memory_space<hbm>>) target_semaphore(%dma_start3A_78 : memref<!tpu.dma_semaphore, #tpu.memory_space<semaphore_mem>>)
    %add3A_87 = arith.constant 0 : i32
    %add3A_88 = arith.addi %mul3A_2, %add3A_87 : i32
    %mul3A_89 = arith.constant 4 : i32
    %mul3A_90 = arith.muli %add3A_88, %mul3A_89 : i32
    %add3A_91 = arith.constant 1 : i32
    %add3A_92 = arith.addi %mul3A_90, %add3A_91 : i32
    %dma_start3A_93 = arith.constant 0 : i32
    %dma_start3A_94 = arith.constant 0 : i32
    %dma_start3A_95 = arith.constant 50 : i32
    %dma_start3A_96 = arith.constant 0 : i32
    %dma_start3A_97 = tpu.memref_slice %arg6[%dma_start3A_93, %dma_start3A_95, %dma_start3A_96] : memref<4x200x64xf32, #tpu.memory_space<vmem>> -> memref<1x50x64xf32, #tpu.memory_space<vmem>>
    %dma_start3A_98 = tpu.memref_squeeze %dma_start3A_97 : memref<1x50x64xf32, #tpu.memory_space<vmem>> -> memref<50x64xf32, #tpu.memory_space<vmem>>
    %dma_start3A_99 = arith.constant 0 : i32
    %dma_start3A_100 = arith.constant 0 : i32
    %dma_start3A_101 = tpu.memref_slice %arg4[%add3A_92, %dma_start3A_99, %dma_start3A_100] : memref<16384x56x128xf32, #tpu.memory_space<hbm>> -> memref<1x50x64xf32, #tpu.memory_space<hbm>>
    %dma_start3A_102 = tpu.memref_squeeze %dma_start3A_101 : memref<1x50x64xf32, #tpu.memory_space<hbm>> -> memref<50x64xf32, #tpu.memory_space<hbm>>
    %dma_start3A_103 = tpu.memref_slice %arg8[%dma_start3A_94] : memref<4x!tpu.dma_semaphore, #tpu.memory_space<semaphore_mem>> -> memref<1x!tpu.dma_semaphore, #tpu.memory_space<semaphore_mem>>
    %dma_start3A_104 = tpu.memref_squeeze %dma_start3A_103 : memref<1x!tpu.dma_semaphore, #tpu.memory_space<semaphore_mem>> -> memref<!tpu.dma_semaphore, #tpu.memory_space<semaphore_mem>>
    %dma_start3A_105 = arith.constant 0 : i32
    %dma_start3A_106 = arith.constant 0 : i32
    %dma_start3A_107 = tpu.memref_slice %arg4[%add3A_92, %dma_start3A_105, %dma_start3A_106] : memref<16384x56x128xf32, #tpu.memory_space<hbm>> -> memref<1x50x64xf32, #tpu.memory_space<hbm>>
    %dma_start3A_108 = tpu.memref_squeeze %dma_start3A_107 : memref<1x50x64xf32, #tpu.memory_space<hbm>> -> memref<50x64xf32, #tpu.memory_space<hbm>>
    %dma_start3A_109 = arith.constant 50 : i32
    %dma_start3A_110 = arith.constant 0 : i32
    %dma_start3A_111 = tpu.memref_slice %arg6[%dma_start3A_93, %dma_start3A_109, %dma_start3A_110] : memref<4x200x64xf32, #tpu.memory_space<vmem>> -> memref<1x50x64xf32, #tpu.memory_space<vmem>>
    %dma_start3A_112 = tpu.memref_squeeze %dma_start3A_111 : memref<1x50x64xf32, #tpu.memory_space<vmem>> -> memref<50x64xf32, #tpu.memory_space<vmem>>
    tpu.enqueue_dma source(%dma_start3A_112 : memref<50x64xf32, #tpu.memory_space<vmem>>) target(%dma_start3A_108 : memref<50x64xf32, #tpu.memory_space<hbm>>) target_semaphore(%dma_start3A_104 : memref<!tpu.dma_semaphore, #tpu.memory_space<semaphore_mem>>)
    %add3A_113 = arith.constant 0 : i32
    %add3A_114 = arith.addi %mul3A_2, %add3A_113 : i32
    %mul3A_115 = arith.constant 4 : i32
    %mul3A_116 = arith.muli %add3A_114, %mul3A_115 : i32
    %add3A_117 = arith.constant 2 : i32
    %add3A_118 = arith.addi %mul3A_116, %add3A_117 : i32
    %dma_start3A_119 = arith.constant 0 : i32
    %dma_start3A_120 = arith.constant 0 : i32
    %dma_start3A_121 = arith.constant 100 : i32
    %dma_start3A_122 = arith.constant 0 : i32
    %dma_start3A_123 = tpu.memref_slice %arg6[%dma_start3A_119, %dma_start3A_121, %dma_start3A_122] : memref<4x200x64xf32, #tpu.memory_space<vmem>> -> memref<1x50x64xf32, #tpu.memory_space<vmem>>
    %dma_start3A_124 = tpu.memref_squeeze %dma_start3A_123 : memref<1x50x64xf32, #tpu.memory_space<vmem>> -> memref<50x64xf32, #tpu.memory_space<vmem>>
    %dma_start3A_125 = arith.constant 0 : i32
    %dma_start3A_126 = arith.constant 0 : i32
    %dma_start3A_127 = tpu.memref_slice %arg4[%add3A_118, %dma_start3A_125, %dma_start3A_126] : memref<16384x56x128xf32, #tpu.memory_space<hbm>> -> memref<1x50x64xf32, #tpu.memory_space<hbm>>
    %dma_start3A_128 = tpu.memref_squeeze %dma_start3A_127 : memref<1x50x64xf32, #tpu.memory_space<hbm>> -> memref<50x64xf32, #tpu.memory_space<hbm>>
    %dma_start3A_129 = tpu.memref_slice %arg8[%dma_start3A_120] : memref<4x!tpu.dma_semaphore, #tpu.memory_space<semaphore_mem>> -> memref<1x!tpu.dma_semaphore, #tpu.memory_space<semaphore_mem>>
    %dma_start3A_130 = tpu.memref_squeeze %dma_start3A_129 : memref<1x!tpu.dma_semaphore, #tpu.memory_space<semaphore_mem>> -> memref<!tpu.dma_semaphore, #tpu.memory_space<semaphore_mem>>
    %dma_start3A_131 = arith.constant 0 : i32
    %dma_start3A_132 = arith.constant 0 : i32
    %dma_start3A_133 = tpu.memref_slice %arg4[%add3A_118, %dma_start3A_131, %dma_start3A_132] : memref<16384x56x128xf32, #tpu.memory_space<hbm>> -> memref<1x50x64xf32, #tpu.memory_space<hbm>>
    %dma_start3A_134 = tpu.memref_squeeze %dma_start3A_133 : memref<1x50x64xf32, #tpu.memory_space<hbm>> -> memref<50x64xf32, #tpu.memory_space<hbm>>
    %dma_start3A_135 = arith.constant 100 : i32
    %dma_start3A_136 = arith.constant 0 : i32
    %dma_start3A_137 = tpu.memref_slice %arg6[%dma_start3A_119, %dma_start3A_135, %dma_start3A_136] : memref<4x200x64xf32, #tpu.memory_space<vmem>> -> memref<1x50x64xf32, #tpu.memory_space<vmem>>
    %dma_start3A_138 = tpu.memref_squeeze %dma_start3A_137 : memref<1x50x64xf32, #tpu.memory_space<vmem>> -> memref<50x64xf32, #tpu.memory_space<vmem>>
    tpu.enqueue_dma source(%dma_start3A_138 : memref<50x64xf32, #tpu.memory_space<vmem>>) target(%dma_start3A_134 : memref<50x64xf32, #tpu.memory_space<hbm>>) target_semaphore(%dma_start3A_130 : memref<!tpu.dma_semaphore, #tpu.memory_space<semaphore_mem>>)
    %add3A_139 = arith.constant 0 : i32
    %add3A_140 = arith.addi %mul3A_2, %add3A_139 : i32
    %mul3A_141 = arith.constant 4 : i32
    %mul3A_142 = arith.muli %add3A_140, %mul3A_141 : i32
    %add3A_143 = arith.constant 3 : i32
    %add3A_144 = arith.addi %mul3A_142, %add3A_143 : i32
    %dma_start3A_145 = arith.constant 0 : i32
    %dma_start3A_146 = arith.constant 0 : i32
    %dma_start3A_147 = arith.constant 150 : i32
    %dma_start3A_148 = arith.constant 0 : i32
    %dma_start3A_149 = tpu.memref_slice %arg6[%dma_start3A_145, %dma_start3A_147, %dma_start3A_148] : memref<4x200x64xf32, #tpu.memory_space<vmem>> -> memref<1x50x64xf32, #tpu.memory_space<vmem>>
    %dma_start3A_150 = tpu.memref_squeeze %dma_start3A_149 : memref<1x50x64xf32, #tpu.memory_space<vmem>> -> memref<50x64xf32, #tpu.memory_space<vmem>>
    %dma_start3A_151 = arith.constant 0 : i32
    %dma_start3A_152 = arith.constant 0 : i32
    %dma_start3A_153 = tpu.memref_slice %arg4[%add3A_144, %dma_start3A_151, %dma_start3A_152] : memref<16384x56x128xf32, #tpu.memory_space<hbm>> -> memref<1x50x64xf32, #tpu.memory_space<hbm>>
    %dma_start3A_154 = tpu.memref_squeeze %dma_start3A_153 : memref<1x50x64xf32, #tpu.memory_space<hbm>> -> memref<50x64xf32, #tpu.memory_space<hbm>>
    %dma_start3A_155 = tpu.memref_slice %arg8[%dma_start3A_146] : memref<4x!tpu.dma_semaphore, #tpu.memory_space<semaphore_mem>> -> memref<1x!tpu.dma_semaphore, #tpu.memory_space<semaphore_mem>>
    %dma_start3A_156 = tpu.memref_squeeze %dma_start3A_155 : memref<1x!tpu.dma_semaphore, #tpu.memory_space<semaphore_mem>> -> memref<!tpu.dma_semaphore, #tpu.memory_space<semaphore_mem>>
    %dma_start3A_157 = arith.constant 0 : i32
    %dma_start3A_158 = arith.constant 0 : i32
    %dma_start3A_159 = tpu.memref_slice %arg4[%add3A_144, %dma_start3A_157, %dma_start3A_158] : memref<16384x56x128xf32, #tpu.memory_space<hbm>> -> memref<1x50x64xf32, #tpu.memory_space<hbm>>
    %dma_start3A_160 = tpu.memref_squeeze %dma_start3A_159 : memref<1x50x64xf32, #tpu.memory_space<hbm>> -> memref<50x64xf32, #tpu.memory_space<hbm>>
    %dma_start3A_161 = arith.constant 150 : i32
    %dma_start3A_162 = arith.constant 0 : i32
    %dma_start3A_163 = tpu.memref_slice %arg6[%dma_start3A_145, %dma_start3A_161, %dma_start3A_162] : memref<4x200x64xf32, #tpu.memory_space<vmem>> -> memref<1x50x64xf32, #tpu.memory_space<vmem>>
    %dma_start3A_164 = tpu.memref_squeeze %dma_start3A_163 : memref<1x50x64xf32, #tpu.memory_space<vmem>> -> memref<50x64xf32, #tpu.memory_space<vmem>>
    tpu.enqueue_dma source(%dma_start3A_164 : memref<50x64xf32, #tpu.memory_space<vmem>>) target(%dma_start3A_160 : memref<50x64xf32, #tpu.memory_space<hbm>>) target_semaphore(%dma_start3A_156 : memref<!tpu.dma_semaphore, #tpu.memory_space<semaphore_mem>>)
    %dma_start3A_165 = arith.constant 3 : i32
    %dma_start3A_166 = arith.constant 3 : i32
    %dma_start3A_167 = arith.constant 3 : i32
    %dma_start3A_168 = arith.constant 0 : i32
    %dma_start3A_169 = arith.constant 0 : i32
    %dma_start3A_170 = tpu.memref_slice %arg6[%dma_start3A_166, %dma_start3A_168, %dma_start3A_169] : memref<4x200x64xf32, #tpu.memory_space<vmem>> -> memref<1x200x64xf32, #tpu.memory_space<vmem>>
    %dma_start3A_171 = tpu.memref_squeeze %dma_start3A_170 : memref<1x200x64xf32, #tpu.memory_space<vmem>> -> memref<200x64xf32, #tpu.memory_space<vmem>>
    %dma_start3A_172 = arith.constant 0 : i32
    %dma_start3A_173 = tpu.memref_slice %arg5[%dma_start3A_165, %dma_start3A_172] : memref<128x200xi32, #tpu.memory_space<vmem>> -> memref<1x200xi32, #tpu.memory_space<vmem>>
    %dma_start3A_174 = tpu.memref_squeeze %dma_start3A_173 : memref<1x200xi32, #tpu.memory_space<vmem>> -> memref<200xi32, #tpu.memory_space<vmem>>
    %dma_start3A_175 = arith.constant 0 : i32
    %dma_start3A_176 = arith.constant 0 : i32
    %dma_start3A_177 = tpu.memref_slice %arg3[%dma_start3A_175, %dma_start3A_176] : memref<1000000x64xf32, #tpu.memory_space<hbm>> -> memref<1000000x64xf32, #tpu.memory_space<hbm>>
    %dma_start3A_178 = tpu.memref_slice %arg7[%dma_start3A_167] : memref<4x!tpu.dma_semaphore, #tpu.memory_space<semaphore_mem>> -> memref<1x!tpu.dma_semaphore, #tpu.memory_space<semaphore_mem>>
    %dma_start3A_179 = tpu.memref_squeeze %dma_start3A_178 : memref<1x!tpu.dma_semaphore, #tpu.memory_space<semaphore_mem>> -> memref<!tpu.dma_semaphore, #tpu.memory_space<semaphore_mem>>
    tpu.enqueue_indirect_dma source(%dma_start3A_177 : memref<1000000x64xf32, #tpu.memory_space<hbm>>) target(%dma_start3A_171 : memref<200x64xf32, #tpu.memory_space<vmem>>) offsets(%dma_start3A_174 : memref<200xi32, #tpu.memory_space<vmem>>) semaphore(%dma_start3A_179 : memref<!tpu.dma_semaphore, #tpu.memory_space<semaphore_mem>>)
    %dma_wait3A_180 = arith.constant 1 : i32
    %dma_wait3A_181 = arith.constant 1 : i32
    %dma_wait3A_182 = arith.constant 1 : i32
    %dma_wait3A_183 = arith.constant 0 : i32
    %dma_wait3A_184 = arith.constant 0 : i32
    %dma_wait3A_185 = tpu.memref_slice %arg6[%dma_wait3A_181, %dma_wait3A_183, %dma_wait3A_184] : memref<4x200x64xf32, #tpu.memory_space<vmem>> -> memref<1x200x64xf32, #tpu.memory_space<vmem>>
    %dma_wait3A_186 = tpu.memref_squeeze %dma_wait3A_185 : memref<1x200x64xf32, #tpu.memory_space<vmem>> -> memref<200x64xf32, #tpu.memory_space<vmem>>
    %dma_wait3A_187 = arith.constant 0 : i32
    %dma_wait3A_188 = tpu.memref_slice %arg5[%dma_wait3A_180, %dma_wait3A_187] : memref<128x200xi32, #tpu.memory_space<vmem>> -> memref<1x200xi32, #tpu.memory_space<vmem>>
    %dma_wait3A_189 = tpu.memref_squeeze %dma_wait3A_188 : memref<1x200xi32, #tpu.memory_space<vmem>> -> memref<200xi32, #tpu.memory_space<vmem>>
    %dma_wait3A_190 = arith.constant 0 : i32
    %dma_wait3A_191 = arith.constant 0 : i32
    %dma_wait3A_192 = tpu.memref_slice %arg3[%dma_wait3A_190, %dma_wait3A_191] : memref<1000000x64xf32, #tpu.memory_space<hbm>> -> memref<1000000x64xf32, #tpu.memory_space<hbm>>
    %dma_wait3A_193 = tpu.memref_slice %arg7[%dma_wait3A_182] : memref<4x!tpu.dma_semaphore, #tpu.memory_space<semaphore_mem>> -> memref<1x!tpu.dma_semaphore, #tpu.memory_space<semaphore_mem>>
    %dma_wait3A_194 = tpu.memref_squeeze %dma_wait3A_193 : memref<1x!tpu.dma_semaphore, #tpu.memory_space<semaphore_mem>> -> memref<!tpu.dma_semaphore, #tpu.memory_space<semaphore_mem>>
    tpu.wait_indirect_dma semaphore(%dma_wait3A_194 : memref<!tpu.dma_semaphore, #tpu.memory_space<semaphore_mem>>) src(%dma_wait3A_192 : memref<1000000x64xf32, #tpu.memory_space<hbm>>) dst(%dma_wait3A_186 : memref<200x64xf32, #tpu.memory_space<vmem>>)
    %add3A_195 = arith.constant 1 : i32
    %add3A_196 = arith.addi %mul3A_2, %add3A_195 : i32
    %mul3A_197 = arith.constant 4 : i32
    %mul3A_198 = arith.muli %add3A_196, %mul3A_197 : i32
    %add3A_199 = arith.constant 0 : i32
    %add3A_200 = arith.addi %mul3A_198, %add3A_199 : i32
    %dma_start3A_201 = arith.constant 1 : i32
    %dma_start3A_202 = arith.constant 1 : i32
    %dma_start3A_203 = arith.constant 0 : i32
    %dma_start3A_204 = arith.constant 0 : i32
    %dma_start3A_205 = tpu.memref_slice %arg6[%dma_start3A_201, %dma_start3A_203, %dma_start3A_204] : memref<4x200x64xf32, #tpu.memory_space<vmem>> -> memref<1x50x64xf32, #tpu.memory_space<vmem>>
    %dma_start3A_206 = tpu.memref_squeeze %dma_start3A_205 : memref<1x50x64xf32, #tpu.memory_space<vmem>> -> memref<50x64xf32, #tpu.memory_space<vmem>>
    %dma_start3A_207 = arith.constant 0 : i32
    %dma_start3A_208 = arith.constant 0 : i32
    %dma_start3A_209 = tpu.memref_slice %arg4[%add3A_200, %dma_start3A_207, %dma_start3A_208] : memref<16384x56x128xf32, #tpu.memory_space<hbm>> -> memref<1x50x64xf32, #tpu.memory_space<hbm>>
    %dma_start3A_210 = tpu.memref_squeeze %dma_start3A_209 : memref<1x50x64xf32, #tpu.memory_space<hbm>> -> memref<50x64xf32, #tpu.memory_space<hbm>>
    %dma_start3A_211 = tpu.memref_slice %arg8[%dma_start3A_202] : memref<4x!tpu.dma_semaphore, #tpu.memory_space<semaphore_mem>> -> memref<1x!tpu.dma_semaphore, #tpu.memory_space<semaphore_mem>>
    %dma_start3A_212 = tpu.memref_squeeze %dma_start3A_211 : memref<1x!tpu.dma_semaphore, #tpu.memory_space<semaphore_mem>> -> memref<!tpu.dma_semaphore, #tpu.memory_space<semaphore_mem>>
    %dma_start3A_213 = arith.constant 0 : i32
    %dma_start3A_214 = arith.constant 0 : i32
    %dma_start3A_215 = tpu.memref_slice %arg4[%add3A_200, %dma_start3A_213, %dma_start3A_214] : memref<16384x56x128xf32, #tpu.memory_space<hbm>> -> memref<1x50x64xf32, #tpu.memory_space<hbm>>
    %dma_start3A_216 = tpu.memref_squeeze %dma_start3A_215 : memref<1x50x64xf32, #tpu.memory_space<hbm>> -> memref<50x64xf32, #tpu.memory_space<hbm>>
    %dma_start3A_217 = arith.constant 0 : i32
    %dma_start3A_218 = arith.constant 0 : i32
    %dma_start3A_219 = tpu.memref_slice %arg6[%dma_start3A_201, %dma_start3A_217, %dma_start3A_218] : memref<4x200x64xf32, #tpu.memory_space<vmem>> -> memref<1x50x64xf32, #tpu.memory_space<vmem>>
    %dma_start3A_220 = tpu.memref_squeeze %dma_start3A_219 : memref<1x50x64xf32, #tpu.memory_space<vmem>> -> memref<50x64xf32, #tpu.memory_space<vmem>>
    tpu.enqueue_dma source(%dma_start3A_220 : memref<50x64xf32, #tpu.memory_space<vmem>>) target(%dma_start3A_216 : memref<50x64xf32, #tpu.memory_space<hbm>>) target_semaphore(%dma_start3A_212 : memref<!tpu.dma_semaphore, #tpu.memory_space<semaphore_mem>>)
    %add3A_221 = arith.constant 1 : i32
    %add3A_222 = arith.addi %mul3A_2, %add3A_221 : i32
    %mul3A_223 = arith.constant 4 : i32
    %mul3A_224 = arith.muli %add3A_222, %mul3A_223 : i32
    %add3A_225 = arith.constant 1 : i32
    %add3A_226 = arith.addi %mul3A_224, %add3A_225 : i32
    %dma_start3A_227 = arith.constant 1 : i32
    %dma_start3A_228 = arith.constant 1 : i32
    %dma_start3A_229 = arith.constant 50 : i32
    %dma_start3A_230 = arith.constant 0 : i32
    %dma_start3A_231 = tpu.memref_slice %arg6[%dma_start3A_227, %dma_start3A_229, %dma_start3A_230] : memref<4x200x64xf32, #tpu.memory_space<vmem>> -> memref<1x50x64xf32, #tpu.memory_space<vmem>>
    %dma_start3A_232 = tpu.memref_squeeze %dma_start3A_231 : memref<1x50x64xf32, #tpu.memory_space<vmem>> -> memref<50x64xf32, #tpu.memory_space<vmem>>
    %dma_start3A_233 = arith.constant 0 : i32
    %dma_start3A_234 = arith.constant 0 : i32
    %dma_start3A_235 = tpu.memref_slice %arg4[%add3A_226, %dma_start3A_233, %dma_start3A_234] : memref<16384x56x128xf32, #tpu.memory_space<hbm>> -> memref<1x50x64xf32, #tpu.memory_space<hbm>>
    %dma_start3A_236 = tpu.memref_squeeze %dma_start3A_235 : memref<1x50x64xf32, #tpu.memory_space<hbm>> -> memref<50x64xf32, #tpu.memory_space<hbm>>
    %dma_start3A_237 = tpu.memref_slice %arg8[%dma_start3A_228] : memref<4x!tpu.dma_semaphore, #tpu.memory_space<semaphore_mem>> -> memref<1x!tpu.dma_semaphore, #tpu.memory_space<semaphore_mem>>
    %dma_start3A_238 = tpu.memref_squeeze %dma_start3A_237 : memref<1x!tpu.dma_semaphore, #tpu.memory_space<semaphore_mem>> -> memref<!tpu.dma_semaphore, #tpu.memory_space<semaphore_mem>>
    %dma_start3A_239 = arith.constant 0 : i32
    %dma_start3A_240 = arith.constant 0 : i32
    %dma_start3A_241 = tpu.memref_slice %arg4[%add3A_226, %dma_start3A_239, %dma_start3A_240] : memref<16384x56x128xf32, #tpu.memory_space<hbm>> -> memref<1x50x64xf32, #tpu.memory_space<hbm>>
    %dma_start3A_242 = tpu.memref_squeeze %dma_start3A_241 : memref<1x50x64xf32, #tpu.memory_space<hbm>> -> memref<50x64xf32, #tpu.memory_space<hbm>>
    %dma_start3A_243 = arith.constant 50 : i32
    %dma_start3A_244 = arith.constant 0 : i32
    %dma_start3A_245 = tpu.memref_slice %arg6[%dma_start3A_227, %dma_start3A_243, %dma_start3A_244] : memref<4x200x64xf32, #tpu.memory_space<vmem>> -> memref<1x50x64xf32, #tpu.memory_space<vmem>>
    %dma_start3A_246 = tpu.memref_squeeze %dma_start3A_245 : memref<1x50x64xf32, #tpu.memory_space<vmem>> -> memref<50x64xf32, #tpu.memory_space<vmem>>
    tpu.enqueue_dma source(%dma_start3A_246 : memref<50x64xf32, #tpu.memory_space<vmem>>) target(%dma_start3A_242 : memref<50x64xf32, #tpu.memory_space<hbm>>) target_semaphore(%dma_start3A_238 : memref<!tpu.dma_semaphore, #tpu.memory_space<semaphore_mem>>)
    %add3A_247 = arith.constant 1 : i32
    %add3A_248 = arith.addi %mul3A_2, %add3A_247 : i32
    %mul3A_249 = arith.constant 4 : i32
    %mul3A_250 = arith.muli %add3A_248, %mul3A_249 : i32
    %add3A_251 = arith.constant 2 : i32
    %add3A_252 = arith.addi %mul3A_250, %add3A_251 : i32
    %dma_start3A_253 = arith.constant 1 : i32
    %dma_start3A_254 = arith.constant 1 : i32
    %dma_start3A_255 = arith.constant 100 : i32
    %dma_start3A_256 = arith.constant 0 : i32
    %dma_start3A_257 = tpu.memref_slice %arg6[%dma_start3A_253, %dma_start3A_255, %dma_start3A_256] : memref<4x200x64xf32, #tpu.memory_space<vmem>> -> memref<1x50x64xf32, #tpu.memory_space<vmem>>
    %dma_start3A_258 = tpu.memref_squeeze %dma_start3A_257 : memref<1x50x64xf32, #tpu.memory_space<vmem>> -> memref<50x64xf32, #tpu.memory_space<vmem>>
    %dma_start3A_259 = arith.constant 0 : i32
    %dma_start3A_260 = arith.constant 0 : i32
    %dma_start3A_261 = tpu.memref_slice %arg4[%add3A_252, %dma_start3A_259, %dma_start3A_260] : memref<16384x56x128xf32, #tpu.memory_space<hbm>> -> memref<1x50x64xf32, #tpu.memory_space<hbm>>
    %dma_start3A_262 = tpu.memref_squeeze %dma_start3A_261 : memref<1x50x64xf32, #tpu.memory_space<hbm>> -> memref<50x64xf32, #tpu.memory_space<hbm>>
    %dma_start3A_263 = tpu.memref_slice %arg8[%dma_start3A_254] : memref<4x!tpu.dma_semaphore, #tpu.memory_space<semaphore_mem>> -> memref<1x!tpu.dma_semaphore, #tpu.memory_space<semaphore_mem>>
    %dma_start3A_264 = tpu.memref_squeeze %dma_start3A_263 : memref<1x!tpu.dma_semaphore, #tpu.memory_space<semaphore_mem>> -> memref<!tpu.dma_semaphore, #tpu.memory_space<semaphore_mem>>
    %dma_start3A_265 = arith.constant 0 : i32
    %dma_start3A_266 = arith.constant 0 : i32
    %dma_start3A_267 = tpu.memref_slice %arg4[%add3A_252, %dma_start3A_265, %dma_start3A_266] : memref<16384x56x128xf32, #tpu.memory_space<hbm>> -> memref<1x50x64xf32, #tpu.memory_space<hbm>>
    %dma_start3A_268 = tpu.memref_squeeze %dma_start3A_267 : memref<1x50x64xf32, #tpu.memory_space<hbm>> -> memref<50x64xf32, #tpu.memory_space<hbm>>
    %dma_start3A_269 = arith.constant 100 : i32
    %dma_start3A_270 = arith.constant 0 : i32
    %dma_start3A_271 = tpu.memref_slice %arg6[%dma_start3A_253, %dma_start3A_269, %dma_start3A_270] : memref<4x200x64xf32, #tpu.memory_space<vmem>> -> memref<1x50x64xf32, #tpu.memory_space<vmem>>
    %dma_start3A_272 = tpu.memref_squeeze %dma_start3A_271 : memref<1x50x64xf32, #tpu.memory_space<vmem>> -> memref<50x64xf32, #tpu.memory_space<vmem>>
    tpu.enqueue_dma source(%dma_start3A_272 : memref<50x64xf32, #tpu.memory_space<vmem>>) target(%dma_start3A_268 : memref<50x64xf32, #tpu.memory_space<hbm>>) target_semaphore(%dma_start3A_264 : memref<!tpu.dma_semaphore, #tpu.memory_space<semaphore_mem>>)
    %add3A_273 = arith.constant 1 : i32
    %add3A_274 = arith.addi %mul3A_2, %add3A_273 : i32
    %mul3A_275 = arith.constant 4 : i32
    %mul3A_276 = arith.muli %add3A_274, %mul3A_275 : i32
    %add3A_277 = arith.constant 3 : i32
    %add3A_278 = arith.addi %mul3A_276, %add3A_277 : i32
    %dma_start3A_279 = arith.constant 1 : i32
    %dma_start3A_280 = arith.constant 1 : i32
    %dma_start3A_281 = arith.constant 150 : i32
    %dma_start3A_282 = arith.constant 0 : i32
    %dma_start3A_283 = tpu.memref_slice %arg6[%dma_start3A_279, %dma_start3A_281, %dma_start3A_282] : memref<4x200x64xf32, #tpu.memory_space<vmem>> -> memref<1x50x64xf32, #tpu.memory_space<vmem>>
    %dma_start3A_284 = tpu.memref_squeeze %dma_start3A_283 : memref<1x50x64xf32, #tpu.memory_space<vmem>> -> memref<50x64xf32, #tpu.memory_space<vmem>>
    %dma_start3A_285 = arith.constant 0 : i32
    %dma_start3A_286 = arith.constant 0 : i32
    %dma_start3A_287 = tpu.memref_slice %arg4[%add3A_278, %dma_start3A_285, %dma_start3A_286] : memref<16384x56x128xf32, #tpu.memory_space<hbm>> -> memref<1x50x64xf32, #tpu.memory_space<hbm>>
    %dma_start3A_288 = tpu.memref_squeeze %dma_start3A_287 : memref<1x50x64xf32, #tpu.memory_space<hbm>> -> memref<50x64xf32, #tpu.memory_space<hbm>>
    %dma_start3A_289 = tpu.memref_slice %arg8[%dma_start3A_280] : memref<4x!tpu.dma_semaphore, #tpu.memory_space<semaphore_mem>> -> memref<1x!tpu.dma_semaphore, #tpu.memory_space<semaphore_mem>>
    %dma_start3A_290 = tpu.memref_squeeze %dma_start3A_289 : memref<1x!tpu.dma_semaphore, #tpu.memory_space<semaphore_mem>> -> memref<!tpu.dma_semaphore, #tpu.memory_space<semaphore_mem>>
    %dma_start3A_291 = arith.constant 0 : i32
    %dma_start3A_292 = arith.constant 0 : i32
    %dma_start3A_293 = tpu.memref_slice %arg4[%add3A_278, %dma_start3A_291, %dma_start3A_292] : memref<16384x56x128xf32, #tpu.memory_space<hbm>> -> memref<1x50x64xf32, #tpu.memory_space<hbm>>
    %dma_start3A_294 = tpu.memref_squeeze %dma_start3A_293 : memref<1x50x64xf32, #tpu.memory_space<hbm>> -> memref<50x64xf32, #tpu.memory_space<hbm>>
    %dma_start3A_295 = arith.constant 150 : i32
    %dma_start3A_296 = arith.constant 0 : i32
    %dma_start3A_297 = tpu.memref_slice %arg6[%dma_start3A_279, %dma_start3A_295, %dma_start3A_296] : memref<4x200x64xf32, #tpu.memory_space<vmem>> -> memref<1x50x64xf32, #tpu.memory_space<vmem>>
    %dma_start3A_298 = tpu.memref_squeeze %dma_start3A_297 : memref<1x50x64xf32, #tpu.memory_space<vmem>> -> memref<50x64xf32, #tpu.memory_space<vmem>>
    tpu.enqueue_dma source(%dma_start3A_298 : memref<50x64xf32, #tpu.memory_space<vmem>>) target(%dma_start3A_294 : memref<50x64xf32, #tpu.memory_space<hbm>>) target_semaphore(%dma_start3A_290 : memref<!tpu.dma_semaphore, #tpu.memory_space<semaphore_mem>>)
    %add3A_299 = arith.constant 0 : i32
    %add3A_300 = arith.addi %mul3A_2, %add3A_299 : i32
    %mul3A_301 = arith.constant 4 : i32
    %mul3A_302 = arith.muli %add3A_300, %mul3A_301 : i32
    %add3A_303 = arith.constant 0 : i32
    %add3A_304 = arith.addi %mul3A_302, %add3A_303 : i32
    %dma_wait3A_305 = arith.constant 0 : i32
    %dma_wait3A_306 = arith.constant 0 : i32
    %dma_wait3A_307 = arith.constant 0 : i32
    %dma_wait3A_308 = arith.constant 0 : i32
    %dma_wait3A_309 = tpu.memref_slice %arg6[%dma_wait3A_305, %dma_wait3A_307, %dma_wait3A_308] : memref<4x200x64xf32, #tpu.memory_space<vmem>> -> memref<1x50x64xf32, #tpu.memory_space<vmem>>
    %dma_wait3A_310 = tpu.memref_squeeze %dma_wait3A_309 : memref<1x50x64xf32, #tpu.memory_space<vmem>> -> memref<50x64xf32, #tpu.memory_space<vmem>>
    %dma_wait3A_311 = arith.constant 0 : i32
    %dma_wait3A_312 = arith.constant 0 : i32
    %dma_wait3A_313 = tpu.memref_slice %arg4[%add3A_304, %dma_wait3A_311, %dma_wait3A_312] : memref<16384x56x128xf32, #tpu.memory_space<hbm>> -> memref<1x50x64xf32, #tpu.memory_space<hbm>>
    %dma_wait3A_314 = tpu.memref_squeeze %dma_wait3A_313 : memref<1x50x64xf32, #tpu.memory_space<hbm>> -> memref<50x64xf32, #tpu.memory_space<hbm>>
    %dma_wait3A_315 = tpu.memref_slice %arg8[%dma_wait3A_306] : memref<4x!tpu.dma_semaphore, #tpu.memory_space<semaphore_mem>> -> memref<1x!tpu.dma_semaphore, #tpu.memory_space<semaphore_mem>>
    %dma_wait3A_316 = tpu.memref_squeeze %dma_wait3A_315 : memref<1x!tpu.dma_semaphore, #tpu.memory_space<semaphore_mem>> -> memref<!tpu.dma_semaphore, #tpu.memory_space<semaphore_mem>>
    %dma_wait3A_317 = arith.constant 0 : i32
    %dma_wait3A_318 = arith.constant 0 : i32
    %dma_wait3A_319 = tpu.memref_slice %arg4[%add3A_304, %dma_wait3A_317, %dma_wait3A_318] : memref<16384x56x128xf32, #tpu.memory_space<hbm>> -> memref<1x50x64xf32, #tpu.memory_space<hbm>>
    %dma_wait3A_320 = tpu.memref_squeeze %dma_wait3A_319 : memref<1x50x64xf32, #tpu.memory_space<hbm>> -> memref<50x64xf32, #tpu.memory_space<hbm>>
    %dma_wait3A_321 = arith.constant 0 : i32
    %dma_wait3A_322 = arith.constant 0 : i32
    %dma_wait3A_323 = tpu.memref_slice %arg6[%dma_wait3A_305, %dma_wait3A_321, %dma_wait3A_322] : memref<4x200x64xf32, #tpu.memory_space<vmem>> -> memref<1x50x64xf32, #tpu.memory_space<vmem>>
    %dma_wait3A_324 = tpu.memref_squeeze %dma_wait3A_323 : memref<1x50x64xf32, #tpu.memory_space<vmem>> -> memref<50x64xf32, #tpu.memory_space<vmem>>
    tpu.wait_dma2 semaphore(%dma_wait3A_316 : memref<!tpu.dma_semaphore, #tpu.memory_space<semaphore_mem>>) src(%dma_wait3A_324 : memref<50x64xf32, #tpu.memory_space<vmem>>) dst(%dma_wait3A_320 : memref<50x64xf32, #tpu.memory_space<hbm>>)
    %add3A_325 = arith.constant 0 : i32
    %add3A_326 = arith.addi %mul3A_2, %add3A_325 : i32
    %mul3A_327 = arith.constant 4 : i32
    %mul3A_328 = arith.muli %add3A_326, %mul3A_327 : i32
    %add3A_329 = arith.constant 1 : i32
    %add3A_330 = arith.addi %mul3A_328, %add3A_329 : i32
    %dma_wait3A_331 = arith.constant 0 : i32
    %dma_wait3A_332 = arith.constant 0 : i32
    %dma_wait3A_333 = arith.constant 50 : i32
    %dma_wait3A_334 = arith.constant 0 : i32
    %dma_wait3A_335 = tpu.memref_slice %arg6[%dma_wait3A_331, %dma_wait3A_333, %dma_wait3A_334] : memref<4x200x64xf32, #tpu.memory_space<vmem>> -> memref<1x50x64xf32, #tpu.memory_space<vmem>>
    %dma_wait3A_336 = tpu.memref_squeeze %dma_wait3A_335 : memref<1x50x64xf32, #tpu.memory_space<vmem>> -> memref<50x64xf32, #tpu.memory_space<vmem>>
    %dma_wait3A_337 = arith.constant 0 : i32
    %dma_wait3A_338 = arith.constant 0 : i32
    %dma_wait3A_339 = tpu.memref_slice %arg4[%add3A_330, %dma_wait3A_337, %dma_wait3A_338] : memref<16384x56x128xf32, #tpu.memory_space<hbm>> -> memref<1x50x64xf32, #tpu.memory_space<hbm>>
    %dma_wait3A_340 = tpu.memref_squeeze %dma_wait3A_339 : memref<1x50x64xf32, #tpu.memory_space<hbm>> -> memref<50x64xf32, #tpu.memory_space<hbm>>
    %dma_wait3A_341 = tpu.memref_slice %arg8[%dma_wait3A_332] : memref<4x!tpu.dma_semaphore, #tpu.memory_space<semaphore_mem>> -> memref<1x!tpu.dma_semaphore, #tpu.memory_space<semaphore_mem>>
    %dma_wait3A_342 = tpu.memref_squeeze %dma_wait3A_341 : memref<1x!tpu.dma_semaphore, #tpu.memory_space<semaphore_mem>> -> memref<!tpu.dma_semaphore, #tpu.memory_space<semaphore_mem>>
    %dma_wait3A_343 = arith.constant 0 : i32
    %dma_wait3A_344 = arith.constant 0 : i32
    %dma_wait3A_345 = tpu.memref_slice %arg4[%add3A_330, %dma_wait3A_343, %dma_wait3A_344] : memref<16384x56x128xf32, #tpu.memory_space<hbm>> -> memref<1x50x64xf32, #tpu.memory_space<hbm>>
    %dma_wait3A_346 = tpu.memref_squeeze %dma_wait3A_345 : memref<1x50x64xf32, #tpu.memory_space<hbm>> -> memref<50x64xf32, #tpu.memory_space<hbm>>
    %dma_wait3A_347 = arith.constant 50 : i32
    %dma_wait3A_348 = arith.constant 0 : i32
    %dma_wait3A_349 = tpu.memref_slice %arg6[%dma_wait3A_331, %dma_wait3A_347, %dma_wait3A_348] : memref<4x200x64xf32, #tpu.memory_space<vmem>> -> memref<1x50x64xf32, #tpu.memory_space<vmem>>
    %dma_wait3A_350 = tpu.memref_squeeze %dma_wait3A_349 : memref<1x50x64xf32, #tpu.memory_space<vmem>> -> memref<50x64xf32, #tpu.memory_space<vmem>>
    tpu.wait_dma2 semaphore(%dma_wait3A_342 : memref<!tpu.dma_semaphore, #tpu.memory_space<semaphore_mem>>) src(%dma_wait3A_350 : memref<50x64xf32, #tpu.memory_space<vmem>>) dst(%dma_wait3A_346 : memref<50x64xf32, #tpu.memory_space<hbm>>)
    %add3A_351 = arith.constant 0 : i32
    %add3A_352 = arith.addi %mul3A_2, %add3A_351 : i32
    %mul3A_353 = arith.constant 4 : i32
    %mul3A_354 = arith.muli %add3A_352, %mul3A_353 : i32
    %add3A_355 = arith.constant 2 : i32
    %add3A_356 = arith.addi %mul3A_354, %add3A_355 : i32
    %dma_wait3A_357 = arith.constant 0 : i32
    %dma_wait3A_358 = arith.constant 0 : i32
    %dma_wait3A_359 = arith.constant 100 : i32
    %dma_wait3A_360 = arith.constant 0 : i32
    %dma_wait3A_361 = tpu.memref_slice %arg6[%dma_wait3A_357, %dma_wait3A_359, %dma_wait3A_360] : memref<4x200x64xf32, #tpu.memory_space<vmem>> -> memref<1x50x64xf32, #tpu.memory_space<vmem>>
    %dma_wait3A_362 = tpu.memref_squeeze %dma_wait3A_361 : memref<1x50x64xf32, #tpu.memory_space<vmem>> -> memref<50x64xf32, #tpu.memory_space<vmem>>
    %dma_wait3A_363 = arith.constant 0 : i32
    %dma_wait3A_364 = arith.constant 0 : i32
    %dma_wait3A_365 = tpu.memref_slice %arg4[%add3A_356, %dma_wait3A_363, %dma_wait3A_364] : memref<16384x56x128xf32, #tpu.memory_space<hbm>> -> memref<1x50x64xf32, #tpu.memory_space<hbm>>
    %dma_wait3A_366 = tpu.memref_squeeze %dma_wait3A_365 : memref<1x50x64xf32, #tpu.memory_space<hbm>> -> memref<50x64xf32, #tpu.memory_space<hbm>>
    %dma_wait3A_367 = tpu.memref_slice %arg8[%dma_wait3A_358] : memref<4x!tpu.dma_semaphore, #tpu.memory_space<semaphore_mem>> -> memref<1x!tpu.dma_semaphore, #tpu.memory_space<semaphore_mem>>
    %dma_wait3A_368 = tpu.memref_squeeze %dma_wait3A_367 : memref<1x!tpu.dma_semaphore, #tpu.memory_space<semaphore_mem>> -> memref<!tpu.dma_semaphore, #tpu.memory_space<semaphore_mem>>
    %dma_wait3A_369 = arith.constant 0 : i32
    %dma_wait3A_370 = arith.constant 0 : i32
    %dma_wait3A_371 = tpu.memref_slice %arg4[%add3A_356, %dma_wait3A_369, %dma_wait3A_370] : memref<16384x56x128xf32, #tpu.memory_space<hbm>> -> memref<1x50x64xf32, #tpu.memory_space<hbm>>
    %dma_wait3A_372 = tpu.memref_squeeze %dma_wait3A_371 : memref<1x50x64xf32, #tpu.memory_space<hbm>> -> memref<50x64xf32, #tpu.memory_space<hbm>>
    %dma_wait3A_373 = arith.constant 100 : i32
    %dma_wait3A_374 = arith.constant 0 : i32
    %dma_wait3A_375 = tpu.memref_slice %arg6[%dma_wait3A_357, %dma_wait3A_373, %dma_wait3A_374] : memref<4x200x64xf32, #tpu.memory_space<vmem>> -> memref<1x50x64xf32, #tpu.memory_space<vmem>>
    %dma_wait3A_376 = tpu.memref_squeeze %dma_wait3A_375 : memref<1x50x64xf32, #tpu.memory_space<vmem>> -> memref<50x64xf32, #tpu.memory_space<vmem>>
    tpu.wait_dma2 semaphore(%dma_wait3A_368 : memref<!tpu.dma_semaphore, #tpu.memory_space<semaphore_mem>>) src(%dma_wait3A_376 : memref<50x64xf32, #tpu.memory_space<vmem>>) dst(%dma_wait3A_372 : memref<50x64xf32, #tpu.memory_space<hbm>>)
    %add3A_377 = arith.constant 0 : i32
    %add3A_378 = arith.addi %mul3A_2, %add3A_377 : i32
    %mul3A_379 = arith.constant 4 : i32
    %mul3A_380 = arith.muli %add3A_378, %mul3A_379 : i32
    %add3A_381 = arith.constant 3 : i32
    %add3A_382 = arith.addi %mul3A_380, %add3A_381 : i32
    %dma_wait3A_383 = arith.constant 0 : i32
    %dma_wait3A_384 = arith.constant 0 : i32
    %dma_wait3A_385 = arith.constant 150 : i32
    %dma_wait3A_386 = arith.constant 0 : i32
    %dma_wait3A_387 = tpu.memref_slice %arg6[%dma_wait3A_383, %dma_wait3A_385, %dma_wait3A_386] : memref<4x200x64xf32, #tpu.memory_space<vmem>> -> memref<1x50x64xf32, #tpu.memory_space<vmem>>
    %dma_wait3A_388 = tpu.memref_squeeze %dma_wait3A_387 : memref<1x50x64xf32, #tpu.memory_space<vmem>> -> memref<50x64xf32, #tpu.memory_space<vmem>>
    %dma_wait3A_389 = arith.constant 0 : i32
    %dma_wait3A_390 = arith.constant 0 : i32
    %dma_wait3A_391 = tpu.memref_slice %arg4[%add3A_382, %dma_wait3A_389, %dma_wait3A_390] : memref<16384x56x128xf32, #tpu.memory_space<hbm>> -> memref<1x50x64xf32, #tpu.memory_space<hbm>>
    %dma_wait3A_392 = tpu.memref_squeeze %dma_wait3A_391 : memref<1x50x64xf32, #tpu.memory_space<hbm>> -> memref<50x64xf32, #tpu.memory_space<hbm>>
    %dma_wait3A_393 = tpu.memref_slice %arg8[%dma_wait3A_384] : memref<4x!tpu.dma_semaphore, #tpu.memory_space<semaphore_mem>> -> memref<1x!tpu.dma_semaphore, #tpu.memory_space<semaphore_mem>>
    %dma_wait3A_394 = tpu.memref_squeeze %dma_wait3A_393 : memref<1x!tpu.dma_semaphore, #tpu.memory_space<semaphore_mem>> -> memref<!tpu.dma_semaphore, #tpu.memory_space<semaphore_mem>>
    %dma_wait3A_395 = arith.constant 0 : i32
    %dma_wait3A_396 = arith.constant 0 : i32
    %dma_wait3A_397 = tpu.memref_slice %arg4[%add3A_382, %dma_wait3A_395, %dma_wait3A_396] : memref<16384x56x128xf32, #tpu.memory_space<hbm>> -> memref<1x50x64xf32, #tpu.memory_space<hbm>>
    %dma_wait3A_398 = tpu.memref_squeeze %dma_wait3A_397 : memref<1x50x64xf32, #tpu.memory_space<hbm>> -> memref<50x64xf32, #tpu.memory_space<hbm>>
    %dma_wait3A_399 = arith.constant 150 : i32
    %dma_wait3A_400 = arith.constant 0 : i32
    %dma_wait3A_401 = tpu.memref_slice %arg6[%dma_wait3A_383, %dma_wait3A_399, %dma_wait3A_400] : memref<4x200x64xf32, #tpu.memory_space<vmem>> -> memref<1x50x64xf32, #tpu.memory_space<vmem>>
    %dma_wait3A_402 = tpu.memref_squeeze %dma_wait3A_401 : memref<1x50x64xf32, #tpu.memory_space<vmem>> -> memref<50x64xf32, #tpu.memory_space<vmem>>
    tpu.wait_dma2 semaphore(%dma_wait3A_394 : memref<!tpu.dma_semaphore, #tpu.memory_space<semaphore_mem>>) src(%dma_wait3A_402 : memref<50x64xf32, #tpu.memory_space<vmem>>) dst(%dma_wait3A_398 : memref<50x64xf32, #tpu.memory_space<hbm>>)
    %dma_start3A_403 = arith.constant 4 : i32
    %dma_start3A_404 = arith.constant 0 : i32
    %dma_start3A_405 = arith.constant 0 : i32
    %dma_start3A_406 = arith.constant 0 : i32
    %dma_start3A_407 = arith.constant 0 : i32
    %dma_start3A_408 = tpu.memref_slice %arg6[%dma_start3A_404, %dma_start3A_406, %dma_start3A_407] : memref<4x200x64xf32, #tpu.memory_space<vmem>> -> memref<1x200x64xf32, #tpu.memory_space<vmem>>
    %dma_start3A_409 = tpu.memref_squeeze %dma_start3A_408 : memref<1x200x64xf32, #tpu.memory_space<vmem>> -> memref<200x64xf32, #tpu.memory_space<vmem>>
    %dma_start3A_410 = arith.constant 0 : i32
    %dma_start3A_411 = tpu.memref_slice %arg5[%dma_start3A_403, %dma_start3A_410] : memref<128x200xi32, #tpu.memory_space<vmem>> -> memref<1x200xi32, #tpu.memory_space<vmem>>
    %dma_start3A_412 = tpu.memref_squeeze %dma_start3A_411 : memref<1x200xi32, #tpu.memory_space<vmem>> -> memref<200xi32, #tpu.memory_space<vmem>>
    %dma_start3A_413 = arith.constant 0 : i32
    %dma_start3A_414 = arith.constant 0 : i32
    %dma_start3A_415 = tpu.memref_slice %arg3[%dma_start3A_413, %dma_start3A_414] : memref<1000000x64xf32, #tpu.memory_space<hbm>> -> memref<1000000x64xf32, #tpu.memory_space<hbm>>
    %dma_start3A_416 = tpu.memref_slice %arg7[%dma_start3A_405] : memref<4x!tpu.dma_semaphore, #tpu.memory_space<semaphore_mem>> -> memref<1x!tpu.dma_semaphore, #tpu.memory_space<semaphore_mem>>
    %dma_start3A_417 = tpu.memref_squeeze %dma_start3A_416 : memref<1x!tpu.dma_semaphore, #tpu.memory_space<semaphore_mem>> -> memref<!tpu.dma_semaphore, #tpu.memory_space<semaphore_mem>>
    tpu.enqueue_indirect_dma source(%dma_start3A_415 : memref<1000000x64xf32, #tpu.memory_space<hbm>>) target(%dma_start3A_409 : memref<200x64xf32, #tpu.memory_space<vmem>>) offsets(%dma_start3A_412 : memref<200xi32, #tpu.memory_space<vmem>>) semaphore(%dma_start3A_417 : memref<!tpu.dma_semaphore, #tpu.memory_space<semaphore_mem>>)
    %dma_wait3A_418 = arith.constant 2 : i32
    %dma_wait3A_419 = arith.constant 2 : i32
    %dma_wait3A_420 = arith.constant 2 : i32
    %dma_wait3A_421 = arith.constant 0 : i32
    %dma_wait3A_422 = arith.constant 0 : i32
    %dma_wait3A_423 = tpu.memref_slice %arg6[%dma_wait3A_419, %dma_wait3A_421, %dma_wait3A_422] : memref<4x200x64xf32, #tpu.memory_space<vmem>> -> memref<1x200x64xf32, #tpu.memory_space<vmem>>
    %dma_wait3A_424 = tpu.memref_squeeze %dma_wait3A_423 : memref<1x200x64xf32, #tpu.memory_space<vmem>> -> memref<200x64xf32, #tpu.memory_space<vmem>>
    %dma_wait3A_425 = arith.constant 0 : i32
    %dma_wait3A_426 = tpu.memref_slice %arg5[%dma_wait3A_418, %dma_wait3A_425] : memref<128x200xi32, #tpu.memory_space<vmem>> -> memref<1x200xi32, #tpu.memory_space<vmem>>
    %dma_wait3A_427 = tpu.memref_squeeze %dma_wait3A_426 : memref<1x200xi32, #tpu.memory_space<vmem>> -> memref<200xi32, #tpu.memory_space<vmem>>
    %dma_wait3A_428 = arith.constant 0 : i32
    %dma_wait3A_429 = arith.constant 0 : i32
    %dma_wait3A_430 = tpu.memref_slice %arg3[%dma_wait3A_428, %dma_wait3A_429] : memref<1000000x64xf32, #tpu.memory_space<hbm>> -> memref<1000000x64xf32, #tpu.memory_space<hbm>>
    %dma_wait3A_431 = tpu.memref_slice %arg7[%dma_wait3A_420] : memref<4x!tpu.dma_semaphore, #tpu.memory_space<semaphore_mem>> -> memref<1x!tpu.dma_semaphore, #tpu.memory_space<semaphore_mem>>
    %dma_wait3A_432 = tpu.memref_squeeze %dma_wait3A_431 : memref<1x!tpu.dma_semaphore, #tpu.memory_space<semaphore_mem>> -> memref<!tpu.dma_semaphore, #tpu.memory_space<semaphore_mem>>
    tpu.wait_indirect_dma semaphore(%dma_wait3A_432 : memref<!tpu.dma_semaphore, #tpu.memory_space<semaphore_mem>>) src(%dma_wait3A_430 : memref<1000000x64xf32, #tpu.memory_space<hbm>>) dst(%dma_wait3A_424 : memref<200x64xf32, #tpu.memory_space<vmem>>)
    %add3A_433 = arith.constant 2 : i32
    %add3A_434 = arith.addi %mul3A_2, %add3A_433 : i32
    %mul3A_435 = arith.constant 4 : i32
    %mul3A_436 = arith.muli %add3A_434, %mul3A_435 : i32
    %add3A_437 = arith.constant 0 : i32
    %add3A_438 = arith.addi %mul3A_436, %add3A_437 : i32
    %dma_start3A_439 = arith.constant 2 : i32
    %dma_start3A_440 = arith.constant 2 : i32
    %dma_start3A_441 = arith.constant 0 : i32
    %dma_start3A_442 = arith.constant 0 : i32
    %dma_start3A_443 = tpu.memref_slice %arg6[%dma_start3A_439, %dma_start3A_441, %dma_start3A_442] : memref<4x200x64xf32, #tpu.memory_space<vmem>> -> memref<1x50x64xf32, #tpu.memory_space<vmem>>
    %dma_start3A_444 = tpu.memref_squeeze %dma_start3A_443 : memref<1x50x64xf32, #tpu.memory_space<vmem>> -> memref<50x64xf32, #tpu.memory_space<vmem>>
    %dma_start3A_445 = arith.constant 0 : i32
    %dma_start3A_446 = arith.constant 0 : i32
    %dma_start3A_447 = tpu.memref_slice %arg4[%add3A_438, %dma_start3A_445, %dma_start3A_446] : memref<16384x56x128xf32, #tpu.memory_space<hbm>> -> memref<1x50x64xf32, #tpu.memory_space<hbm>>
    %dma_start3A_448 = tpu.memref_squeeze %dma_start3A_447 : memref<1x50x64xf32, #tpu.memory_space<hbm>> -> memref<50x64xf32, #tpu.memory_space<hbm>>
    %dma_start3A_449 = tpu.memref_slice %arg8[%dma_start3A_440] : memref<4x!tpu.dma_semaphore, #tpu.memory_space<semaphore_mem>> -> memref<1x!tpu.dma_semaphore, #tpu.memory_space<semaphore_mem>>
    %dma_start3A_450 = tpu.memref_squeeze %dma_start3A_449 : memref<1x!tpu.dma_semaphore, #tpu.memory_space<semaphore_mem>> -> memref<!tpu.dma_semaphore, #tpu.memory_space<semaphore_mem>>
    %dma_start3A_451 = arith.constant 0 : i32
    %dma_start3A_452 = arith.constant 0 : i32
    %dma_start3A_453 = tpu.memref_slice %arg4[%add3A_438, %dma_start3A_451, %dma_start3A_452] : memref<16384x56x128xf32, #tpu.memory_space<hbm>> -> memref<1x50x64xf32, #tpu.memory_space<hbm>>
    %dma_start3A_454 = tpu.memref_squeeze %dma_start3A_453 : memref<1x50x64xf32, #tpu.memory_space<hbm>> -> memref<50x64xf32, #tpu.memory_space<hbm>>
    %dma_start3A_455 = arith.constant 0 : i32
    %dma_start3A_456 = arith.constant 0 : i32
    %dma_start3A_457 = tpu.memref_slice %arg6[%dma_start3A_439, %dma_start3A_455, %dma_start3A_456] : memref<4x200x64xf32, #tpu.memory_space<vmem>> -> memref<1x50x64xf32, #tpu.memory_space<vmem>>
    %dma_start3A_458 = tpu.memref_squeeze %dma_start3A_457 : memref<1x50x64xf32, #tpu.memory_space<vmem>> -> memref<50x64xf32, #tpu.memory_space<vmem>>
    tpu.enqueue_dma source(%dma_start3A_458 : memref<50x64xf32, #tpu.memory_space<vmem>>) target(%dma_start3A_454 : memref<50x64xf32, #tpu.memory_space<hbm>>) target_semaphore(%dma_start3A_450 : memref<!tpu.dma_semaphore, #tpu.memory_space<semaphore_mem>>)
    %add3A_459 = arith.constant 2 : i32
    %add3A_460 = arith.addi %mul3A_2, %add3A_459 : i32
    %mul3A_461 = arith.constant 4 : i32
    %mul3A_462 = arith.muli %add3A_460, %mul3A_461 : i32
    %add3A_463 = arith.constant 1 : i32
    %add3A_464 = arith.addi %mul3A_462, %add3A_463 : i32
    %dma_start3A_465 = arith.constant 2 : i32
    %dma_start3A_466 = arith.constant 2 : i32
    %dma_start3A_467 = arith.constant 50 : i32
    %dma_start3A_468 = arith.constant 0 : i32
    %dma_start3A_469 = tpu.memref_slice %arg6[%dma_start3A_465, %dma_start3A_467, %dma_start3A_468] : memref<4x200x64xf32, #tpu.memory_space<vmem>> -> memref<1x50x64xf32, #tpu.memory_space<vmem>>
    %dma_start3A_470 = tpu.memref_squeeze %dma_start3A_469 : memref<1x50x64xf32, #tpu.memory_space<vmem>> -> memref<50x64xf32, #tpu.memory_space<vmem>>
    %dma_start3A_471 = arith.constant 0 : i32
    %dma_start3A_472 = arith.constant 0 : i32
    %dma_start3A_473 = tpu.memref_slice %arg4[%add3A_464, %dma_start3A_471, %dma_start3A_472] : memref<16384x56x128xf32, #tpu.memory_space<hbm>> -> memref<1x50x64xf32, #tpu.memory_space<hbm>>
    %dma_start3A_474 = tpu.memref_squeeze %dma_start3A_473 : memref<1x50x64xf32, #tpu.memory_space<hbm>> -> memref<50x64xf32, #tpu.memory_space<hbm>>
    %dma_start3A_475 = tpu.memref_slice %arg8[%dma_start3A_466] : memref<4x!tpu.dma_semaphore, #tpu.memory_space<semaphore_mem>> -> memref<1x!tpu.dma_semaphore, #tpu.memory_space<semaphore_mem>>
    %dma_start3A_476 = tpu.memref_squeeze %dma_start3A_475 : memref<1x!tpu.dma_semaphore, #tpu.memory_space<semaphore_mem>> -> memref<!tpu.dma_semaphore, #tpu.memory_space<semaphore_mem>>
    %dma_start3A_477 = arith.constant 0 : i32
    %dma_start3A_478 = arith.constant 0 : i32
    %dma_start3A_479 = tpu.memref_slice %arg4[%add3A_464, %dma_start3A_477, %dma_start3A_478] : memref<16384x56x128xf32, #tpu.memory_space<hbm>> -> memref<1x50x64xf32, #tpu.memory_space<hbm>>
    %dma_start3A_480 = tpu.memref_squeeze %dma_start3A_479 : memref<1x50x64xf32, #tpu.memory_space<hbm>> -> memref<50x64xf32, #tpu.memory_space<hbm>>
    %dma_start3A_481 = arith.constant 50 : i32
    %dma_start3A_482 = arith.constant 0 : i32
    %dma_start3A_483 = tpu.memref_slice %arg6[%dma_start3A_465, %dma_start3A_481, %dma_start3A_482] : memref<4x200x64xf32, #tpu.memory_space<vmem>> -> memref<1x50x64xf32, #tpu.memory_space<vmem>>
    %dma_start3A_484 = tpu.memref_squeeze %dma_start3A_483 : memref<1x50x64xf32, #tpu.memory_space<vmem>> -> memref<50x64xf32, #tpu.memory_space<vmem>>
    tpu.enqueue_dma source(%dma_start3A_484 : memref<50x64xf32, #tpu.memory_space<vmem>>) target(%dma_start3A_480 : memref<50x64xf32, #tpu.memory_space<hbm>>) target_semaphore(%dma_start3A_476 : memref<!tpu.dma_semaphore, #tpu.memory_space<semaphore_mem>>)
    %add3A_485 = arith.constant 2 : i32
    %add3A_486 = arith.addi %mul3A_2, %add3A_485 : i32
    %mul3A_487 = arith.constant 4 : i32
    %mul3A_488 = arith.muli %add3A_486, %mul3A_487 : i32
    %add3A_489 = arith.constant 2 : i32
    %add3A_490 = arith.addi %mul3A_488, %add3A_489 : i32
    %dma_start3A_491 = arith.constant 2 : i32
    %dma_start3A_492 = arith.constant 2 : i32
    %dma_start3A_493 = arith.constant 100 : i32
    %dma_start3A_494 = arith.constant 0 : i32
    %dma_start3A_495 = tpu.memref_slice %arg6[%dma_start3A_491, %dma_start3A_493, %dma_start3A_494] : memref<4x200x64xf32, #tpu.memory_space<vmem>> -> memref<1x50x64xf32, #tpu.memory_space<vmem>>
    %dma_start3A_496 = tpu.memref_squeeze %dma_start3A_495 : memref<1x50x64xf32, #tpu.memory_space<vmem>> -> memref<50x64xf32, #tpu.memory_space<vmem>>
    %dma_start3A_497 = arith.constant 0 : i32
    %dma_start3A_498 = arith.constant 0 : i32
    %dma_start3A_499 = tpu.memref_slice %arg4[%add3A_490, %dma_start3A_497, %dma_start3A_498] : memref<16384x56x128xf32, #tpu.memory_space<hbm>> -> memref<1x50x64xf32, #tpu.memory_space<hbm>>
    %dma_start3A_500 = tpu.memref_squeeze %dma_start3A_499 : memref<1x50x64xf32, #tpu.memory_space<hbm>> -> memref<50x64xf32, #tpu.memory_space<hbm>>
    %dma_start3A_501 = tpu.memref_slice %arg8[%dma_start3A_492] : memref<4x!tpu.dma_semaphore, #tpu.memory_space<semaphore_mem>> -> memref<1x!tpu.dma_semaphore, #tpu.memory_space<semaphore_mem>>
    %dma_start3A_502 = tpu.memref_squeeze %dma_start3A_501 : memref<1x!tpu.dma_semaphore, #tpu.memory_space<semaphore_mem>> -> memref<!tpu.dma_semaphore, #tpu.memory_space<semaphore_mem>>
    %dma_start3A_503 = arith.constant 0 : i32
    %dma_start3A_504 = arith.constant 0 : i32
    %dma_start3A_505 = tpu.memref_slice %arg4[%add3A_490, %dma_start3A_503, %dma_start3A_504] : memref<16384x56x128xf32, #tpu.memory_space<hbm>> -> memref<1x50x64xf32, #tpu.memory_space<hbm>>
    %dma_start3A_506 = tpu.memref_squeeze %dma_start3A_505 : memref<1x50x64xf32, #tpu.memory_space<hbm>> -> memref<50x64xf32, #tpu.memory_space<hbm>>
    %dma_start3A_507 = arith.constant 100 : i32
    %dma_start3A_508 = arith.constant 0 : i32
    %dma_start3A_509 = tpu.memref_slice %arg6[%dma_start3A_491, %dma_start3A_507, %dma_start3A_508] : memref<4x200x64xf32, #tpu.memory_space<vmem>> -> memref<1x50x64xf32, #tpu.memory_space<vmem>>
    %dma_start3A_510 = tpu.memref_squeeze %dma_start3A_509 : memref<1x50x64xf32, #tpu.memory_space<vmem>> -> memref<50x64xf32, #tpu.memory_space<vmem>>
    tpu.enqueue_dma source(%dma_start3A_510 : memref<50x64xf32, #tpu.memory_space<vmem>>) target(%dma_start3A_506 : memref<50x64xf32, #tpu.memory_space<hbm>>) target_semaphore(%dma_start3A_502 : memref<!tpu.dma_semaphore, #tpu.memory_space<semaphore_mem>>)
    %add3A_511 = arith.constant 2 : i32
    %add3A_512 = arith.addi %mul3A_2, %add3A_511 : i32
    %mul3A_513 = arith.constant 4 : i32
    %mul3A_514 = arith.muli %add3A_512, %mul3A_513 : i32
    %add3A_515 = arith.constant 3 : i32
    %add3A_516 = arith.addi %mul3A_514, %add3A_515 : i32
    %dma_start3A_517 = arith.constant 2 : i32
    %dma_start3A_518 = arith.constant 2 : i32
    %dma_start3A_519 = arith.constant 150 : i32
    %dma_start3A_520 = arith.constant 0 : i32
    %dma_start3A_521 = tpu.memref_slice %arg6[%dma_start3A_517, %dma_start3A_519, %dma_start3A_520] : memref<4x200x64xf32, #tpu.memory_space<vmem>> -> memref<1x50x64xf32, #tpu.memory_space<vmem>>
    %dma_start3A_522 = tpu.memref_squeeze %dma_start3A_521 : memref<1x50x64xf32, #tpu.memory_space<vmem>> -> memref<50x64xf32, #tpu.memory_space<vmem>>
    %dma_start3A_523 = arith.constant 0 : i32
    %dma_start3A_524 = arith.constant 0 : i32
    %dma_start3A_525 = tpu.memref_slice %arg4[%add3A_516, %dma_start3A_523, %dma_start3A_524] : memref<16384x56x128xf32, #tpu.memory_space<hbm>> -> memref<1x50x64xf32, #tpu.memory_space<hbm>>
    %dma_start3A_526 = tpu.memref_squeeze %dma_start3A_525 : memref<1x50x64xf32, #tpu.memory_space<hbm>> -> memref<50x64xf32, #tpu.memory_space<hbm>>
    %dma_start3A_527 = tpu.memref_slice %arg8[%dma_start3A_518] : memref<4x!tpu.dma_semaphore, #tpu.memory_space<semaphore_mem>> -> memref<1x!tpu.dma_semaphore, #tpu.memory_space<semaphore_mem>>
    %dma_start3A_528 = tpu.memref_squeeze %dma_start3A_527 : memref<1x!tpu.dma_semaphore, #tpu.memory_space<semaphore_mem>> -> memref<!tpu.dma_semaphore, #tpu.memory_space<semaphore_mem>>
    %dma_start3A_529 = arith.constant 0 : i32
    %dma_start3A_530 = arith.constant 0 : i32
    %dma_start3A_531 = tpu.memref_slice %arg4[%add3A_516, %dma_start3A_529, %dma_start3A_530] : memref<16384x56x128xf32, #tpu.memory_space<hbm>> -> memref<1x50x64xf32, #tpu.memory_space<hbm>>
    %dma_start3A_532 = tpu.memref_squeeze %dma_start3A_531 : memref<1x50x64xf32, #tpu.memory_space<hbm>> -> memref<50x64xf32, #tpu.memory_space<hbm>>
    %dma_start3A_533 = arith.constant 150 : i32
    %dma_start3A_534 = arith.constant 0 : i32
    %dma_start3A_535 = tpu.memref_slice %arg6[%dma_start3A_517, %dma_start3A_533, %dma_start3A_534] : memref<4x200x64xf32, #tpu.memory_space<vmem>> -> memref<1x50x64xf32, #tpu.memory_space<vmem>>
    %dma_start3A_536 = tpu.memref_squeeze %dma_start3A_535 : memref<1x50x64xf32, #tpu.memory_space<vmem>> -> memref<50x64xf32, #tpu.memory_space<vmem>>
    tpu.enqueue_dma source(%dma_start3A_536 : memref<50x64xf32, #tpu.memory_space<vmem>>) target(%dma_start3A_532 : memref<50x64xf32, #tpu.memory_space<hbm>>) target_semaphore(%dma_start3A_528 : memref<!tpu.dma_semaphore, #tpu.memory_space<semaphore_mem>>)
    %add3A_537 = arith.constant 1 : i32
    %add3A_538 = arith.addi %mul3A_2, %add3A_537 : i32
    %mul3A_539 = arith.constant 4 : i32
    %mul3A_540 = arith.muli %add3A_538, %mul3A_539 : i32
    %add3A_541 = arith.constant 0 : i32
    %add3A_542 = arith.addi %mul3A_540, %add3A_541 : i32
    %dma_wait3A_543 = arith.constant 1 : i32
    %dma_wait3A_544 = arith.constant 1 : i32
    %dma_wait3A_545 = arith.constant 0 : i32
    %dma_wait3A_546 = arith.constant 0 : i32
    %dma_wait3A_547 = tpu.memref_slice %arg6[%dma_wait3A_543, %dma_wait3A_545, %dma_wait3A_546] : memref<4x200x64xf32, #tpu.memory_space<vmem>> -> memref<1x50x64xf32, #tpu.memory_space<vmem>>
    %dma_wait3A_548 = tpu.memref_squeeze %dma_wait3A_547 : memref<1x50x64xf32, #tpu.memory_space<vmem>> -> memref<50x64xf32, #tpu.memory_space<vmem>>
    %dma_wait3A_549 = arith.constant 0 : i32
    %dma_wait3A_550 = arith.constant 0 : i32
    %dma_wait3A_551 = tpu.memref_slice %arg4[%add3A_542, %dma_wait3A_549, %dma_wait3A_550] : memref<16384x56x128xf32, #tpu.memory_space<hbm>> -> memref<1x50x64xf32, #tpu.memory_space<hbm>>
    %dma_wait3A_552 = tpu.memref_squeeze %dma_wait3A_551 : memref<1x50x64xf32, #tpu.memory_space<hbm>> -> memref<50x64xf32, #tpu.memory_space<hbm>>
    %dma_wait3A_553 = tpu.memref_slice %arg8[%dma_wait3A_544] : memref<4x!tpu.dma_semaphore, #tpu.memory_space<semaphore_mem>> -> memref<1x!tpu.dma_semaphore, #tpu.memory_space<semaphore_mem>>
    %dma_wait3A_554 = tpu.memref_squeeze %dma_wait3A_553 : memref<1x!tpu.dma_semaphore, #tpu.memory_space<semaphore_mem>> -> memref<!tpu.dma_semaphore, #tpu.memory_space<semaphore_mem>>
    %dma_wait3A_555 = arith.constant 0 : i32
    %dma_wait3A_556 = arith.constant 0 : i32
    %dma_wait3A_557 = tpu.memref_slice %arg4[%add3A_542, %dma_wait3A_555, %dma_wait3A_556] : memref<16384x56x128xf32, #tpu.memory_space<hbm>> -> memref<1x50x64xf32, #tpu.memory_space<hbm>>
    %dma_wait3A_558 = tpu.memref_squeeze %dma_wait3A_557 : memref<1x50x64xf32, #tpu.memory_space<hbm>> -> memref<50x64xf32, #tpu.memory_space<hbm>>
    %dma_wait3A_559 = arith.constant 0 : i32
    %dma_wait3A_560 = arith.constant 0 : i32
    %dma_wait3A_561 = tpu.memref_slice %arg6[%dma_wait3A_543, %dma_wait3A_559, %dma_wait3A_560] : memref<4x200x64xf32, #tpu.memory_space<vmem>> -> memref<1x50x64xf32, #tpu.memory_space<vmem>>
    %dma_wait3A_562 = tpu.memref_squeeze %dma_wait3A_561 : memref<1x50x64xf32, #tpu.memory_space<vmem>> -> memref<50x64xf32, #tpu.memory_space<vmem>>
    tpu.wait_dma2 semaphore(%dma_wait3A_554 : memref<!tpu.dma_semaphore, #tpu.memory_space<semaphore_mem>>) src(%dma_wait3A_562 : memref<50x64xf32, #tpu.memory_space<vmem>>) dst(%dma_wait3A_558 : memref<50x64xf32, #tpu.memory_space<hbm>>)
    %add3A_563 = arith.constant 1 : i32
    %add3A_564 = arith.addi %mul3A_2, %add3A_563 : i32
    %mul3A_565 = arith.constant 4 : i32
    %mul3A_566 = arith.muli %add3A_564, %mul3A_565 : i32
    %add3A_567 = arith.constant 1 : i32
    %add3A_568 = arith.addi %mul3A_566, %add3A_567 : i32
    %dma_wait3A_569 = arith.constant 1 : i32
    %dma_wait3A_570 = arith.constant 1 : i32
    %dma_wait3A_571 = arith.constant 50 : i32
    %dma_wait3A_572 = arith.constant 0 : i32
    %dma_wait3A_573 = tpu.memref_slice %arg6[%dma_wait3A_569, %dma_wait3A_571, %dma_wait3A_572] : memref<4x200x64xf32, #tpu.memory_space<vmem>> -> memref<1x50x64xf32, #tpu.memory_space<vmem>>
    %dma_wait3A_574 = tpu.memref_squeeze %dma_wait3A_573 : memref<1x50x64xf32, #tpu.memory_space<vmem>> -> memref<50x64xf32, #tpu.memory_space<vmem>>
    %dma_wait3A_575 = arith.constant 0 : i32
    %dma_wait3A_576 = arith.constant 0 : i32
    %dma_wait3A_577 = tpu.memref_slice %arg4[%add3A_568, %dma_wait3A_575, %dma_wait3A_576] : memref<16384x56x128xf32, #tpu.memory_space<hbm>> -> memref<1x50x64xf32, #tpu.memory_space<hbm>>
    %dma_wait3A_578 = tpu.memref_squeeze %dma_wait3A_577 : memref<1x50x64xf32, #tpu.memory_space<hbm>> -> memref<50x64xf32, #tpu.memory_space<hbm>>
    %dma_wait3A_579 = tpu.memref_slice %arg8[%dma_wait3A_570] : memref<4x!tpu.dma_semaphore, #tpu.memory_space<semaphore_mem>> -> memref<1x!tpu.dma_semaphore, #tpu.memory_space<semaphore_mem>>
    %dma_wait3A_580 = tpu.memref_squeeze %dma_wait3A_579 : memref<1x!tpu.dma_semaphore, #tpu.memory_space<semaphore_mem>> -> memref<!tpu.dma_semaphore, #tpu.memory_space<semaphore_mem>>
    %dma_wait3A_581 = arith.constant 0 : i32
    %dma_wait3A_582 = arith.constant 0 : i32
    %dma_wait3A_583 = tpu.memref_slice %arg4[%add3A_568, %dma_wait3A_581, %dma_wait3A_582] : memref<16384x56x128xf32, #tpu.memory_space<hbm>> -> memref<1x50x64xf32, #tpu.memory_space<hbm>>
    %dma_wait3A_584 = tpu.memref_squeeze %dma_wait3A_583 : memref<1x50x64xf32, #tpu.memory_space<hbm>> -> memref<50x64xf32, #tpu.memory_space<hbm>>
    %dma_wait3A_585 = arith.constant 50 : i32
    %dma_wait3A_586 = arith.constant 0 : i32
    %dma_wait3A_587 = tpu.memref_slice %arg6[%dma_wait3A_569, %dma_wait3A_585, %dma_wait3A_586] : memref<4x200x64xf32, #tpu.memory_space<vmem>> -> memref<1x50x64xf32, #tpu.memory_space<vmem>>
    %dma_wait3A_588 = tpu.memref_squeeze %dma_wait3A_587 : memref<1x50x64xf32, #tpu.memory_space<vmem>> -> memref<50x64xf32, #tpu.memory_space<vmem>>
    tpu.wait_dma2 semaphore(%dma_wait3A_580 : memref<!tpu.dma_semaphore, #tpu.memory_space<semaphore_mem>>) src(%dma_wait3A_588 : memref<50x64xf32, #tpu.memory_space<vmem>>) dst(%dma_wait3A_584 : memref<50x64xf32, #tpu.memory_space<hbm>>)
    %add3A_589 = arith.constant 1 : i32
    %add3A_590 = arith.addi %mul3A_2, %add3A_589 : i32
    %mul3A_591 = arith.constant 4 : i32
    %mul3A_592 = arith.muli %add3A_590, %mul3A_591 : i32
    %add3A_593 = arith.constant 2 : i32
    %add3A_594 = arith.addi %mul3A_592, %add3A_593 : i32
    %dma_wait3A_595 = arith.constant 1 : i32
    %dma_wait3A_596 = arith.constant 1 : i32
    %dma_wait3A_597 = arith.constant 100 : i32
    %dma_wait3A_598 = arith.constant 0 : i32
    %dma_wait3A_599 = tpu.memref_slice %arg6[%dma_wait3A_595, %dma_wait3A_597, %dma_wait3A_598] : memref<4x200x64xf32, #tpu.memory_space<vmem>> -> memref<1x50x64xf32, #tpu.memory_space<vmem>>
    %dma_wait3A_600 = tpu.memref_squeeze %dma_wait3A_599 : memref<1x50x64xf32, #tpu.memory_space<vmem>> -> memref<50x64xf32, #tpu.memory_space<vmem>>
    %dma_wait3A_601 = arith.constant 0 : i32
    %dma_wait3A_602 = arith.constant 0 : i32
    %dma_wait3A_603 = tpu.memref_slice %arg4[%add3A_594, %dma_wait3A_601, %dma_wait3A_602] : memref<16384x56x128xf32, #tpu.memory_space<hbm>> -> memref<1x50x64xf32, #tpu.memory_space<hbm>>
    %dma_wait3A_604 = tpu.memref_squeeze %dma_wait3A_603 : memref<1x50x64xf32, #tpu.memory_space<hbm>> -> memref<50x64xf32, #tpu.memory_space<hbm>>
    %dma_wait3A_605 = tpu.memref_slice %arg8[%dma_wait3A_596] : memref<4x!tpu.dma_semaphore, #tpu.memory_space<semaphore_mem>> -> memref<1x!tpu.dma_semaphore, #tpu.memory_space<semaphore_mem>>
    %dma_wait3A_606 = tpu.memref_squeeze %dma_wait3A_605 : memref<1x!tpu.dma_semaphore, #tpu.memory_space<semaphore_mem>> -> memref<!tpu.dma_semaphore, #tpu.memory_space<semaphore_mem>>
    %dma_wait3A_607 = arith.constant 0 : i32
    %dma_wait3A_608 = arith.constant 0 : i32
    %dma_wait3A_609 = tpu.memref_slice %arg4[%add3A_594, %dma_wait3A_607, %dma_wait3A_608] : memref<16384x56x128xf32, #tpu.memory_space<hbm>> -> memref<1x50x64xf32, #tpu.memory_space<hbm>>
    %dma_wait3A_610 = tpu.memref_squeeze %dma_wait3A_609 : memref<1x50x64xf32, #tpu.memory_space<hbm>> -> memref<50x64xf32, #tpu.memory_space<hbm>>
    %dma_wait3A_611 = arith.constant 100 : i32
    %dma_wait3A_612 = arith.constant 0 : i32
    %dma_wait3A_613 = tpu.memref_slice %arg6[%dma_wait3A_595, %dma_wait3A_611, %dma_wait3A_612] : memref<4x200x64xf32, #tpu.memory_space<vmem>> -> memref<1x50x64xf32, #tpu.memory_space<vmem>>
    %dma_wait3A_614 = tpu.memref_squeeze %dma_wait3A_613 : memref<1x50x64xf32, #tpu.memory_space<vmem>> -> memref<50x64xf32, #tpu.memory_space<vmem>>
    tpu.wait_dma2 semaphore(%dma_wait3A_606 : memref<!tpu.dma_semaphore, #tpu.memory_space<semaphore_mem>>) src(%dma_wait3A_614 : memref<50x64xf32, #tpu.memory_space<vmem>>) dst(%dma_wait3A_610 : memref<50x64xf32, #tpu.memory_space<hbm>>)
    %add3A_615 = arith.constant 1 : i32
    %add3A_616 = arith.addi %mul3A_2, %add3A_615 : i32
    %mul3A_617 = arith.constant 4 : i32
    %mul3A_618 = arith.muli %add3A_616, %mul3A_617 : i32
    %add3A_619 = arith.constant 3 : i32
    %add3A_620 = arith.addi %mul3A_618, %add3A_619 : i32
    %dma_wait3A_621 = arith.constant 1 : i32
    %dma_wait3A_622 = arith.constant 1 : i32
    %dma_wait3A_623 = arith.constant 150 : i32
    %dma_wait3A_624 = arith.constant 0 : i32
    %dma_wait3A_625 = tpu.memref_slice %arg6[%dma_wait3A_621, %dma_wait3A_623, %dma_wait3A_624] : memref<4x200x64xf32, #tpu.memory_space<vmem>> -> memref<1x50x64xf32, #tpu.memory_space<vmem>>
    %dma_wait3A_626 = tpu.memref_squeeze %dma_wait3A_625 : memref<1x50x64xf32, #tpu.memory_space<vmem>> -> memref<50x64xf32, #tpu.memory_space<vmem>>
    %dma_wait3A_627 = arith.constant 0 : i32
    %dma_wait3A_628 = arith.constant 0 : i32
    %dma_wait3A_629 = tpu.memref_slice %arg4[%add3A_620, %dma_wait3A_627, %dma_wait3A_628] : memref<16384x56x128xf32, #tpu.memory_space<hbm>> -> memref<1x50x64xf32, #tpu.memory_space<hbm>>
    %dma_wait3A_630 = tpu.memref_squeeze %dma_wait3A_629 : memref<1x50x64xf32, #tpu.memory_space<hbm>> -> memref<50x64xf32, #tpu.memory_space<hbm>>
    %dma_wait3A_631 = tpu.memref_slice %arg8[%dma_wait3A_622] : memref<4x!tpu.dma_semaphore, #tpu.memory_space<semaphore_mem>> -> memref<1x!tpu.dma_semaphore, #tpu.memory_space<semaphore_mem>>
    %dma_wait3A_632 = tpu.memref_squeeze %dma_wait3A_631 : memref<1x!tpu.dma_semaphore, #tpu.memory_space<semaphore_mem>> -> memref<!tpu.dma_semaphore, #tpu.memory_space<semaphore_mem>>
    %dma_wait3A_633 = arith.constant 0 : i32
    %dma_wait3A_634 = arith.constant 0 : i32
    %dma_wait3A_635 = tpu.memref_slice %arg4[%add3A_620, %dma_wait3A_633, %dma_wait3A_634] : memref<16384x56x128xf32, #tpu.memory_space<hbm>> -> memref<1x50x64xf32, #tpu.memory_space<hbm>>
    %dma_wait3A_636 = tpu.memref_squeeze %dma_wait3A_635 : memref<1x50x64xf32, #tpu.memory_space<hbm>> -> memref<50x64xf32, #tpu.memory_space<hbm>>
    %dma_wait3A_637 = arith.constant 150 : i32
    %dma_wait3A_638 = arith.constant 0 : i32
    %dma_wait3A_639 = tpu.memref_slice %arg6[%dma_wait3A_621, %dma_wait3A_637, %dma_wait3A_638] : memref<4x200x64xf32, #tpu.memory_space<vmem>> -> memref<1x50x64xf32, #tpu.memory_space<vmem>>
    %dma_wait3A_640 = tpu.memref_squeeze %dma_wait3A_639 : memref<1x50x64xf32, #tpu.memory_space<vmem>> -> memref<50x64xf32, #tpu.memory_space<vmem>>
    tpu.wait_dma2 semaphore(%dma_wait3A_632 : memref<!tpu.dma_semaphore, #tpu.memory_space<semaphore_mem>>) src(%dma_wait3A_640 : memref<50x64xf32, #tpu.memory_space<vmem>>) dst(%dma_wait3A_636 : memref<50x64xf32, #tpu.memory_space<hbm>>)
    %dma_start3A_641 = arith.constant 5 : i32
    %dma_start3A_642 = arith.constant 1 : i32
    %dma_start3A_643 = arith.constant 1 : i32
    %dma_start3A_644 = arith.constant 0 : i32
    %dma_start3A_645 = arith.constant 0 : i32
    %dma_start3A_646 = tpu.memref_slice %arg6[%dma_start3A_642, %dma_start3A_644, %dma_start3A_645] : memref<4x200x64xf32, #tpu.memory_space<vmem>> -> memref<1x200x64xf32, #tpu.memory_space<vmem>>
    %dma_start3A_647 = tpu.memref_squeeze %dma_start3A_646 : memref<1x200x64xf32, #tpu.memory_space<vmem>> -> memref<200x64xf32, #tpu.memory_space<vmem>>
    %dma_start3A_648 = arith.constant 0 : i32
    %dma_start3A_649 = tpu.memref_slice %arg5[%dma_start3A_641, %dma_start3A_648] : memref<128x200xi32, #tpu.memory_space<vmem>> -> memref<1x200xi32, #tpu.memory_space<vmem>>
    %dma_start3A_650 = tpu.memref_squeeze %dma_start3A_649 : memref<1x200xi32, #tpu.memory_space<vmem>> -> memref<200xi32, #tpu.memory_space<vmem>>
    %dma_start3A_651 = arith.constant 0 : i32
    %dma_start3A_652 = arith.constant 0 : i32
    %dma_start3A_653 = tpu.memref_slice %arg3[%dma_start3A_651, %dma_start3A_652] : memref<1000000x64xf32, #tpu.memory_space<hbm>> -> memref<1000000x64xf32, #tpu.memory_space<hbm>>
    %dma_start3A_654 = tpu.memref_slice %arg7[%dma_start3A_643] : memref<4x!tpu.dma_semaphore, #tpu.memory_space<semaphore_mem>> -> memref<1x!tpu.dma_semaphore, #tpu.memory_space<semaphore_mem>>
    %dma_start3A_655 = tpu.memref_squeeze %dma_start3A_654 : memref<1x!tpu.dma_semaphore, #tpu.memory_space<semaphore_mem>> -> memref<!tpu.dma_semaphore, #tpu.memory_space<semaphore_mem>>
    tpu.enqueue_indirect_dma source(%dma_start3A_653 : memref<1000000x64xf32, #tpu.memory_space<hbm>>) target(%dma_start3A_647 : memref<200x64xf32, #tpu.memory_space<vmem>>) offsets(%dma_start3A_650 : memref<200xi32, #tpu.memory_space<vmem>>) semaphore(%dma_start3A_655 : memref<!tpu.dma_semaphore, #tpu.memory_space<semaphore_mem>>)
    %dma_wait3A_656 = arith.constant 3 : i32
    %dma_wait3A_657 = arith.constant 3 : i32
    %dma_wait3A_658 = arith.constant 3 : i32
    %dma_wait3A_659 = arith.constant 0 : i32
    %dma_wait3A_660 = arith.constant 0 : i32
    %dma_wait3A_661 = tpu.memref_slice %arg6[%dma_wait3A_657, %dma_wait3A_659, %dma_wait3A_660] : memref<4x200x64xf32, #tpu.memory_space<vmem>> -> memref<1x200x64xf32, #tpu.memory_space<vmem>>
    %dma_wait3A_662 = tpu.memref_squeeze %dma_wait3A_661 : memref<1x200x64xf32, #tpu.memory_space<vmem>> -> memref<200x64xf32, #tpu.memory_space<vmem>>
    %dma_wait3A_663 = arith.constant 0 : i32
    %dma_wait3A_664 = tpu.memref_slice %arg5[%dma_wait3A_656, %dma_wait3A_663] : memref<128x200xi32, #tpu.memory_space<vmem>> -> memref<1x200xi32, #tpu.memory_space<vmem>>
    %dma_wait3A_665 = tpu.memref_squeeze %dma_wait3A_664 : memref<1x200xi32, #tpu.memory_space<vmem>> -> memref<200xi32, #tpu.memory_space<vmem>>
    %dma_wait3A_666 = arith.constant 0 : i32
    %dma_wait3A_667 = arith.constant 0 : i32
    %dma_wait3A_668 = tpu.memref_slice %arg3[%dma_wait3A_666, %dma_wait3A_667] : memref<1000000x64xf32, #tpu.memory_space<hbm>> -> memref<1000000x64xf32, #tpu.memory_space<hbm>>
    %dma_wait3A_669 = tpu.memref_slice %arg7[%dma_wait3A_658] : memref<4x!tpu.dma_semaphore, #tpu.memory_space<semaphore_mem>> -> memref<1x!tpu.dma_semaphore, #tpu.memory_space<semaphore_mem>>
    %dma_wait3A_670 = tpu.memref_squeeze %dma_wait3A_669 : memref<1x!tpu.dma_semaphore, #tpu.memory_space<semaphore_mem>> -> memref<!tpu.dma_semaphore, #tpu.memory_space<semaphore_mem>>
    tpu.wait_indirect_dma semaphore(%dma_wait3A_670 : memref<!tpu.dma_semaphore, #tpu.memory_space<semaphore_mem>>) src(%dma_wait3A_668 : memref<1000000x64xf32, #tpu.memory_space<hbm>>) dst(%dma_wait3A_662 : memref<200x64xf32, #tpu.memory_space<vmem>>)
    %add3A_671 = arith.constant 3 : i32
    %add3A_672 = arith.addi %mul3A_2, %add3A_671 : i32
    %mul3A_673 = arith.constant 4 : i32
    %mul3A_674 = arith.muli %add3A_672, %mul3A_673 : i32
    %add3A_675 = arith.constant 0 : i32
    %add3A_676 = arith.addi %mul3A_674, %add3A_675 : i32
    %dma_start3A_677 = arith.constant 3 : i32
    %dma_start3A_678 = arith.constant 3 : i32
    %dma_start3A_679 = arith.constant 0 : i32
    %dma_start3A_680 = arith.constant 0 : i32
    %dma_start3A_681 = tpu.memref_slice %arg6[%dma_start3A_677, %dma_start3A_679, %dma_start3A_680] : memref<4x200x64xf32, #tpu.memory_space<vmem>> -> memref<1x50x64xf32, #tpu.memory_space<vmem>>
    %dma_start3A_682 = tpu.memref_squeeze %dma_start3A_681 : memref<1x50x64xf32, #tpu.memory_space<vmem>> -> memref<50x64xf32, #tpu.memory_space<vmem>>
    %dma_start3A_683 = arith.constant 0 : i32
    %dma_start3A_684 = arith.constant 0 : i32
    %dma_start3A_685 = tpu.memref_slice %arg4[%add3A_676, %dma_start3A_683, %dma_start3A_684] : memref<16384x56x128xf32, #tpu.memory_space<hbm>> -> memref<1x50x64xf32, #tpu.memory_space<hbm>>
    %dma_start3A_686 = tpu.memref_squeeze %dma_start3A_685 : memref<1x50x64xf32, #tpu.memory_space<hbm>> -> memref<50x64xf32, #tpu.memory_space<hbm>>
    %dma_start3A_687 = tpu.memref_slice %arg8[%dma_start3A_678] : memref<4x!tpu.dma_semaphore, #tpu.memory_space<semaphore_mem>> -> memref<1x!tpu.dma_semaphore, #tpu.memory_space<semaphore_mem>>
    %dma_start3A_688 = tpu.memref_squeeze %dma_start3A_687 : memref<1x!tpu.dma_semaphore, #tpu.memory_space<semaphore_mem>> -> memref<!tpu.dma_semaphore, #tpu.memory_space<semaphore_mem>>
    %dma_start3A_689 = arith.constant 0 : i32
    %dma_start3A_690 = arith.constant 0 : i32
    %dma_start3A_691 = tpu.memref_slice %arg4[%add3A_676, %dma_start3A_689, %dma_start3A_690] : memref<16384x56x128xf32, #tpu.memory_space<hbm>> -> memref<1x50x64xf32, #tpu.memory_space<hbm>>
    %dma_start3A_692 = tpu.memref_squeeze %dma_start3A_691 : memref<1x50x64xf32, #tpu.memory_space<hbm>> -> memref<50x64xf32, #tpu.memory_space<hbm>>
    %dma_start3A_693 = arith.constant 0 : i32
    %dma_start3A_694 = arith.constant 0 : i32
    %dma_start3A_695 = tpu.memref_slice %arg6[%dma_start3A_677, %dma_start3A_693, %dma_start3A_694] : memref<4x200x64xf32, #tpu.memory_space<vmem>> -> memref<1x50x64xf32, #tpu.memory_space<vmem>>
    %dma_start3A_696 = tpu.memref_squeeze %dma_start3A_695 : memref<1x50x64xf32, #tpu.memory_space<vmem>> -> memref<50x64xf32, #tpu.memory_space<vmem>>
    tpu.enqueue_dma source(%dma_start3A_696 : memref<50x64xf32, #tpu.memory_space<vmem>>) target(%dma_start3A_692 : memref<50x64xf32, #tpu.memory_space<hbm>>) target_semaphore(%dma_start3A_688 : memref<!tpu.dma_semaphore, #tpu.memory_space<semaphore_mem>>)
    %add3A_697 = arith.constant 3 : i32
    %add3A_698 = arith.addi %mul3A_2, %add3A_697 : i32
    %mul3A_699 = arith.constant 4 : i32
    %mul3A_700 = arith.muli %add3A_698, %mul3A_699 : i32
    %add3A_701 = arith.constant 1 : i32
    %add3A_702 = arith.addi %mul3A_700, %add3A_701 : i32
    %dma_start3A_703 = arith.constant 3 : i32
    %dma_start3A_704 = arith.constant 3 : i32
    %dma_start3A_705 = arith.constant 50 : i32
    %dma_start3A_706 = arith.constant 0 : i32
    %dma_start3A_707 = tpu.memref_slice %arg6[%dma_start3A_703, %dma_start3A_705, %dma_start3A_706] : memref<4x200x64xf32, #tpu.memory_space<vmem>> -> memref<1x50x64xf32, #tpu.memory_space<vmem>>
    %dma_start3A_708 = tpu.memref_squeeze %dma_start3A_707 : memref<1x50x64xf32, #tpu.memory_space<vmem>> -> memref<50x64xf32, #tpu.memory_space<vmem>>
    %dma_start3A_709 = arith.constant 0 : i32
    %dma_start3A_710 = arith.constant 0 : i32
    %dma_start3A_711 = tpu.memref_slice %arg4[%add3A_702, %dma_start3A_709, %dma_start3A_710] : memref<16384x56x128xf32, #tpu.memory_space<hbm>> -> memref<1x50x64xf32, #tpu.memory_space<hbm>>
    %dma_start3A_712 = tpu.memref_squeeze %dma_start3A_711 : memref<1x50x64xf32, #tpu.memory_space<hbm>> -> memref<50x64xf32, #tpu.memory_space<hbm>>
    %dma_start3A_713 = tpu.memref_slice %arg8[%dma_start3A_704] : memref<4x!tpu.dma_semaphore, #tpu.memory_space<semaphore_mem>> -> memref<1x!tpu.dma_semaphore, #tpu.memory_space<semaphore_mem>>
    %dma_start3A_714 = tpu.memref_squeeze %dma_start3A_713 : memref<1x!tpu.dma_semaphore, #tpu.memory_space<semaphore_mem>> -> memref<!tpu.dma_semaphore, #tpu.memory_space<semaphore_mem>>
    %dma_start3A_715 = arith.constant 0 : i32
    %dma_start3A_716 = arith.constant 0 : i32
    %dma_start3A_717 = tpu.memref_slice %arg4[%add3A_702, %dma_start3A_715, %dma_start3A_716] : memref<16384x56x128xf32, #tpu.memory_space<hbm>> -> memref<1x50x64xf32, #tpu.memory_space<hbm>>
    %dma_start3A_718 = tpu.memref_squeeze %dma_start3A_717 : memref<1x50x64xf32, #tpu.memory_space<hbm>> -> memref<50x64xf32, #tpu.memory_space<hbm>>
    %dma_start3A_719 = arith.constant 50 : i32
    %dma_start3A_720 = arith.constant 0 : i32
    %dma_start3A_721 = tpu.memref_slice %arg6[%dma_start3A_703, %dma_start3A_719, %dma_start3A_720] : memref<4x200x64xf32, #tpu.memory_space<vmem>> -> memref<1x50x64xf32, #tpu.memory_space<vmem>>
    %dma_start3A_722 = tpu.memref_squeeze %dma_start3A_721 : memref<1x50x64xf32, #tpu.memory_space<vmem>> -> memref<50x64xf32, #tpu.memory_space<vmem>>
    tpu.enqueue_dma source(%dma_start3A_722 : memref<50x64xf32, #tpu.memory_space<vmem>>) target(%dma_start3A_718 : memref<50x64xf32, #tpu.memory_space<hbm>>) target_semaphore(%dma_start3A_714 : memref<!tpu.dma_semaphore, #tpu.memory_space<semaphore_mem>>)
    %add3A_723 = arith.constant 3 : i32
    %add3A_724 = arith.addi %mul3A_2, %add3A_723 : i32
    %mul3A_725 = arith.constant 4 : i32
    %mul3A_726 = arith.muli %add3A_724, %mul3A_725 : i32
    %add3A_727 = arith.constant 2 : i32
    %add3A_728 = arith.addi %mul3A_726, %add3A_727 : i32
    %dma_start3A_729 = arith.constant 3 : i32
    %dma_start3A_730 = arith.constant 3 : i32
    %dma_start3A_731 = arith.constant 100 : i32
    %dma_start3A_732 = arith.constant 0 : i32
    %dma_start3A_733 = tpu.memref_slice %arg6[%dma_start3A_729, %dma_start3A_731, %dma_start3A_732] : memref<4x200x64xf32, #tpu.memory_space<vmem>> -> memref<1x50x64xf32, #tpu.memory_space<vmem>>
    %dma_start3A_734 = tpu.memref_squeeze %dma_start3A_733 : memref<1x50x64xf32, #tpu.memory_space<vmem>> -> memref<50x64xf32, #tpu.memory_space<vmem>>
    %dma_start3A_735 = arith.constant 0 : i32
    %dma_start3A_736 = arith.constant 0 : i32
    %dma_start3A_737 = tpu.memref_slice %arg4[%add3A_728, %dma_start3A_735, %dma_start3A_736] : memref<16384x56x128xf32, #tpu.memory_space<hbm>> -> memref<1x50x64xf32, #tpu.memory_space<hbm>>
    %dma_start3A_738 = tpu.memref_squeeze %dma_start3A_737 : memref<1x50x64xf32, #tpu.memory_space<hbm>> -> memref<50x64xf32, #tpu.memory_space<hbm>>
    %dma_start3A_739 = tpu.memref_slice %arg8[%dma_start3A_730] : memref<4x!tpu.dma_semaphore, #tpu.memory_space<semaphore_mem>> -> memref<1x!tpu.dma_semaphore, #tpu.memory_space<semaphore_mem>>
    %dma_start3A_740 = tpu.memref_squeeze %dma_start3A_739 : memref<1x!tpu.dma_semaphore, #tpu.memory_space<semaphore_mem>> -> memref<!tpu.dma_semaphore, #tpu.memory_space<semaphore_mem>>
    %dma_start3A_741 = arith.constant 0 : i32
    %dma_start3A_742 = arith.constant 0 : i32
    %dma_start3A_743 = tpu.memref_slice %arg4[%add3A_728, %dma_start3A_741, %dma_start3A_742] : memref<16384x56x128xf32, #tpu.memory_space<hbm>> -> memref<1x50x64xf32, #tpu.memory_space<hbm>>
    %dma_start3A_744 = tpu.memref_squeeze %dma_start3A_743 : memref<1x50x64xf32, #tpu.memory_space<hbm>> -> memref<50x64xf32, #tpu.memory_space<hbm>>
    %dma_start3A_745 = arith.constant 100 : i32
    %dma_start3A_746 = arith.constant 0 : i32
    %dma_start3A_747 = tpu.memref_slice %arg6[%dma_start3A_729, %dma_start3A_745, %dma_start3A_746] : memref<4x200x64xf32, #tpu.memory_space<vmem>> -> memref<1x50x64xf32, #tpu.memory_space<vmem>>
    %dma_start3A_748 = tpu.memref_squeeze %dma_start3A_747 : memref<1x50x64xf32, #tpu.memory_space<vmem>> -> memref<50x64xf32, #tpu.memory_space<vmem>>
    tpu.enqueue_dma source(%dma_start3A_748 : memref<50x64xf32, #tpu.memory_space<vmem>>) target(%dma_start3A_744 : memref<50x64xf32, #tpu.memory_space<hbm>>) target_semaphore(%dma_start3A_740 : memref<!tpu.dma_semaphore, #tpu.memory_space<semaphore_mem>>)
    %add3A_749 = arith.constant 3 : i32
    %add3A_750 = arith.addi %mul3A_2, %add3A_749 : i32
    %mul3A_751 = arith.constant 4 : i32
    %mul3A_752 = arith.muli %add3A_750, %mul3A_751 : i32
    %add3A_753 = arith.constant 3 : i32
    %add3A_754 = arith.addi %mul3A_752, %add3A_753 : i32
    %dma_start3A_755 = arith.constant 3 : i32
    %dma_start3A_756 = arith.constant 3 : i32
    %dma_start3A_757 = arith.constant 150 : i32
    %dma_start3A_758 = arith.constant 0 : i32
    %dma_start3A_759 = tpu.memref_slice %arg6[%dma_start3A_755, %dma_start3A_757, %dma_start3A_758] : memref<4x200x64xf32, #tpu.memory_space<vmem>> -> memref<1x50x64xf32, #tpu.memory_space<vmem>>
    %dma_start3A_760 = tpu.memref_squeeze %dma_start3A_759 : memref<1x50x64xf32, #tpu.memory_space<vmem>> -> memref<50x64xf32, #tpu.memory_space<vmem>>
    %dma_start3A_761 = arith.constant 0 : i32
    %dma_start3A_762 = arith.constant 0 : i32
    %dma_start3A_763 = tpu.memref_slice %arg4[%add3A_754, %dma_start3A_761, %dma_start3A_762] : memref<16384x56x128xf32, #tpu.memory_space<hbm>> -> memref<1x50x64xf32, #tpu.memory_space<hbm>>
    %dma_start3A_764 = tpu.memref_squeeze %dma_start3A_763 : memref<1x50x64xf32, #tpu.memory_space<hbm>> -> memref<50x64xf32, #tpu.memory_space<hbm>>
    %dma_start3A_765 = tpu.memref_slice %arg8[%dma_start3A_756] : memref<4x!tpu.dma_semaphore, #tpu.memory_space<semaphore_mem>> -> memref<1x!tpu.dma_semaphore, #tpu.memory_space<semaphore_mem>>
    %dma_start3A_766 = tpu.memref_squeeze %dma_start3A_765 : memref<1x!tpu.dma_semaphore, #tpu.memory_space<semaphore_mem>> -> memref<!tpu.dma_semaphore, #tpu.memory_space<semaphore_mem>>
    %dma_start3A_767 = arith.constant 0 : i32
    %dma_start3A_768 = arith.constant 0 : i32
    %dma_start3A_769 = tpu.memref_slice %arg4[%add3A_754, %dma_start3A_767, %dma_start3A_768] : memref<16384x56x128xf32, #tpu.memory_space<hbm>> -> memref<1x50x64xf32, #tpu.memory_space<hbm>>
    %dma_start3A_770 = tpu.memref_squeeze %dma_start3A_769 : memref<1x50x64xf32, #tpu.memory_space<hbm>> -> memref<50x64xf32, #tpu.memory_space<hbm>>
    %dma_start3A_771 = arith.constant 150 : i32
    %dma_start3A_772 = arith.constant 0 : i32
    %dma_start3A_773 = tpu.memref_slice %arg6[%dma_start3A_755, %dma_start3A_771, %dma_start3A_772] : memref<4x200x64xf32, #tpu.memory_space<vmem>> -> memref<1x50x64xf32, #tpu.memory_space<vmem>>
    %dma_start3A_774 = tpu.memref_squeeze %dma_start3A_773 : memref<1x50x64xf32, #tpu.memory_space<vmem>> -> memref<50x64xf32, #tpu.memory_space<vmem>>
    tpu.enqueue_dma source(%dma_start3A_774 : memref<50x64xf32, #tpu.memory_space<vmem>>) target(%dma_start3A_770 : memref<50x64xf32, #tpu.memory_space<hbm>>) target_semaphore(%dma_start3A_766 : memref<!tpu.dma_semaphore, #tpu.memory_space<semaphore_mem>>)
    %add3A_775 = arith.constant 2 : i32
    %add3A_776 = arith.addi %mul3A_2, %add3A_775 : i32
    %mul3A_777 = arith.constant 4 : i32
    %mul3A_778 = arith.muli %add3A_776, %mul3A_777 : i32
    %add3A_779 = arith.constant 0 : i32
    %add3A_780 = arith.addi %mul3A_778, %add3A_779 : i32
    %dma_wait3A_781 = arith.constant 2 : i32
    %dma_wait3A_782 = arith.constant 2 : i32
    %dma_wait3A_783 = arith.constant 0 : i32
    %dma_wait3A_784 = arith.constant 0 : i32
    %dma_wait3A_785 = tpu.memref_slice %arg6[%dma_wait3A_781, %dma_wait3A_783, %dma_wait3A_784] : memref<4x200x64xf32, #tpu.memory_space<vmem>> -> memref<1x50x64xf32, #tpu.memory_space<vmem>>
    %dma_wait3A_786 = tpu.memref_squeeze %dma_wait3A_785 : memref<1x50x64xf32, #tpu.memory_space<vmem>> -> memref<50x64xf32, #tpu.memory_space<vmem>>
    %dma_wait3A_787 = arith.constant 0 : i32
    %dma_wait3A_788 = arith.constant 0 : i32
    %dma_wait3A_789 = tpu.memref_slice %arg4[%add3A_780, %dma_wait3A_787, %dma_wait3A_788] : memref<16384x56x128xf32, #tpu.memory_space<hbm>> -> memref<1x50x64xf32, #tpu.memory_space<hbm>>
    %dma_wait3A_790 = tpu.memref_squeeze %dma_wait3A_789 : memref<1x50x64xf32, #tpu.memory_space<hbm>> -> memref<50x64xf32, #tpu.memory_space<hbm>>
    %dma_wait3A_791 = tpu.memref_slice %arg8[%dma_wait3A_782] : memref<4x!tpu.dma_semaphore, #tpu.memory_space<semaphore_mem>> -> memref<1x!tpu.dma_semaphore, #tpu.memory_space<semaphore_mem>>
    %dma_wait3A_792 = tpu.memref_squeeze %dma_wait3A_791 : memref<1x!tpu.dma_semaphore, #tpu.memory_space<semaphore_mem>> -> memref<!tpu.dma_semaphore, #tpu.memory_space<semaphore_mem>>
    %dma_wait3A_793 = arith.constant 0 : i32
    %dma_wait3A_794 = arith.constant 0 : i32
    %dma_wait3A_795 = tpu.memref_slice %arg4[%add3A_780, %dma_wait3A_793, %dma_wait3A_794] : memref<16384x56x128xf32, #tpu.memory_space<hbm>> -> memref<1x50x64xf32, #tpu.memory_space<hbm>>
    %dma_wait3A_796 = tpu.memref_squeeze %dma_wait3A_795 : memref<1x50x64xf32, #tpu.memory_space<hbm>> -> memref<50x64xf32, #tpu.memory_space<hbm>>
    %dma_wait3A_797 = arith.constant 0 : i32
    %dma_wait3A_798 = arith.constant 0 : i32
    %dma_wait3A_799 = tpu.memref_slice %arg6[%dma_wait3A_781, %dma_wait3A_797, %dma_wait3A_798] : memref<4x200x64xf32, #tpu.memory_space<vmem>> -> memref<1x50x64xf32, #tpu.memory_space<vmem>>
    %dma_wait3A_800 = tpu.memref_squeeze %dma_wait3A_799 : memref<1x50x64xf32, #tpu.memory_space<vmem>> -> memref<50x64xf32, #tpu.memory_space<vmem>>
    tpu.wait_dma2 semaphore(%dma_wait3A_792 : memref<!tpu.dma_semaphore, #tpu.memory_space<semaphore_mem>>) src(%dma_wait3A_800 : memref<50x64xf32, #tpu.memory_space<vmem>>) dst(%dma_wait3A_796 : memref<50x64xf32, #tpu.memory_space<hbm>>)
    %add3A_801 = arith.constant 2 : i32
    %add3A_802 = arith.addi %mul3A_2, %add3A_801 : i32
    %mul3A_803 = arith.constant 4 : i32
    %mul3A_804 = arith.muli %add3A_802, %mul3A_803 : i32
    %add3A_805 = arith.constant 1 : i32
    %add3A_806 = arith.addi %mul3A_804, %add3A_805 : i32
    %dma_wait3A_807 = arith.constant 2 : i32
    %dma_wait3A_808 = arith.constant 2 : i32
    %dma_wait3A_809 = arith.constant 50 : i32
    %dma_wait3A_810 = arith.constant 0 : i32
    %dma_wait3A_811 = tpu.memref_slice %arg6[%dma_wait3A_807, %dma_wait3A_809, %dma_wait3A_810] : memref<4x200x64xf32, #tpu.memory_space<vmem>> -> memref<1x50x64xf32, #tpu.memory_space<vmem>>
    %dma_wait3A_812 = tpu.memref_squeeze %dma_wait3A_811 : memref<1x50x64xf32, #tpu.memory_space<vmem>> -> memref<50x64xf32, #tpu.memory_space<vmem>>
    %dma_wait3A_813 = arith.constant 0 : i32
    %dma_wait3A_814 = arith.constant 0 : i32
    %dma_wait3A_815 = tpu.memref_slice %arg4[%add3A_806, %dma_wait3A_813, %dma_wait3A_814] : memref<16384x56x128xf32, #tpu.memory_space<hbm>> -> memref<1x50x64xf32, #tpu.memory_space<hbm>>
    %dma_wait3A_816 = tpu.memref_squeeze %dma_wait3A_815 : memref<1x50x64xf32, #tpu.memory_space<hbm>> -> memref<50x64xf32, #tpu.memory_space<hbm>>
    %dma_wait3A_817 = tpu.memref_slice %arg8[%dma_wait3A_808] : memref<4x!tpu.dma_semaphore, #tpu.memory_space<semaphore_mem>> -> memref<1x!tpu.dma_semaphore, #tpu.memory_space<semaphore_mem>>
    %dma_wait3A_818 = tpu.memref_squeeze %dma_wait3A_817 : memref<1x!tpu.dma_semaphore, #tpu.memory_space<semaphore_mem>> -> memref<!tpu.dma_semaphore, #tpu.memory_space<semaphore_mem>>
    %dma_wait3A_819 = arith.constant 0 : i32
    %dma_wait3A_820 = arith.constant 0 : i32
    %dma_wait3A_821 = tpu.memref_slice %arg4[%add3A_806, %dma_wait3A_819, %dma_wait3A_820] : memref<16384x56x128xf32, #tpu.memory_space<hbm>> -> memref<1x50x64xf32, #tpu.memory_space<hbm>>
    %dma_wait3A_822 = tpu.memref_squeeze %dma_wait3A_821 : memref<1x50x64xf32, #tpu.memory_space<hbm>> -> memref<50x64xf32, #tpu.memory_space<hbm>>
    %dma_wait3A_823 = arith.constant 50 : i32
    %dma_wait3A_824 = arith.constant 0 : i32
    %dma_wait3A_825 = tpu.memref_slice %arg6[%dma_wait3A_807, %dma_wait3A_823, %dma_wait3A_824] : memref<4x200x64xf32, #tpu.memory_space<vmem>> -> memref<1x50x64xf32, #tpu.memory_space<vmem>>
    %dma_wait3A_826 = tpu.memref_squeeze %dma_wait3A_825 : memref<1x50x64xf32, #tpu.memory_space<vmem>> -> memref<50x64xf32, #tpu.memory_space<vmem>>
    tpu.wait_dma2 semaphore(%dma_wait3A_818 : memref<!tpu.dma_semaphore, #tpu.memory_space<semaphore_mem>>) src(%dma_wait3A_826 : memref<50x64xf32, #tpu.memory_space<vmem>>) dst(%dma_wait3A_822 : memref<50x64xf32, #tpu.memory_space<hbm>>)
    %add3A_827 = arith.constant 2 : i32
    %add3A_828 = arith.addi %mul3A_2, %add3A_827 : i32
    %mul3A_829 = arith.constant 4 : i32
    %mul3A_830 = arith.muli %add3A_828, %mul3A_829 : i32
    %add3A_831 = arith.constant 2 : i32
    %add3A_832 = arith.addi %mul3A_830, %add3A_831 : i32
    %dma_wait3A_833 = arith.constant 2 : i32
    %dma_wait3A_834 = arith.constant 2 : i32
    %dma_wait3A_835 = arith.constant 100 : i32
    %dma_wait3A_836 = arith.constant 0 : i32
    %dma_wait3A_837 = tpu.memref_slice %arg6[%dma_wait3A_833, %dma_wait3A_835, %dma_wait3A_836] : memref<4x200x64xf32, #tpu.memory_space<vmem>> -> memref<1x50x64xf32, #tpu.memory_space<vmem>>
    %dma_wait3A_838 = tpu.memref_squeeze %dma_wait3A_837 : memref<1x50x64xf32, #tpu.memory_space<vmem>> -> memref<50x64xf32, #tpu.memory_space<vmem>>
    %dma_wait3A_839 = arith.constant 0 : i32
    %dma_wait3A_840 = arith.constant 0 : i32
    %dma_wait3A_841 = tpu.memref_slice %arg4[%add3A_832, %dma_wait3A_839, %dma_wait3A_840] : memref<16384x56x128xf32, #tpu.memory_space<hbm>> -> memref<1x50x64xf32, #tpu.memory_space<hbm>>
    %dma_wait3A_842 = tpu.memref_squeeze %dma_wait3A_841 : memref<1x50x64xf32, #tpu.memory_space<hbm>> -> memref<50x64xf32, #tpu.memory_space<hbm>>
    %dma_wait3A_843 = tpu.memref_slice %arg8[%dma_wait3A_834] : memref<4x!tpu.dma_semaphore, #tpu.memory_space<semaphore_mem>> -> memref<1x!tpu.dma_semaphore, #tpu.memory_space<semaphore_mem>>
    %dma_wait3A_844 = tpu.memref_squeeze %dma_wait3A_843 : memref<1x!tpu.dma_semaphore, #tpu.memory_space<semaphore_mem>> -> memref<!tpu.dma_semaphore, #tpu.memory_space<semaphore_mem>>
    %dma_wait3A_845 = arith.constant 0 : i32
    %dma_wait3A_846 = arith.constant 0 : i32
    %dma_wait3A_847 = tpu.memref_slice %arg4[%add3A_832, %dma_wait3A_845, %dma_wait3A_846] : memref<16384x56x128xf32, #tpu.memory_space<hbm>> -> memref<1x50x64xf32, #tpu.memory_space<hbm>>
    %dma_wait3A_848 = tpu.memref_squeeze %dma_wait3A_847 : memref<1x50x64xf32, #tpu.memory_space<hbm>> -> memref<50x64xf32, #tpu.memory_space<hbm>>
    %dma_wait3A_849 = arith.constant 100 : i32
    %dma_wait3A_850 = arith.constant 0 : i32
    %dma_wait3A_851 = tpu.memref_slice %arg6[%dma_wait3A_833, %dma_wait3A_849, %dma_wait3A_850] : memref<4x200x64xf32, #tpu.memory_space<vmem>> -> memref<1x50x64xf32, #tpu.memory_space<vmem>>
    %dma_wait3A_852 = tpu.memref_squeeze %dma_wait3A_851 : memref<1x50x64xf32, #tpu.memory_space<vmem>> -> memref<50x64xf32, #tpu.memory_space<vmem>>
    tpu.wait_dma2 semaphore(%dma_wait3A_844 : memref<!tpu.dma_semaphore, #tpu.memory_space<semaphore_mem>>) src(%dma_wait3A_852 : memref<50x64xf32, #tpu.memory_space<vmem>>) dst(%dma_wait3A_848 : memref<50x64xf32, #tpu.memory_space<hbm>>)
    %add3A_853 = arith.constant 2 : i32
    %add3A_854 = arith.addi %mul3A_2, %add3A_853 : i32
    %mul3A_855 = arith.constant 4 : i32
    %mul3A_856 = arith.muli %add3A_854, %mul3A_855 : i32
    %add3A_857 = arith.constant 3 : i32
    %add3A_858 = arith.addi %mul3A_856, %add3A_857 : i32
    %dma_wait3A_859 = arith.constant 2 : i32
    %dma_wait3A_860 = arith.constant 2 : i32
    %dma_wait3A_861 = arith.constant 150 : i32
    %dma_wait3A_862 = arith.constant 0 : i32
    %dma_wait3A_863 = tpu.memref_slice %arg6[%dma_wait3A_859, %dma_wait3A_861, %dma_wait3A_862] : memref<4x200x64xf32, #tpu.memory_space<vmem>> -> memref<1x50x64xf32, #tpu.memory_space<vmem>>
    %dma_wait3A_864 = tpu.memref_squeeze %dma_wait3A_863 : memref<1x50x64xf32, #tpu.memory_space<vmem>> -> memref<50x64xf32, #tpu.memory_space<vmem>>
    %dma_wait3A_865 = arith.constant 0 : i32
    %dma_wait3A_866 = arith.constant 0 : i32
    %dma_wait3A_867 = tpu.memref_slice %arg4[%add3A_858, %dma_wait3A_865, %dma_wait3A_866] : memref<16384x56x128xf32, #tpu.memory_space<hbm>> -> memref<1x50x64xf32, #tpu.memory_space<hbm>>
    %dma_wait3A_868 = tpu.memref_squeeze %dma_wait3A_867 : memref<1x50x64xf32, #tpu.memory_space<hbm>> -> memref<50x64xf32, #tpu.memory_space<hbm>>
    %dma_wait3A_869 = tpu.memref_slice %arg8[%dma_wait3A_860] : memref<4x!tpu.dma_semaphore, #tpu.memory_space<semaphore_mem>> -> memref<1x!tpu.dma_semaphore, #tpu.memory_space<semaphore_mem>>
    %dma_wait3A_870 = tpu.memref_squeeze %dma_wait3A_869 : memref<1x!tpu.dma_semaphore, #tpu.memory_space<semaphore_mem>> -> memref<!tpu.dma_semaphore, #tpu.memory_space<semaphore_mem>>
    %dma_wait3A_871 = arith.constant 0 : i32
    %dma_wait3A_872 = arith.constant 0 : i32
    %dma_wait3A_873 = tpu.memref_slice %arg4[%add3A_858, %dma_wait3A_871, %dma_wait3A_872] : memref<16384x56x128xf32, #tpu.memory_space<hbm>> -> memref<1x50x64xf32, #tpu.memory_space<hbm>>
    %dma_wait3A_874 = tpu.memref_squeeze %dma_wait3A_873 : memref<1x50x64xf32, #tpu.memory_space<hbm>> -> memref<50x64xf32, #tpu.memory_space<hbm>>
    %dma_wait3A_875 = arith.constant 150 : i32
    %dma_wait3A_876 = arith.constant 0 : i32
    %dma_wait3A_877 = tpu.memref_slice %arg6[%dma_wait3A_859, %dma_wait3A_875, %dma_wait3A_876] : memref<4x200x64xf32, #tpu.memory_space<vmem>> -> memref<1x50x64xf32, #tpu.memory_space<vmem>>
    %dma_wait3A_878 = tpu.memref_squeeze %dma_wait3A_877 : memref<1x50x64xf32, #tpu.memory_space<vmem>> -> memref<50x64xf32, #tpu.memory_space<vmem>>
    tpu.wait_dma2 semaphore(%dma_wait3A_870 : memref<!tpu.dma_semaphore, #tpu.memory_space<semaphore_mem>>) src(%dma_wait3A_878 : memref<50x64xf32, #tpu.memory_space<vmem>>) dst(%dma_wait3A_874 : memref<50x64xf32, #tpu.memory_space<hbm>>)
    %dma_start3A_879 = arith.constant 6 : i32
    %dma_start3A_880 = arith.constant 2 : i32
    %dma_start3A_881 = arith.constant 2 : i32
    %dma_start3A_882 = arith.constant 0 : i32
    %dma_start3A_883 = arith.constant 0 : i32
    %dma_start3A_884 = tpu.memref_slice %arg6[%dma_start3A_880, %dma_start3A_882, %dma_start3A_883] : memref<4x200x64xf32, #tpu.memory_space<vmem>> -> memref<1x200x64xf32, #tpu.memory_space<vmem>>
    %dma_start3A_885 = tpu.memref_squeeze %dma_start3A_884 : memref<1x200x64xf32, #tpu.memory_space<vmem>> -> memref<200x64xf32, #tpu.memory_space<vmem>>
    %dma_start3A_886 = arith.constant 0 : i32
    %dma_start3A_887 = tpu.memref_slice %arg5[%dma_start3A_879, %dma_start3A_886] : memref<128x200xi32, #tpu.memory_space<vmem>> -> memref<1x200xi32, #tpu.memory_space<vmem>>
    %dma_start3A_888 = tpu.memref_squeeze %dma_start3A_887 : memref<1x200xi32, #tpu.memory_space<vmem>> -> memref<200xi32, #tpu.memory_space<vmem>>
    %dma_start3A_889 = arith.constant 0 : i32
    %dma_start3A_890 = arith.constant 0 : i32
    %dma_start3A_891 = tpu.memref_slice %arg3[%dma_start3A_889, %dma_start3A_890] : memref<1000000x64xf32, #tpu.memory_space<hbm>> -> memref<1000000x64xf32, #tpu.memory_space<hbm>>
    %dma_start3A_892 = tpu.memref_slice %arg7[%dma_start3A_881] : memref<4x!tpu.dma_semaphore, #tpu.memory_space<semaphore_mem>> -> memref<1x!tpu.dma_semaphore, #tpu.memory_space<semaphore_mem>>
    %dma_start3A_893 = tpu.memref_squeeze %dma_start3A_892 : memref<1x!tpu.dma_semaphore, #tpu.memory_space<semaphore_mem>> -> memref<!tpu.dma_semaphore, #tpu.memory_space<semaphore_mem>>
    tpu.enqueue_indirect_dma source(%dma_start3A_891 : memref<1000000x64xf32, #tpu.memory_space<hbm>>) target(%dma_start3A_885 : memref<200x64xf32, #tpu.memory_space<vmem>>) offsets(%dma_start3A_888 : memref<200xi32, #tpu.memory_space<vmem>>) semaphore(%dma_start3A_893 : memref<!tpu.dma_semaphore, #tpu.memory_space<semaphore_mem>>)
    %scan3A = arith.constant 0 : i32
    %scan3A_894 = arith.constant 1 : i32
    %scan3A_895 = arith.constant 30 : i32
    %scan3A_896 = arith.addi %scan3A_894, %scan3A_895 : i32
    %scan3A_897 = arith.constant 1 : i32
    scf.for %scan3A_1910 = %scan3A_894 to %scan3A_896 step %scan3A_897  : i32 {
      %mul3A_1911 = arith.constant 4 : i32
      %mul3A_1912 = arith.muli %scan3A_1910, %mul3A_1911 : i32
      %add3A_1913 = arith.constant 0 : i32
      %add3A_1914 = arith.addi %mul3A_1912, %add3A_1913 : i32
      %dma_wait3A_1915 = arith.constant 0 : i32
      %dma_wait3A_1916 = arith.constant 0 : i32
      %dma_wait3A_1917 = arith.constant 0 : i32
      %dma_wait3A_1918 = arith.constant 0 : i32
      %dma_wait3A_1919 = tpu.memref_slice %arg6[%dma_wait3A_1915, %dma_wait3A_1917, %dma_wait3A_1918] : memref<4x200x64xf32, #tpu.memory_space<vmem>> -> memref<1x200x64xf32, #tpu.memory_space<vmem>>
      %dma_wait3A_1920 = tpu.memref_squeeze %dma_wait3A_1919 : memref<1x200x64xf32, #tpu.memory_space<vmem>> -> memref<200x64xf32, #tpu.memory_space<vmem>>
      %dma_wait3A_1921 = arith.constant 0 : i32
      %dma_wait3A_1922 = tpu.memref_slice %arg5[%add3A_1914, %dma_wait3A_1921] : memref<128x200xi32, #tpu.memory_space<vmem>> -> memref<1x200xi32, #tpu.memory_space<vmem>>
      %dma_wait3A_1923 = tpu.memref_squeeze %dma_wait3A_1922 : memref<1x200xi32, #tpu.memory_space<vmem>> -> memref<200xi32, #tpu.memory_space<vmem>>
      %dma_wait3A_1924 = arith.constant 0 : i32
      %dma_wait3A_1925 = arith.constant 0 : i32
      %dma_wait3A_1926 = tpu.memref_slice %arg3[%dma_wait3A_1924, %dma_wait3A_1925] : memref<1000000x64xf32, #tpu.memory_space<hbm>> -> memref<1000000x64xf32, #tpu.memory_space<hbm>>
      %dma_wait3A_1927 = tpu.memref_slice %arg7[%dma_wait3A_1916] : memref<4x!tpu.dma_semaphore, #tpu.memory_space<semaphore_mem>> -> memref<1x!tpu.dma_semaphore, #tpu.memory_space<semaphore_mem>>
      %dma_wait3A_1928 = tpu.memref_squeeze %dma_wait3A_1927 : memref<1x!tpu.dma_semaphore, #tpu.memory_space<semaphore_mem>> -> memref<!tpu.dma_semaphore, #tpu.memory_space<semaphore_mem>>
      tpu.wait_indirect_dma semaphore(%dma_wait3A_1928 : memref<!tpu.dma_semaphore, #tpu.memory_space<semaphore_mem>>) src(%dma_wait3A_1926 : memref<1000000x64xf32, #tpu.memory_space<hbm>>) dst(%dma_wait3A_1920 : memref<200x64xf32, #tpu.memory_space<vmem>>)
      %add3A_1929 = arith.addi %mul3A_2, %add3A_1914 : i32
      %mul3A_1930 = arith.constant 4 : i32
      %mul3A_1931 = arith.muli %add3A_1929, %mul3A_1930 : i32
      %add3A_1932 = arith.constant 0 : i32
      %add3A_1933 = arith.addi %mul3A_1931, %add3A_1932 : i32
      %dma_start3A_1934 = arith.constant 0 : i32
      %dma_start3A_1935 = arith.constant 0 : i32
      %dma_start3A_1936 = arith.constant 0 : i32
      %dma_start3A_1937 = arith.constant 0 : i32
      %dma_start3A_1938 = tpu.memref_slice %arg6[%dma_start3A_1934, %dma_start3A_1936, %dma_start3A_1937] : memref<4x200x64xf32, #tpu.memory_space<vmem>> -> memref<1x50x64xf32, #tpu.memory_space<vmem>>
      %dma_start3A_1939 = tpu.memref_squeeze %dma_start3A_1938 : memref<1x50x64xf32, #tpu.memory_space<vmem>> -> memref<50x64xf32, #tpu.memory_space<vmem>>
      %dma_start3A_1940 = arith.constant 0 : i32
      %dma_start3A_1941 = arith.constant 0 : i32
      %dma_start3A_1942 = tpu.memref_slice %arg4[%add3A_1933, %dma_start3A_1940, %dma_start3A_1941] : memref<16384x56x128xf32, #tpu.memory_space<hbm>> -> memref<1x50x64xf32, #tpu.memory_space<hbm>>
      %dma_start3A_1943 = tpu.memref_squeeze %dma_start3A_1942 : memref<1x50x64xf32, #tpu.memory_space<hbm>> -> memref<50x64xf32, #tpu.memory_space<hbm>>
      %dma_start3A_1944 = tpu.memref_slice %arg8[%dma_start3A_1935] : memref<4x!tpu.dma_semaphore, #tpu.memory_space<semaphore_mem>> -> memref<1x!tpu.dma_semaphore, #tpu.memory_space<semaphore_mem>>
      %dma_start3A_1945 = tpu.memref_squeeze %dma_start3A_1944 : memref<1x!tpu.dma_semaphore, #tpu.memory_space<semaphore_mem>> -> memref<!tpu.dma_semaphore, #tpu.memory_space<semaphore_mem>>
      %dma_start3A_1946 = arith.constant 0 : i32
      %dma_start3A_1947 = arith.constant 0 : i32
      %dma_start3A_1948 = tpu.memref_slice %arg4[%add3A_1933, %dma_start3A_1946, %dma_start3A_1947] : memref<16384x56x128xf32, #tpu.memory_space<hbm>> -> memref<1x50x64xf32, #tpu.memory_space<hbm>>
      %dma_start3A_1949 = tpu.memref_squeeze %dma_start3A_1948 : memref<1x50x64xf32, #tpu.memory_space<hbm>> -> memref<50x64xf32, #tpu.memory_space<hbm>>
      %dma_start3A_1950 = arith.constant 0 : i32
      %dma_start3A_1951 = arith.constant 0 : i32
      %dma_start3A_1952 = tpu.memref_slice %arg6[%dma_start3A_1934, %dma_start3A_1950, %dma_start3A_1951] : memref<4x200x64xf32, #tpu.memory_space<vmem>> -> memref<1x50x64xf32, #tpu.memory_space<vmem>>
      %dma_start3A_1953 = tpu.memref_squeeze %dma_start3A_1952 : memref<1x50x64xf32, #tpu.memory_space<vmem>> -> memref<50x64xf32, #tpu.memory_space<vmem>>
      tpu.enqueue_dma source(%dma_start3A_1953 : memref<50x64xf32, #tpu.memory_space<vmem>>) target(%dma_start3A_1949 : memref<50x64xf32, #tpu.memory_space<hbm>>) target_semaphore(%dma_start3A_1945 : memref<!tpu.dma_semaphore, #tpu.memory_space<semaphore_mem>>)
      %add3A_1954 = arith.addi %mul3A_2, %add3A_1914 : i32
      %mul3A_1955 = arith.constant 4 : i32
      %mul3A_1956 = arith.muli %add3A_1954, %mul3A_1955 : i32
      %add3A_1957 = arith.constant 1 : i32
      %add3A_1958 = arith.addi %mul3A_1956, %add3A_1957 : i32
      %dma_start3A_1959 = arith.constant 0 : i32
      %dma_start3A_1960 = arith.constant 0 : i32
      %dma_start3A_1961 = arith.constant 50 : i32
      %dma_start3A_1962 = arith.constant 0 : i32
      %dma_start3A_1963 = tpu.memref_slice %arg6[%dma_start3A_1959, %dma_start3A_1961, %dma_start3A_1962] : memref<4x200x64xf32, #tpu.memory_space<vmem>> -> memref<1x50x64xf32, #tpu.memory_space<vmem>>
      %dma_start3A_1964 = tpu.memref_squeeze %dma_start3A_1963 : memref<1x50x64xf32, #tpu.memory_space<vmem>> -> memref<50x64xf32, #tpu.memory_space<vmem>>
      %dma_start3A_1965 = arith.constant 0 : i32
      %dma_start3A_1966 = arith.constant 0 : i32
      %dma_start3A_1967 = tpu.memref_slice %arg4[%add3A_1958, %dma_start3A_1965, %dma_start3A_1966] : memref<16384x56x128xf32, #tpu.memory_space<hbm>> -> memref<1x50x64xf32, #tpu.memory_space<hbm>>
      %dma_start3A_1968 = tpu.memref_squeeze %dma_start3A_1967 : memref<1x50x64xf32, #tpu.memory_space<hbm>> -> memref<50x64xf32, #tpu.memory_space<hbm>>
      %dma_start3A_1969 = tpu.memref_slice %arg8[%dma_start3A_1960] : memref<4x!tpu.dma_semaphore, #tpu.memory_space<semaphore_mem>> -> memref<1x!tpu.dma_semaphore, #tpu.memory_space<semaphore_mem>>
      %dma_start3A_1970 = tpu.memref_squeeze %dma_start3A_1969 : memref<1x!tpu.dma_semaphore, #tpu.memory_space<semaphore_mem>> -> memref<!tpu.dma_semaphore, #tpu.memory_space<semaphore_mem>>
      %dma_start3A_1971 = arith.constant 0 : i32
      %dma_start3A_1972 = arith.constant 0 : i32
      %dma_start3A_1973 = tpu.memref_slice %arg4[%add3A_1958, %dma_start3A_1971, %dma_start3A_1972] : memref<16384x56x128xf32, #tpu.memory_space<hbm>> -> memref<1x50x64xf32, #tpu.memory_space<hbm>>
      %dma_start3A_1974 = tpu.memref_squeeze %dma_start3A_1973 : memref<1x50x64xf32, #tpu.memory_space<hbm>> -> memref<50x64xf32, #tpu.memory_space<hbm>>
      %dma_start3A_1975 = arith.constant 50 : i32
      %dma_start3A_1976 = arith.constant 0 : i32
      %dma_start3A_1977 = tpu.memref_slice %arg6[%dma_start3A_1959, %dma_start3A_1975, %dma_start3A_1976] : memref<4x200x64xf32, #tpu.memory_space<vmem>> -> memref<1x50x64xf32, #tpu.memory_space<vmem>>
      %dma_start3A_1978 = tpu.memref_squeeze %dma_start3A_1977 : memref<1x50x64xf32, #tpu.memory_space<vmem>> -> memref<50x64xf32, #tpu.memory_space<vmem>>
      tpu.enqueue_dma source(%dma_start3A_1978 : memref<50x64xf32, #tpu.memory_space<vmem>>) target(%dma_start3A_1974 : memref<50x64xf32, #tpu.memory_space<hbm>>) target_semaphore(%dma_start3A_1970 : memref<!tpu.dma_semaphore, #tpu.memory_space<semaphore_mem>>)
      %add3A_1979 = arith.addi %mul3A_2, %add3A_1914 : i32
      %mul3A_1980 = arith.constant 4 : i32
      %mul3A_1981 = arith.muli %add3A_1979, %mul3A_1980 : i32
      %add3A_1982 = arith.constant 2 : i32
      %add3A_1983 = arith.addi %mul3A_1981, %add3A_1982 : i32
      %dma_start3A_1984 = arith.constant 0 : i32
      %dma_start3A_1985 = arith.constant 0 : i32
      %dma_start3A_1986 = arith.constant 100 : i32
      %dma_start3A_1987 = arith.constant 0 : i32
      %dma_start3A_1988 = tpu.memref_slice %arg6[%dma_start3A_1984, %dma_start3A_1986, %dma_start3A_1987] : memref<4x200x64xf32, #tpu.memory_space<vmem>> -> memref<1x50x64xf32, #tpu.memory_space<vmem>>
      %dma_start3A_1989 = tpu.memref_squeeze %dma_start3A_1988 : memref<1x50x64xf32, #tpu.memory_space<vmem>> -> memref<50x64xf32, #tpu.memory_space<vmem>>
      %dma_start3A_1990 = arith.constant 0 : i32
      %dma_start3A_1991 = arith.constant 0 : i32
      %dma_start3A_1992 = tpu.memref_slice %arg4[%add3A_1983, %dma_start3A_1990, %dma_start3A_1991] : memref<16384x56x128xf32, #tpu.memory_space<hbm>> -> memref<1x50x64xf32, #tpu.memory_space<hbm>>
      %dma_start3A_1993 = tpu.memref_squeeze %dma_start3A_1992 : memref<1x50x64xf32, #tpu.memory_space<hbm>> -> memref<50x64xf32, #tpu.memory_space<hbm>>
      %dma_start3A_1994 = tpu.memref_slice %arg8[%dma_start3A_1985] : memref<4x!tpu.dma_semaphore, #tpu.memory_space<semaphore_mem>> -> memref<1x!tpu.dma_semaphore, #tpu.memory_space<semaphore_mem>>
      %dma_start3A_1995 = tpu.memref_squeeze %dma_start3A_1994 : memref<1x!tpu.dma_semaphore, #tpu.memory_space<semaphore_mem>> -> memref<!tpu.dma_semaphore, #tpu.memory_space<semaphore_mem>>
      %dma_start3A_1996 = arith.constant 0 : i32
      %dma_start3A_1997 = arith.constant 0 : i32
      %dma_start3A_1998 = tpu.memref_slice %arg4[%add3A_1983, %dma_start3A_1996, %dma_start3A_1997] : memref<16384x56x128xf32, #tpu.memory_space<hbm>> -> memref<1x50x64xf32, #tpu.memory_space<hbm>>
      %dma_start3A_1999 = tpu.memref_squeeze %dma_start3A_1998 : memref<1x50x64xf32, #tpu.memory_space<hbm>> -> memref<50x64xf32, #tpu.memory_space<hbm>>
      %dma_start3A_2000 = arith.constant 100 : i32
      %dma_start3A_2001 = arith.constant 0 : i32
      %dma_start3A_2002 = tpu.memref_slice %arg6[%dma_start3A_1984, %dma_start3A_2000, %dma_start3A_2001] : memref<4x200x64xf32, #tpu.memory_space<vmem>> -> memref<1x50x64xf32, #tpu.memory_space<vmem>>
      %dma_start3A_2003 = tpu.memref_squeeze %dma_start3A_2002 : memref<1x50x64xf32, #tpu.memory_space<vmem>> -> memref<50x64xf32, #tpu.memory_space<vmem>>
      tpu.enqueue_dma source(%dma_start3A_2003 : memref<50x64xf32, #tpu.memory_space<vmem>>) target(%dma_start3A_1999 : memref<50x64xf32, #tpu.memory_space<hbm>>) target_semaphore(%dma_start3A_1995 : memref<!tpu.dma_semaphore, #tpu.memory_space<semaphore_mem>>)
      %add3A_2004 = arith.addi %mul3A_2, %add3A_1914 : i32
      %mul3A_2005 = arith.constant 4 : i32
      %mul3A_2006 = arith.muli %add3A_2004, %mul3A_2005 : i32
      %add3A_2007 = arith.constant 3 : i32
      %add3A_2008 = arith.addi %mul3A_2006, %add3A_2007 : i32
      %dma_start3A_2009 = arith.constant 0 : i32
      %dma_start3A_2010 = arith.constant 0 : i32
      %dma_start3A_2011 = arith.constant 150 : i32
      %dma_start3A_2012 = arith.constant 0 : i32
      %dma_start3A_2013 = tpu.memref_slice %arg6[%dma_start3A_2009, %dma_start3A_2011, %dma_start3A_2012] : memref<4x200x64xf32, #tpu.memory_space<vmem>> -> memref<1x50x64xf32, #tpu.memory_space<vmem>>
      %dma_start3A_2014 = tpu.memref_squeeze %dma_start3A_2013 : memref<1x50x64xf32, #tpu.memory_space<vmem>> -> memref<50x64xf32, #tpu.memory_space<vmem>>
      %dma_start3A_2015 = arith.constant 0 : i32
      %dma_start3A_2016 = arith.constant 0 : i32
      %dma_start3A_2017 = tpu.memref_slice %arg4[%add3A_2008, %dma_start3A_2015, %dma_start3A_2016] : memref<16384x56x128xf32, #tpu.memory_space<hbm>> -> memref<1x50x64xf32, #tpu.memory_space<hbm>>
      %dma_start3A_2018 = tpu.memref_squeeze %dma_start3A_2017 : memref<1x50x64xf32, #tpu.memory_space<hbm>> -> memref<50x64xf32, #tpu.memory_space<hbm>>
      %dma_start3A_2019 = tpu.memref_slice %arg8[%dma_start3A_2010] : memref<4x!tpu.dma_semaphore, #tpu.memory_space<semaphore_mem>> -> memref<1x!tpu.dma_semaphore, #tpu.memory_space<semaphore_mem>>
      %dma_start3A_2020 = tpu.memref_squeeze %dma_start3A_2019 : memref<1x!tpu.dma_semaphore, #tpu.memory_space<semaphore_mem>> -> memref<!tpu.dma_semaphore, #tpu.memory_space<semaphore_mem>>
      %dma_start3A_2021 = arith.constant 0 : i32
      %dma_start3A_2022 = arith.constant 0 : i32
      %dma_start3A_2023 = tpu.memref_slice %arg4[%add3A_2008, %dma_start3A_2021, %dma_start3A_2022] : memref<16384x56x128xf32, #tpu.memory_space<hbm>> -> memref<1x50x64xf32, #tpu.memory_space<hbm>>
      %dma_start3A_2024 = tpu.memref_squeeze %dma_start3A_2023 : memref<1x50x64xf32, #tpu.memory_space<hbm>> -> memref<50x64xf32, #tpu.memory_space<hbm>>
      %dma_start3A_2025 = arith.constant 150 : i32
      %dma_start3A_2026 = arith.constant 0 : i32
      %dma_start3A_2027 = tpu.memref_slice %arg6[%dma_start3A_2009, %dma_start3A_2025, %dma_start3A_2026] : memref<4x200x64xf32, #tpu.memory_space<vmem>> -> memref<1x50x64xf32, #tpu.memory_space<vmem>>
      %dma_start3A_2028 = tpu.memref_squeeze %dma_start3A_2027 : memref<1x50x64xf32, #tpu.memory_space<vmem>> -> memref<50x64xf32, #tpu.memory_space<vmem>>
      tpu.enqueue_dma source(%dma_start3A_2028 : memref<50x64xf32, #tpu.memory_space<vmem>>) target(%dma_start3A_2024 : memref<50x64xf32, #tpu.memory_space<hbm>>) target_semaphore(%dma_start3A_2020 : memref<!tpu.dma_semaphore, #tpu.memory_space<semaphore_mem>>)
      %sub3A = arith.constant 1 : i32
      %sub3A_2029 = arith.subi %add3A_1914, %sub3A : i32
      %add3A_2030 = arith.addi %mul3A_2, %sub3A_2029 : i32
      %mul3A_2031 = arith.constant 4 : i32
      %mul3A_2032 = arith.muli %add3A_2030, %mul3A_2031 : i32
      %add3A_2033 = arith.constant 0 : i32
      %add3A_2034 = arith.addi %mul3A_2032, %add3A_2033 : i32
      %dma_wait3A_2035 = arith.constant 3 : i32
      %dma_wait3A_2036 = arith.constant 3 : i32
      %dma_wait3A_2037 = arith.constant 0 : i32
      %dma_wait3A_2038 = arith.constant 0 : i32
      %dma_wait3A_2039 = tpu.memref_slice %arg6[%dma_wait3A_2035, %dma_wait3A_2037, %dma_wait3A_2038] : memref<4x200x64xf32, #tpu.memory_space<vmem>> -> memref<1x50x64xf32, #tpu.memory_space<vmem>>
      %dma_wait3A_2040 = tpu.memref_squeeze %dma_wait3A_2039 : memref<1x50x64xf32, #tpu.memory_space<vmem>> -> memref<50x64xf32, #tpu.memory_space<vmem>>
      %dma_wait3A_2041 = arith.constant 0 : i32
      %dma_wait3A_2042 = arith.constant 0 : i32
      %dma_wait3A_2043 = tpu.memref_slice %arg4[%add3A_2034, %dma_wait3A_2041, %dma_wait3A_2042] : memref<16384x56x128xf32, #tpu.memory_space<hbm>> -> memref<1x50x64xf32, #tpu.memory_space<hbm>>
      %dma_wait3A_2044 = tpu.memref_squeeze %dma_wait3A_2043 : memref<1x50x64xf32, #tpu.memory_space<hbm>> -> memref<50x64xf32, #tpu.memory_space<hbm>>
      %dma_wait3A_2045 = tpu.memref_slice %arg8[%dma_wait3A_2036] : memref<4x!tpu.dma_semaphore, #tpu.memory_space<semaphore_mem>> -> memref<1x!tpu.dma_semaphore, #tpu.memory_space<semaphore_mem>>
      %dma_wait3A_2046 = tpu.memref_squeeze %dma_wait3A_2045 : memref<1x!tpu.dma_semaphore, #tpu.memory_space<semaphore_mem>> -> memref<!tpu.dma_semaphore, #tpu.memory_space<semaphore_mem>>
      %dma_wait3A_2047 = arith.constant 0 : i32
      %dma_wait3A_2048 = arith.constant 0 : i32
      %dma_wait3A_2049 = tpu.memref_slice %arg4[%add3A_2034, %dma_wait3A_2047, %dma_wait3A_2048] : memref<16384x56x128xf32, #tpu.memory_space<hbm>> -> memref<1x50x64xf32, #tpu.memory_space<hbm>>
      %dma_wait3A_2050 = tpu.memref_squeeze %dma_wait3A_2049 : memref<1x50x64xf32, #tpu.memory_space<hbm>> -> memref<50x64xf32, #tpu.memory_space<hbm>>
      %dma_wait3A_2051 = arith.constant 0 : i32
      %dma_wait3A_2052 = arith.constant 0 : i32
      %dma_wait3A_2053 = tpu.memref_slice %arg6[%dma_wait3A_2035, %dma_wait3A_2051, %dma_wait3A_2052] : memref<4x200x64xf32, #tpu.memory_space<vmem>> -> memref<1x50x64xf32, #tpu.memory_space<vmem>>
      %dma_wait3A_2054 = tpu.memref_squeeze %dma_wait3A_2053 : memref<1x50x64xf32, #tpu.memory_space<vmem>> -> memref<50x64xf32, #tpu.memory_space<vmem>>
      tpu.wait_dma2 semaphore(%dma_wait3A_2046 : memref<!tpu.dma_semaphore, #tpu.memory_space<semaphore_mem>>) src(%dma_wait3A_2054 : memref<50x64xf32, #tpu.memory_space<vmem>>) dst(%dma_wait3A_2050 : memref<50x64xf32, #tpu.memory_space<hbm>>)
      %add3A_2055 = arith.addi %mul3A_2, %sub3A_2029 : i32
      %mul3A_2056 = arith.constant 4 : i32
      %mul3A_2057 = arith.muli %add3A_2055, %mul3A_2056 : i32
      %add3A_2058 = arith.constant 1 : i32
      %add3A_2059 = arith.addi %mul3A_2057, %add3A_2058 : i32
      %dma_wait3A_2060 = arith.constant 3 : i32
      %dma_wait3A_2061 = arith.constant 3 : i32
      %dma_wait3A_2062 = arith.constant 50 : i32
      %dma_wait3A_2063 = arith.constant 0 : i32
      %dma_wait3A_2064 = tpu.memref_slice %arg6[%dma_wait3A_2060, %dma_wait3A_2062, %dma_wait3A_2063] : memref<4x200x64xf32, #tpu.memory_space<vmem>> -> memref<1x50x64xf32, #tpu.memory_space<vmem>>
      %dma_wait3A_2065 = tpu.memref_squeeze %dma_wait3A_2064 : memref<1x50x64xf32, #tpu.memory_space<vmem>> -> memref<50x64xf32, #tpu.memory_space<vmem>>
      %dma_wait3A_2066 = arith.constant 0 : i32
      %dma_wait3A_2067 = arith.constant 0 : i32
      %dma_wait3A_2068 = tpu.memref_slice %arg4[%add3A_2059, %dma_wait3A_2066, %dma_wait3A_2067] : memref<16384x56x128xf32, #tpu.memory_space<hbm>> -> memref<1x50x64xf32, #tpu.memory_space<hbm>>
      %dma_wait3A_2069 = tpu.memref_squeeze %dma_wait3A_2068 : memref<1x50x64xf32, #tpu.memory_space<hbm>> -> memref<50x64xf32, #tpu.memory_space<hbm>>
      %dma_wait3A_2070 = tpu.memref_slice %arg8[%dma_wait3A_2061] : memref<4x!tpu.dma_semaphore, #tpu.memory_space<semaphore_mem>> -> memref<1x!tpu.dma_semaphore, #tpu.memory_space<semaphore_mem>>
      %dma_wait3A_2071 = tpu.memref_squeeze %dma_wait3A_2070 : memref<1x!tpu.dma_semaphore, #tpu.memory_space<semaphore_mem>> -> memref<!tpu.dma_semaphore, #tpu.memory_space<semaphore_mem>>
      %dma_wait3A_2072 = arith.constant 0 : i32
      %dma_wait3A_2073 = arith.constant 0 : i32
      %dma_wait3A_2074 = tpu.memref_slice %arg4[%add3A_2059, %dma_wait3A_2072, %dma_wait3A_2073] : memref<16384x56x128xf32, #tpu.memory_space<hbm>> -> memref<1x50x64xf32, #tpu.memory_space<hbm>>
      %dma_wait3A_2075 = tpu.memref_squeeze %dma_wait3A_2074 : memref<1x50x64xf32, #tpu.memory_space<hbm>> -> memref<50x64xf32, #tpu.memory_space<hbm>>
      %dma_wait3A_2076 = arith.constant 50 : i32
      %dma_wait3A_2077 = arith.constant 0 : i32
      %dma_wait3A_2078 = tpu.memref_slice %arg6[%dma_wait3A_2060, %dma_wait3A_2076, %dma_wait3A_2077] : memref<4x200x64xf32, #tpu.memory_space<vmem>> -> memref<1x50x64xf32, #tpu.memory_space<vmem>>
      %dma_wait3A_2079 = tpu.memref_squeeze %dma_wait3A_2078 : memref<1x50x64xf32, #tpu.memory_space<vmem>> -> memref<50x64xf32, #tpu.memory_space<vmem>>
      tpu.wait_dma2 semaphore(%dma_wait3A_2071 : memref<!tpu.dma_semaphore, #tpu.memory_space<semaphore_mem>>) src(%dma_wait3A_2079 : memref<50x64xf32, #tpu.memory_space<vmem>>) dst(%dma_wait3A_2075 : memref<50x64xf32, #tpu.memory_space<hbm>>)
      %add3A_2080 = arith.addi %mul3A_2, %sub3A_2029 : i32
      %mul3A_2081 = arith.constant 4 : i32
      %mul3A_2082 = arith.muli %add3A_2080, %mul3A_2081 : i32
      %add3A_2083 = arith.constant 2 : i32
      %add3A_2084 = arith.addi %mul3A_2082, %add3A_2083 : i32
      %dma_wait3A_2085 = arith.constant 3 : i32
      %dma_wait3A_2086 = arith.constant 3 : i32
      %dma_wait3A_2087 = arith.constant 100 : i32
      %dma_wait3A_2088 = arith.constant 0 : i32
      %dma_wait3A_2089 = tpu.memref_slice %arg6[%dma_wait3A_2085, %dma_wait3A_2087, %dma_wait3A_2088] : memref<4x200x64xf32, #tpu.memory_space<vmem>> -> memref<1x50x64xf32, #tpu.memory_space<vmem>>
      %dma_wait3A_2090 = tpu.memref_squeeze %dma_wait3A_2089 : memref<1x50x64xf32, #tpu.memory_space<vmem>> -> memref<50x64xf32, #tpu.memory_space<vmem>>
      %dma_wait3A_2091 = arith.constant 0 : i32
      %dma_wait3A_2092 = arith.constant 0 : i32
      %dma_wait3A_2093 = tpu.memref_slice %arg4[%add3A_2084, %dma_wait3A_2091, %dma_wait3A_2092] : memref<16384x56x128xf32, #tpu.memory_space<hbm>> -> memref<1x50x64xf32, #tpu.memory_space<hbm>>
      %dma_wait3A_2094 = tpu.memref_squeeze %dma_wait3A_2093 : memref<1x50x64xf32, #tpu.memory_space<hbm>> -> memref<50x64xf32, #tpu.memory_space<hbm>>
      %dma_wait3A_2095 = tpu.memref_slice %arg8[%dma_wait3A_2086] : memref<4x!tpu.dma_semaphore, #tpu.memory_space<semaphore_mem>> -> memref<1x!tpu.dma_semaphore, #tpu.memory_space<semaphore_mem>>
      %dma_wait3A_2096 = tpu.memref_squeeze %dma_wait3A_2095 : memref<1x!tpu.dma_semaphore, #tpu.memory_space<semaphore_mem>> -> memref<!tpu.dma_semaphore, #tpu.memory_space<semaphore_mem>>
      %dma_wait3A_2097 = arith.constant 0 : i32
      %dma_wait3A_2098 = arith.constant 0 : i32
      %dma_wait3A_2099 = tpu.memref_slice %arg4[%add3A_2084, %dma_wait3A_2097, %dma_wait3A_2098] : memref<16384x56x128xf32, #tpu.memory_space<hbm>> -> memref<1x50x64xf32, #tpu.memory_space<hbm>>
      %dma_wait3A_2100 = tpu.memref_squeeze %dma_wait3A_2099 : memref<1x50x64xf32, #tpu.memory_space<hbm>> -> memref<50x64xf32, #tpu.memory_space<hbm>>
      %dma_wait3A_2101 = arith.constant 100 : i32
      %dma_wait3A_2102 = arith.constant 0 : i32
      %dma_wait3A_2103 = tpu.memref_slice %arg6[%dma_wait3A_2085, %dma_wait3A_2101, %dma_wait3A_2102] : memref<4x200x64xf32, #tpu.memory_space<vmem>> -> memref<1x50x64xf32, #tpu.memory_space<vmem>>
      %dma_wait3A_2104 = tpu.memref_squeeze %dma_wait3A_2103 : memref<1x50x64xf32, #tpu.memory_space<vmem>> -> memref<50x64xf32, #tpu.memory_space<vmem>>
      tpu.wait_dma2 semaphore(%dma_wait3A_2096 : memref<!tpu.dma_semaphore, #tpu.memory_space<semaphore_mem>>) src(%dma_wait3A_2104 : memref<50x64xf32, #tpu.memory_space<vmem>>) dst(%dma_wait3A_2100 : memref<50x64xf32, #tpu.memory_space<hbm>>)
      %add3A_2105 = arith.addi %mul3A_2, %sub3A_2029 : i32
      %mul3A_2106 = arith.constant 4 : i32
      %mul3A_2107 = arith.muli %add3A_2105, %mul3A_2106 : i32
      %add3A_2108 = arith.constant 3 : i32
      %add3A_2109 = arith.addi %mul3A_2107, %add3A_2108 : i32
      %dma_wait3A_2110 = arith.constant 3 : i32
      %dma_wait3A_2111 = arith.constant 3 : i32
      %dma_wait3A_2112 = arith.constant 150 : i32
      %dma_wait3A_2113 = arith.constant 0 : i32
      %dma_wait3A_2114 = tpu.memref_slice %arg6[%dma_wait3A_2110, %dma_wait3A_2112, %dma_wait3A_2113] : memref<4x200x64xf32, #tpu.memory_space<vmem>> -> memref<1x50x64xf32, #tpu.memory_space<vmem>>
      %dma_wait3A_2115 = tpu.memref_squeeze %dma_wait3A_2114 : memref<1x50x64xf32, #tpu.memory_space<vmem>> -> memref<50x64xf32, #tpu.memory_space<vmem>>
      %dma_wait3A_2116 = arith.constant 0 : i32
      %dma_wait3A_2117 = arith.constant 0 : i32
      %dma_wait3A_2118 = tpu.memref_slice %arg4[%add3A_2109, %dma_wait3A_2116, %dma_wait3A_2117] : memref<16384x56x128xf32, #tpu.memory_space<hbm>> -> memref<1x50x64xf32, #tpu.memory_space<hbm>>
      %dma_wait3A_2119 = tpu.memref_squeeze %dma_wait3A_2118 : memref<1x50x64xf32, #tpu.memory_space<hbm>> -> memref<50x64xf32, #tpu.memory_space<hbm>>
      %dma_wait3A_2120 = tpu.memref_slice %arg8[%dma_wait3A_2111] : memref<4x!tpu.dma_semaphore, #tpu.memory_space<semaphore_mem>> -> memref<1x!tpu.dma_semaphore, #tpu.memory_space<semaphore_mem>>
      %dma_wait3A_2121 = tpu.memref_squeeze %dma_wait3A_2120 : memref<1x!tpu.dma_semaphore, #tpu.memory_space<semaphore_mem>> -> memref<!tpu.dma_semaphore, #tpu.memory_space<semaphore_mem>>
      %dma_wait3A_2122 = arith.constant 0 : i32
      %dma_wait3A_2123 = arith.constant 0 : i32
      %dma_wait3A_2124 = tpu.memref_slice %arg4[%add3A_2109, %dma_wait3A_2122, %dma_wait3A_2123] : memref<16384x56x128xf32, #tpu.memory_space<hbm>> -> memref<1x50x64xf32, #tpu.memory_space<hbm>>
      %dma_wait3A_2125 = tpu.memref_squeeze %dma_wait3A_2124 : memref<1x50x64xf32, #tpu.memory_space<hbm>> -> memref<50x64xf32, #tpu.memory_space<hbm>>
      %dma_wait3A_2126 = arith.constant 150 : i32
      %dma_wait3A_2127 = arith.constant 0 : i32
      %dma_wait3A_2128 = tpu.memref_slice %arg6[%dma_wait3A_2110, %dma_wait3A_2126, %dma_wait3A_2127] : memref<4x200x64xf32, #tpu.memory_space<vmem>> -> memref<1x50x64xf32, #tpu.memory_space<vmem>>
      %dma_wait3A_2129 = tpu.memref_squeeze %dma_wait3A_2128 : memref<1x50x64xf32, #tpu.memory_space<vmem>> -> memref<50x64xf32, #tpu.memory_space<vmem>>
      tpu.wait_dma2 semaphore(%dma_wait3A_2121 : memref<!tpu.dma_semaphore, #tpu.memory_space<semaphore_mem>>) src(%dma_wait3A_2129 : memref<50x64xf32, #tpu.memory_space<vmem>>) dst(%dma_wait3A_2125 : memref<50x64xf32, #tpu.memory_space<hbm>>)
      %add3A_2130 = arith.constant 4 : i32
      %add3A_2131 = arith.addi %add3A_1914, %add3A_2130 : i32
      %sub3A_2132 = arith.constant 1 : i32
      %sub3A_2133 = arith.subi %add3A_2131, %sub3A_2132 : i32
      %dma_start3A_2134 = arith.constant 3 : i32
      %dma_start3A_2135 = arith.constant 3 : i32
      %dma_start3A_2136 = arith.constant 0 : i32
      %dma_start3A_2137 = arith.constant 0 : i32
      %dma_start3A_2138 = tpu.memref_slice %arg6[%dma_start3A_2134, %dma_start3A_2136, %dma_start3A_2137] : memref<4x200x64xf32, #tpu.memory_space<vmem>> -> memref<1x200x64xf32, #tpu.memory_space<vmem>>
      %dma_start3A_2139 = tpu.memref_squeeze %dma_start3A_2138 : memref<1x200x64xf32, #tpu.memory_space<vmem>> -> memref<200x64xf32, #tpu.memory_space<vmem>>
      %dma_start3A_2140 = arith.constant 0 : i32
      %dma_start3A_2141 = tpu.memref_slice %arg5[%sub3A_2133, %dma_start3A_2140] : memref<128x200xi32, #tpu.memory_space<vmem>> -> memref<1x200xi32, #tpu.memory_space<vmem>>
      %dma_start3A_2142 = tpu.memref_squeeze %dma_start3A_2141 : memref<1x200xi32, #tpu.memory_space<vmem>> -> memref<200xi32, #tpu.memory_space<vmem>>
      %dma_start3A_2143 = arith.constant 0 : i32
      %dma_start3A_2144 = arith.constant 0 : i32
      %dma_start3A_2145 = tpu.memref_slice %arg3[%dma_start3A_2143, %dma_start3A_2144] : memref<1000000x64xf32, #tpu.memory_space<hbm>> -> memref<1000000x64xf32, #tpu.memory_space<hbm>>
      %dma_start3A_2146 = tpu.memref_slice %arg7[%dma_start3A_2135] : memref<4x!tpu.dma_semaphore, #tpu.memory_space<semaphore_mem>> -> memref<1x!tpu.dma_semaphore, #tpu.memory_space<semaphore_mem>>
      %dma_start3A_2147 = tpu.memref_squeeze %dma_start3A_2146 : memref<1x!tpu.dma_semaphore, #tpu.memory_space<semaphore_mem>> -> memref<!tpu.dma_semaphore, #tpu.memory_space<semaphore_mem>>
      tpu.enqueue_indirect_dma source(%dma_start3A_2145 : memref<1000000x64xf32, #tpu.memory_space<hbm>>) target(%dma_start3A_2139 : memref<200x64xf32, #tpu.memory_space<vmem>>) offsets(%dma_start3A_2142 : memref<200xi32, #tpu.memory_space<vmem>>) semaphore(%dma_start3A_2147 : memref<!tpu.dma_semaphore, #tpu.memory_space<semaphore_mem>>)
      %add3A_2148 = arith.constant 1 : i32
      %add3A_2149 = arith.addi %mul3A_1912, %add3A_2148 : i32
      %dma_wait3A_2150 = arith.constant 1 : i32
      %dma_wait3A_2151 = arith.constant 1 : i32
      %dma_wait3A_2152 = arith.constant 0 : i32
      %dma_wait3A_2153 = arith.constant 0 : i32
      %dma_wait3A_2154 = tpu.memref_slice %arg6[%dma_wait3A_2150, %dma_wait3A_2152, %dma_wait3A_2153] : memref<4x200x64xf32, #tpu.memory_space<vmem>> -> memref<1x200x64xf32, #tpu.memory_space<vmem>>
      %dma_wait3A_2155 = tpu.memref_squeeze %dma_wait3A_2154 : memref<1x200x64xf32, #tpu.memory_space<vmem>> -> memref<200x64xf32, #tpu.memory_space<vmem>>
      %dma_wait3A_2156 = arith.constant 0 : i32
      %dma_wait3A_2157 = tpu.memref_slice %arg5[%add3A_2149, %dma_wait3A_2156] : memref<128x200xi32, #tpu.memory_space<vmem>> -> memref<1x200xi32, #tpu.memory_space<vmem>>
      %dma_wait3A_2158 = tpu.memref_squeeze %dma_wait3A_2157 : memref<1x200xi32, #tpu.memory_space<vmem>> -> memref<200xi32, #tpu.memory_space<vmem>>
      %dma_wait3A_2159 = arith.constant 0 : i32
      %dma_wait3A_2160 = arith.constant 0 : i32
      %dma_wait3A_2161 = tpu.memref_slice %arg3[%dma_wait3A_2159, %dma_wait3A_2160] : memref<1000000x64xf32, #tpu.memory_space<hbm>> -> memref<1000000x64xf32, #tpu.memory_space<hbm>>
      %dma_wait3A_2162 = tpu.memref_slice %arg7[%dma_wait3A_2151] : memref<4x!tpu.dma_semaphore, #tpu.memory_space<semaphore_mem>> -> memref<1x!tpu.dma_semaphore, #tpu.memory_space<semaphore_mem>>
      %dma_wait3A_2163 = tpu.memref_squeeze %dma_wait3A_2162 : memref<1x!tpu.dma_semaphore, #tpu.memory_space<semaphore_mem>> -> memref<!tpu.dma_semaphore, #tpu.memory_space<semaphore_mem>>
      tpu.wait_indirect_dma semaphore(%dma_wait3A_2163 : memref<!tpu.dma_semaphore, #tpu.memory_space<semaphore_mem>>) src(%dma_wait3A_2161 : memref<1000000x64xf32, #tpu.memory_space<hbm>>) dst(%dma_wait3A_2155 : memref<200x64xf32, #tpu.memory_space<vmem>>)
      %add3A_2164 = arith.addi %mul3A_2, %add3A_2149 : i32
      %mul3A_2165 = arith.constant 4 : i32
      %mul3A_2166 = arith.muli %add3A_2164, %mul3A_2165 : i32
      %add3A_2167 = arith.constant 0 : i32
      %add3A_2168 = arith.addi %mul3A_2166, %add3A_2167 : i32
      %dma_start3A_2169 = arith.constant 1 : i32
      %dma_start3A_2170 = arith.constant 1 : i32
      %dma_start3A_2171 = arith.constant 0 : i32
      %dma_start3A_2172 = arith.constant 0 : i32
      %dma_start3A_2173 = tpu.memref_slice %arg6[%dma_start3A_2169, %dma_start3A_2171, %dma_start3A_2172] : memref<4x200x64xf32, #tpu.memory_space<vmem>> -> memref<1x50x64xf32, #tpu.memory_space<vmem>>
      %dma_start3A_2174 = tpu.memref_squeeze %dma_start3A_2173 : memref<1x50x64xf32, #tpu.memory_space<vmem>> -> memref<50x64xf32, #tpu.memory_space<vmem>>
      %dma_start3A_2175 = arith.constant 0 : i32
      %dma_start3A_2176 = arith.constant 0 : i32
      %dma_start3A_2177 = tpu.memref_slice %arg4[%add3A_2168, %dma_start3A_2175, %dma_start3A_2176] : memref<16384x56x128xf32, #tpu.memory_space<hbm>> -> memref<1x50x64xf32, #tpu.memory_space<hbm>>
      %dma_start3A_2178 = tpu.memref_squeeze %dma_start3A_2177 : memref<1x50x64xf32, #tpu.memory_space<hbm>> -> memref<50x64xf32, #tpu.memory_space<hbm>>
      %dma_start3A_2179 = tpu.memref_slice %arg8[%dma_start3A_2170] : memref<4x!tpu.dma_semaphore, #tpu.memory_space<semaphore_mem>> -> memref<1x!tpu.dma_semaphore, #tpu.memory_space<semaphore_mem>>
      %dma_start3A_2180 = tpu.memref_squeeze %dma_start3A_2179 : memref<1x!tpu.dma_semaphore, #tpu.memory_space<semaphore_mem>> -> memref<!tpu.dma_semaphore, #tpu.memory_space<semaphore_mem>>
      %dma_start3A_2181 = arith.constant 0 : i32
      %dma_start3A_2182 = arith.constant 0 : i32
      %dma_start3A_2183 = tpu.memref_slice %arg4[%add3A_2168, %dma_start3A_2181, %dma_start3A_2182] : memref<16384x56x128xf32, #tpu.memory_space<hbm>> -> memref<1x50x64xf32, #tpu.memory_space<hbm>>
      %dma_start3A_2184 = tpu.memref_squeeze %dma_start3A_2183 : memref<1x50x64xf32, #tpu.memory_space<hbm>> -> memref<50x64xf32, #tpu.memory_space<hbm>>
      %dma_start3A_2185 = arith.constant 0 : i32
      %dma_start3A_2186 = arith.constant 0 : i32
      %dma_start3A_2187 = tpu.memref_slice %arg6[%dma_start3A_2169, %dma_start3A_2185, %dma_start3A_2186] : memref<4x200x64xf32, #tpu.memory_space<vmem>> -> memref<1x50x64xf32, #tpu.memory_space<vmem>>
      %dma_start3A_2188 = tpu.memref_squeeze %dma_start3A_2187 : memref<1x50x64xf32, #tpu.memory_space<vmem>> -> memref<50x64xf32, #tpu.memory_space<vmem>>
      tpu.enqueue_dma source(%dma_start3A_2188 : memref<50x64xf32, #tpu.memory_space<vmem>>) target(%dma_start3A_2184 : memref<50x64xf32, #tpu.memory_space<hbm>>) target_semaphore(%dma_start3A_2180 : memref<!tpu.dma_semaphore, #tpu.memory_space<semaphore_mem>>)
      %add3A_2189 = arith.addi %mul3A_2, %add3A_2149 : i32
      %mul3A_2190 = arith.constant 4 : i32
      %mul3A_2191 = arith.muli %add3A_2189, %mul3A_2190 : i32
      %add3A_2192 = arith.constant 1 : i32
      %add3A_2193 = arith.addi %mul3A_2191, %add3A_2192 : i32
      %dma_start3A_2194 = arith.constant 1 : i32
      %dma_start3A_2195 = arith.constant 1 : i32
      %dma_start3A_2196 = arith.constant 50 : i32
      %dma_start3A_2197 = arith.constant 0 : i32
      %dma_start3A_2198 = tpu.memref_slice %arg6[%dma_start3A_2194, %dma_start3A_2196, %dma_start3A_2197] : memref<4x200x64xf32, #tpu.memory_space<vmem>> -> memref<1x50x64xf32, #tpu.memory_space<vmem>>
      %dma_start3A_2199 = tpu.memref_squeeze %dma_start3A_2198 : memref<1x50x64xf32, #tpu.memory_space<vmem>> -> memref<50x64xf32, #tpu.memory_space<vmem>>
      %dma_start3A_2200 = arith.constant 0 : i32
      %dma_start3A_2201 = arith.constant 0 : i32
      %dma_start3A_2202 = tpu.memref_slice %arg4[%add3A_2193, %dma_start3A_2200, %dma_start3A_2201] : memref<16384x56x128xf32, #tpu.memory_space<hbm>> -> memref<1x50x64xf32, #tpu.memory_space<hbm>>
      %dma_start3A_2203 = tpu.memref_squeeze %dma_start3A_2202 : memref<1x50x64xf32, #tpu.memory_space<hbm>> -> memref<50x64xf32, #tpu.memory_space<hbm>>
      %dma_start3A_2204 = tpu.memref_slice %arg8[%dma_start3A_2195] : memref<4x!tpu.dma_semaphore, #tpu.memory_space<semaphore_mem>> -> memref<1x!tpu.dma_semaphore, #tpu.memory_space<semaphore_mem>>
      %dma_start3A_2205 = tpu.memref_squeeze %dma_start3A_2204 : memref<1x!tpu.dma_semaphore, #tpu.memory_space<semaphore_mem>> -> memref<!tpu.dma_semaphore, #tpu.memory_space<semaphore_mem>>
      %dma_start3A_2206 = arith.constant 0 : i32
      %dma_start3A_2207 = arith.constant 0 : i32
      %dma_start3A_2208 = tpu.memref_slice %arg4[%add3A_2193, %dma_start3A_2206, %dma_start3A_2207] : memref<16384x56x128xf32, #tpu.memory_space<hbm>> -> memref<1x50x64xf32, #tpu.memory_space<hbm>>
      %dma_start3A_2209 = tpu.memref_squeeze %dma_start3A_2208 : memref<1x50x64xf32, #tpu.memory_space<hbm>> -> memref<50x64xf32, #tpu.memory_space<hbm>>
      %dma_start3A_2210 = arith.constant 50 : i32
      %dma_start3A_2211 = arith.constant 0 : i32
      %dma_start3A_2212 = tpu.memref_slice %arg6[%dma_start3A_2194, %dma_start3A_2210, %dma_start3A_2211] : memref<4x200x64xf32, #tpu.memory_space<vmem>> -> memref<1x50x64xf32, #tpu.memory_space<vmem>>
      %dma_start3A_2213 = tpu.memref_squeeze %dma_start3A_2212 : memref<1x50x64xf32, #tpu.memory_space<vmem>> -> memref<50x64xf32, #tpu.memory_space<vmem>>
      tpu.enqueue_dma source(%dma_start3A_2213 : memref<50x64xf32, #tpu.memory_space<vmem>>) target(%dma_start3A_2209 : memref<50x64xf32, #tpu.memory_space<hbm>>) target_semaphore(%dma_start3A_2205 : memref<!tpu.dma_semaphore, #tpu.memory_space<semaphore_mem>>)
      %add3A_2214 = arith.addi %mul3A_2, %add3A_2149 : i32
      %mul3A_2215 = arith.constant 4 : i32
      %mul3A_2216 = arith.muli %add3A_2214, %mul3A_2215 : i32
      %add3A_2217 = arith.constant 2 : i32
      %add3A_2218 = arith.addi %mul3A_2216, %add3A_2217 : i32
      %dma_start3A_2219 = arith.constant 1 : i32
      %dma_start3A_2220 = arith.constant 1 : i32
      %dma_start3A_2221 = arith.constant 100 : i32
      %dma_start3A_2222 = arith.constant 0 : i32
      %dma_start3A_2223 = tpu.memref_slice %arg6[%dma_start3A_2219, %dma_start3A_2221, %dma_start3A_2222] : memref<4x200x64xf32, #tpu.memory_space<vmem>> -> memref<1x50x64xf32, #tpu.memory_space<vmem>>
      %dma_start3A_2224 = tpu.memref_squeeze %dma_start3A_2223 : memref<1x50x64xf32, #tpu.memory_space<vmem>> -> memref<50x64xf32, #tpu.memory_space<vmem>>
      %dma_start3A_2225 = arith.constant 0 : i32
      %dma_start3A_2226 = arith.constant 0 : i32
      %dma_start3A_2227 = tpu.memref_slice %arg4[%add3A_2218, %dma_start3A_2225, %dma_start3A_2226] : memref<16384x56x128xf32, #tpu.memory_space<hbm>> -> memref<1x50x64xf32, #tpu.memory_space<hbm>>
      %dma_start3A_2228 = tpu.memref_squeeze %dma_start3A_2227 : memref<1x50x64xf32, #tpu.memory_space<hbm>> -> memref<50x64xf32, #tpu.memory_space<hbm>>
      %dma_start3A_2229 = tpu.memref_slice %arg8[%dma_start3A_2220] : memref<4x!tpu.dma_semaphore, #tpu.memory_space<semaphore_mem>> -> memref<1x!tpu.dma_semaphore, #tpu.memory_space<semaphore_mem>>
      %dma_start3A_2230 = tpu.memref_squeeze %dma_start3A_2229 : memref<1x!tpu.dma_semaphore, #tpu.memory_space<semaphore_mem>> -> memref<!tpu.dma_semaphore, #tpu.memory_space<semaphore_mem>>
      %dma_start3A_2231 = arith.constant 0 : i32
      %dma_start3A_2232 = arith.constant 0 : i32
      %dma_start3A_2233 = tpu.memref_slice %arg4[%add3A_2218, %dma_start3A_2231, %dma_start3A_2232] : memref<16384x56x128xf32, #tpu.memory_space<hbm>> -> memref<1x50x64xf32, #tpu.memory_space<hbm>>
      %dma_start3A_2234 = tpu.memref_squeeze %dma_start3A_2233 : memref<1x50x64xf32, #tpu.memory_space<hbm>> -> memref<50x64xf32, #tpu.memory_space<hbm>>
      %dma_start3A_2235 = arith.constant 100 : i32
      %dma_start3A_2236 = arith.constant 0 : i32
      %dma_start3A_2237 = tpu.memref_slice %arg6[%dma_start3A_2219, %dma_start3A_2235, %dma_start3A_2236] : memref<4x200x64xf32, #tpu.memory_space<vmem>> -> memref<1x50x64xf32, #tpu.memory_space<vmem>>
      %dma_start3A_2238 = tpu.memref_squeeze %dma_start3A_2237 : memref<1x50x64xf32, #tpu.memory_space<vmem>> -> memref<50x64xf32, #tpu.memory_space<vmem>>
      tpu.enqueue_dma source(%dma_start3A_2238 : memref<50x64xf32, #tpu.memory_space<vmem>>) target(%dma_start3A_2234 : memref<50x64xf32, #tpu.memory_space<hbm>>) target_semaphore(%dma_start3A_2230 : memref<!tpu.dma_semaphore, #tpu.memory_space<semaphore_mem>>)
      %add3A_2239 = arith.addi %mul3A_2, %add3A_2149 : i32
      %mul3A_2240 = arith.constant 4 : i32
      %mul3A_2241 = arith.muli %add3A_2239, %mul3A_2240 : i32
      %add3A_2242 = arith.constant 3 : i32
      %add3A_2243 = arith.addi %mul3A_2241, %add3A_2242 : i32
      %dma_start3A_2244 = arith.constant 1 : i32
      %dma_start3A_2245 = arith.constant 1 : i32
      %dma_start3A_2246 = arith.constant 150 : i32
      %dma_start3A_2247 = arith.constant 0 : i32
      %dma_start3A_2248 = tpu.memref_slice %arg6[%dma_start3A_2244, %dma_start3A_2246, %dma_start3A_2247] : memref<4x200x64xf32, #tpu.memory_space<vmem>> -> memref<1x50x64xf32, #tpu.memory_space<vmem>>
      %dma_start3A_2249 = tpu.memref_squeeze %dma_start3A_2248 : memref<1x50x64xf32, #tpu.memory_space<vmem>> -> memref<50x64xf32, #tpu.memory_space<vmem>>
      %dma_start3A_2250 = arith.constant 0 : i32
      %dma_start3A_2251 = arith.constant 0 : i32
      %dma_start3A_2252 = tpu.memref_slice %arg4[%add3A_2243, %dma_start3A_2250, %dma_start3A_2251] : memref<16384x56x128xf32, #tpu.memory_space<hbm>> -> memref<1x50x64xf32, #tpu.memory_space<hbm>>
      %dma_start3A_2253 = tpu.memref_squeeze %dma_start3A_2252 : memref<1x50x64xf32, #tpu.memory_space<hbm>> -> memref<50x64xf32, #tpu.memory_space<hbm>>
      %dma_start3A_2254 = tpu.memref_slice %arg8[%dma_start3A_2245] : memref<4x!tpu.dma_semaphore, #tpu.memory_space<semaphore_mem>> -> memref<1x!tpu.dma_semaphore, #tpu.memory_space<semaphore_mem>>
      %dma_start3A_2255 = tpu.memref_squeeze %dma_start3A_2254 : memref<1x!tpu.dma_semaphore, #tpu.memory_space<semaphore_mem>> -> memref<!tpu.dma_semaphore, #tpu.memory_space<semaphore_mem>>
      %dma_start3A_2256 = arith.constant 0 : i32
      %dma_start3A_2257 = arith.constant 0 : i32
      %dma_start3A_2258 = tpu.memref_slice %arg4[%add3A_2243, %dma_start3A_2256, %dma_start3A_2257] : memref<16384x56x128xf32, #tpu.memory_space<hbm>> -> memref<1x50x64xf32, #tpu.memory_space<hbm>>
      %dma_start3A_2259 = tpu.memref_squeeze %dma_start3A_2258 : memref<1x50x64xf32, #tpu.memory_space<hbm>> -> memref<50x64xf32, #tpu.memory_space<hbm>>
      %dma_start3A_2260 = arith.constant 150 : i32
      %dma_start3A_2261 = arith.constant 0 : i32
      %dma_start3A_2262 = tpu.memref_slice %arg6[%dma_start3A_2244, %dma_start3A_2260, %dma_start3A_2261] : memref<4x200x64xf32, #tpu.memory_space<vmem>> -> memref<1x50x64xf32, #tpu.memory_space<vmem>>
      %dma_start3A_2263 = tpu.memref_squeeze %dma_start3A_2262 : memref<1x50x64xf32, #tpu.memory_space<vmem>> -> memref<50x64xf32, #tpu.memory_space<vmem>>
      tpu.enqueue_dma source(%dma_start3A_2263 : memref<50x64xf32, #tpu.memory_space<vmem>>) target(%dma_start3A_2259 : memref<50x64xf32, #tpu.memory_space<hbm>>) target_semaphore(%dma_start3A_2255 : memref<!tpu.dma_semaphore, #tpu.memory_space<semaphore_mem>>)
      %sub3A_2264 = arith.constant 1 : i32
      %sub3A_2265 = arith.subi %add3A_2149, %sub3A_2264 : i32
      %add3A_2266 = arith.addi %mul3A_2, %sub3A_2265 : i32
      %mul3A_2267 = arith.constant 4 : i32
      %mul3A_2268 = arith.muli %add3A_2266, %mul3A_2267 : i32
      %add3A_2269 = arith.constant 0 : i32
      %add3A_2270 = arith.addi %mul3A_2268, %add3A_2269 : i32
      %dma_wait3A_2271 = arith.constant 0 : i32
      %dma_wait3A_2272 = arith.constant 0 : i32
      %dma_wait3A_2273 = arith.constant 0 : i32
      %dma_wait3A_2274 = arith.constant 0 : i32
      %dma_wait3A_2275 = tpu.memref_slice %arg6[%dma_wait3A_2271, %dma_wait3A_2273, %dma_wait3A_2274] : memref<4x200x64xf32, #tpu.memory_space<vmem>> -> memref<1x50x64xf32, #tpu.memory_space<vmem>>
      %dma_wait3A_2276 = tpu.memref_squeeze %dma_wait3A_2275 : memref<1x50x64xf32, #tpu.memory_space<vmem>> -> memref<50x64xf32, #tpu.memory_space<vmem>>
      %dma_wait3A_2277 = arith.constant 0 : i32
      %dma_wait3A_2278 = arith.constant 0 : i32
      %dma_wait3A_2279 = tpu.memref_slice %arg4[%add3A_2270, %dma_wait3A_2277, %dma_wait3A_2278] : memref<16384x56x128xf32, #tpu.memory_space<hbm>> -> memref<1x50x64xf32, #tpu.memory_space<hbm>>
      %dma_wait3A_2280 = tpu.memref_squeeze %dma_wait3A_2279 : memref<1x50x64xf32, #tpu.memory_space<hbm>> -> memref<50x64xf32, #tpu.memory_space<hbm>>
      %dma_wait3A_2281 = tpu.memref_slice %arg8[%dma_wait3A_2272] : memref<4x!tpu.dma_semaphore, #tpu.memory_space<semaphore_mem>> -> memref<1x!tpu.dma_semaphore, #tpu.memory_space<semaphore_mem>>
      %dma_wait3A_2282 = tpu.memref_squeeze %dma_wait3A_2281 : memref<1x!tpu.dma_semaphore, #tpu.memory_space<semaphore_mem>> -> memref<!tpu.dma_semaphore, #tpu.memory_space<semaphore_mem>>
      %dma_wait3A_2283 = arith.constant 0 : i32
      %dma_wait3A_2284 = arith.constant 0 : i32
      %dma_wait3A_2285 = tpu.memref_slice %arg4[%add3A_2270, %dma_wait3A_2283, %dma_wait3A_2284] : memref<16384x56x128xf32, #tpu.memory_space<hbm>> -> memref<1x50x64xf32, #tpu.memory_space<hbm>>
      %dma_wait3A_2286 = tpu.memref_squeeze %dma_wait3A_2285 : memref<1x50x64xf32, #tpu.memory_space<hbm>> -> memref<50x64xf32, #tpu.memory_space<hbm>>
      %dma_wait3A_2287 = arith.constant 0 : i32
      %dma_wait3A_2288 = arith.constant 0 : i32
      %dma_wait3A_2289 = tpu.memref_slice %arg6[%dma_wait3A_2271, %dma_wait3A_2287, %dma_wait3A_2288] : memref<4x200x64xf32, #tpu.memory_space<vmem>> -> memref<1x50x64xf32, #tpu.memory_space<vmem>>
      %dma_wait3A_2290 = tpu.memref_squeeze %dma_wait3A_2289 : memref<1x50x64xf32, #tpu.memory_space<vmem>> -> memref<50x64xf32, #tpu.memory_space<vmem>>
      tpu.wait_dma2 semaphore(%dma_wait3A_2282 : memref<!tpu.dma_semaphore, #tpu.memory_space<semaphore_mem>>) src(%dma_wait3A_2290 : memref<50x64xf32, #tpu.memory_space<vmem>>) dst(%dma_wait3A_2286 : memref<50x64xf32, #tpu.memory_space<hbm>>)
      %add3A_2291 = arith.addi %mul3A_2, %sub3A_2265 : i32
      %mul3A_2292 = arith.constant 4 : i32
      %mul3A_2293 = arith.muli %add3A_2291, %mul3A_2292 : i32
      %add3A_2294 = arith.constant 1 : i32
      %add3A_2295 = arith.addi %mul3A_2293, %add3A_2294 : i32
      %dma_wait3A_2296 = arith.constant 0 : i32
      %dma_wait3A_2297 = arith.constant 0 : i32
      %dma_wait3A_2298 = arith.constant 50 : i32
      %dma_wait3A_2299 = arith.constant 0 : i32
      %dma_wait3A_2300 = tpu.memref_slice %arg6[%dma_wait3A_2296, %dma_wait3A_2298, %dma_wait3A_2299] : memref<4x200x64xf32, #tpu.memory_space<vmem>> -> memref<1x50x64xf32, #tpu.memory_space<vmem>>
      %dma_wait3A_2301 = tpu.memref_squeeze %dma_wait3A_2300 : memref<1x50x64xf32, #tpu.memory_space<vmem>> -> memref<50x64xf32, #tpu.memory_space<vmem>>
      %dma_wait3A_2302 = arith.constant 0 : i32
      %dma_wait3A_2303 = arith.constant 0 : i32
      %dma_wait3A_2304 = tpu.memref_slice %arg4[%add3A_2295, %dma_wait3A_2302, %dma_wait3A_2303] : memref<16384x56x128xf32, #tpu.memory_space<hbm>> -> memref<1x50x64xf32, #tpu.memory_space<hbm>>
      %dma_wait3A_2305 = tpu.memref_squeeze %dma_wait3A_2304 : memref<1x50x64xf32, #tpu.memory_space<hbm>> -> memref<50x64xf32, #tpu.memory_space<hbm>>
      %dma_wait3A_2306 = tpu.memref_slice %arg8[%dma_wait3A_2297] : memref<4x!tpu.dma_semaphore, #tpu.memory_space<semaphore_mem>> -> memref<1x!tpu.dma_semaphore, #tpu.memory_space<semaphore_mem>>
      %dma_wait3A_2307 = tpu.memref_squeeze %dma_wait3A_2306 : memref<1x!tpu.dma_semaphore, #tpu.memory_space<semaphore_mem>> -> memref<!tpu.dma_semaphore, #tpu.memory_space<semaphore_mem>>
      %dma_wait3A_2308 = arith.constant 0 : i32
      %dma_wait3A_2309 = arith.constant 0 : i32
      %dma_wait3A_2310 = tpu.memref_slice %arg4[%add3A_2295, %dma_wait3A_2308, %dma_wait3A_2309] : memref<16384x56x128xf32, #tpu.memory_space<hbm>> -> memref<1x50x64xf32, #tpu.memory_space<hbm>>
      %dma_wait3A_2311 = tpu.memref_squeeze %dma_wait3A_2310 : memref<1x50x64xf32, #tpu.memory_space<hbm>> -> memref<50x64xf32, #tpu.memory_space<hbm>>
      %dma_wait3A_2312 = arith.constant 50 : i32
      %dma_wait3A_2313 = arith.constant 0 : i32
      %dma_wait3A_2314 = tpu.memref_slice %arg6[%dma_wait3A_2296, %dma_wait3A_2312, %dma_wait3A_2313] : memref<4x200x64xf32, #tpu.memory_space<vmem>> -> memref<1x50x64xf32, #tpu.memory_space<vmem>>
      %dma_wait3A_2315 = tpu.memref_squeeze %dma_wait3A_2314 : memref<1x50x64xf32, #tpu.memory_space<vmem>> -> memref<50x64xf32, #tpu.memory_space<vmem>>
      tpu.wait_dma2 semaphore(%dma_wait3A_2307 : memref<!tpu.dma_semaphore, #tpu.memory_space<semaphore_mem>>) src(%dma_wait3A_2315 : memref<50x64xf32, #tpu.memory_space<vmem>>) dst(%dma_wait3A_2311 : memref<50x64xf32, #tpu.memory_space<hbm>>)
      %add3A_2316 = arith.addi %mul3A_2, %sub3A_2265 : i32
      %mul3A_2317 = arith.constant 4 : i32
      %mul3A_2318 = arith.muli %add3A_2316, %mul3A_2317 : i32
      %add3A_2319 = arith.constant 2 : i32
      %add3A_2320 = arith.addi %mul3A_2318, %add3A_2319 : i32
      %dma_wait3A_2321 = arith.constant 0 : i32
      %dma_wait3A_2322 = arith.constant 0 : i32
      %dma_wait3A_2323 = arith.constant 100 : i32
      %dma_wait3A_2324 = arith.constant 0 : i32
      %dma_wait3A_2325 = tpu.memref_slice %arg6[%dma_wait3A_2321, %dma_wait3A_2323, %dma_wait3A_2324] : memref<4x200x64xf32, #tpu.memory_space<vmem>> -> memref<1x50x64xf32, #tpu.memory_space<vmem>>
      %dma_wait3A_2326 = tpu.memref_squeeze %dma_wait3A_2325 : memref<1x50x64xf32, #tpu.memory_space<vmem>> -> memref<50x64xf32, #tpu.memory_space<vmem>>
      %dma_wait3A_2327 = arith.constant 0 : i32
      %dma_wait3A_2328 = arith.constant 0 : i32
      %dma_wait3A_2329 = tpu.memref_slice %arg4[%add3A_2320, %dma_wait3A_2327, %dma_wait3A_2328] : memref<16384x56x128xf32, #tpu.memory_space<hbm>> -> memref<1x50x64xf32, #tpu.memory_space<hbm>>
      %dma_wait3A_2330 = tpu.memref_squeeze %dma_wait3A_2329 : memref<1x50x64xf32, #tpu.memory_space<hbm>> -> memref<50x64xf32, #tpu.memory_space<hbm>>
      %dma_wait3A_2331 = tpu.memref_slice %arg8[%dma_wait3A_2322] : memref<4x!tpu.dma_semaphore, #tpu.memory_space<semaphore_mem>> -> memref<1x!tpu.dma_semaphore, #tpu.memory_space<semaphore_mem>>
      %dma_wait3A_2332 = tpu.memref_squeeze %dma_wait3A_2331 : memref<1x!tpu.dma_semaphore, #tpu.memory_space<semaphore_mem>> -> memref<!tpu.dma_semaphore, #tpu.memory_space<semaphore_mem>>
      %dma_wait3A_2333 = arith.constant 0 : i32
      %dma_wait3A_2334 = arith.constant 0 : i32
      %dma_wait3A_2335 = tpu.memref_slice %arg4[%add3A_2320, %dma_wait3A_2333, %dma_wait3A_2334] : memref<16384x56x128xf32, #tpu.memory_space<hbm>> -> memref<1x50x64xf32, #tpu.memory_space<hbm>>
      %dma_wait3A_2336 = tpu.memref_squeeze %dma_wait3A_2335 : memref<1x50x64xf32, #tpu.memory_space<hbm>> -> memref<50x64xf32, #tpu.memory_space<hbm>>
      %dma_wait3A_2337 = arith.constant 100 : i32
      %dma_wait3A_2338 = arith.constant 0 : i32
      %dma_wait3A_2339 = tpu.memref_slice %arg6[%dma_wait3A_2321, %dma_wait3A_2337, %dma_wait3A_2338] : memref<4x200x64xf32, #tpu.memory_space<vmem>> -> memref<1x50x64xf32, #tpu.memory_space<vmem>>
      %dma_wait3A_2340 = tpu.memref_squeeze %dma_wait3A_2339 : memref<1x50x64xf32, #tpu.memory_space<vmem>> -> memref<50x64xf32, #tpu.memory_space<vmem>>
      tpu.wait_dma2 semaphore(%dma_wait3A_2332 : memref<!tpu.dma_semaphore, #tpu.memory_space<semaphore_mem>>) src(%dma_wait3A_2340 : memref<50x64xf32, #tpu.memory_space<vmem>>) dst(%dma_wait3A_2336 : memref<50x64xf32, #tpu.memory_space<hbm>>)
      %add3A_2341 = arith.addi %mul3A_2, %sub3A_2265 : i32
      %mul3A_2342 = arith.constant 4 : i32
      %mul3A_2343 = arith.muli %add3A_2341, %mul3A_2342 : i32
      %add3A_2344 = arith.constant 3 : i32
      %add3A_2345 = arith.addi %mul3A_2343, %add3A_2344 : i32
      %dma_wait3A_2346 = arith.constant 0 : i32
      %dma_wait3A_2347 = arith.constant 0 : i32
      %dma_wait3A_2348 = arith.constant 150 : i32
      %dma_wait3A_2349 = arith.constant 0 : i32
      %dma_wait3A_2350 = tpu.memref_slice %arg6[%dma_wait3A_2346, %dma_wait3A_2348, %dma_wait3A_2349] : memref<4x200x64xf32, #tpu.memory_space<vmem>> -> memref<1x50x64xf32, #tpu.memory_space<vmem>>
      %dma_wait3A_2351 = tpu.memref_squeeze %dma_wait3A_2350 : memref<1x50x64xf32, #tpu.memory_space<vmem>> -> memref<50x64xf32, #tpu.memory_space<vmem>>
      %dma_wait3A_2352 = arith.constant 0 : i32
      %dma_wait3A_2353 = arith.constant 0 : i32
      %dma_wait3A_2354 = tpu.memref_slice %arg4[%add3A_2345, %dma_wait3A_2352, %dma_wait3A_2353] : memref<16384x56x128xf32, #tpu.memory_space<hbm>> -> memref<1x50x64xf32, #tpu.memory_space<hbm>>
      %dma_wait3A_2355 = tpu.memref_squeeze %dma_wait3A_2354 : memref<1x50x64xf32, #tpu.memory_space<hbm>> -> memref<50x64xf32, #tpu.memory_space<hbm>>
      %dma_wait3A_2356 = tpu.memref_slice %arg8[%dma_wait3A_2347] : memref<4x!tpu.dma_semaphore, #tpu.memory_space<semaphore_mem>> -> memref<1x!tpu.dma_semaphore, #tpu.memory_space<semaphore_mem>>
      %dma_wait3A_2357 = tpu.memref_squeeze %dma_wait3A_2356 : memref<1x!tpu.dma_semaphore, #tpu.memory_space<semaphore_mem>> -> memref<!tpu.dma_semaphore, #tpu.memory_space<semaphore_mem>>
      %dma_wait3A_2358 = arith.constant 0 : i32
      %dma_wait3A_2359 = arith.constant 0 : i32
      %dma_wait3A_2360 = tpu.memref_slice %arg4[%add3A_2345, %dma_wait3A_2358, %dma_wait3A_2359] : memref<16384x56x128xf32, #tpu.memory_space<hbm>> -> memref<1x50x64xf32, #tpu.memory_space<hbm>>
      %dma_wait3A_2361 = tpu.memref_squeeze %dma_wait3A_2360 : memref<1x50x64xf32, #tpu.memory_space<hbm>> -> memref<50x64xf32, #tpu.memory_space<hbm>>
      %dma_wait3A_2362 = arith.constant 150 : i32
      %dma_wait3A_2363 = arith.constant 0 : i32
      %dma_wait3A_2364 = tpu.memref_slice %arg6[%dma_wait3A_2346, %dma_wait3A_2362, %dma_wait3A_2363] : memref<4x200x64xf32, #tpu.memory_space<vmem>> -> memref<1x50x64xf32, #tpu.memory_space<vmem>>
      %dma_wait3A_2365 = tpu.memref_squeeze %dma_wait3A_2364 : memref<1x50x64xf32, #tpu.memory_space<vmem>> -> memref<50x64xf32, #tpu.memory_space<vmem>>
      tpu.wait_dma2 semaphore(%dma_wait3A_2357 : memref<!tpu.dma_semaphore, #tpu.memory_space<semaphore_mem>>) src(%dma_wait3A_2365 : memref<50x64xf32, #tpu.memory_space<vmem>>) dst(%dma_wait3A_2361 : memref<50x64xf32, #tpu.memory_space<hbm>>)
      %add3A_2366 = arith.constant 4 : i32
      %add3A_2367 = arith.addi %add3A_2149, %add3A_2366 : i32
      %sub3A_2368 = arith.constant 1 : i32
      %sub3A_2369 = arith.subi %add3A_2367, %sub3A_2368 : i32
      %dma_start3A_2370 = arith.constant 0 : i32
      %dma_start3A_2371 = arith.constant 0 : i32
      %dma_start3A_2372 = arith.constant 0 : i32
      %dma_start3A_2373 = arith.constant 0 : i32
      %dma_start3A_2374 = tpu.memref_slice %arg6[%dma_start3A_2370, %dma_start3A_2372, %dma_start3A_2373] : memref<4x200x64xf32, #tpu.memory_space<vmem>> -> memref<1x200x64xf32, #tpu.memory_space<vmem>>
      %dma_start3A_2375 = tpu.memref_squeeze %dma_start3A_2374 : memref<1x200x64xf32, #tpu.memory_space<vmem>> -> memref<200x64xf32, #tpu.memory_space<vmem>>
      %dma_start3A_2376 = arith.constant 0 : i32
      %dma_start3A_2377 = tpu.memref_slice %arg5[%sub3A_2369, %dma_start3A_2376] : memref<128x200xi32, #tpu.memory_space<vmem>> -> memref<1x200xi32, #tpu.memory_space<vmem>>
      %dma_start3A_2378 = tpu.memref_squeeze %dma_start3A_2377 : memref<1x200xi32, #tpu.memory_space<vmem>> -> memref<200xi32, #tpu.memory_space<vmem>>
      %dma_start3A_2379 = arith.constant 0 : i32
      %dma_start3A_2380 = arith.constant 0 : i32
      %dma_start3A_2381 = tpu.memref_slice %arg3[%dma_start3A_2379, %dma_start3A_2380] : memref<1000000x64xf32, #tpu.memory_space<hbm>> -> memref<1000000x64xf32, #tpu.memory_space<hbm>>
      %dma_start3A_2382 = tpu.memref_slice %arg7[%dma_start3A_2371] : memref<4x!tpu.dma_semaphore, #tpu.memory_space<semaphore_mem>> -> memref<1x!tpu.dma_semaphore, #tpu.memory_space<semaphore_mem>>
      %dma_start3A_2383 = tpu.memref_squeeze %dma_start3A_2382 : memref<1x!tpu.dma_semaphore, #tpu.memory_space<semaphore_mem>> -> memref<!tpu.dma_semaphore, #tpu.memory_space<semaphore_mem>>
      tpu.enqueue_indirect_dma source(%dma_start3A_2381 : memref<1000000x64xf32, #tpu.memory_space<hbm>>) target(%dma_start3A_2375 : memref<200x64xf32, #tpu.memory_space<vmem>>) offsets(%dma_start3A_2378 : memref<200xi32, #tpu.memory_space<vmem>>) semaphore(%dma_start3A_2383 : memref<!tpu.dma_semaphore, #tpu.memory_space<semaphore_mem>>)
      %add3A_2384 = arith.constant 2 : i32
      %add3A_2385 = arith.addi %mul3A_1912, %add3A_2384 : i32
      %dma_wait3A_2386 = arith.constant 2 : i32
      %dma_wait3A_2387 = arith.constant 2 : i32
      %dma_wait3A_2388 = arith.constant 0 : i32
      %dma_wait3A_2389 = arith.constant 0 : i32
      %dma_wait3A_2390 = tpu.memref_slice %arg6[%dma_wait3A_2386, %dma_wait3A_2388, %dma_wait3A_2389] : memref<4x200x64xf32, #tpu.memory_space<vmem>> -> memref<1x200x64xf32, #tpu.memory_space<vmem>>
      %dma_wait3A_2391 = tpu.memref_squeeze %dma_wait3A_2390 : memref<1x200x64xf32, #tpu.memory_space<vmem>> -> memref<200x64xf32, #tpu.memory_space<vmem>>
      %dma_wait3A_2392 = arith.constant 0 : i32
      %dma_wait3A_2393 = tpu.memref_slice %arg5[%add3A_2385, %dma_wait3A_2392] : memref<128x200xi32, #tpu.memory_space<vmem>> -> memref<1x200xi32, #tpu.memory_space<vmem>>
      %dma_wait3A_2394 = tpu.memref_squeeze %dma_wait3A_2393 : memref<1x200xi32, #tpu.memory_space<vmem>> -> memref<200xi32, #tpu.memory_space<vmem>>
      %dma_wait3A_2395 = arith.constant 0 : i32
      %dma_wait3A_2396 = arith.constant 0 : i32
      %dma_wait3A_2397 = tpu.memref_slice %arg3[%dma_wait3A_2395, %dma_wait3A_2396] : memref<1000000x64xf32, #tpu.memory_space<hbm>> -> memref<1000000x64xf32, #tpu.memory_space<hbm>>
      %dma_wait3A_2398 = tpu.memref_slice %arg7[%dma_wait3A_2387] : memref<4x!tpu.dma_semaphore, #tpu.memory_space<semaphore_mem>> -> memref<1x!tpu.dma_semaphore, #tpu.memory_space<semaphore_mem>>
      %dma_wait3A_2399 = tpu.memref_squeeze %dma_wait3A_2398 : memref<1x!tpu.dma_semaphore, #tpu.memory_space<semaphore_mem>> -> memref<!tpu.dma_semaphore, #tpu.memory_space<semaphore_mem>>
      tpu.wait_indirect_dma semaphore(%dma_wait3A_2399 : memref<!tpu.dma_semaphore, #tpu.memory_space<semaphore_mem>>) src(%dma_wait3A_2397 : memref<1000000x64xf32, #tpu.memory_space<hbm>>) dst(%dma_wait3A_2391 : memref<200x64xf32, #tpu.memory_space<vmem>>)
      %add3A_2400 = arith.addi %mul3A_2, %add3A_2385 : i32
      %mul3A_2401 = arith.constant 4 : i32
      %mul3A_2402 = arith.muli %add3A_2400, %mul3A_2401 : i32
      %add3A_2403 = arith.constant 0 : i32
      %add3A_2404 = arith.addi %mul3A_2402, %add3A_2403 : i32
      %dma_start3A_2405 = arith.constant 2 : i32
      %dma_start3A_2406 = arith.constant 2 : i32
      %dma_start3A_2407 = arith.constant 0 : i32
      %dma_start3A_2408 = arith.constant 0 : i32
      %dma_start3A_2409 = tpu.memref_slice %arg6[%dma_start3A_2405, %dma_start3A_2407, %dma_start3A_2408] : memref<4x200x64xf32, #tpu.memory_space<vmem>> -> memref<1x50x64xf32, #tpu.memory_space<vmem>>
      %dma_start3A_2410 = tpu.memref_squeeze %dma_start3A_2409 : memref<1x50x64xf32, #tpu.memory_space<vmem>> -> memref<50x64xf32, #tpu.memory_space<vmem>>
      %dma_start3A_2411 = arith.constant 0 : i32
      %dma_start3A_2412 = arith.constant 0 : i32
      %dma_start3A_2413 = tpu.memref_slice %arg4[%add3A_2404, %dma_start3A_2411, %dma_start3A_2412] : memref<16384x56x128xf32, #tpu.memory_space<hbm>> -> memref<1x50x64xf32, #tpu.memory_space<hbm>>
      %dma_start3A_2414 = tpu.memref_squeeze %dma_start3A_2413 : memref<1x50x64xf32, #tpu.memory_space<hbm>> -> memref<50x64xf32, #tpu.memory_space<hbm>>
      %dma_start3A_2415 = tpu.memref_slice %arg8[%dma_start3A_2406] : memref<4x!tpu.dma_semaphore, #tpu.memory_space<semaphore_mem>> -> memref<1x!tpu.dma_semaphore, #tpu.memory_space<semaphore_mem>>
      %dma_start3A_2416 = tpu.memref_squeeze %dma_start3A_2415 : memref<1x!tpu.dma_semaphore, #tpu.memory_space<semaphore_mem>> -> memref<!tpu.dma_semaphore, #tpu.memory_space<semaphore_mem>>
      %dma_start3A_2417 = arith.constant 0 : i32
      %dma_start3A_2418 = arith.constant 0 : i32
      %dma_start3A_2419 = tpu.memref_slice %arg4[%add3A_2404, %dma_start3A_2417, %dma_start3A_2418] : memref<16384x56x128xf32, #tpu.memory_space<hbm>> -> memref<1x50x64xf32, #tpu.memory_space<hbm>>
      %dma_start3A_2420 = tpu.memref_squeeze %dma_start3A_2419 : memref<1x50x64xf32, #tpu.memory_space<hbm>> -> memref<50x64xf32, #tpu.memory_space<hbm>>
      %dma_start3A_2421 = arith.constant 0 : i32
      %dma_start3A_2422 = arith.constant 0 : i32
      %dma_start3A_2423 = tpu.memref_slice %arg6[%dma_start3A_2405, %dma_start3A_2421, %dma_start3A_2422] : memref<4x200x64xf32, #tpu.memory_space<vmem>> -> memref<1x50x64xf32, #tpu.memory_space<vmem>>
      %dma_start3A_2424 = tpu.memref_squeeze %dma_start3A_2423 : memref<1x50x64xf32, #tpu.memory_space<vmem>> -> memref<50x64xf32, #tpu.memory_space<vmem>>
      tpu.enqueue_dma source(%dma_start3A_2424 : memref<50x64xf32, #tpu.memory_space<vmem>>) target(%dma_start3A_2420 : memref<50x64xf32, #tpu.memory_space<hbm>>) target_semaphore(%dma_start3A_2416 : memref<!tpu.dma_semaphore, #tpu.memory_space<semaphore_mem>>)
      %add3A_2425 = arith.addi %mul3A_2, %add3A_2385 : i32
      %mul3A_2426 = arith.constant 4 : i32
      %mul3A_2427 = arith.muli %add3A_2425, %mul3A_2426 : i32
      %add3A_2428 = arith.constant 1 : i32
      %add3A_2429 = arith.addi %mul3A_2427, %add3A_2428 : i32
      %dma_start3A_2430 = arith.constant 2 : i32
      %dma_start3A_2431 = arith.constant 2 : i32
      %dma_start3A_2432 = arith.constant 50 : i32
      %dma_start3A_2433 = arith.constant 0 : i32
      %dma_start3A_2434 = tpu.memref_slice %arg6[%dma_start3A_2430, %dma_start3A_2432, %dma_start3A_2433] : memref<4x200x64xf32, #tpu.memory_space<vmem>> -> memref<1x50x64xf32, #tpu.memory_space<vmem>>
      %dma_start3A_2435 = tpu.memref_squeeze %dma_start3A_2434 : memref<1x50x64xf32, #tpu.memory_space<vmem>> -> memref<50x64xf32, #tpu.memory_space<vmem>>
      %dma_start3A_2436 = arith.constant 0 : i32
      %dma_start3A_2437 = arith.constant 0 : i32
      %dma_start3A_2438 = tpu.memref_slice %arg4[%add3A_2429, %dma_start3A_2436, %dma_start3A_2437] : memref<16384x56x128xf32, #tpu.memory_space<hbm>> -> memref<1x50x64xf32, #tpu.memory_space<hbm>>
      %dma_start3A_2439 = tpu.memref_squeeze %dma_start3A_2438 : memref<1x50x64xf32, #tpu.memory_space<hbm>> -> memref<50x64xf32, #tpu.memory_space<hbm>>
      %dma_start3A_2440 = tpu.memref_slice %arg8[%dma_start3A_2431] : memref<4x!tpu.dma_semaphore, #tpu.memory_space<semaphore_mem>> -> memref<1x!tpu.dma_semaphore, #tpu.memory_space<semaphore_mem>>
      %dma_start3A_2441 = tpu.memref_squeeze %dma_start3A_2440 : memref<1x!tpu.dma_semaphore, #tpu.memory_space<semaphore_mem>> -> memref<!tpu.dma_semaphore, #tpu.memory_space<semaphore_mem>>
      %dma_start3A_2442 = arith.constant 0 : i32
      %dma_start3A_2443 = arith.constant 0 : i32
      %dma_start3A_2444 = tpu.memref_slice %arg4[%add3A_2429, %dma_start3A_2442, %dma_start3A_2443] : memref<16384x56x128xf32, #tpu.memory_space<hbm>> -> memref<1x50x64xf32, #tpu.memory_space<hbm>>
      %dma_start3A_2445 = tpu.memref_squeeze %dma_start3A_2444 : memref<1x50x64xf32, #tpu.memory_space<hbm>> -> memref<50x64xf32, #tpu.memory_space<hbm>>
      %dma_start3A_2446 = arith.constant 50 : i32
      %dma_start3A_2447 = arith.constant 0 : i32
      %dma_start3A_2448 = tpu.memref_slice %arg6[%dma_start3A_2430, %dma_start3A_2446, %dma_start3A_2447] : memref<4x200x64xf32, #tpu.memory_space<vmem>> -> memref<1x50x64xf32, #tpu.memory_space<vmem>>
      %dma_start3A_2449 = tpu.memref_squeeze %dma_start3A_2448 : memref<1x50x64xf32, #tpu.memory_space<vmem>> -> memref<50x64xf32, #tpu.memory_space<vmem>>
      tpu.enqueue_dma source(%dma_start3A_2449 : memref<50x64xf32, #tpu.memory_space<vmem>>) target(%dma_start3A_2445 : memref<50x64xf32, #tpu.memory_space<hbm>>) target_semaphore(%dma_start3A_2441 : memref<!tpu.dma_semaphore, #tpu.memory_space<semaphore_mem>>)
      %add3A_2450 = arith.addi %mul3A_2, %add3A_2385 : i32
      %mul3A_2451 = arith.constant 4 : i32
      %mul3A_2452 = arith.muli %add3A_2450, %mul3A_2451 : i32
      %add3A_2453 = arith.constant 2 : i32
      %add3A_2454 = arith.addi %mul3A_2452, %add3A_2453 : i32
      %dma_start3A_2455 = arith.constant 2 : i32
      %dma_start3A_2456 = arith.constant 2 : i32
      %dma_start3A_2457 = arith.constant 100 : i32
      %dma_start3A_2458 = arith.constant 0 : i32
      %dma_start3A_2459 = tpu.memref_slice %arg6[%dma_start3A_2455, %dma_start3A_2457, %dma_start3A_2458] : memref<4x200x64xf32, #tpu.memory_space<vmem>> -> memref<1x50x64xf32, #tpu.memory_space<vmem>>
      %dma_start3A_2460 = tpu.memref_squeeze %dma_start3A_2459 : memref<1x50x64xf32, #tpu.memory_space<vmem>> -> memref<50x64xf32, #tpu.memory_space<vmem>>
      %dma_start3A_2461 = arith.constant 0 : i32
      %dma_start3A_2462 = arith.constant 0 : i32
      %dma_start3A_2463 = tpu.memref_slice %arg4[%add3A_2454, %dma_start3A_2461, %dma_start3A_2462] : memref<16384x56x128xf32, #tpu.memory_space<hbm>> -> memref<1x50x64xf32, #tpu.memory_space<hbm>>
      %dma_start3A_2464 = tpu.memref_squeeze %dma_start3A_2463 : memref<1x50x64xf32, #tpu.memory_space<hbm>> -> memref<50x64xf32, #tpu.memory_space<hbm>>
      %dma_start3A_2465 = tpu.memref_slice %arg8[%dma_start3A_2456] : memref<4x!tpu.dma_semaphore, #tpu.memory_space<semaphore_mem>> -> memref<1x!tpu.dma_semaphore, #tpu.memory_space<semaphore_mem>>
      %dma_start3A_2466 = tpu.memref_squeeze %dma_start3A_2465 : memref<1x!tpu.dma_semaphore, #tpu.memory_space<semaphore_mem>> -> memref<!tpu.dma_semaphore, #tpu.memory_space<semaphore_mem>>
      %dma_start3A_2467 = arith.constant 0 : i32
      %dma_start3A_2468 = arith.constant 0 : i32
      %dma_start3A_2469 = tpu.memref_slice %arg4[%add3A_2454, %dma_start3A_2467, %dma_start3A_2468] : memref<16384x56x128xf32, #tpu.memory_space<hbm>> -> memref<1x50x64xf32, #tpu.memory_space<hbm>>
      %dma_start3A_2470 = tpu.memref_squeeze %dma_start3A_2469 : memref<1x50x64xf32, #tpu.memory_space<hbm>> -> memref<50x64xf32, #tpu.memory_space<hbm>>
      %dma_start3A_2471 = arith.constant 100 : i32
      %dma_start3A_2472 = arith.constant 0 : i32
      %dma_start3A_2473 = tpu.memref_slice %arg6[%dma_start3A_2455, %dma_start3A_2471, %dma_start3A_2472] : memref<4x200x64xf32, #tpu.memory_space<vmem>> -> memref<1x50x64xf32, #tpu.memory_space<vmem>>
      %dma_start3A_2474 = tpu.memref_squeeze %dma_start3A_2473 : memref<1x50x64xf32, #tpu.memory_space<vmem>> -> memref<50x64xf32, #tpu.memory_space<vmem>>
      tpu.enqueue_dma source(%dma_start3A_2474 : memref<50x64xf32, #tpu.memory_space<vmem>>) target(%dma_start3A_2470 : memref<50x64xf32, #tpu.memory_space<hbm>>) target_semaphore(%dma_start3A_2466 : memref<!tpu.dma_semaphore, #tpu.memory_space<semaphore_mem>>)
      %add3A_2475 = arith.addi %mul3A_2, %add3A_2385 : i32
      %mul3A_2476 = arith.constant 4 : i32
      %mul3A_2477 = arith.muli %add3A_2475, %mul3A_2476 : i32
      %add3A_2478 = arith.constant 3 : i32
      %add3A_2479 = arith.addi %mul3A_2477, %add3A_2478 : i32
      %dma_start3A_2480 = arith.constant 2 : i32
      %dma_start3A_2481 = arith.constant 2 : i32
      %dma_start3A_2482 = arith.constant 150 : i32
      %dma_start3A_2483 = arith.constant 0 : i32
      %dma_start3A_2484 = tpu.memref_slice %arg6[%dma_start3A_2480, %dma_start3A_2482, %dma_start3A_2483] : memref<4x200x64xf32, #tpu.memory_space<vmem>> -> memref<1x50x64xf32, #tpu.memory_space<vmem>>
      %dma_start3A_2485 = tpu.memref_squeeze %dma_start3A_2484 : memref<1x50x64xf32, #tpu.memory_space<vmem>> -> memref<50x64xf32, #tpu.memory_space<vmem>>
      %dma_start3A_2486 = arith.constant 0 : i32
      %dma_start3A_2487 = arith.constant 0 : i32
      %dma_start3A_2488 = tpu.memref_slice %arg4[%add3A_2479, %dma_start3A_2486, %dma_start3A_2487] : memref<16384x56x128xf32, #tpu.memory_space<hbm>> -> memref<1x50x64xf32, #tpu.memory_space<hbm>>
      %dma_start3A_2489 = tpu.memref_squeeze %dma_start3A_2488 : memref<1x50x64xf32, #tpu.memory_space<hbm>> -> memref<50x64xf32, #tpu.memory_space<hbm>>
      %dma_start3A_2490 = tpu.memref_slice %arg8[%dma_start3A_2481] : memref<4x!tpu.dma_semaphore, #tpu.memory_space<semaphore_mem>> -> memref<1x!tpu.dma_semaphore, #tpu.memory_space<semaphore_mem>>
      %dma_start3A_2491 = tpu.memref_squeeze %dma_start3A_2490 : memref<1x!tpu.dma_semaphore, #tpu.memory_space<semaphore_mem>> -> memref<!tpu.dma_semaphore, #tpu.memory_space<semaphore_mem>>
      %dma_start3A_2492 = arith.constant 0 : i32
      %dma_start3A_2493 = arith.constant 0 : i32
      %dma_start3A_2494 = tpu.memref_slice %arg4[%add3A_2479, %dma_start3A_2492, %dma_start3A_2493] : memref<16384x56x128xf32, #tpu.memory_space<hbm>> -> memref<1x50x64xf32, #tpu.memory_space<hbm>>
      %dma_start3A_2495 = tpu.memref_squeeze %dma_start3A_2494 : memref<1x50x64xf32, #tpu.memory_space<hbm>> -> memref<50x64xf32, #tpu.memory_space<hbm>>
      %dma_start3A_2496 = arith.constant 150 : i32
      %dma_start3A_2497 = arith.constant 0 : i32
      %dma_start3A_2498 = tpu.memref_slice %arg6[%dma_start3A_2480, %dma_start3A_2496, %dma_start3A_2497] : memref<4x200x64xf32, #tpu.memory_space<vmem>> -> memref<1x50x64xf32, #tpu.memory_space<vmem>>
      %dma_start3A_2499 = tpu.memref_squeeze %dma_start3A_2498 : memref<1x50x64xf32, #tpu.memory_space<vmem>> -> memref<50x64xf32, #tpu.memory_space<vmem>>
      tpu.enqueue_dma source(%dma_start3A_2499 : memref<50x64xf32, #tpu.memory_space<vmem>>) target(%dma_start3A_2495 : memref<50x64xf32, #tpu.memory_space<hbm>>) target_semaphore(%dma_start3A_2491 : memref<!tpu.dma_semaphore, #tpu.memory_space<semaphore_mem>>)
      %sub3A_2500 = arith.constant 1 : i32
      %sub3A_2501 = arith.subi %add3A_2385, %sub3A_2500 : i32
      %add3A_2502 = arith.addi %mul3A_2, %sub3A_2501 : i32
      %mul3A_2503 = arith.constant 4 : i32
      %mul3A_2504 = arith.muli %add3A_2502, %mul3A_2503 : i32
      %add3A_2505 = arith.constant 0 : i32
      %add3A_2506 = arith.addi %mul3A_2504, %add3A_2505 : i32
      %dma_wait3A_2507 = arith.constant 1 : i32
      %dma_wait3A_2508 = arith.constant 1 : i32
      %dma_wait3A_2509 = arith.constant 0 : i32
      %dma_wait3A_2510 = arith.constant 0 : i32
      %dma_wait3A_2511 = tpu.memref_slice %arg6[%dma_wait3A_2507, %dma_wait3A_2509, %dma_wait3A_2510] : memref<4x200x64xf32, #tpu.memory_space<vmem>> -> memref<1x50x64xf32, #tpu.memory_space<vmem>>
      %dma_wait3A_2512 = tpu.memref_squeeze %dma_wait3A_2511 : memref<1x50x64xf32, #tpu.memory_space<vmem>> -> memref<50x64xf32, #tpu.memory_space<vmem>>
      %dma_wait3A_2513 = arith.constant 0 : i32
      %dma_wait3A_2514 = arith.constant 0 : i32
      %dma_wait3A_2515 = tpu.memref_slice %arg4[%add3A_2506, %dma_wait3A_2513, %dma_wait3A_2514] : memref<16384x56x128xf32, #tpu.memory_space<hbm>> -> memref<1x50x64xf32, #tpu.memory_space<hbm>>
      %dma_wait3A_2516 = tpu.memref_squeeze %dma_wait3A_2515 : memref<1x50x64xf32, #tpu.memory_space<hbm>> -> memref<50x64xf32, #tpu.memory_space<hbm>>
      %dma_wait3A_2517 = tpu.memref_slice %arg8[%dma_wait3A_2508] : memref<4x!tpu.dma_semaphore, #tpu.memory_space<semaphore_mem>> -> memref<1x!tpu.dma_semaphore, #tpu.memory_space<semaphore_mem>>
      %dma_wait3A_2518 = tpu.memref_squeeze %dma_wait3A_2517 : memref<1x!tpu.dma_semaphore, #tpu.memory_space<semaphore_mem>> -> memref<!tpu.dma_semaphore, #tpu.memory_space<semaphore_mem>>
      %dma_wait3A_2519 = arith.constant 0 : i32
      %dma_wait3A_2520 = arith.constant 0 : i32
      %dma_wait3A_2521 = tpu.memref_slice %arg4[%add3A_2506, %dma_wait3A_2519, %dma_wait3A_2520] : memref<16384x56x128xf32, #tpu.memory_space<hbm>> -> memref<1x50x64xf32, #tpu.memory_space<hbm>>
      %dma_wait3A_2522 = tpu.memref_squeeze %dma_wait3A_2521 : memref<1x50x64xf32, #tpu.memory_space<hbm>> -> memref<50x64xf32, #tpu.memory_space<hbm>>
      %dma_wait3A_2523 = arith.constant 0 : i32
      %dma_wait3A_2524 = arith.constant 0 : i32
      %dma_wait3A_2525 = tpu.memref_slice %arg6[%dma_wait3A_2507, %dma_wait3A_2523, %dma_wait3A_2524] : memref<4x200x64xf32, #tpu.memory_space<vmem>> -> memref<1x50x64xf32, #tpu.memory_space<vmem>>
      %dma_wait3A_2526 = tpu.memref_squeeze %dma_wait3A_2525 : memref<1x50x64xf32, #tpu.memory_space<vmem>> -> memref<50x64xf32, #tpu.memory_space<vmem>>
      tpu.wait_dma2 semaphore(%dma_wait3A_2518 : memref<!tpu.dma_semaphore, #tpu.memory_space<semaphore_mem>>) src(%dma_wait3A_2526 : memref<50x64xf32, #tpu.memory_space<vmem>>) dst(%dma_wait3A_2522 : memref<50x64xf32, #tpu.memory_space<hbm>>)
      %add3A_2527 = arith.addi %mul3A_2, %sub3A_2501 : i32
      %mul3A_2528 = arith.constant 4 : i32
      %mul3A_2529 = arith.muli %add3A_2527, %mul3A_2528 : i32
      %add3A_2530 = arith.constant 1 : i32
      %add3A_2531 = arith.addi %mul3A_2529, %add3A_2530 : i32
      %dma_wait3A_2532 = arith.constant 1 : i32
      %dma_wait3A_2533 = arith.constant 1 : i32
      %dma_wait3A_2534 = arith.constant 50 : i32
      %dma_wait3A_2535 = arith.constant 0 : i32
      %dma_wait3A_2536 = tpu.memref_slice %arg6[%dma_wait3A_2532, %dma_wait3A_2534, %dma_wait3A_2535] : memref<4x200x64xf32, #tpu.memory_space<vmem>> -> memref<1x50x64xf32, #tpu.memory_space<vmem>>
      %dma_wait3A_2537 = tpu.memref_squeeze %dma_wait3A_2536 : memref<1x50x64xf32, #tpu.memory_space<vmem>> -> memref<50x64xf32, #tpu.memory_space<vmem>>
      %dma_wait3A_2538 = arith.constant 0 : i32
      %dma_wait3A_2539 = arith.constant 0 : i32
      %dma_wait3A_2540 = tpu.memref_slice %arg4[%add3A_2531, %dma_wait3A_2538, %dma_wait3A_2539] : memref<16384x56x128xf32, #tpu.memory_space<hbm>> -> memref<1x50x64xf32, #tpu.memory_space<hbm>>
      %dma_wait3A_2541 = tpu.memref_squeeze %dma_wait3A_2540 : memref<1x50x64xf32, #tpu.memory_space<hbm>> -> memref<50x64xf32, #tpu.memory_space<hbm>>
      %dma_wait3A_2542 = tpu.memref_slice %arg8[%dma_wait3A_2533] : memref<4x!tpu.dma_semaphore, #tpu.memory_space<semaphore_mem>> -> memref<1x!tpu.dma_semaphore, #tpu.memory_space<semaphore_mem>>
      %dma_wait3A_2543 = tpu.memref_squeeze %dma_wait3A_2542 : memref<1x!tpu.dma_semaphore, #tpu.memory_space<semaphore_mem>> -> memref<!tpu.dma_semaphore, #tpu.memory_space<semaphore_mem>>
      %dma_wait3A_2544 = arith.constant 0 : i32
      %dma_wait3A_2545 = arith.constant 0 : i32
      %dma_wait3A_2546 = tpu.memref_slice %arg4[%add3A_2531, %dma_wait3A_2544, %dma_wait3A_2545] : memref<16384x56x128xf32, #tpu.memory_space<hbm>> -> memref<1x50x64xf32, #tpu.memory_space<hbm>>
      %dma_wait3A_2547 = tpu.memref_squeeze %dma_wait3A_2546 : memref<1x50x64xf32, #tpu.memory_space<hbm>> -> memref<50x64xf32, #tpu.memory_space<hbm>>
      %dma_wait3A_2548 = arith.constant 50 : i32
      %dma_wait3A_2549 = arith.constant 0 : i32
      %dma_wait3A_2550 = tpu.memref_slice %arg6[%dma_wait3A_2532, %dma_wait3A_2548, %dma_wait3A_2549] : memref<4x200x64xf32, #tpu.memory_space<vmem>> -> memref<1x50x64xf32, #tpu.memory_space<vmem>>
      %dma_wait3A_2551 = tpu.memref_squeeze %dma_wait3A_2550 : memref<1x50x64xf32, #tpu.memory_space<vmem>> -> memref<50x64xf32, #tpu.memory_space<vmem>>
      tpu.wait_dma2 semaphore(%dma_wait3A_2543 : memref<!tpu.dma_semaphore, #tpu.memory_space<semaphore_mem>>) src(%dma_wait3A_2551 : memref<50x64xf32, #tpu.memory_space<vmem>>) dst(%dma_wait3A_2547 : memref<50x64xf32, #tpu.memory_space<hbm>>)
      %add3A_2552 = arith.addi %mul3A_2, %sub3A_2501 : i32
      %mul3A_2553 = arith.constant 4 : i32
      %mul3A_2554 = arith.muli %add3A_2552, %mul3A_2553 : i32
      %add3A_2555 = arith.constant 2 : i32
      %add3A_2556 = arith.addi %mul3A_2554, %add3A_2555 : i32
      %dma_wait3A_2557 = arith.constant 1 : i32
      %dma_wait3A_2558 = arith.constant 1 : i32
      %dma_wait3A_2559 = arith.constant 100 : i32
      %dma_wait3A_2560 = arith.constant 0 : i32
      %dma_wait3A_2561 = tpu.memref_slice %arg6[%dma_wait3A_2557, %dma_wait3A_2559, %dma_wait3A_2560] : memref<4x200x64xf32, #tpu.memory_space<vmem>> -> memref<1x50x64xf32, #tpu.memory_space<vmem>>
      %dma_wait3A_2562 = tpu.memref_squeeze %dma_wait3A_2561 : memref<1x50x64xf32, #tpu.memory_space<vmem>> -> memref<50x64xf32, #tpu.memory_space<vmem>>
      %dma_wait3A_2563 = arith.constant 0 : i32
      %dma_wait3A_2564 = arith.constant 0 : i32
      %dma_wait3A_2565 = tpu.memref_slice %arg4[%add3A_2556, %dma_wait3A_2563, %dma_wait3A_2564] : memref<16384x56x128xf32, #tpu.memory_space<hbm>> -> memref<1x50x64xf32, #tpu.memory_space<hbm>>
      %dma_wait3A_2566 = tpu.memref_squeeze %dma_wait3A_2565 : memref<1x50x64xf32, #tpu.memory_space<hbm>> -> memref<50x64xf32, #tpu.memory_space<hbm>>
      %dma_wait3A_2567 = tpu.memref_slice %arg8[%dma_wait3A_2558] : memref<4x!tpu.dma_semaphore, #tpu.memory_space<semaphore_mem>> -> memref<1x!tpu.dma_semaphore, #tpu.memory_space<semaphore_mem>>
      %dma_wait3A_2568 = tpu.memref_squeeze %dma_wait3A_2567 : memref<1x!tpu.dma_semaphore, #tpu.memory_space<semaphore_mem>> -> memref<!tpu.dma_semaphore, #tpu.memory_space<semaphore_mem>>
      %dma_wait3A_2569 = arith.constant 0 : i32
      %dma_wait3A_2570 = arith.constant 0 : i32
      %dma_wait3A_2571 = tpu.memref_slice %arg4[%add3A_2556, %dma_wait3A_2569, %dma_wait3A_2570] : memref<16384x56x128xf32, #tpu.memory_space<hbm>> -> memref<1x50x64xf32, #tpu.memory_space<hbm>>
      %dma_wait3A_2572 = tpu.memref_squeeze %dma_wait3A_2571 : memref<1x50x64xf32, #tpu.memory_space<hbm>> -> memref<50x64xf32, #tpu.memory_space<hbm>>
      %dma_wait3A_2573 = arith.constant 100 : i32
      %dma_wait3A_2574 = arith.constant 0 : i32
      %dma_wait3A_2575 = tpu.memref_slice %arg6[%dma_wait3A_2557, %dma_wait3A_2573, %dma_wait3A_2574] : memref<4x200x64xf32, #tpu.memory_space<vmem>> -> memref<1x50x64xf32, #tpu.memory_space<vmem>>
      %dma_wait3A_2576 = tpu.memref_squeeze %dma_wait3A_2575 : memref<1x50x64xf32, #tpu.memory_space<vmem>> -> memref<50x64xf32, #tpu.memory_space<vmem>>
      tpu.wait_dma2 semaphore(%dma_wait3A_2568 : memref<!tpu.dma_semaphore, #tpu.memory_space<semaphore_mem>>) src(%dma_wait3A_2576 : memref<50x64xf32, #tpu.memory_space<vmem>>) dst(%dma_wait3A_2572 : memref<50x64xf32, #tpu.memory_space<hbm>>)
      %add3A_2577 = arith.addi %mul3A_2, %sub3A_2501 : i32
      %mul3A_2578 = arith.constant 4 : i32
      %mul3A_2579 = arith.muli %add3A_2577, %mul3A_2578 : i32
      %add3A_2580 = arith.constant 3 : i32
      %add3A_2581 = arith.addi %mul3A_2579, %add3A_2580 : i32
      %dma_wait3A_2582 = arith.constant 1 : i32
      %dma_wait3A_2583 = arith.constant 1 : i32
      %dma_wait3A_2584 = arith.constant 150 : i32
      %dma_wait3A_2585 = arith.constant 0 : i32
      %dma_wait3A_2586 = tpu.memref_slice %arg6[%dma_wait3A_2582, %dma_wait3A_2584, %dma_wait3A_2585] : memref<4x200x64xf32, #tpu.memory_space<vmem>> -> memref<1x50x64xf32, #tpu.memory_space<vmem>>
      %dma_wait3A_2587 = tpu.memref_squeeze %dma_wait3A_2586 : memref<1x50x64xf32, #tpu.memory_space<vmem>> -> memref<50x64xf32, #tpu.memory_space<vmem>>
      %dma_wait3A_2588 = arith.constant 0 : i32
      %dma_wait3A_2589 = arith.constant 0 : i32
      %dma_wait3A_2590 = tpu.memref_slice %arg4[%add3A_2581, %dma_wait3A_2588, %dma_wait3A_2589] : memref<16384x56x128xf32, #tpu.memory_space<hbm>> -> memref<1x50x64xf32, #tpu.memory_space<hbm>>
      %dma_wait3A_2591 = tpu.memref_squeeze %dma_wait3A_2590 : memref<1x50x64xf32, #tpu.memory_space<hbm>> -> memref<50x64xf32, #tpu.memory_space<hbm>>
      %dma_wait3A_2592 = tpu.memref_slice %arg8[%dma_wait3A_2583] : memref<4x!tpu.dma_semaphore, #tpu.memory_space<semaphore_mem>> -> memref<1x!tpu.dma_semaphore, #tpu.memory_space<semaphore_mem>>
      %dma_wait3A_2593 = tpu.memref_squeeze %dma_wait3A_2592 : memref<1x!tpu.dma_semaphore, #tpu.memory_space<semaphore_mem>> -> memref<!tpu.dma_semaphore, #tpu.memory_space<semaphore_mem>>
      %dma_wait3A_2594 = arith.constant 0 : i32
      %dma_wait3A_2595 = arith.constant 0 : i32
      %dma_wait3A_2596 = tpu.memref_slice %arg4[%add3A_2581, %dma_wait3A_2594, %dma_wait3A_2595] : memref<16384x56x128xf32, #tpu.memory_space<hbm>> -> memref<1x50x64xf32, #tpu.memory_space<hbm>>
      %dma_wait3A_2597 = tpu.memref_squeeze %dma_wait3A_2596 : memref<1x50x64xf32, #tpu.memory_space<hbm>> -> memref<50x64xf32, #tpu.memory_space<hbm>>
      %dma_wait3A_2598 = arith.constant 150 : i32
      %dma_wait3A_2599 = arith.constant 0 : i32
      %dma_wait3A_2600 = tpu.memref_slice %arg6[%dma_wait3A_2582, %dma_wait3A_2598, %dma_wait3A_2599] : memref<4x200x64xf32, #tpu.memory_space<vmem>> -> memref<1x50x64xf32, #tpu.memory_space<vmem>>
      %dma_wait3A_2601 = tpu.memref_squeeze %dma_wait3A_2600 : memref<1x50x64xf32, #tpu.memory_space<vmem>> -> memref<50x64xf32, #tpu.memory_space<vmem>>
      tpu.wait_dma2 semaphore(%dma_wait3A_2593 : memref<!tpu.dma_semaphore, #tpu.memory_space<semaphore_mem>>) src(%dma_wait3A_2601 : memref<50x64xf32, #tpu.memory_space<vmem>>) dst(%dma_wait3A_2597 : memref<50x64xf32, #tpu.memory_space<hbm>>)
      %add3A_2602 = arith.constant 4 : i32
      %add3A_2603 = arith.addi %add3A_2385, %add3A_2602 : i32
      %sub3A_2604 = arith.constant 1 : i32
      %sub3A_2605 = arith.subi %add3A_2603, %sub3A_2604 : i32
      %dma_start3A_2606 = arith.constant 1 : i32
      %dma_start3A_2607 = arith.constant 1 : i32
      %dma_start3A_2608 = arith.constant 0 : i32
      %dma_start3A_2609 = arith.constant 0 : i32
      %dma_start3A_2610 = tpu.memref_slice %arg6[%dma_start3A_2606, %dma_start3A_2608, %dma_start3A_2609] : memref<4x200x64xf32, #tpu.memory_space<vmem>> -> memref<1x200x64xf32, #tpu.memory_space<vmem>>
      %dma_start3A_2611 = tpu.memref_squeeze %dma_start3A_2610 : memref<1x200x64xf32, #tpu.memory_space<vmem>> -> memref<200x64xf32, #tpu.memory_space<vmem>>
      %dma_start3A_2612 = arith.constant 0 : i32
      %dma_start3A_2613 = tpu.memref_slice %arg5[%sub3A_2605, %dma_start3A_2612] : memref<128x200xi32, #tpu.memory_space<vmem>> -> memref<1x200xi32, #tpu.memory_space<vmem>>
      %dma_start3A_2614 = tpu.memref_squeeze %dma_start3A_2613 : memref<1x200xi32, #tpu.memory_space<vmem>> -> memref<200xi32, #tpu.memory_space<vmem>>
      %dma_start3A_2615 = arith.constant 0 : i32
      %dma_start3A_2616 = arith.constant 0 : i32
      %dma_start3A_2617 = tpu.memref_slice %arg3[%dma_start3A_2615, %dma_start3A_2616] : memref<1000000x64xf32, #tpu.memory_space<hbm>> -> memref<1000000x64xf32, #tpu.memory_space<hbm>>
      %dma_start3A_2618 = tpu.memref_slice %arg7[%dma_start3A_2607] : memref<4x!tpu.dma_semaphore, #tpu.memory_space<semaphore_mem>> -> memref<1x!tpu.dma_semaphore, #tpu.memory_space<semaphore_mem>>
      %dma_start3A_2619 = tpu.memref_squeeze %dma_start3A_2618 : memref<1x!tpu.dma_semaphore, #tpu.memory_space<semaphore_mem>> -> memref<!tpu.dma_semaphore, #tpu.memory_space<semaphore_mem>>
      tpu.enqueue_indirect_dma source(%dma_start3A_2617 : memref<1000000x64xf32, #tpu.memory_space<hbm>>) target(%dma_start3A_2611 : memref<200x64xf32, #tpu.memory_space<vmem>>) offsets(%dma_start3A_2614 : memref<200xi32, #tpu.memory_space<vmem>>) semaphore(%dma_start3A_2619 : memref<!tpu.dma_semaphore, #tpu.memory_space<semaphore_mem>>)
      %add3A_2620 = arith.constant 3 : i32
      %add3A_2621 = arith.addi %mul3A_1912, %add3A_2620 : i32
      %dma_wait3A_2622 = arith.constant 3 : i32
      %dma_wait3A_2623 = arith.constant 3 : i32
      %dma_wait3A_2624 = arith.constant 0 : i32
      %dma_wait3A_2625 = arith.constant 0 : i32
      %dma_wait3A_2626 = tpu.memref_slice %arg6[%dma_wait3A_2622, %dma_wait3A_2624, %dma_wait3A_2625] : memref<4x200x64xf32, #tpu.memory_space<vmem>> -> memref<1x200x64xf32, #tpu.memory_space<vmem>>
      %dma_wait3A_2627 = tpu.memref_squeeze %dma_wait3A_2626 : memref<1x200x64xf32, #tpu.memory_space<vmem>> -> memref<200x64xf32, #tpu.memory_space<vmem>>
      %dma_wait3A_2628 = arith.constant 0 : i32
      %dma_wait3A_2629 = tpu.memref_slice %arg5[%add3A_2621, %dma_wait3A_2628] : memref<128x200xi32, #tpu.memory_space<vmem>> -> memref<1x200xi32, #tpu.memory_space<vmem>>
      %dma_wait3A_2630 = tpu.memref_squeeze %dma_wait3A_2629 : memref<1x200xi32, #tpu.memory_space<vmem>> -> memref<200xi32, #tpu.memory_space<vmem>>
      %dma_wait3A_2631 = arith.constant 0 : i32
      %dma_wait3A_2632 = arith.constant 0 : i32
      %dma_wait3A_2633 = tpu.memref_slice %arg3[%dma_wait3A_2631, %dma_wait3A_2632] : memref<1000000x64xf32, #tpu.memory_space<hbm>> -> memref<1000000x64xf32, #tpu.memory_space<hbm>>
      %dma_wait3A_2634 = tpu.memref_slice %arg7[%dma_wait3A_2623] : memref<4x!tpu.dma_semaphore, #tpu.memory_space<semaphore_mem>> -> memref<1x!tpu.dma_semaphore, #tpu.memory_space<semaphore_mem>>
      %dma_wait3A_2635 = tpu.memref_squeeze %dma_wait3A_2634 : memref<1x!tpu.dma_semaphore, #tpu.memory_space<semaphore_mem>> -> memref<!tpu.dma_semaphore, #tpu.memory_space<semaphore_mem>>
      tpu.wait_indirect_dma semaphore(%dma_wait3A_2635 : memref<!tpu.dma_semaphore, #tpu.memory_space<semaphore_mem>>) src(%dma_wait3A_2633 : memref<1000000x64xf32, #tpu.memory_space<hbm>>) dst(%dma_wait3A_2627 : memref<200x64xf32, #tpu.memory_space<vmem>>)
      %add3A_2636 = arith.addi %mul3A_2, %add3A_2621 : i32
      %mul3A_2637 = arith.constant 4 : i32
      %mul3A_2638 = arith.muli %add3A_2636, %mul3A_2637 : i32
      %add3A_2639 = arith.constant 0 : i32
      %add3A_2640 = arith.addi %mul3A_2638, %add3A_2639 : i32
      %dma_start3A_2641 = arith.constant 3 : i32
      %dma_start3A_2642 = arith.constant 3 : i32
      %dma_start3A_2643 = arith.constant 0 : i32
      %dma_start3A_2644 = arith.constant 0 : i32
      %dma_start3A_2645 = tpu.memref_slice %arg6[%dma_start3A_2641, %dma_start3A_2643, %dma_start3A_2644] : memref<4x200x64xf32, #tpu.memory_space<vmem>> -> memref<1x50x64xf32, #tpu.memory_space<vmem>>
      %dma_start3A_2646 = tpu.memref_squeeze %dma_start3A_2645 : memref<1x50x64xf32, #tpu.memory_space<vmem>> -> memref<50x64xf32, #tpu.memory_space<vmem>>
      %dma_start3A_2647 = arith.constant 0 : i32
      %dma_start3A_2648 = arith.constant 0 : i32
      %dma_start3A_2649 = tpu.memref_slice %arg4[%add3A_2640, %dma_start3A_2647, %dma_start3A_2648] : memref<16384x56x128xf32, #tpu.memory_space<hbm>> -> memref<1x50x64xf32, #tpu.memory_space<hbm>>
      %dma_start3A_2650 = tpu.memref_squeeze %dma_start3A_2649 : memref<1x50x64xf32, #tpu.memory_space<hbm>> -> memref<50x64xf32, #tpu.memory_space<hbm>>
      %dma_start3A_2651 = tpu.memref_slice %arg8[%dma_start3A_2642] : memref<4x!tpu.dma_semaphore, #tpu.memory_space<semaphore_mem>> -> memref<1x!tpu.dma_semaphore, #tpu.memory_space<semaphore_mem>>
      %dma_start3A_2652 = tpu.memref_squeeze %dma_start3A_2651 : memref<1x!tpu.dma_semaphore, #tpu.memory_space<semaphore_mem>> -> memref<!tpu.dma_semaphore, #tpu.memory_space<semaphore_mem>>
      %dma_start3A_2653 = arith.constant 0 : i32
      %dma_start3A_2654 = arith.constant 0 : i32
      %dma_start3A_2655 = tpu.memref_slice %arg4[%add3A_2640, %dma_start3A_2653, %dma_start3A_2654] : memref<16384x56x128xf32, #tpu.memory_space<hbm>> -> memref<1x50x64xf32, #tpu.memory_space<hbm>>
      %dma_start3A_2656 = tpu.memref_squeeze %dma_start3A_2655 : memref<1x50x64xf32, #tpu.memory_space<hbm>> -> memref<50x64xf32, #tpu.memory_space<hbm>>
      %dma_start3A_2657 = arith.constant 0 : i32
      %dma_start3A_2658 = arith.constant 0 : i32
      %dma_start3A_2659 = tpu.memref_slice %arg6[%dma_start3A_2641, %dma_start3A_2657, %dma_start3A_2658] : memref<4x200x64xf32, #tpu.memory_space<vmem>> -> memref<1x50x64xf32, #tpu.memory_space<vmem>>
      %dma_start3A_2660 = tpu.memref_squeeze %dma_start3A_2659 : memref<1x50x64xf32, #tpu.memory_space<vmem>> -> memref<50x64xf32, #tpu.memory_space<vmem>>
      tpu.enqueue_dma source(%dma_start3A_2660 : memref<50x64xf32, #tpu.memory_space<vmem>>) target(%dma_start3A_2656 : memref<50x64xf32, #tpu.memory_space<hbm>>) target_semaphore(%dma_start3A_2652 : memref<!tpu.dma_semaphore, #tpu.memory_space<semaphore_mem>>)
      %add3A_2661 = arith.addi %mul3A_2, %add3A_2621 : i32
      %mul3A_2662 = arith.constant 4 : i32
      %mul3A_2663 = arith.muli %add3A_2661, %mul3A_2662 : i32
      %add3A_2664 = arith.constant 1 : i32
      %add3A_2665 = arith.addi %mul3A_2663, %add3A_2664 : i32
      %dma_start3A_2666 = arith.constant 3 : i32
      %dma_start3A_2667 = arith.constant 3 : i32
      %dma_start3A_2668 = arith.constant 50 : i32
      %dma_start3A_2669 = arith.constant 0 : i32
      %dma_start3A_2670 = tpu.memref_slice %arg6[%dma_start3A_2666, %dma_start3A_2668, %dma_start3A_2669] : memref<4x200x64xf32, #tpu.memory_space<vmem>> -> memref<1x50x64xf32, #tpu.memory_space<vmem>>
      %dma_start3A_2671 = tpu.memref_squeeze %dma_start3A_2670 : memref<1x50x64xf32, #tpu.memory_space<vmem>> -> memref<50x64xf32, #tpu.memory_space<vmem>>
      %dma_start3A_2672 = arith.constant 0 : i32
      %dma_start3A_2673 = arith.constant 0 : i32
      %dma_start3A_2674 = tpu.memref_slice %arg4[%add3A_2665, %dma_start3A_2672, %dma_start3A_2673] : memref<16384x56x128xf32, #tpu.memory_space<hbm>> -> memref<1x50x64xf32, #tpu.memory_space<hbm>>
      %dma_start3A_2675 = tpu.memref_squeeze %dma_start3A_2674 : memref<1x50x64xf32, #tpu.memory_space<hbm>> -> memref<50x64xf32, #tpu.memory_space<hbm>>
      %dma_start3A_2676 = tpu.memref_slice %arg8[%dma_start3A_2667] : memref<4x!tpu.dma_semaphore, #tpu.memory_space<semaphore_mem>> -> memref<1x!tpu.dma_semaphore, #tpu.memory_space<semaphore_mem>>
      %dma_start3A_2677 = tpu.memref_squeeze %dma_start3A_2676 : memref<1x!tpu.dma_semaphore, #tpu.memory_space<semaphore_mem>> -> memref<!tpu.dma_semaphore, #tpu.memory_space<semaphore_mem>>
      %dma_start3A_2678 = arith.constant 0 : i32
      %dma_start3A_2679 = arith.constant 0 : i32
      %dma_start3A_2680 = tpu.memref_slice %arg4[%add3A_2665, %dma_start3A_2678, %dma_start3A_2679] : memref<16384x56x128xf32, #tpu.memory_space<hbm>> -> memref<1x50x64xf32, #tpu.memory_space<hbm>>
      %dma_start3A_2681 = tpu.memref_squeeze %dma_start3A_2680 : memref<1x50x64xf32, #tpu.memory_space<hbm>> -> memref<50x64xf32, #tpu.memory_space<hbm>>
      %dma_start3A_2682 = arith.constant 50 : i32
      %dma_start3A_2683 = arith.constant 0 : i32
      %dma_start3A_2684 = tpu.memref_slice %arg6[%dma_start3A_2666, %dma_start3A_2682, %dma_start3A_2683] : memref<4x200x64xf32, #tpu.memory_space<vmem>> -> memref<1x50x64xf32, #tpu.memory_space<vmem>>
      %dma_start3A_2685 = tpu.memref_squeeze %dma_start3A_2684 : memref<1x50x64xf32, #tpu.memory_space<vmem>> -> memref<50x64xf32, #tpu.memory_space<vmem>>
      tpu.enqueue_dma source(%dma_start3A_2685 : memref<50x64xf32, #tpu.memory_space<vmem>>) target(%dma_start3A_2681 : memref<50x64xf32, #tpu.memory_space<hbm>>) target_semaphore(%dma_start3A_2677 : memref<!tpu.dma_semaphore, #tpu.memory_space<semaphore_mem>>)
      %add3A_2686 = arith.addi %mul3A_2, %add3A_2621 : i32
      %mul3A_2687 = arith.constant 4 : i32
      %mul3A_2688 = arith.muli %add3A_2686, %mul3A_2687 : i32
      %add3A_2689 = arith.constant 2 : i32
      %add3A_2690 = arith.addi %mul3A_2688, %add3A_2689 : i32
      %dma_start3A_2691 = arith.constant 3 : i32
      %dma_start3A_2692 = arith.constant 3 : i32
      %dma_start3A_2693 = arith.constant 100 : i32
      %dma_start3A_2694 = arith.constant 0 : i32
      %dma_start3A_2695 = tpu.memref_slice %arg6[%dma_start3A_2691, %dma_start3A_2693, %dma_start3A_2694] : memref<4x200x64xf32, #tpu.memory_space<vmem>> -> memref<1x50x64xf32, #tpu.memory_space<vmem>>
      %dma_start3A_2696 = tpu.memref_squeeze %dma_start3A_2695 : memref<1x50x64xf32, #tpu.memory_space<vmem>> -> memref<50x64xf32, #tpu.memory_space<vmem>>
      %dma_start3A_2697 = arith.constant 0 : i32
      %dma_start3A_2698 = arith.constant 0 : i32
      %dma_start3A_2699 = tpu.memref_slice %arg4[%add3A_2690, %dma_start3A_2697, %dma_start3A_2698] : memref<16384x56x128xf32, #tpu.memory_space<hbm>> -> memref<1x50x64xf32, #tpu.memory_space<hbm>>
      %dma_start3A_2700 = tpu.memref_squeeze %dma_start3A_2699 : memref<1x50x64xf32, #tpu.memory_space<hbm>> -> memref<50x64xf32, #tpu.memory_space<hbm>>
      %dma_start3A_2701 = tpu.memref_slice %arg8[%dma_start3A_2692] : memref<4x!tpu.dma_semaphore, #tpu.memory_space<semaphore_mem>> -> memref<1x!tpu.dma_semaphore, #tpu.memory_space<semaphore_mem>>
      %dma_start3A_2702 = tpu.memref_squeeze %dma_start3A_2701 : memref<1x!tpu.dma_semaphore, #tpu.memory_space<semaphore_mem>> -> memref<!tpu.dma_semaphore, #tpu.memory_space<semaphore_mem>>
      %dma_start3A_2703 = arith.constant 0 : i32
      %dma_start3A_2704 = arith.constant 0 : i32
      %dma_start3A_2705 = tpu.memref_slice %arg4[%add3A_2690, %dma_start3A_2703, %dma_start3A_2704] : memref<16384x56x128xf32, #tpu.memory_space<hbm>> -> memref<1x50x64xf32, #tpu.memory_space<hbm>>
      %dma_start3A_2706 = tpu.memref_squeeze %dma_start3A_2705 : memref<1x50x64xf32, #tpu.memory_space<hbm>> -> memref<50x64xf32, #tpu.memory_space<hbm>>
      %dma_start3A_2707 = arith.constant 100 : i32
      %dma_start3A_2708 = arith.constant 0 : i32
      %dma_start3A_2709 = tpu.memref_slice %arg6[%dma_start3A_2691, %dma_start3A_2707, %dma_start3A_2708] : memref<4x200x64xf32, #tpu.memory_space<vmem>> -> memref<1x50x64xf32, #tpu.memory_space<vmem>>
      %dma_start3A_2710 = tpu.memref_squeeze %dma_start3A_2709 : memref<1x50x64xf32, #tpu.memory_space<vmem>> -> memref<50x64xf32, #tpu.memory_space<vmem>>
      tpu.enqueue_dma source(%dma_start3A_2710 : memref<50x64xf32, #tpu.memory_space<vmem>>) target(%dma_start3A_2706 : memref<50x64xf32, #tpu.memory_space<hbm>>) target_semaphore(%dma_start3A_2702 : memref<!tpu.dma_semaphore, #tpu.memory_space<semaphore_mem>>)
      %add3A_2711 = arith.addi %mul3A_2, %add3A_2621 : i32
      %mul3A_2712 = arith.constant 4 : i32
      %mul3A_2713 = arith.muli %add3A_2711, %mul3A_2712 : i32
      %add3A_2714 = arith.constant 3 : i32
      %add3A_2715 = arith.addi %mul3A_2713, %add3A_2714 : i32
      %dma_start3A_2716 = arith.constant 3 : i32
      %dma_start3A_2717 = arith.constant 3 : i32
      %dma_start3A_2718 = arith.constant 150 : i32
      %dma_start3A_2719 = arith.constant 0 : i32
      %dma_start3A_2720 = tpu.memref_slice %arg6[%dma_start3A_2716, %dma_start3A_2718, %dma_start3A_2719] : memref<4x200x64xf32, #tpu.memory_space<vmem>> -> memref<1x50x64xf32, #tpu.memory_space<vmem>>
      %dma_start3A_2721 = tpu.memref_squeeze %dma_start3A_2720 : memref<1x50x64xf32, #tpu.memory_space<vmem>> -> memref<50x64xf32, #tpu.memory_space<vmem>>
      %dma_start3A_2722 = arith.constant 0 : i32
      %dma_start3A_2723 = arith.constant 0 : i32
      %dma_start3A_2724 = tpu.memref_slice %arg4[%add3A_2715, %dma_start3A_2722, %dma_start3A_2723] : memref<16384x56x128xf32, #tpu.memory_space<hbm>> -> memref<1x50x64xf32, #tpu.memory_space<hbm>>
      %dma_start3A_2725 = tpu.memref_squeeze %dma_start3A_2724 : memref<1x50x64xf32, #tpu.memory_space<hbm>> -> memref<50x64xf32, #tpu.memory_space<hbm>>
      %dma_start3A_2726 = tpu.memref_slice %arg8[%dma_start3A_2717] : memref<4x!tpu.dma_semaphore, #tpu.memory_space<semaphore_mem>> -> memref<1x!tpu.dma_semaphore, #tpu.memory_space<semaphore_mem>>
      %dma_start3A_2727 = tpu.memref_squeeze %dma_start3A_2726 : memref<1x!tpu.dma_semaphore, #tpu.memory_space<semaphore_mem>> -> memref<!tpu.dma_semaphore, #tpu.memory_space<semaphore_mem>>
      %dma_start3A_2728 = arith.constant 0 : i32
      %dma_start3A_2729 = arith.constant 0 : i32
      %dma_start3A_2730 = tpu.memref_slice %arg4[%add3A_2715, %dma_start3A_2728, %dma_start3A_2729] : memref<16384x56x128xf32, #tpu.memory_space<hbm>> -> memref<1x50x64xf32, #tpu.memory_space<hbm>>
      %dma_start3A_2731 = tpu.memref_squeeze %dma_start3A_2730 : memref<1x50x64xf32, #tpu.memory_space<hbm>> -> memref<50x64xf32, #tpu.memory_space<hbm>>
      %dma_start3A_2732 = arith.constant 150 : i32
      %dma_start3A_2733 = arith.constant 0 : i32
      %dma_start3A_2734 = tpu.memref_slice %arg6[%dma_start3A_2716, %dma_start3A_2732, %dma_start3A_2733] : memref<4x200x64xf32, #tpu.memory_space<vmem>> -> memref<1x50x64xf32, #tpu.memory_space<vmem>>
      %dma_start3A_2735 = tpu.memref_squeeze %dma_start3A_2734 : memref<1x50x64xf32, #tpu.memory_space<vmem>> -> memref<50x64xf32, #tpu.memory_space<vmem>>
      tpu.enqueue_dma source(%dma_start3A_2735 : memref<50x64xf32, #tpu.memory_space<vmem>>) target(%dma_start3A_2731 : memref<50x64xf32, #tpu.memory_space<hbm>>) target_semaphore(%dma_start3A_2727 : memref<!tpu.dma_semaphore, #tpu.memory_space<semaphore_mem>>)
      %sub3A_2736 = arith.constant 1 : i32
      %sub3A_2737 = arith.subi %add3A_2621, %sub3A_2736 : i32
      %add3A_2738 = arith.addi %mul3A_2, %sub3A_2737 : i32
      %mul3A_2739 = arith.constant 4 : i32
      %mul3A_2740 = arith.muli %add3A_2738, %mul3A_2739 : i32
      %add3A_2741 = arith.constant 0 : i32
      %add3A_2742 = arith.addi %mul3A_2740, %add3A_2741 : i32
      %dma_wait3A_2743 = arith.constant 2 : i32
      %dma_wait3A_2744 = arith.constant 2 : i32
      %dma_wait3A_2745 = arith.constant 0 : i32
      %dma_wait3A_2746 = arith.constant 0 : i32
      %dma_wait3A_2747 = tpu.memref_slice %arg6[%dma_wait3A_2743, %dma_wait3A_2745, %dma_wait3A_2746] : memref<4x200x64xf32, #tpu.memory_space<vmem>> -> memref<1x50x64xf32, #tpu.memory_space<vmem>>
      %dma_wait3A_2748 = tpu.memref_squeeze %dma_wait3A_2747 : memref<1x50x64xf32, #tpu.memory_space<vmem>> -> memref<50x64xf32, #tpu.memory_space<vmem>>
      %dma_wait3A_2749 = arith.constant 0 : i32
      %dma_wait3A_2750 = arith.constant 0 : i32
      %dma_wait3A_2751 = tpu.memref_slice %arg4[%add3A_2742, %dma_wait3A_2749, %dma_wait3A_2750] : memref<16384x56x128xf32, #tpu.memory_space<hbm>> -> memref<1x50x64xf32, #tpu.memory_space<hbm>>
      %dma_wait3A_2752 = tpu.memref_squeeze %dma_wait3A_2751 : memref<1x50x64xf32, #tpu.memory_space<hbm>> -> memref<50x64xf32, #tpu.memory_space<hbm>>
      %dma_wait3A_2753 = tpu.memref_slice %arg8[%dma_wait3A_2744] : memref<4x!tpu.dma_semaphore, #tpu.memory_space<semaphore_mem>> -> memref<1x!tpu.dma_semaphore, #tpu.memory_space<semaphore_mem>>
      %dma_wait3A_2754 = tpu.memref_squeeze %dma_wait3A_2753 : memref<1x!tpu.dma_semaphore, #tpu.memory_space<semaphore_mem>> -> memref<!tpu.dma_semaphore, #tpu.memory_space<semaphore_mem>>
      %dma_wait3A_2755 = arith.constant 0 : i32
      %dma_wait3A_2756 = arith.constant 0 : i32
      %dma_wait3A_2757 = tpu.memref_slice %arg4[%add3A_2742, %dma_wait3A_2755, %dma_wait3A_2756] : memref<16384x56x128xf32, #tpu.memory_space<hbm>> -> memref<1x50x64xf32, #tpu.memory_space<hbm>>
      %dma_wait3A_2758 = tpu.memref_squeeze %dma_wait3A_2757 : memref<1x50x64xf32, #tpu.memory_space<hbm>> -> memref<50x64xf32, #tpu.memory_space<hbm>>
      %dma_wait3A_2759 = arith.constant 0 : i32
      %dma_wait3A_2760 = arith.constant 0 : i32
      %dma_wait3A_2761 = tpu.memref_slice %arg6[%dma_wait3A_2743, %dma_wait3A_2759, %dma_wait3A_2760] : memref<4x200x64xf32, #tpu.memory_space<vmem>> -> memref<1x50x64xf32, #tpu.memory_space<vmem>>
      %dma_wait3A_2762 = tpu.memref_squeeze %dma_wait3A_2761 : memref<1x50x64xf32, #tpu.memory_space<vmem>> -> memref<50x64xf32, #tpu.memory_space<vmem>>
      tpu.wait_dma2 semaphore(%dma_wait3A_2754 : memref<!tpu.dma_semaphore, #tpu.memory_space<semaphore_mem>>) src(%dma_wait3A_2762 : memref<50x64xf32, #tpu.memory_space<vmem>>) dst(%dma_wait3A_2758 : memref<50x64xf32, #tpu.memory_space<hbm>>)
      %add3A_2763 = arith.addi %mul3A_2, %sub3A_2737 : i32
      %mul3A_2764 = arith.constant 4 : i32
      %mul3A_2765 = arith.muli %add3A_2763, %mul3A_2764 : i32
      %add3A_2766 = arith.constant 1 : i32
      %add3A_2767 = arith.addi %mul3A_2765, %add3A_2766 : i32
      %dma_wait3A_2768 = arith.constant 2 : i32
      %dma_wait3A_2769 = arith.constant 2 : i32
      %dma_wait3A_2770 = arith.constant 50 : i32
      %dma_wait3A_2771 = arith.constant 0 : i32
      %dma_wait3A_2772 = tpu.memref_slice %arg6[%dma_wait3A_2768, %dma_wait3A_2770, %dma_wait3A_2771] : memref<4x200x64xf32, #tpu.memory_space<vmem>> -> memref<1x50x64xf32, #tpu.memory_space<vmem>>
      %dma_wait3A_2773 = tpu.memref_squeeze %dma_wait3A_2772 : memref<1x50x64xf32, #tpu.memory_space<vmem>> -> memref<50x64xf32, #tpu.memory_space<vmem>>
      %dma_wait3A_2774 = arith.constant 0 : i32
      %dma_wait3A_2775 = arith.constant 0 : i32
      %dma_wait3A_2776 = tpu.memref_slice %arg4[%add3A_2767, %dma_wait3A_2774, %dma_wait3A_2775] : memref<16384x56x128xf32, #tpu.memory_space<hbm>> -> memref<1x50x64xf32, #tpu.memory_space<hbm>>
      %dma_wait3A_2777 = tpu.memref_squeeze %dma_wait3A_2776 : memref<1x50x64xf32, #tpu.memory_space<hbm>> -> memref<50x64xf32, #tpu.memory_space<hbm>>
      %dma_wait3A_2778 = tpu.memref_slice %arg8[%dma_wait3A_2769] : memref<4x!tpu.dma_semaphore, #tpu.memory_space<semaphore_mem>> -> memref<1x!tpu.dma_semaphore, #tpu.memory_space<semaphore_mem>>
      %dma_wait3A_2779 = tpu.memref_squeeze %dma_wait3A_2778 : memref<1x!tpu.dma_semaphore, #tpu.memory_space<semaphore_mem>> -> memref<!tpu.dma_semaphore, #tpu.memory_space<semaphore_mem>>
      %dma_wait3A_2780 = arith.constant 0 : i32
      %dma_wait3A_2781 = arith.constant 0 : i32
      %dma_wait3A_2782 = tpu.memref_slice %arg4[%add3A_2767, %dma_wait3A_2780, %dma_wait3A_2781] : memref<16384x56x128xf32, #tpu.memory_space<hbm>> -> memref<1x50x64xf32, #tpu.memory_space<hbm>>
      %dma_wait3A_2783 = tpu.memref_squeeze %dma_wait3A_2782 : memref<1x50x64xf32, #tpu.memory_space<hbm>> -> memref<50x64xf32, #tpu.memory_space<hbm>>
      %dma_wait3A_2784 = arith.constant 50 : i32
      %dma_wait3A_2785 = arith.constant 0 : i32
      %dma_wait3A_2786 = tpu.memref_slice %arg6[%dma_wait3A_2768, %dma_wait3A_2784, %dma_wait3A_2785] : memref<4x200x64xf32, #tpu.memory_space<vmem>> -> memref<1x50x64xf32, #tpu.memory_space<vmem>>
      %dma_wait3A_2787 = tpu.memref_squeeze %dma_wait3A_2786 : memref<1x50x64xf32, #tpu.memory_space<vmem>> -> memref<50x64xf32, #tpu.memory_space<vmem>>
      tpu.wait_dma2 semaphore(%dma_wait3A_2779 : memref<!tpu.dma_semaphore, #tpu.memory_space<semaphore_mem>>) src(%dma_wait3A_2787 : memref<50x64xf32, #tpu.memory_space<vmem>>) dst(%dma_wait3A_2783 : memref<50x64xf32, #tpu.memory_space<hbm>>)
      %add3A_2788 = arith.addi %mul3A_2, %sub3A_2737 : i32
      %mul3A_2789 = arith.constant 4 : i32
      %mul3A_2790 = arith.muli %add3A_2788, %mul3A_2789 : i32
      %add3A_2791 = arith.constant 2 : i32
      %add3A_2792 = arith.addi %mul3A_2790, %add3A_2791 : i32
      %dma_wait3A_2793 = arith.constant 2 : i32
      %dma_wait3A_2794 = arith.constant 2 : i32
      %dma_wait3A_2795 = arith.constant 100 : i32
      %dma_wait3A_2796 = arith.constant 0 : i32
      %dma_wait3A_2797 = tpu.memref_slice %arg6[%dma_wait3A_2793, %dma_wait3A_2795, %dma_wait3A_2796] : memref<4x200x64xf32, #tpu.memory_space<vmem>> -> memref<1x50x64xf32, #tpu.memory_space<vmem>>
      %dma_wait3A_2798 = tpu.memref_squeeze %dma_wait3A_2797 : memref<1x50x64xf32, #tpu.memory_space<vmem>> -> memref<50x64xf32, #tpu.memory_space<vmem>>
      %dma_wait3A_2799 = arith.constant 0 : i32
      %dma_wait3A_2800 = arith.constant 0 : i32
      %dma_wait3A_2801 = tpu.memref_slice %arg4[%add3A_2792, %dma_wait3A_2799, %dma_wait3A_2800] : memref<16384x56x128xf32, #tpu.memory_space<hbm>> -> memref<1x50x64xf32, #tpu.memory_space<hbm>>
      %dma_wait3A_2802 = tpu.memref_squeeze %dma_wait3A_2801 : memref<1x50x64xf32, #tpu.memory_space<hbm>> -> memref<50x64xf32, #tpu.memory_space<hbm>>
      %dma_wait3A_2803 = tpu.memref_slice %arg8[%dma_wait3A_2794] : memref<4x!tpu.dma_semaphore, #tpu.memory_space<semaphore_mem>> -> memref<1x!tpu.dma_semaphore, #tpu.memory_space<semaphore_mem>>
      %dma_wait3A_2804 = tpu.memref_squeeze %dma_wait3A_2803 : memref<1x!tpu.dma_semaphore, #tpu.memory_space<semaphore_mem>> -> memref<!tpu.dma_semaphore, #tpu.memory_space<semaphore_mem>>
      %dma_wait3A_2805 = arith.constant 0 : i32
      %dma_wait3A_2806 = arith.constant 0 : i32
      %dma_wait3A_2807 = tpu.memref_slice %arg4[%add3A_2792, %dma_wait3A_2805, %dma_wait3A_2806] : memref<16384x56x128xf32, #tpu.memory_space<hbm>> -> memref<1x50x64xf32, #tpu.memory_space<hbm>>
      %dma_wait3A_2808 = tpu.memref_squeeze %dma_wait3A_2807 : memref<1x50x64xf32, #tpu.memory_space<hbm>> -> memref<50x64xf32, #tpu.memory_space<hbm>>
      %dma_wait3A_2809 = arith.constant 100 : i32
      %dma_wait3A_2810 = arith.constant 0 : i32
      %dma_wait3A_2811 = tpu.memref_slice %arg6[%dma_wait3A_2793, %dma_wait3A_2809, %dma_wait3A_2810] : memref<4x200x64xf32, #tpu.memory_space<vmem>> -> memref<1x50x64xf32, #tpu.memory_space<vmem>>
      %dma_wait3A_2812 = tpu.memref_squeeze %dma_wait3A_2811 : memref<1x50x64xf32, #tpu.memory_space<vmem>> -> memref<50x64xf32, #tpu.memory_space<vmem>>
      tpu.wait_dma2 semaphore(%dma_wait3A_2804 : memref<!tpu.dma_semaphore, #tpu.memory_space<semaphore_mem>>) src(%dma_wait3A_2812 : memref<50x64xf32, #tpu.memory_space<vmem>>) dst(%dma_wait3A_2808 : memref<50x64xf32, #tpu.memory_space<hbm>>)
      %add3A_2813 = arith.addi %mul3A_2, %sub3A_2737 : i32
      %mul3A_2814 = arith.constant 4 : i32
      %mul3A_2815 = arith.muli %add3A_2813, %mul3A_2814 : i32
      %add3A_2816 = arith.constant 3 : i32
      %add3A_2817 = arith.addi %mul3A_2815, %add3A_2816 : i32
      %dma_wait3A_2818 = arith.constant 2 : i32
      %dma_wait3A_2819 = arith.constant 2 : i32
      %dma_wait3A_2820 = arith.constant 150 : i32
      %dma_wait3A_2821 = arith.constant 0 : i32
      %dma_wait3A_2822 = tpu.memref_slice %arg6[%dma_wait3A_2818, %dma_wait3A_2820, %dma_wait3A_2821] : memref<4x200x64xf32, #tpu.memory_space<vmem>> -> memref<1x50x64xf32, #tpu.memory_space<vmem>>
      %dma_wait3A_2823 = tpu.memref_squeeze %dma_wait3A_2822 : memref<1x50x64xf32, #tpu.memory_space<vmem>> -> memref<50x64xf32, #tpu.memory_space<vmem>>
      %dma_wait3A_2824 = arith.constant 0 : i32
      %dma_wait3A_2825 = arith.constant 0 : i32
      %dma_wait3A_2826 = tpu.memref_slice %arg4[%add3A_2817, %dma_wait3A_2824, %dma_wait3A_2825] : memref<16384x56x128xf32, #tpu.memory_space<hbm>> -> memref<1x50x64xf32, #tpu.memory_space<hbm>>
      %dma_wait3A_2827 = tpu.memref_squeeze %dma_wait3A_2826 : memref<1x50x64xf32, #tpu.memory_space<hbm>> -> memref<50x64xf32, #tpu.memory_space<hbm>>
      %dma_wait3A_2828 = tpu.memref_slice %arg8[%dma_wait3A_2819] : memref<4x!tpu.dma_semaphore, #tpu.memory_space<semaphore_mem>> -> memref<1x!tpu.dma_semaphore, #tpu.memory_space<semaphore_mem>>
      %dma_wait3A_2829 = tpu.memref_squeeze %dma_wait3A_2828 : memref<1x!tpu.dma_semaphore, #tpu.memory_space<semaphore_mem>> -> memref<!tpu.dma_semaphore, #tpu.memory_space<semaphore_mem>>
      %dma_wait3A_2830 = arith.constant 0 : i32
      %dma_wait3A_2831 = arith.constant 0 : i32
      %dma_wait3A_2832 = tpu.memref_slice %arg4[%add3A_2817, %dma_wait3A_2830, %dma_wait3A_2831] : memref<16384x56x128xf32, #tpu.memory_space<hbm>> -> memref<1x50x64xf32, #tpu.memory_space<hbm>>
      %dma_wait3A_2833 = tpu.memref_squeeze %dma_wait3A_2832 : memref<1x50x64xf32, #tpu.memory_space<hbm>> -> memref<50x64xf32, #tpu.memory_space<hbm>>
      %dma_wait3A_2834 = arith.constant 150 : i32
      %dma_wait3A_2835 = arith.constant 0 : i32
      %dma_wait3A_2836 = tpu.memref_slice %arg6[%dma_wait3A_2818, %dma_wait3A_2834, %dma_wait3A_2835] : memref<4x200x64xf32, #tpu.memory_space<vmem>> -> memref<1x50x64xf32, #tpu.memory_space<vmem>>
      %dma_wait3A_2837 = tpu.memref_squeeze %dma_wait3A_2836 : memref<1x50x64xf32, #tpu.memory_space<vmem>> -> memref<50x64xf32, #tpu.memory_space<vmem>>
      tpu.wait_dma2 semaphore(%dma_wait3A_2829 : memref<!tpu.dma_semaphore, #tpu.memory_space<semaphore_mem>>) src(%dma_wait3A_2837 : memref<50x64xf32, #tpu.memory_space<vmem>>) dst(%dma_wait3A_2833 : memref<50x64xf32, #tpu.memory_space<hbm>>)
      %add3A_2838 = arith.constant 4 : i32
      %add3A_2839 = arith.addi %add3A_2621, %add3A_2838 : i32
      %sub3A_2840 = arith.constant 1 : i32
      %sub3A_2841 = arith.subi %add3A_2839, %sub3A_2840 : i32
      %dma_start3A_2842 = arith.constant 2 : i32
      %dma_start3A_2843 = arith.constant 2 : i32
      %dma_start3A_2844 = arith.constant 0 : i32
      %dma_start3A_2845 = arith.constant 0 : i32
      %dma_start3A_2846 = tpu.memref_slice %arg6[%dma_start3A_2842, %dma_start3A_2844, %dma_start3A_2845] : memref<4x200x64xf32, #tpu.memory_space<vmem>> -> memref<1x200x64xf32, #tpu.memory_space<vmem>>
      %dma_start3A_2847 = tpu.memref_squeeze %dma_start3A_2846 : memref<1x200x64xf32, #tpu.memory_space<vmem>> -> memref<200x64xf32, #tpu.memory_space<vmem>>
      %dma_start3A_2848 = arith.constant 0 : i32
      %dma_start3A_2849 = tpu.memref_slice %arg5[%sub3A_2841, %dma_start3A_2848] : memref<128x200xi32, #tpu.memory_space<vmem>> -> memref<1x200xi32, #tpu.memory_space<vmem>>
      %dma_start3A_2850 = tpu.memref_squeeze %dma_start3A_2849 : memref<1x200xi32, #tpu.memory_space<vmem>> -> memref<200xi32, #tpu.memory_space<vmem>>
      %dma_start3A_2851 = arith.constant 0 : i32
      %dma_start3A_2852 = arith.constant 0 : i32
      %dma_start3A_2853 = tpu.memref_slice %arg3[%dma_start3A_2851, %dma_start3A_2852] : memref<1000000x64xf32, #tpu.memory_space<hbm>> -> memref<1000000x64xf32, #tpu.memory_space<hbm>>
      %dma_start3A_2854 = tpu.memref_slice %arg7[%dma_start3A_2843] : memref<4x!tpu.dma_semaphore, #tpu.memory_space<semaphore_mem>> -> memref<1x!tpu.dma_semaphore, #tpu.memory_space<semaphore_mem>>
      %dma_start3A_2855 = tpu.memref_squeeze %dma_start3A_2854 : memref<1x!tpu.dma_semaphore, #tpu.memory_space<semaphore_mem>> -> memref<!tpu.dma_semaphore, #tpu.memory_space<semaphore_mem>>
      tpu.enqueue_indirect_dma source(%dma_start3A_2853 : memref<1000000x64xf32, #tpu.memory_space<hbm>>) target(%dma_start3A_2847 : memref<200x64xf32, #tpu.memory_space<vmem>>) offsets(%dma_start3A_2850 : memref<200xi32, #tpu.memory_space<vmem>>) semaphore(%dma_start3A_2855 : memref<!tpu.dma_semaphore, #tpu.memory_space<semaphore_mem>>)
    }
    %scan3A_898 = arith.constant 30 : i32
    %dma_wait3A_899 = arith.constant 124 : i32
    %dma_wait3A_900 = arith.constant 0 : i32
    %dma_wait3A_901 = arith.constant 0 : i32
    %dma_wait3A_902 = arith.constant 0 : i32
    %dma_wait3A_903 = arith.constant 0 : i32
    %dma_wait3A_904 = tpu.memref_slice %arg6[%dma_wait3A_900, %dma_wait3A_902, %dma_wait3A_903] : memref<4x200x64xf32, #tpu.memory_space<vmem>> -> memref<1x200x64xf32, #tpu.memory_space<vmem>>
    %dma_wait3A_905 = tpu.memref_squeeze %dma_wait3A_904 : memref<1x200x64xf32, #tpu.memory_space<vmem>> -> memref<200x64xf32, #tpu.memory_space<vmem>>
    %dma_wait3A_906 = arith.constant 0 : i32
    %dma_wait3A_907 = tpu.memref_slice %arg5[%dma_wait3A_899, %dma_wait3A_906] : memref<128x200xi32, #tpu.memory_space<vmem>> -> memref<1x200xi32, #tpu.memory_space<vmem>>
    %dma_wait3A_908 = tpu.memref_squeeze %dma_wait3A_907 : memref<1x200xi32, #tpu.memory_space<vmem>> -> memref<200xi32, #tpu.memory_space<vmem>>
    %dma_wait3A_909 = arith.constant 0 : i32
    %dma_wait3A_910 = arith.constant 0 : i32
    %dma_wait3A_911 = tpu.memref_slice %arg3[%dma_wait3A_909, %dma_wait3A_910] : memref<1000000x64xf32, #tpu.memory_space<hbm>> -> memref<1000000x64xf32, #tpu.memory_space<hbm>>
    %dma_wait3A_912 = tpu.memref_slice %arg7[%dma_wait3A_901] : memref<4x!tpu.dma_semaphore, #tpu.memory_space<semaphore_mem>> -> memref<1x!tpu.dma_semaphore, #tpu.memory_space<semaphore_mem>>
    %dma_wait3A_913 = tpu.memref_squeeze %dma_wait3A_912 : memref<1x!tpu.dma_semaphore, #tpu.memory_space<semaphore_mem>> -> memref<!tpu.dma_semaphore, #tpu.memory_space<semaphore_mem>>
    tpu.wait_indirect_dma semaphore(%dma_wait3A_913 : memref<!tpu.dma_semaphore, #tpu.memory_space<semaphore_mem>>) src(%dma_wait3A_911 : memref<1000000x64xf32, #tpu.memory_space<hbm>>) dst(%dma_wait3A_905 : memref<200x64xf32, #tpu.memory_space<vmem>>)
    %add3A_914 = arith.constant 124 : i32
    %add3A_915 = arith.addi %mul3A_2, %add3A_914 : i32
    %mul3A_916 = arith.constant 4 : i32
    %mul3A_917 = arith.muli %add3A_915, %mul3A_916 : i32
    %add3A_918 = arith.constant 0 : i32
    %add3A_919 = arith.addi %mul3A_917, %add3A_918 : i32
    %dma_start3A_920 = arith.constant 0 : i32
    %dma_start3A_921 = arith.constant 0 : i32
    %dma_start3A_922 = arith.constant 0 : i32
    %dma_start3A_923 = arith.constant 0 : i32
    %dma_start3A_924 = tpu.memref_slice %arg6[%dma_start3A_920, %dma_start3A_922, %dma_start3A_923] : memref<4x200x64xf32, #tpu.memory_space<vmem>> -> memref<1x50x64xf32, #tpu.memory_space<vmem>>
    %dma_start3A_925 = tpu.memref_squeeze %dma_start3A_924 : memref<1x50x64xf32, #tpu.memory_space<vmem>> -> memref<50x64xf32, #tpu.memory_space<vmem>>
    %dma_start3A_926 = arith.constant 0 : i32
    %dma_start3A_927 = arith.constant 0 : i32
    %dma_start3A_928 = tpu.memref_slice %arg4[%add3A_919, %dma_start3A_926, %dma_start3A_927] : memref<16384x56x128xf32, #tpu.memory_space<hbm>> -> memref<1x50x64xf32, #tpu.memory_space<hbm>>
    %dma_start3A_929 = tpu.memref_squeeze %dma_start3A_928 : memref<1x50x64xf32, #tpu.memory_space<hbm>> -> memref<50x64xf32, #tpu.memory_space<hbm>>
    %dma_start3A_930 = tpu.memref_slice %arg8[%dma_start3A_921] : memref<4x!tpu.dma_semaphore, #tpu.memory_space<semaphore_mem>> -> memref<1x!tpu.dma_semaphore, #tpu.memory_space<semaphore_mem>>
    %dma_start3A_931 = tpu.memref_squeeze %dma_start3A_930 : memref<1x!tpu.dma_semaphore, #tpu.memory_space<semaphore_mem>> -> memref<!tpu.dma_semaphore, #tpu.memory_space<semaphore_mem>>
    %dma_start3A_932 = arith.constant 0 : i32
    %dma_start3A_933 = arith.constant 0 : i32
    %dma_start3A_934 = tpu.memref_slice %arg4[%add3A_919, %dma_start3A_932, %dma_start3A_933] : memref<16384x56x128xf32, #tpu.memory_space<hbm>> -> memref<1x50x64xf32, #tpu.memory_space<hbm>>
    %dma_start3A_935 = tpu.memref_squeeze %dma_start3A_934 : memref<1x50x64xf32, #tpu.memory_space<hbm>> -> memref<50x64xf32, #tpu.memory_space<hbm>>
    %dma_start3A_936 = arith.constant 0 : i32
    %dma_start3A_937 = arith.constant 0 : i32
    %dma_start3A_938 = tpu.memref_slice %arg6[%dma_start3A_920, %dma_start3A_936, %dma_start3A_937] : memref<4x200x64xf32, #tpu.memory_space<vmem>> -> memref<1x50x64xf32, #tpu.memory_space<vmem>>
    %dma_start3A_939 = tpu.memref_squeeze %dma_start3A_938 : memref<1x50x64xf32, #tpu.memory_space<vmem>> -> memref<50x64xf32, #tpu.memory_space<vmem>>
    tpu.enqueue_dma source(%dma_start3A_939 : memref<50x64xf32, #tpu.memory_space<vmem>>) target(%dma_start3A_935 : memref<50x64xf32, #tpu.memory_space<hbm>>) target_semaphore(%dma_start3A_931 : memref<!tpu.dma_semaphore, #tpu.memory_space<semaphore_mem>>)
    %add3A_940 = arith.constant 124 : i32
    %add3A_941 = arith.addi %mul3A_2, %add3A_940 : i32
    %mul3A_942 = arith.constant 4 : i32
    %mul3A_943 = arith.muli %add3A_941, %mul3A_942 : i32
    %add3A_944 = arith.constant 1 : i32
    %add3A_945 = arith.addi %mul3A_943, %add3A_944 : i32
    %dma_start3A_946 = arith.constant 0 : i32
    %dma_start3A_947 = arith.constant 0 : i32
    %dma_start3A_948 = arith.constant 50 : i32
    %dma_start3A_949 = arith.constant 0 : i32
    %dma_start3A_950 = tpu.memref_slice %arg6[%dma_start3A_946, %dma_start3A_948, %dma_start3A_949] : memref<4x200x64xf32, #tpu.memory_space<vmem>> -> memref<1x50x64xf32, #tpu.memory_space<vmem>>
    %dma_start3A_951 = tpu.memref_squeeze %dma_start3A_950 : memref<1x50x64xf32, #tpu.memory_space<vmem>> -> memref<50x64xf32, #tpu.memory_space<vmem>>
    %dma_start3A_952 = arith.constant 0 : i32
    %dma_start3A_953 = arith.constant 0 : i32
    %dma_start3A_954 = tpu.memref_slice %arg4[%add3A_945, %dma_start3A_952, %dma_start3A_953] : memref<16384x56x128xf32, #tpu.memory_space<hbm>> -> memref<1x50x64xf32, #tpu.memory_space<hbm>>
    %dma_start3A_955 = tpu.memref_squeeze %dma_start3A_954 : memref<1x50x64xf32, #tpu.memory_space<hbm>> -> memref<50x64xf32, #tpu.memory_space<hbm>>
    %dma_start3A_956 = tpu.memref_slice %arg8[%dma_start3A_947] : memref<4x!tpu.dma_semaphore, #tpu.memory_space<semaphore_mem>> -> memref<1x!tpu.dma_semaphore, #tpu.memory_space<semaphore_mem>>
    %dma_start3A_957 = tpu.memref_squeeze %dma_start3A_956 : memref<1x!tpu.dma_semaphore, #tpu.memory_space<semaphore_mem>> -> memref<!tpu.dma_semaphore, #tpu.memory_space<semaphore_mem>>
    %dma_start3A_958 = arith.constant 0 : i32
    %dma_start3A_959 = arith.constant 0 : i32
    %dma_start3A_960 = tpu.memref_slice %arg4[%add3A_945, %dma_start3A_958, %dma_start3A_959] : memref<16384x56x128xf32, #tpu.memory_space<hbm>> -> memref<1x50x64xf32, #tpu.memory_space<hbm>>
    %dma_start3A_961 = tpu.memref_squeeze %dma_start3A_960 : memref<1x50x64xf32, #tpu.memory_space<hbm>> -> memref<50x64xf32, #tpu.memory_space<hbm>>
    %dma_start3A_962 = arith.constant 50 : i32
    %dma_start3A_963 = arith.constant 0 : i32
    %dma_start3A_964 = tpu.memref_slice %arg6[%dma_start3A_946, %dma_start3A_962, %dma_start3A_963] : memref<4x200x64xf32, #tpu.memory_space<vmem>> -> memref<1x50x64xf32, #tpu.memory_space<vmem>>
    %dma_start3A_965 = tpu.memref_squeeze %dma_start3A_964 : memref<1x50x64xf32, #tpu.memory_space<vmem>> -> memref<50x64xf32, #tpu.memory_space<vmem>>
    tpu.enqueue_dma source(%dma_start3A_965 : memref<50x64xf32, #tpu.memory_space<vmem>>) target(%dma_start3A_961 : memref<50x64xf32, #tpu.memory_space<hbm>>) target_semaphore(%dma_start3A_957 : memref<!tpu.dma_semaphore, #tpu.memory_space<semaphore_mem>>)
    %add3A_966 = arith.constant 124 : i32
    %add3A_967 = arith.addi %mul3A_2, %add3A_966 : i32
    %mul3A_968 = arith.constant 4 : i32
    %mul3A_969 = arith.muli %add3A_967, %mul3A_968 : i32
    %add3A_970 = arith.constant 2 : i32
    %add3A_971 = arith.addi %mul3A_969, %add3A_970 : i32
    %dma_start3A_972 = arith.constant 0 : i32
    %dma_start3A_973 = arith.constant 0 : i32
    %dma_start3A_974 = arith.constant 100 : i32
    %dma_start3A_975 = arith.constant 0 : i32
    %dma_start3A_976 = tpu.memref_slice %arg6[%dma_start3A_972, %dma_start3A_974, %dma_start3A_975] : memref<4x200x64xf32, #tpu.memory_space<vmem>> -> memref<1x50x64xf32, #tpu.memory_space<vmem>>
    %dma_start3A_977 = tpu.memref_squeeze %dma_start3A_976 : memref<1x50x64xf32, #tpu.memory_space<vmem>> -> memref<50x64xf32, #tpu.memory_space<vmem>>
    %dma_start3A_978 = arith.constant 0 : i32
    %dma_start3A_979 = arith.constant 0 : i32
    %dma_start3A_980 = tpu.memref_slice %arg4[%add3A_971, %dma_start3A_978, %dma_start3A_979] : memref<16384x56x128xf32, #tpu.memory_space<hbm>> -> memref<1x50x64xf32, #tpu.memory_space<hbm>>
    %dma_start3A_981 = tpu.memref_squeeze %dma_start3A_980 : memref<1x50x64xf32, #tpu.memory_space<hbm>> -> memref<50x64xf32, #tpu.memory_space<hbm>>
    %dma_start3A_982 = tpu.memref_slice %arg8[%dma_start3A_973] : memref<4x!tpu.dma_semaphore, #tpu.memory_space<semaphore_mem>> -> memref<1x!tpu.dma_semaphore, #tpu.memory_space<semaphore_mem>>
    %dma_start3A_983 = tpu.memref_squeeze %dma_start3A_982 : memref<1x!tpu.dma_semaphore, #tpu.memory_space<semaphore_mem>> -> memref<!tpu.dma_semaphore, #tpu.memory_space<semaphore_mem>>
    %dma_start3A_984 = arith.constant 0 : i32
    %dma_start3A_985 = arith.constant 0 : i32
    %dma_start3A_986 = tpu.memref_slice %arg4[%add3A_971, %dma_start3A_984, %dma_start3A_985] : memref<16384x56x128xf32, #tpu.memory_space<hbm>> -> memref<1x50x64xf32, #tpu.memory_space<hbm>>
    %dma_start3A_987 = tpu.memref_squeeze %dma_start3A_986 : memref<1x50x64xf32, #tpu.memory_space<hbm>> -> memref<50x64xf32, #tpu.memory_space<hbm>>
    %dma_start3A_988 = arith.constant 100 : i32
    %dma_start3A_989 = arith.constant 0 : i32
    %dma_start3A_990 = tpu.memref_slice %arg6[%dma_start3A_972, %dma_start3A_988, %dma_start3A_989] : memref<4x200x64xf32, #tpu.memory_space<vmem>> -> memref<1x50x64xf32, #tpu.memory_space<vmem>>
    %dma_start3A_991 = tpu.memref_squeeze %dma_start3A_990 : memref<1x50x64xf32, #tpu.memory_space<vmem>> -> memref<50x64xf32, #tpu.memory_space<vmem>>
    tpu.enqueue_dma source(%dma_start3A_991 : memref<50x64xf32, #tpu.memory_space<vmem>>) target(%dma_start3A_987 : memref<50x64xf32, #tpu.memory_space<hbm>>) target_semaphore(%dma_start3A_983 : memref<!tpu.dma_semaphore, #tpu.memory_space<semaphore_mem>>)
    %add3A_992 = arith.constant 124 : i32
    %add3A_993 = arith.addi %mul3A_2, %add3A_992 : i32
    %mul3A_994 = arith.constant 4 : i32
    %mul3A_995 = arith.muli %add3A_993, %mul3A_994 : i32
    %add3A_996 = arith.constant 3 : i32
    %add3A_997 = arith.addi %mul3A_995, %add3A_996 : i32
    %dma_start3A_998 = arith.constant 0 : i32
    %dma_start3A_999 = arith.constant 0 : i32
    %dma_start3A_1000 = arith.constant 150 : i32
    %dma_start3A_1001 = arith.constant 0 : i32
    %dma_start3A_1002 = tpu.memref_slice %arg6[%dma_start3A_998, %dma_start3A_1000, %dma_start3A_1001] : memref<4x200x64xf32, #tpu.memory_space<vmem>> -> memref<1x50x64xf32, #tpu.memory_space<vmem>>
    %dma_start3A_1003 = tpu.memref_squeeze %dma_start3A_1002 : memref<1x50x64xf32, #tpu.memory_space<vmem>> -> memref<50x64xf32, #tpu.memory_space<vmem>>
    %dma_start3A_1004 = arith.constant 0 : i32
    %dma_start3A_1005 = arith.constant 0 : i32
    %dma_start3A_1006 = tpu.memref_slice %arg4[%add3A_997, %dma_start3A_1004, %dma_start3A_1005] : memref<16384x56x128xf32, #tpu.memory_space<hbm>> -> memref<1x50x64xf32, #tpu.memory_space<hbm>>
    %dma_start3A_1007 = tpu.memref_squeeze %dma_start3A_1006 : memref<1x50x64xf32, #tpu.memory_space<hbm>> -> memref<50x64xf32, #tpu.memory_space<hbm>>
    %dma_start3A_1008 = tpu.memref_slice %arg8[%dma_start3A_999] : memref<4x!tpu.dma_semaphore, #tpu.memory_space<semaphore_mem>> -> memref<1x!tpu.dma_semaphore, #tpu.memory_space<semaphore_mem>>
    %dma_start3A_1009 = tpu.memref_squeeze %dma_start3A_1008 : memref<1x!tpu.dma_semaphore, #tpu.memory_space<semaphore_mem>> -> memref<!tpu.dma_semaphore, #tpu.memory_space<semaphore_mem>>
    %dma_start3A_1010 = arith.constant 0 : i32
    %dma_start3A_1011 = arith.constant 0 : i32
    %dma_start3A_1012 = tpu.memref_slice %arg4[%add3A_997, %dma_start3A_1010, %dma_start3A_1011] : memref<16384x56x128xf32, #tpu.memory_space<hbm>> -> memref<1x50x64xf32, #tpu.memory_space<hbm>>
    %dma_start3A_1013 = tpu.memref_squeeze %dma_start3A_1012 : memref<1x50x64xf32, #tpu.memory_space<hbm>> -> memref<50x64xf32, #tpu.memory_space<hbm>>
    %dma_start3A_1014 = arith.constant 150 : i32
    %dma_start3A_1015 = arith.constant 0 : i32
    %dma_start3A_1016 = tpu.memref_slice %arg6[%dma_start3A_998, %dma_start3A_1014, %dma_start3A_1015] : memref<4x200x64xf32, #tpu.memory_space<vmem>> -> memref<1x50x64xf32, #tpu.memory_space<vmem>>
    %dma_start3A_1017 = tpu.memref_squeeze %dma_start3A_1016 : memref<1x50x64xf32, #tpu.memory_space<vmem>> -> memref<50x64xf32, #tpu.memory_space<vmem>>
    tpu.enqueue_dma source(%dma_start3A_1017 : memref<50x64xf32, #tpu.memory_space<vmem>>) target(%dma_start3A_1013 : memref<50x64xf32, #tpu.memory_space<hbm>>) target_semaphore(%dma_start3A_1009 : memref<!tpu.dma_semaphore, #tpu.memory_space<semaphore_mem>>)
    %add3A_1018 = arith.constant 123 : i32
    %add3A_1019 = arith.addi %mul3A_2, %add3A_1018 : i32
    %mul3A_1020 = arith.constant 4 : i32
    %mul3A_1021 = arith.muli %add3A_1019, %mul3A_1020 : i32
    %add3A_1022 = arith.constant 0 : i32
    %add3A_1023 = arith.addi %mul3A_1021, %add3A_1022 : i32
    %dma_wait3A_1024 = arith.constant 3 : i32
    %dma_wait3A_1025 = arith.constant 3 : i32
    %dma_wait3A_1026 = arith.constant 0 : i32
    %dma_wait3A_1027 = arith.constant 0 : i32
    %dma_wait3A_1028 = tpu.memref_slice %arg6[%dma_wait3A_1024, %dma_wait3A_1026, %dma_wait3A_1027] : memref<4x200x64xf32, #tpu.memory_space<vmem>> -> memref<1x50x64xf32, #tpu.memory_space<vmem>>
    %dma_wait3A_1029 = tpu.memref_squeeze %dma_wait3A_1028 : memref<1x50x64xf32, #tpu.memory_space<vmem>> -> memref<50x64xf32, #tpu.memory_space<vmem>>
    %dma_wait3A_1030 = arith.constant 0 : i32
    %dma_wait3A_1031 = arith.constant 0 : i32
    %dma_wait3A_1032 = tpu.memref_slice %arg4[%add3A_1023, %dma_wait3A_1030, %dma_wait3A_1031] : memref<16384x56x128xf32, #tpu.memory_space<hbm>> -> memref<1x50x64xf32, #tpu.memory_space<hbm>>
    %dma_wait3A_1033 = tpu.memref_squeeze %dma_wait3A_1032 : memref<1x50x64xf32, #tpu.memory_space<hbm>> -> memref<50x64xf32, #tpu.memory_space<hbm>>
    %dma_wait3A_1034 = tpu.memref_slice %arg8[%dma_wait3A_1025] : memref<4x!tpu.dma_semaphore, #tpu.memory_space<semaphore_mem>> -> memref<1x!tpu.dma_semaphore, #tpu.memory_space<semaphore_mem>>
    %dma_wait3A_1035 = tpu.memref_squeeze %dma_wait3A_1034 : memref<1x!tpu.dma_semaphore, #tpu.memory_space<semaphore_mem>> -> memref<!tpu.dma_semaphore, #tpu.memory_space<semaphore_mem>>
    %dma_wait3A_1036 = arith.constant 0 : i32
    %dma_wait3A_1037 = arith.constant 0 : i32
    %dma_wait3A_1038 = tpu.memref_slice %arg4[%add3A_1023, %dma_wait3A_1036, %dma_wait3A_1037] : memref<16384x56x128xf32, #tpu.memory_space<hbm>> -> memref<1x50x64xf32, #tpu.memory_space<hbm>>
    %dma_wait3A_1039 = tpu.memref_squeeze %dma_wait3A_1038 : memref<1x50x64xf32, #tpu.memory_space<hbm>> -> memref<50x64xf32, #tpu.memory_space<hbm>>
    %dma_wait3A_1040 = arith.constant 0 : i32
    %dma_wait3A_1041 = arith.constant 0 : i32
    %dma_wait3A_1042 = tpu.memref_slice %arg6[%dma_wait3A_1024, %dma_wait3A_1040, %dma_wait3A_1041] : memref<4x200x64xf32, #tpu.memory_space<vmem>> -> memref<1x50x64xf32, #tpu.memory_space<vmem>>
    %dma_wait3A_1043 = tpu.memref_squeeze %dma_wait3A_1042 : memref<1x50x64xf32, #tpu.memory_space<vmem>> -> memref<50x64xf32, #tpu.memory_space<vmem>>
    tpu.wait_dma2 semaphore(%dma_wait3A_1035 : memref<!tpu.dma_semaphore, #tpu.memory_space<semaphore_mem>>) src(%dma_wait3A_1043 : memref<50x64xf32, #tpu.memory_space<vmem>>) dst(%dma_wait3A_1039 : memref<50x64xf32, #tpu.memory_space<hbm>>)
    %add3A_1044 = arith.constant 123 : i32
    %add3A_1045 = arith.addi %mul3A_2, %add3A_1044 : i32
    %mul3A_1046 = arith.constant 4 : i32
    %mul3A_1047 = arith.muli %add3A_1045, %mul3A_1046 : i32
    %add3A_1048 = arith.constant 1 : i32
    %add3A_1049 = arith.addi %mul3A_1047, %add3A_1048 : i32
    %dma_wait3A_1050 = arith.constant 3 : i32
    %dma_wait3A_1051 = arith.constant 3 : i32
    %dma_wait3A_1052 = arith.constant 50 : i32
    %dma_wait3A_1053 = arith.constant 0 : i32
    %dma_wait3A_1054 = tpu.memref_slice %arg6[%dma_wait3A_1050, %dma_wait3A_1052, %dma_wait3A_1053] : memref<4x200x64xf32, #tpu.memory_space<vmem>> -> memref<1x50x64xf32, #tpu.memory_space<vmem>>
    %dma_wait3A_1055 = tpu.memref_squeeze %dma_wait3A_1054 : memref<1x50x64xf32, #tpu.memory_space<vmem>> -> memref<50x64xf32, #tpu.memory_space<vmem>>
    %dma_wait3A_1056 = arith.constant 0 : i32
    %dma_wait3A_1057 = arith.constant 0 : i32
    %dma_wait3A_1058 = tpu.memref_slice %arg4[%add3A_1049, %dma_wait3A_1056, %dma_wait3A_1057] : memref<16384x56x128xf32, #tpu.memory_space<hbm>> -> memref<1x50x64xf32, #tpu.memory_space<hbm>>
    %dma_wait3A_1059 = tpu.memref_squeeze %dma_wait3A_1058 : memref<1x50x64xf32, #tpu.memory_space<hbm>> -> memref<50x64xf32, #tpu.memory_space<hbm>>
    %dma_wait3A_1060 = tpu.memref_slice %arg8[%dma_wait3A_1051] : memref<4x!tpu.dma_semaphore, #tpu.memory_space<semaphore_mem>> -> memref<1x!tpu.dma_semaphore, #tpu.memory_space<semaphore_mem>>
    %dma_wait3A_1061 = tpu.memref_squeeze %dma_wait3A_1060 : memref<1x!tpu.dma_semaphore, #tpu.memory_space<semaphore_mem>> -> memref<!tpu.dma_semaphore, #tpu.memory_space<semaphore_mem>>
    %dma_wait3A_1062 = arith.constant 0 : i32
    %dma_wait3A_1063 = arith.constant 0 : i32
    %dma_wait3A_1064 = tpu.memref_slice %arg4[%add3A_1049, %dma_wait3A_1062, %dma_wait3A_1063] : memref<16384x56x128xf32, #tpu.memory_space<hbm>> -> memref<1x50x64xf32, #tpu.memory_space<hbm>>
    %dma_wait3A_1065 = tpu.memref_squeeze %dma_wait3A_1064 : memref<1x50x64xf32, #tpu.memory_space<hbm>> -> memref<50x64xf32, #tpu.memory_space<hbm>>
    %dma_wait3A_1066 = arith.constant 50 : i32
    %dma_wait3A_1067 = arith.constant 0 : i32
    %dma_wait3A_1068 = tpu.memref_slice %arg6[%dma_wait3A_1050, %dma_wait3A_1066, %dma_wait3A_1067] : memref<4x200x64xf32, #tpu.memory_space<vmem>> -> memref<1x50x64xf32, #tpu.memory_space<vmem>>
    %dma_wait3A_1069 = tpu.memref_squeeze %dma_wait3A_1068 : memref<1x50x64xf32, #tpu.memory_space<vmem>> -> memref<50x64xf32, #tpu.memory_space<vmem>>
    tpu.wait_dma2 semaphore(%dma_wait3A_1061 : memref<!tpu.dma_semaphore, #tpu.memory_space<semaphore_mem>>) src(%dma_wait3A_1069 : memref<50x64xf32, #tpu.memory_space<vmem>>) dst(%dma_wait3A_1065 : memref<50x64xf32, #tpu.memory_space<hbm>>)
    %add3A_1070 = arith.constant 123 : i32
    %add3A_1071 = arith.addi %mul3A_2, %add3A_1070 : i32
    %mul3A_1072 = arith.constant 4 : i32
    %mul3A_1073 = arith.muli %add3A_1071, %mul3A_1072 : i32
    %add3A_1074 = arith.constant 2 : i32
    %add3A_1075 = arith.addi %mul3A_1073, %add3A_1074 : i32
    %dma_wait3A_1076 = arith.constant 3 : i32
    %dma_wait3A_1077 = arith.constant 3 : i32
    %dma_wait3A_1078 = arith.constant 100 : i32
    %dma_wait3A_1079 = arith.constant 0 : i32
    %dma_wait3A_1080 = tpu.memref_slice %arg6[%dma_wait3A_1076, %dma_wait3A_1078, %dma_wait3A_1079] : memref<4x200x64xf32, #tpu.memory_space<vmem>> -> memref<1x50x64xf32, #tpu.memory_space<vmem>>
    %dma_wait3A_1081 = tpu.memref_squeeze %dma_wait3A_1080 : memref<1x50x64xf32, #tpu.memory_space<vmem>> -> memref<50x64xf32, #tpu.memory_space<vmem>>
    %dma_wait3A_1082 = arith.constant 0 : i32
    %dma_wait3A_1083 = arith.constant 0 : i32
    %dma_wait3A_1084 = tpu.memref_slice %arg4[%add3A_1075, %dma_wait3A_1082, %dma_wait3A_1083] : memref<16384x56x128xf32, #tpu.memory_space<hbm>> -> memref<1x50x64xf32, #tpu.memory_space<hbm>>
    %dma_wait3A_1085 = tpu.memref_squeeze %dma_wait3A_1084 : memref<1x50x64xf32, #tpu.memory_space<hbm>> -> memref<50x64xf32, #tpu.memory_space<hbm>>
    %dma_wait3A_1086 = tpu.memref_slice %arg8[%dma_wait3A_1077] : memref<4x!tpu.dma_semaphore, #tpu.memory_space<semaphore_mem>> -> memref<1x!tpu.dma_semaphore, #tpu.memory_space<semaphore_mem>>
    %dma_wait3A_1087 = tpu.memref_squeeze %dma_wait3A_1086 : memref<1x!tpu.dma_semaphore, #tpu.memory_space<semaphore_mem>> -> memref<!tpu.dma_semaphore, #tpu.memory_space<semaphore_mem>>
    %dma_wait3A_1088 = arith.constant 0 : i32
    %dma_wait3A_1089 = arith.constant 0 : i32
    %dma_wait3A_1090 = tpu.memref_slice %arg4[%add3A_1075, %dma_wait3A_1088, %dma_wait3A_1089] : memref<16384x56x128xf32, #tpu.memory_space<hbm>> -> memref<1x50x64xf32, #tpu.memory_space<hbm>>
    %dma_wait3A_1091 = tpu.memref_squeeze %dma_wait3A_1090 : memref<1x50x64xf32, #tpu.memory_space<hbm>> -> memref<50x64xf32, #tpu.memory_space<hbm>>
    %dma_wait3A_1092 = arith.constant 100 : i32
    %dma_wait3A_1093 = arith.constant 0 : i32
    %dma_wait3A_1094 = tpu.memref_slice %arg6[%dma_wait3A_1076, %dma_wait3A_1092, %dma_wait3A_1093] : memref<4x200x64xf32, #tpu.memory_space<vmem>> -> memref<1x50x64xf32, #tpu.memory_space<vmem>>
    %dma_wait3A_1095 = tpu.memref_squeeze %dma_wait3A_1094 : memref<1x50x64xf32, #tpu.memory_space<vmem>> -> memref<50x64xf32, #tpu.memory_space<vmem>>
    tpu.wait_dma2 semaphore(%dma_wait3A_1087 : memref<!tpu.dma_semaphore, #tpu.memory_space<semaphore_mem>>) src(%dma_wait3A_1095 : memref<50x64xf32, #tpu.memory_space<vmem>>) dst(%dma_wait3A_1091 : memref<50x64xf32, #tpu.memory_space<hbm>>)
    %add3A_1096 = arith.constant 123 : i32
    %add3A_1097 = arith.addi %mul3A_2, %add3A_1096 : i32
    %mul3A_1098 = arith.constant 4 : i32
    %mul3A_1099 = arith.muli %add3A_1097, %mul3A_1098 : i32
    %add3A_1100 = arith.constant 3 : i32
    %add3A_1101 = arith.addi %mul3A_1099, %add3A_1100 : i32
    %dma_wait3A_1102 = arith.constant 3 : i32
    %dma_wait3A_1103 = arith.constant 3 : i32
    %dma_wait3A_1104 = arith.constant 150 : i32
    %dma_wait3A_1105 = arith.constant 0 : i32
    %dma_wait3A_1106 = tpu.memref_slice %arg6[%dma_wait3A_1102, %dma_wait3A_1104, %dma_wait3A_1105] : memref<4x200x64xf32, #tpu.memory_space<vmem>> -> memref<1x50x64xf32, #tpu.memory_space<vmem>>
    %dma_wait3A_1107 = tpu.memref_squeeze %dma_wait3A_1106 : memref<1x50x64xf32, #tpu.memory_space<vmem>> -> memref<50x64xf32, #tpu.memory_space<vmem>>
    %dma_wait3A_1108 = arith.constant 0 : i32
    %dma_wait3A_1109 = arith.constant 0 : i32
    %dma_wait3A_1110 = tpu.memref_slice %arg4[%add3A_1101, %dma_wait3A_1108, %dma_wait3A_1109] : memref<16384x56x128xf32, #tpu.memory_space<hbm>> -> memref<1x50x64xf32, #tpu.memory_space<hbm>>
    %dma_wait3A_1111 = tpu.memref_squeeze %dma_wait3A_1110 : memref<1x50x64xf32, #tpu.memory_space<hbm>> -> memref<50x64xf32, #tpu.memory_space<hbm>>
    %dma_wait3A_1112 = tpu.memref_slice %arg8[%dma_wait3A_1103] : memref<4x!tpu.dma_semaphore, #tpu.memory_space<semaphore_mem>> -> memref<1x!tpu.dma_semaphore, #tpu.memory_space<semaphore_mem>>
    %dma_wait3A_1113 = tpu.memref_squeeze %dma_wait3A_1112 : memref<1x!tpu.dma_semaphore, #tpu.memory_space<semaphore_mem>> -> memref<!tpu.dma_semaphore, #tpu.memory_space<semaphore_mem>>
    %dma_wait3A_1114 = arith.constant 0 : i32
    %dma_wait3A_1115 = arith.constant 0 : i32
    %dma_wait3A_1116 = tpu.memref_slice %arg4[%add3A_1101, %dma_wait3A_1114, %dma_wait3A_1115] : memref<16384x56x128xf32, #tpu.memory_space<hbm>> -> memref<1x50x64xf32, #tpu.memory_space<hbm>>
    %dma_wait3A_1117 = tpu.memref_squeeze %dma_wait3A_1116 : memref<1x50x64xf32, #tpu.memory_space<hbm>> -> memref<50x64xf32, #tpu.memory_space<hbm>>
    %dma_wait3A_1118 = arith.constant 150 : i32
    %dma_wait3A_1119 = arith.constant 0 : i32
    %dma_wait3A_1120 = tpu.memref_slice %arg6[%dma_wait3A_1102, %dma_wait3A_1118, %dma_wait3A_1119] : memref<4x200x64xf32, #tpu.memory_space<vmem>> -> memref<1x50x64xf32, #tpu.memory_space<vmem>>
    %dma_wait3A_1121 = tpu.memref_squeeze %dma_wait3A_1120 : memref<1x50x64xf32, #tpu.memory_space<vmem>> -> memref<50x64xf32, #tpu.memory_space<vmem>>
    tpu.wait_dma2 semaphore(%dma_wait3A_1113 : memref<!tpu.dma_semaphore, #tpu.memory_space<semaphore_mem>>) src(%dma_wait3A_1121 : memref<50x64xf32, #tpu.memory_space<vmem>>) dst(%dma_wait3A_1117 : memref<50x64xf32, #tpu.memory_space<hbm>>)
    %dma_start3A_1122 = arith.constant 127 : i32
    %dma_start3A_1123 = arith.constant 3 : i32
    %dma_start3A_1124 = arith.constant 3 : i32
    %dma_start3A_1125 = arith.constant 0 : i32
    %dma_start3A_1126 = arith.constant 0 : i32
    %dma_start3A_1127 = tpu.memref_slice %arg6[%dma_start3A_1123, %dma_start3A_1125, %dma_start3A_1126] : memref<4x200x64xf32, #tpu.memory_space<vmem>> -> memref<1x200x64xf32, #tpu.memory_space<vmem>>
    %dma_start3A_1128 = tpu.memref_squeeze %dma_start3A_1127 : memref<1x200x64xf32, #tpu.memory_space<vmem>> -> memref<200x64xf32, #tpu.memory_space<vmem>>
    %dma_start3A_1129 = arith.constant 0 : i32
    %dma_start3A_1130 = tpu.memref_slice %arg5[%dma_start3A_1122, %dma_start3A_1129] : memref<128x200xi32, #tpu.memory_space<vmem>> -> memref<1x200xi32, #tpu.memory_space<vmem>>
    %dma_start3A_1131 = tpu.memref_squeeze %dma_start3A_1130 : memref<1x200xi32, #tpu.memory_space<vmem>> -> memref<200xi32, #tpu.memory_space<vmem>>
    %dma_start3A_1132 = arith.constant 0 : i32
    %dma_start3A_1133 = arith.constant 0 : i32
    %dma_start3A_1134 = tpu.memref_slice %arg3[%dma_start3A_1132, %dma_start3A_1133] : memref<1000000x64xf32, #tpu.memory_space<hbm>> -> memref<1000000x64xf32, #tpu.memory_space<hbm>>
    %dma_start3A_1135 = tpu.memref_slice %arg7[%dma_start3A_1124] : memref<4x!tpu.dma_semaphore, #tpu.memory_space<semaphore_mem>> -> memref<1x!tpu.dma_semaphore, #tpu.memory_space<semaphore_mem>>
    %dma_start3A_1136 = tpu.memref_squeeze %dma_start3A_1135 : memref<1x!tpu.dma_semaphore, #tpu.memory_space<semaphore_mem>> -> memref<!tpu.dma_semaphore, #tpu.memory_space<semaphore_mem>>
    tpu.enqueue_indirect_dma source(%dma_start3A_1134 : memref<1000000x64xf32, #tpu.memory_space<hbm>>) target(%dma_start3A_1128 : memref<200x64xf32, #tpu.memory_space<vmem>>) offsets(%dma_start3A_1131 : memref<200xi32, #tpu.memory_space<vmem>>) semaphore(%dma_start3A_1136 : memref<!tpu.dma_semaphore, #tpu.memory_space<semaphore_mem>>)
    %dma_wait3A_1137 = arith.constant 125 : i32
    %dma_wait3A_1138 = arith.constant 1 : i32
    %dma_wait3A_1139 = arith.constant 1 : i32
    %dma_wait3A_1140 = arith.constant 0 : i32
    %dma_wait3A_1141 = arith.constant 0 : i32
    %dma_wait3A_1142 = tpu.memref_slice %arg6[%dma_wait3A_1138, %dma_wait3A_1140, %dma_wait3A_1141] : memref<4x200x64xf32, #tpu.memory_space<vmem>> -> memref<1x200x64xf32, #tpu.memory_space<vmem>>
    %dma_wait3A_1143 = tpu.memref_squeeze %dma_wait3A_1142 : memref<1x200x64xf32, #tpu.memory_space<vmem>> -> memref<200x64xf32, #tpu.memory_space<vmem>>
    %dma_wait3A_1144 = arith.constant 0 : i32
    %dma_wait3A_1145 = tpu.memref_slice %arg5[%dma_wait3A_1137, %dma_wait3A_1144] : memref<128x200xi32, #tpu.memory_space<vmem>> -> memref<1x200xi32, #tpu.memory_space<vmem>>
    %dma_wait3A_1146 = tpu.memref_squeeze %dma_wait3A_1145 : memref<1x200xi32, #tpu.memory_space<vmem>> -> memref<200xi32, #tpu.memory_space<vmem>>
    %dma_wait3A_1147 = arith.constant 0 : i32
    %dma_wait3A_1148 = arith.constant 0 : i32
    %dma_wait3A_1149 = tpu.memref_slice %arg3[%dma_wait3A_1147, %dma_wait3A_1148] : memref<1000000x64xf32, #tpu.memory_space<hbm>> -> memref<1000000x64xf32, #tpu.memory_space<hbm>>
    %dma_wait3A_1150 = tpu.memref_slice %arg7[%dma_wait3A_1139] : memref<4x!tpu.dma_semaphore, #tpu.memory_space<semaphore_mem>> -> memref<1x!tpu.dma_semaphore, #tpu.memory_space<semaphore_mem>>
    %dma_wait3A_1151 = tpu.memref_squeeze %dma_wait3A_1150 : memref<1x!tpu.dma_semaphore, #tpu.memory_space<semaphore_mem>> -> memref<!tpu.dma_semaphore, #tpu.memory_space<semaphore_mem>>
    tpu.wait_indirect_dma semaphore(%dma_wait3A_1151 : memref<!tpu.dma_semaphore, #tpu.memory_space<semaphore_mem>>) src(%dma_wait3A_1149 : memref<1000000x64xf32, #tpu.memory_space<hbm>>) dst(%dma_wait3A_1143 : memref<200x64xf32, #tpu.memory_space<vmem>>)
    %add3A_1152 = arith.constant 125 : i32
    %add3A_1153 = arith.addi %mul3A_2, %add3A_1152 : i32
    %mul3A_1154 = arith.constant 4 : i32
    %mul3A_1155 = arith.muli %add3A_1153, %mul3A_1154 : i32
    %add3A_1156 = arith.constant 0 : i32
    %add3A_1157 = arith.addi %mul3A_1155, %add3A_1156 : i32
    %dma_start3A_1158 = arith.constant 1 : i32
    %dma_start3A_1159 = arith.constant 1 : i32
    %dma_start3A_1160 = arith.constant 0 : i32
    %dma_start3A_1161 = arith.constant 0 : i32
    %dma_start3A_1162 = tpu.memref_slice %arg6[%dma_start3A_1158, %dma_start3A_1160, %dma_start3A_1161] : memref<4x200x64xf32, #tpu.memory_space<vmem>> -> memref<1x50x64xf32, #tpu.memory_space<vmem>>
    %dma_start3A_1163 = tpu.memref_squeeze %dma_start3A_1162 : memref<1x50x64xf32, #tpu.memory_space<vmem>> -> memref<50x64xf32, #tpu.memory_space<vmem>>
    %dma_start3A_1164 = arith.constant 0 : i32
    %dma_start3A_1165 = arith.constant 0 : i32
    %dma_start3A_1166 = tpu.memref_slice %arg4[%add3A_1157, %dma_start3A_1164, %dma_start3A_1165] : memref<16384x56x128xf32, #tpu.memory_space<hbm>> -> memref<1x50x64xf32, #tpu.memory_space<hbm>>
    %dma_start3A_1167 = tpu.memref_squeeze %dma_start3A_1166 : memref<1x50x64xf32, #tpu.memory_space<hbm>> -> memref<50x64xf32, #tpu.memory_space<hbm>>
    %dma_start3A_1168 = tpu.memref_slice %arg8[%dma_start3A_1159] : memref<4x!tpu.dma_semaphore, #tpu.memory_space<semaphore_mem>> -> memref<1x!tpu.dma_semaphore, #tpu.memory_space<semaphore_mem>>
    %dma_start3A_1169 = tpu.memref_squeeze %dma_start3A_1168 : memref<1x!tpu.dma_semaphore, #tpu.memory_space<semaphore_mem>> -> memref<!tpu.dma_semaphore, #tpu.memory_space<semaphore_mem>>
    %dma_start3A_1170 = arith.constant 0 : i32
    %dma_start3A_1171 = arith.constant 0 : i32
    %dma_start3A_1172 = tpu.memref_slice %arg4[%add3A_1157, %dma_start3A_1170, %dma_start3A_1171] : memref<16384x56x128xf32, #tpu.memory_space<hbm>> -> memref<1x50x64xf32, #tpu.memory_space<hbm>>
    %dma_start3A_1173 = tpu.memref_squeeze %dma_start3A_1172 : memref<1x50x64xf32, #tpu.memory_space<hbm>> -> memref<50x64xf32, #tpu.memory_space<hbm>>
    %dma_start3A_1174 = arith.constant 0 : i32
    %dma_start3A_1175 = arith.constant 0 : i32
    %dma_start3A_1176 = tpu.memref_slice %arg6[%dma_start3A_1158, %dma_start3A_1174, %dma_start3A_1175] : memref<4x200x64xf32, #tpu.memory_space<vmem>> -> memref<1x50x64xf32, #tpu.memory_space<vmem>>
    %dma_start3A_1177 = tpu.memref_squeeze %dma_start3A_1176 : memref<1x50x64xf32, #tpu.memory_space<vmem>> -> memref<50x64xf32, #tpu.memory_space<vmem>>
    tpu.enqueue_dma source(%dma_start3A_1177 : memref<50x64xf32, #tpu.memory_space<vmem>>) target(%dma_start3A_1173 : memref<50x64xf32, #tpu.memory_space<hbm>>) target_semaphore(%dma_start3A_1169 : memref<!tpu.dma_semaphore, #tpu.memory_space<semaphore_mem>>)
    %add3A_1178 = arith.constant 125 : i32
    %add3A_1179 = arith.addi %mul3A_2, %add3A_1178 : i32
    %mul3A_1180 = arith.constant 4 : i32
    %mul3A_1181 = arith.muli %add3A_1179, %mul3A_1180 : i32
    %add3A_1182 = arith.constant 1 : i32
    %add3A_1183 = arith.addi %mul3A_1181, %add3A_1182 : i32
    %dma_start3A_1184 = arith.constant 1 : i32
    %dma_start3A_1185 = arith.constant 1 : i32
    %dma_start3A_1186 = arith.constant 50 : i32
    %dma_start3A_1187 = arith.constant 0 : i32
    %dma_start3A_1188 = tpu.memref_slice %arg6[%dma_start3A_1184, %dma_start3A_1186, %dma_start3A_1187] : memref<4x200x64xf32, #tpu.memory_space<vmem>> -> memref<1x50x64xf32, #tpu.memory_space<vmem>>
    %dma_start3A_1189 = tpu.memref_squeeze %dma_start3A_1188 : memref<1x50x64xf32, #tpu.memory_space<vmem>> -> memref<50x64xf32, #tpu.memory_space<vmem>>
    %dma_start3A_1190 = arith.constant 0 : i32
    %dma_start3A_1191 = arith.constant 0 : i32
    %dma_start3A_1192 = tpu.memref_slice %arg4[%add3A_1183, %dma_start3A_1190, %dma_start3A_1191] : memref<16384x56x128xf32, #tpu.memory_space<hbm>> -> memref<1x50x64xf32, #tpu.memory_space<hbm>>
    %dma_start3A_1193 = tpu.memref_squeeze %dma_start3A_1192 : memref<1x50x64xf32, #tpu.memory_space<hbm>> -> memref<50x64xf32, #tpu.memory_space<hbm>>
    %dma_start3A_1194 = tpu.memref_slice %arg8[%dma_start3A_1185] : memref<4x!tpu.dma_semaphore, #tpu.memory_space<semaphore_mem>> -> memref<1x!tpu.dma_semaphore, #tpu.memory_space<semaphore_mem>>
    %dma_start3A_1195 = tpu.memref_squeeze %dma_start3A_1194 : memref<1x!tpu.dma_semaphore, #tpu.memory_space<semaphore_mem>> -> memref<!tpu.dma_semaphore, #tpu.memory_space<semaphore_mem>>
    %dma_start3A_1196 = arith.constant 0 : i32
    %dma_start3A_1197 = arith.constant 0 : i32
    %dma_start3A_1198 = tpu.memref_slice %arg4[%add3A_1183, %dma_start3A_1196, %dma_start3A_1197] : memref<16384x56x128xf32, #tpu.memory_space<hbm>> -> memref<1x50x64xf32, #tpu.memory_space<hbm>>
    %dma_start3A_1199 = tpu.memref_squeeze %dma_start3A_1198 : memref<1x50x64xf32, #tpu.memory_space<hbm>> -> memref<50x64xf32, #tpu.memory_space<hbm>>
    %dma_start3A_1200 = arith.constant 50 : i32
    %dma_start3A_1201 = arith.constant 0 : i32
    %dma_start3A_1202 = tpu.memref_slice %arg6[%dma_start3A_1184, %dma_start3A_1200, %dma_start3A_1201] : memref<4x200x64xf32, #tpu.memory_space<vmem>> -> memref<1x50x64xf32, #tpu.memory_space<vmem>>
    %dma_start3A_1203 = tpu.memref_squeeze %dma_start3A_1202 : memref<1x50x64xf32, #tpu.memory_space<vmem>> -> memref<50x64xf32, #tpu.memory_space<vmem>>
    tpu.enqueue_dma source(%dma_start3A_1203 : memref<50x64xf32, #tpu.memory_space<vmem>>) target(%dma_start3A_1199 : memref<50x64xf32, #tpu.memory_space<hbm>>) target_semaphore(%dma_start3A_1195 : memref<!tpu.dma_semaphore, #tpu.memory_space<semaphore_mem>>)
    %add3A_1204 = arith.constant 125 : i32
    %add3A_1205 = arith.addi %mul3A_2, %add3A_1204 : i32
    %mul3A_1206 = arith.constant 4 : i32
    %mul3A_1207 = arith.muli %add3A_1205, %mul3A_1206 : i32
    %add3A_1208 = arith.constant 2 : i32
    %add3A_1209 = arith.addi %mul3A_1207, %add3A_1208 : i32
    %dma_start3A_1210 = arith.constant 1 : i32
    %dma_start3A_1211 = arith.constant 1 : i32
    %dma_start3A_1212 = arith.constant 100 : i32
    %dma_start3A_1213 = arith.constant 0 : i32
    %dma_start3A_1214 = tpu.memref_slice %arg6[%dma_start3A_1210, %dma_start3A_1212, %dma_start3A_1213] : memref<4x200x64xf32, #tpu.memory_space<vmem>> -> memref<1x50x64xf32, #tpu.memory_space<vmem>>
    %dma_start3A_1215 = tpu.memref_squeeze %dma_start3A_1214 : memref<1x50x64xf32, #tpu.memory_space<vmem>> -> memref<50x64xf32, #tpu.memory_space<vmem>>
    %dma_start3A_1216 = arith.constant 0 : i32
    %dma_start3A_1217 = arith.constant 0 : i32
    %dma_start3A_1218 = tpu.memref_slice %arg4[%add3A_1209, %dma_start3A_1216, %dma_start3A_1217] : memref<16384x56x128xf32, #tpu.memory_space<hbm>> -> memref<1x50x64xf32, #tpu.memory_space<hbm>>
    %dma_start3A_1219 = tpu.memref_squeeze %dma_start3A_1218 : memref<1x50x64xf32, #tpu.memory_space<hbm>> -> memref<50x64xf32, #tpu.memory_space<hbm>>
    %dma_start3A_1220 = tpu.memref_slice %arg8[%dma_start3A_1211] : memref<4x!tpu.dma_semaphore, #tpu.memory_space<semaphore_mem>> -> memref<1x!tpu.dma_semaphore, #tpu.memory_space<semaphore_mem>>
    %dma_start3A_1221 = tpu.memref_squeeze %dma_start3A_1220 : memref<1x!tpu.dma_semaphore, #tpu.memory_space<semaphore_mem>> -> memref<!tpu.dma_semaphore, #tpu.memory_space<semaphore_mem>>
    %dma_start3A_1222 = arith.constant 0 : i32
    %dma_start3A_1223 = arith.constant 0 : i32
    %dma_start3A_1224 = tpu.memref_slice %arg4[%add3A_1209, %dma_start3A_1222, %dma_start3A_1223] : memref<16384x56x128xf32, #tpu.memory_space<hbm>> -> memref<1x50x64xf32, #tpu.memory_space<hbm>>
    %dma_start3A_1225 = tpu.memref_squeeze %dma_start3A_1224 : memref<1x50x64xf32, #tpu.memory_space<hbm>> -> memref<50x64xf32, #tpu.memory_space<hbm>>
    %dma_start3A_1226 = arith.constant 100 : i32
    %dma_start3A_1227 = arith.constant 0 : i32
    %dma_start3A_1228 = tpu.memref_slice %arg6[%dma_start3A_1210, %dma_start3A_1226, %dma_start3A_1227] : memref<4x200x64xf32, #tpu.memory_space<vmem>> -> memref<1x50x64xf32, #tpu.memory_space<vmem>>
    %dma_start3A_1229 = tpu.memref_squeeze %dma_start3A_1228 : memref<1x50x64xf32, #tpu.memory_space<vmem>> -> memref<50x64xf32, #tpu.memory_space<vmem>>
    tpu.enqueue_dma source(%dma_start3A_1229 : memref<50x64xf32, #tpu.memory_space<vmem>>) target(%dma_start3A_1225 : memref<50x64xf32, #tpu.memory_space<hbm>>) target_semaphore(%dma_start3A_1221 : memref<!tpu.dma_semaphore, #tpu.memory_space<semaphore_mem>>)
    %add3A_1230 = arith.constant 125 : i32
    %add3A_1231 = arith.addi %mul3A_2, %add3A_1230 : i32
    %mul3A_1232 = arith.constant 4 : i32
    %mul3A_1233 = arith.muli %add3A_1231, %mul3A_1232 : i32
    %add3A_1234 = arith.constant 3 : i32
    %add3A_1235 = arith.addi %mul3A_1233, %add3A_1234 : i32
    %dma_start3A_1236 = arith.constant 1 : i32
    %dma_start3A_1237 = arith.constant 1 : i32
    %dma_start3A_1238 = arith.constant 150 : i32
    %dma_start3A_1239 = arith.constant 0 : i32
    %dma_start3A_1240 = tpu.memref_slice %arg6[%dma_start3A_1236, %dma_start3A_1238, %dma_start3A_1239] : memref<4x200x64xf32, #tpu.memory_space<vmem>> -> memref<1x50x64xf32, #tpu.memory_space<vmem>>
    %dma_start3A_1241 = tpu.memref_squeeze %dma_start3A_1240 : memref<1x50x64xf32, #tpu.memory_space<vmem>> -> memref<50x64xf32, #tpu.memory_space<vmem>>
    %dma_start3A_1242 = arith.constant 0 : i32
    %dma_start3A_1243 = arith.constant 0 : i32
    %dma_start3A_1244 = tpu.memref_slice %arg4[%add3A_1235, %dma_start3A_1242, %dma_start3A_1243] : memref<16384x56x128xf32, #tpu.memory_space<hbm>> -> memref<1x50x64xf32, #tpu.memory_space<hbm>>
    %dma_start3A_1245 = tpu.memref_squeeze %dma_start3A_1244 : memref<1x50x64xf32, #tpu.memory_space<hbm>> -> memref<50x64xf32, #tpu.memory_space<hbm>>
    %dma_start3A_1246 = tpu.memref_slice %arg8[%dma_start3A_1237] : memref<4x!tpu.dma_semaphore, #tpu.memory_space<semaphore_mem>> -> memref<1x!tpu.dma_semaphore, #tpu.memory_space<semaphore_mem>>
    %dma_start3A_1247 = tpu.memref_squeeze %dma_start3A_1246 : memref<1x!tpu.dma_semaphore, #tpu.memory_space<semaphore_mem>> -> memref<!tpu.dma_semaphore, #tpu.memory_space<semaphore_mem>>
    %dma_start3A_1248 = arith.constant 0 : i32
    %dma_start3A_1249 = arith.constant 0 : i32
    %dma_start3A_1250 = tpu.memref_slice %arg4[%add3A_1235, %dma_start3A_1248, %dma_start3A_1249] : memref<16384x56x128xf32, #tpu.memory_space<hbm>> -> memref<1x50x64xf32, #tpu.memory_space<hbm>>
    %dma_start3A_1251 = tpu.memref_squeeze %dma_start3A_1250 : memref<1x50x64xf32, #tpu.memory_space<hbm>> -> memref<50x64xf32, #tpu.memory_space<hbm>>
    %dma_start3A_1252 = arith.constant 150 : i32
    %dma_start3A_1253 = arith.constant 0 : i32
    %dma_start3A_1254 = tpu.memref_slice %arg6[%dma_start3A_1236, %dma_start3A_1252, %dma_start3A_1253] : memref<4x200x64xf32, #tpu.memory_space<vmem>> -> memref<1x50x64xf32, #tpu.memory_space<vmem>>
    %dma_start3A_1255 = tpu.memref_squeeze %dma_start3A_1254 : memref<1x50x64xf32, #tpu.memory_space<vmem>> -> memref<50x64xf32, #tpu.memory_space<vmem>>
    tpu.enqueue_dma source(%dma_start3A_1255 : memref<50x64xf32, #tpu.memory_space<vmem>>) target(%dma_start3A_1251 : memref<50x64xf32, #tpu.memory_space<hbm>>) target_semaphore(%dma_start3A_1247 : memref<!tpu.dma_semaphore, #tpu.memory_space<semaphore_mem>>)
    %add3A_1256 = arith.constant 124 : i32
    %add3A_1257 = arith.addi %mul3A_2, %add3A_1256 : i32
    %mul3A_1258 = arith.constant 4 : i32
    %mul3A_1259 = arith.muli %add3A_1257, %mul3A_1258 : i32
    %add3A_1260 = arith.constant 0 : i32
    %add3A_1261 = arith.addi %mul3A_1259, %add3A_1260 : i32
    %dma_wait3A_1262 = arith.constant 0 : i32
    %dma_wait3A_1263 = arith.constant 0 : i32
    %dma_wait3A_1264 = arith.constant 0 : i32
    %dma_wait3A_1265 = arith.constant 0 : i32
    %dma_wait3A_1266 = tpu.memref_slice %arg6[%dma_wait3A_1262, %dma_wait3A_1264, %dma_wait3A_1265] : memref<4x200x64xf32, #tpu.memory_space<vmem>> -> memref<1x50x64xf32, #tpu.memory_space<vmem>>
    %dma_wait3A_1267 = tpu.memref_squeeze %dma_wait3A_1266 : memref<1x50x64xf32, #tpu.memory_space<vmem>> -> memref<50x64xf32, #tpu.memory_space<vmem>>
    %dma_wait3A_1268 = arith.constant 0 : i32
    %dma_wait3A_1269 = arith.constant 0 : i32
    %dma_wait3A_1270 = tpu.memref_slice %arg4[%add3A_1261, %dma_wait3A_1268, %dma_wait3A_1269] : memref<16384x56x128xf32, #tpu.memory_space<hbm>> -> memref<1x50x64xf32, #tpu.memory_space<hbm>>
    %dma_wait3A_1271 = tpu.memref_squeeze %dma_wait3A_1270 : memref<1x50x64xf32, #tpu.memory_space<hbm>> -> memref<50x64xf32, #tpu.memory_space<hbm>>
    %dma_wait3A_1272 = tpu.memref_slice %arg8[%dma_wait3A_1263] : memref<4x!tpu.dma_semaphore, #tpu.memory_space<semaphore_mem>> -> memref<1x!tpu.dma_semaphore, #tpu.memory_space<semaphore_mem>>
    %dma_wait3A_1273 = tpu.memref_squeeze %dma_wait3A_1272 : memref<1x!tpu.dma_semaphore, #tpu.memory_space<semaphore_mem>> -> memref<!tpu.dma_semaphore, #tpu.memory_space<semaphore_mem>>
    %dma_wait3A_1274 = arith.constant 0 : i32
    %dma_wait3A_1275 = arith.constant 0 : i32
    %dma_wait3A_1276 = tpu.memref_slice %arg4[%add3A_1261, %dma_wait3A_1274, %dma_wait3A_1275] : memref<16384x56x128xf32, #tpu.memory_space<hbm>> -> memref<1x50x64xf32, #tpu.memory_space<hbm>>
    %dma_wait3A_1277 = tpu.memref_squeeze %dma_wait3A_1276 : memref<1x50x64xf32, #tpu.memory_space<hbm>> -> memref<50x64xf32, #tpu.memory_space<hbm>>
    %dma_wait3A_1278 = arith.constant 0 : i32
    %dma_wait3A_1279 = arith.constant 0 : i32
    %dma_wait3A_1280 = tpu.memref_slice %arg6[%dma_wait3A_1262, %dma_wait3A_1278, %dma_wait3A_1279] : memref<4x200x64xf32, #tpu.memory_space<vmem>> -> memref<1x50x64xf32, #tpu.memory_space<vmem>>
    %dma_wait3A_1281 = tpu.memref_squeeze %dma_wait3A_1280 : memref<1x50x64xf32, #tpu.memory_space<vmem>> -> memref<50x64xf32, #tpu.memory_space<vmem>>
    tpu.wait_dma2 semaphore(%dma_wait3A_1273 : memref<!tpu.dma_semaphore, #tpu.memory_space<semaphore_mem>>) src(%dma_wait3A_1281 : memref<50x64xf32, #tpu.memory_space<vmem>>) dst(%dma_wait3A_1277 : memref<50x64xf32, #tpu.memory_space<hbm>>)
    %add3A_1282 = arith.constant 124 : i32
    %add3A_1283 = arith.addi %mul3A_2, %add3A_1282 : i32
    %mul3A_1284 = arith.constant 4 : i32
    %mul3A_1285 = arith.muli %add3A_1283, %mul3A_1284 : i32
    %add3A_1286 = arith.constant 1 : i32
    %add3A_1287 = arith.addi %mul3A_1285, %add3A_1286 : i32
    %dma_wait3A_1288 = arith.constant 0 : i32
    %dma_wait3A_1289 = arith.constant 0 : i32
    %dma_wait3A_1290 = arith.constant 50 : i32
    %dma_wait3A_1291 = arith.constant 0 : i32
    %dma_wait3A_1292 = tpu.memref_slice %arg6[%dma_wait3A_1288, %dma_wait3A_1290, %dma_wait3A_1291] : memref<4x200x64xf32, #tpu.memory_space<vmem>> -> memref<1x50x64xf32, #tpu.memory_space<vmem>>
    %dma_wait3A_1293 = tpu.memref_squeeze %dma_wait3A_1292 : memref<1x50x64xf32, #tpu.memory_space<vmem>> -> memref<50x64xf32, #tpu.memory_space<vmem>>
    %dma_wait3A_1294 = arith.constant 0 : i32
    %dma_wait3A_1295 = arith.constant 0 : i32
    %dma_wait3A_1296 = tpu.memref_slice %arg4[%add3A_1287, %dma_wait3A_1294, %dma_wait3A_1295] : memref<16384x56x128xf32, #tpu.memory_space<hbm>> -> memref<1x50x64xf32, #tpu.memory_space<hbm>>
    %dma_wait3A_1297 = tpu.memref_squeeze %dma_wait3A_1296 : memref<1x50x64xf32, #tpu.memory_space<hbm>> -> memref<50x64xf32, #tpu.memory_space<hbm>>
    %dma_wait3A_1298 = tpu.memref_slice %arg8[%dma_wait3A_1289] : memref<4x!tpu.dma_semaphore, #tpu.memory_space<semaphore_mem>> -> memref<1x!tpu.dma_semaphore, #tpu.memory_space<semaphore_mem>>
    %dma_wait3A_1299 = tpu.memref_squeeze %dma_wait3A_1298 : memref<1x!tpu.dma_semaphore, #tpu.memory_space<semaphore_mem>> -> memref<!tpu.dma_semaphore, #tpu.memory_space<semaphore_mem>>
    %dma_wait3A_1300 = arith.constant 0 : i32
    %dma_wait3A_1301 = arith.constant 0 : i32
    %dma_wait3A_1302 = tpu.memref_slice %arg4[%add3A_1287, %dma_wait3A_1300, %dma_wait3A_1301] : memref<16384x56x128xf32, #tpu.memory_space<hbm>> -> memref<1x50x64xf32, #tpu.memory_space<hbm>>
    %dma_wait3A_1303 = tpu.memref_squeeze %dma_wait3A_1302 : memref<1x50x64xf32, #tpu.memory_space<hbm>> -> memref<50x64xf32, #tpu.memory_space<hbm>>
    %dma_wait3A_1304 = arith.constant 50 : i32
    %dma_wait3A_1305 = arith.constant 0 : i32
    %dma_wait3A_1306 = tpu.memref_slice %arg6[%dma_wait3A_1288, %dma_wait3A_1304, %dma_wait3A_1305] : memref<4x200x64xf32, #tpu.memory_space<vmem>> -> memref<1x50x64xf32, #tpu.memory_space<vmem>>
    %dma_wait3A_1307 = tpu.memref_squeeze %dma_wait3A_1306 : memref<1x50x64xf32, #tpu.memory_space<vmem>> -> memref<50x64xf32, #tpu.memory_space<vmem>>
    tpu.wait_dma2 semaphore(%dma_wait3A_1299 : memref<!tpu.dma_semaphore, #tpu.memory_space<semaphore_mem>>) src(%dma_wait3A_1307 : memref<50x64xf32, #tpu.memory_space<vmem>>) dst(%dma_wait3A_1303 : memref<50x64xf32, #tpu.memory_space<hbm>>)
    %add3A_1308 = arith.constant 124 : i32
    %add3A_1309 = arith.addi %mul3A_2, %add3A_1308 : i32
    %mul3A_1310 = arith.constant 4 : i32
    %mul3A_1311 = arith.muli %add3A_1309, %mul3A_1310 : i32
    %add3A_1312 = arith.constant 2 : i32
    %add3A_1313 = arith.addi %mul3A_1311, %add3A_1312 : i32
    %dma_wait3A_1314 = arith.constant 0 : i32
    %dma_wait3A_1315 = arith.constant 0 : i32
    %dma_wait3A_1316 = arith.constant 100 : i32
    %dma_wait3A_1317 = arith.constant 0 : i32
    %dma_wait3A_1318 = tpu.memref_slice %arg6[%dma_wait3A_1314, %dma_wait3A_1316, %dma_wait3A_1317] : memref<4x200x64xf32, #tpu.memory_space<vmem>> -> memref<1x50x64xf32, #tpu.memory_space<vmem>>
    %dma_wait3A_1319 = tpu.memref_squeeze %dma_wait3A_1318 : memref<1x50x64xf32, #tpu.memory_space<vmem>> -> memref<50x64xf32, #tpu.memory_space<vmem>>
    %dma_wait3A_1320 = arith.constant 0 : i32
    %dma_wait3A_1321 = arith.constant 0 : i32
    %dma_wait3A_1322 = tpu.memref_slice %arg4[%add3A_1313, %dma_wait3A_1320, %dma_wait3A_1321] : memref<16384x56x128xf32, #tpu.memory_space<hbm>> -> memref<1x50x64xf32, #tpu.memory_space<hbm>>
    %dma_wait3A_1323 = tpu.memref_squeeze %dma_wait3A_1322 : memref<1x50x64xf32, #tpu.memory_space<hbm>> -> memref<50x64xf32, #tpu.memory_space<hbm>>
    %dma_wait3A_1324 = tpu.memref_slice %arg8[%dma_wait3A_1315] : memref<4x!tpu.dma_semaphore, #tpu.memory_space<semaphore_mem>> -> memref<1x!tpu.dma_semaphore, #tpu.memory_space<semaphore_mem>>
    %dma_wait3A_1325 = tpu.memref_squeeze %dma_wait3A_1324 : memref<1x!tpu.dma_semaphore, #tpu.memory_space<semaphore_mem>> -> memref<!tpu.dma_semaphore, #tpu.memory_space<semaphore_mem>>
    %dma_wait3A_1326 = arith.constant 0 : i32
    %dma_wait3A_1327 = arith.constant 0 : i32
    %dma_wait3A_1328 = tpu.memref_slice %arg4[%add3A_1313, %dma_wait3A_1326, %dma_wait3A_1327] : memref<16384x56x128xf32, #tpu.memory_space<hbm>> -> memref<1x50x64xf32, #tpu.memory_space<hbm>>
    %dma_wait3A_1329 = tpu.memref_squeeze %dma_wait3A_1328 : memref<1x50x64xf32, #tpu.memory_space<hbm>> -> memref<50x64xf32, #tpu.memory_space<hbm>>
    %dma_wait3A_1330 = arith.constant 100 : i32
    %dma_wait3A_1331 = arith.constant 0 : i32
    %dma_wait3A_1332 = tpu.memref_slice %arg6[%dma_wait3A_1314, %dma_wait3A_1330, %dma_wait3A_1331] : memref<4x200x64xf32, #tpu.memory_space<vmem>> -> memref<1x50x64xf32, #tpu.memory_space<vmem>>
    %dma_wait3A_1333 = tpu.memref_squeeze %dma_wait3A_1332 : memref<1x50x64xf32, #tpu.memory_space<vmem>> -> memref<50x64xf32, #tpu.memory_space<vmem>>
    tpu.wait_dma2 semaphore(%dma_wait3A_1325 : memref<!tpu.dma_semaphore, #tpu.memory_space<semaphore_mem>>) src(%dma_wait3A_1333 : memref<50x64xf32, #tpu.memory_space<vmem>>) dst(%dma_wait3A_1329 : memref<50x64xf32, #tpu.memory_space<hbm>>)
    %add3A_1334 = arith.constant 124 : i32
    %add3A_1335 = arith.addi %mul3A_2, %add3A_1334 : i32
    %mul3A_1336 = arith.constant 4 : i32
    %mul3A_1337 = arith.muli %add3A_1335, %mul3A_1336 : i32
    %add3A_1338 = arith.constant 3 : i32
    %add3A_1339 = arith.addi %mul3A_1337, %add3A_1338 : i32
    %dma_wait3A_1340 = arith.constant 0 : i32
    %dma_wait3A_1341 = arith.constant 0 : i32
    %dma_wait3A_1342 = arith.constant 150 : i32
    %dma_wait3A_1343 = arith.constant 0 : i32
    %dma_wait3A_1344 = tpu.memref_slice %arg6[%dma_wait3A_1340, %dma_wait3A_1342, %dma_wait3A_1343] : memref<4x200x64xf32, #tpu.memory_space<vmem>> -> memref<1x50x64xf32, #tpu.memory_space<vmem>>
    %dma_wait3A_1345 = tpu.memref_squeeze %dma_wait3A_1344 : memref<1x50x64xf32, #tpu.memory_space<vmem>> -> memref<50x64xf32, #tpu.memory_space<vmem>>
    %dma_wait3A_1346 = arith.constant 0 : i32
    %dma_wait3A_1347 = arith.constant 0 : i32
    %dma_wait3A_1348 = tpu.memref_slice %arg4[%add3A_1339, %dma_wait3A_1346, %dma_wait3A_1347] : memref<16384x56x128xf32, #tpu.memory_space<hbm>> -> memref<1x50x64xf32, #tpu.memory_space<hbm>>
    %dma_wait3A_1349 = tpu.memref_squeeze %dma_wait3A_1348 : memref<1x50x64xf32, #tpu.memory_space<hbm>> -> memref<50x64xf32, #tpu.memory_space<hbm>>
    %dma_wait3A_1350 = tpu.memref_slice %arg8[%dma_wait3A_1341] : memref<4x!tpu.dma_semaphore, #tpu.memory_space<semaphore_mem>> -> memref<1x!tpu.dma_semaphore, #tpu.memory_space<semaphore_mem>>
    %dma_wait3A_1351 = tpu.memref_squeeze %dma_wait3A_1350 : memref<1x!tpu.dma_semaphore, #tpu.memory_space<semaphore_mem>> -> memref<!tpu.dma_semaphore, #tpu.memory_space<semaphore_mem>>
    %dma_wait3A_1352 = arith.constant 0 : i32
    %dma_wait3A_1353 = arith.constant 0 : i32
    %dma_wait3A_1354 = tpu.memref_slice %arg4[%add3A_1339, %dma_wait3A_1352, %dma_wait3A_1353] : memref<16384x56x128xf32, #tpu.memory_space<hbm>> -> memref<1x50x64xf32, #tpu.memory_space<hbm>>
    %dma_wait3A_1355 = tpu.memref_squeeze %dma_wait3A_1354 : memref<1x50x64xf32, #tpu.memory_space<hbm>> -> memref<50x64xf32, #tpu.memory_space<hbm>>
    %dma_wait3A_1356 = arith.constant 150 : i32
    %dma_wait3A_1357 = arith.constant 0 : i32
    %dma_wait3A_1358 = tpu.memref_slice %arg6[%dma_wait3A_1340, %dma_wait3A_1356, %dma_wait3A_1357] : memref<4x200x64xf32, #tpu.memory_space<vmem>> -> memref<1x50x64xf32, #tpu.memory_space<vmem>>
    %dma_wait3A_1359 = tpu.memref_squeeze %dma_wait3A_1358 : memref<1x50x64xf32, #tpu.memory_space<vmem>> -> memref<50x64xf32, #tpu.memory_space<vmem>>
    tpu.wait_dma2 semaphore(%dma_wait3A_1351 : memref<!tpu.dma_semaphore, #tpu.memory_space<semaphore_mem>>) src(%dma_wait3A_1359 : memref<50x64xf32, #tpu.memory_space<vmem>>) dst(%dma_wait3A_1355 : memref<50x64xf32, #tpu.memory_space<hbm>>)
    %dma_wait3A_1360 = arith.constant 126 : i32
    %dma_wait3A_1361 = arith.constant 2 : i32
    %dma_wait3A_1362 = arith.constant 2 : i32
    %dma_wait3A_1363 = arith.constant 0 : i32
    %dma_wait3A_1364 = arith.constant 0 : i32
    %dma_wait3A_1365 = tpu.memref_slice %arg6[%dma_wait3A_1361, %dma_wait3A_1363, %dma_wait3A_1364] : memref<4x200x64xf32, #tpu.memory_space<vmem>> -> memref<1x200x64xf32, #tpu.memory_space<vmem>>
    %dma_wait3A_1366 = tpu.memref_squeeze %dma_wait3A_1365 : memref<1x200x64xf32, #tpu.memory_space<vmem>> -> memref<200x64xf32, #tpu.memory_space<vmem>>
    %dma_wait3A_1367 = arith.constant 0 : i32
    %dma_wait3A_1368 = tpu.memref_slice %arg5[%dma_wait3A_1360, %dma_wait3A_1367] : memref<128x200xi32, #tpu.memory_space<vmem>> -> memref<1x200xi32, #tpu.memory_space<vmem>>
    %dma_wait3A_1369 = tpu.memref_squeeze %dma_wait3A_1368 : memref<1x200xi32, #tpu.memory_space<vmem>> -> memref<200xi32, #tpu.memory_space<vmem>>
    %dma_wait3A_1370 = arith.constant 0 : i32
    %dma_wait3A_1371 = arith.constant 0 : i32
    %dma_wait3A_1372 = tpu.memref_slice %arg3[%dma_wait3A_1370, %dma_wait3A_1371] : memref<1000000x64xf32, #tpu.memory_space<hbm>> -> memref<1000000x64xf32, #tpu.memory_space<hbm>>
    %dma_wait3A_1373 = tpu.memref_slice %arg7[%dma_wait3A_1362] : memref<4x!tpu.dma_semaphore, #tpu.memory_space<semaphore_mem>> -> memref<1x!tpu.dma_semaphore, #tpu.memory_space<semaphore_mem>>
    %dma_wait3A_1374 = tpu.memref_squeeze %dma_wait3A_1373 : memref<1x!tpu.dma_semaphore, #tpu.memory_space<semaphore_mem>> -> memref<!tpu.dma_semaphore, #tpu.memory_space<semaphore_mem>>
    tpu.wait_indirect_dma semaphore(%dma_wait3A_1374 : memref<!tpu.dma_semaphore, #tpu.memory_space<semaphore_mem>>) src(%dma_wait3A_1372 : memref<1000000x64xf32, #tpu.memory_space<hbm>>) dst(%dma_wait3A_1366 : memref<200x64xf32, #tpu.memory_space<vmem>>)
    %add3A_1375 = arith.constant 126 : i32
    %add3A_1376 = arith.addi %mul3A_2, %add3A_1375 : i32
    %mul3A_1377 = arith.constant 4 : i32
    %mul3A_1378 = arith.muli %add3A_1376, %mul3A_1377 : i32
    %add3A_1379 = arith.constant 0 : i32
    %add3A_1380 = arith.addi %mul3A_1378, %add3A_1379 : i32
    %dma_start3A_1381 = arith.constant 2 : i32
    %dma_start3A_1382 = arith.constant 2 : i32
    %dma_start3A_1383 = arith.constant 0 : i32
    %dma_start3A_1384 = arith.constant 0 : i32
    %dma_start3A_1385 = tpu.memref_slice %arg6[%dma_start3A_1381, %dma_start3A_1383, %dma_start3A_1384] : memref<4x200x64xf32, #tpu.memory_space<vmem>> -> memref<1x50x64xf32, #tpu.memory_space<vmem>>
    %dma_start3A_1386 = tpu.memref_squeeze %dma_start3A_1385 : memref<1x50x64xf32, #tpu.memory_space<vmem>> -> memref<50x64xf32, #tpu.memory_space<vmem>>
    %dma_start3A_1387 = arith.constant 0 : i32
    %dma_start3A_1388 = arith.constant 0 : i32
    %dma_start3A_1389 = tpu.memref_slice %arg4[%add3A_1380, %dma_start3A_1387, %dma_start3A_1388] : memref<16384x56x128xf32, #tpu.memory_space<hbm>> -> memref<1x50x64xf32, #tpu.memory_space<hbm>>
    %dma_start3A_1390 = tpu.memref_squeeze %dma_start3A_1389 : memref<1x50x64xf32, #tpu.memory_space<hbm>> -> memref<50x64xf32, #tpu.memory_space<hbm>>
    %dma_start3A_1391 = tpu.memref_slice %arg8[%dma_start3A_1382] : memref<4x!tpu.dma_semaphore, #tpu.memory_space<semaphore_mem>> -> memref<1x!tpu.dma_semaphore, #tpu.memory_space<semaphore_mem>>
    %dma_start3A_1392 = tpu.memref_squeeze %dma_start3A_1391 : memref<1x!tpu.dma_semaphore, #tpu.memory_space<semaphore_mem>> -> memref<!tpu.dma_semaphore, #tpu.memory_space<semaphore_mem>>
    %dma_start3A_1393 = arith.constant 0 : i32
    %dma_start3A_1394 = arith.constant 0 : i32
    %dma_start3A_1395 = tpu.memref_slice %arg4[%add3A_1380, %dma_start3A_1393, %dma_start3A_1394] : memref<16384x56x128xf32, #tpu.memory_space<hbm>> -> memref<1x50x64xf32, #tpu.memory_space<hbm>>
    %dma_start3A_1396 = tpu.memref_squeeze %dma_start3A_1395 : memref<1x50x64xf32, #tpu.memory_space<hbm>> -> memref<50x64xf32, #tpu.memory_space<hbm>>
    %dma_start3A_1397 = arith.constant 0 : i32
    %dma_start3A_1398 = arith.constant 0 : i32
    %dma_start3A_1399 = tpu.memref_slice %arg6[%dma_start3A_1381, %dma_start3A_1397, %dma_start3A_1398] : memref<4x200x64xf32, #tpu.memory_space<vmem>> -> memref<1x50x64xf32, #tpu.memory_space<vmem>>
    %dma_start3A_1400 = tpu.memref_squeeze %dma_start3A_1399 : memref<1x50x64xf32, #tpu.memory_space<vmem>> -> memref<50x64xf32, #tpu.memory_space<vmem>>
    tpu.enqueue_dma source(%dma_start3A_1400 : memref<50x64xf32, #tpu.memory_space<vmem>>) target(%dma_start3A_1396 : memref<50x64xf32, #tpu.memory_space<hbm>>) target_semaphore(%dma_start3A_1392 : memref<!tpu.dma_semaphore, #tpu.memory_space<semaphore_mem>>)
    %add3A_1401 = arith.constant 126 : i32
    %add3A_1402 = arith.addi %mul3A_2, %add3A_1401 : i32
    %mul3A_1403 = arith.constant 4 : i32
    %mul3A_1404 = arith.muli %add3A_1402, %mul3A_1403 : i32
    %add3A_1405 = arith.constant 1 : i32
    %add3A_1406 = arith.addi %mul3A_1404, %add3A_1405 : i32
    %dma_start3A_1407 = arith.constant 2 : i32
    %dma_start3A_1408 = arith.constant 2 : i32
    %dma_start3A_1409 = arith.constant 50 : i32
    %dma_start3A_1410 = arith.constant 0 : i32
    %dma_start3A_1411 = tpu.memref_slice %arg6[%dma_start3A_1407, %dma_start3A_1409, %dma_start3A_1410] : memref<4x200x64xf32, #tpu.memory_space<vmem>> -> memref<1x50x64xf32, #tpu.memory_space<vmem>>
    %dma_start3A_1412 = tpu.memref_squeeze %dma_start3A_1411 : memref<1x50x64xf32, #tpu.memory_space<vmem>> -> memref<50x64xf32, #tpu.memory_space<vmem>>
    %dma_start3A_1413 = arith.constant 0 : i32
    %dma_start3A_1414 = arith.constant 0 : i32
    %dma_start3A_1415 = tpu.memref_slice %arg4[%add3A_1406, %dma_start3A_1413, %dma_start3A_1414] : memref<16384x56x128xf32, #tpu.memory_space<hbm>> -> memref<1x50x64xf32, #tpu.memory_space<hbm>>
    %dma_start3A_1416 = tpu.memref_squeeze %dma_start3A_1415 : memref<1x50x64xf32, #tpu.memory_space<hbm>> -> memref<50x64xf32, #tpu.memory_space<hbm>>
    %dma_start3A_1417 = tpu.memref_slice %arg8[%dma_start3A_1408] : memref<4x!tpu.dma_semaphore, #tpu.memory_space<semaphore_mem>> -> memref<1x!tpu.dma_semaphore, #tpu.memory_space<semaphore_mem>>
    %dma_start3A_1418 = tpu.memref_squeeze %dma_start3A_1417 : memref<1x!tpu.dma_semaphore, #tpu.memory_space<semaphore_mem>> -> memref<!tpu.dma_semaphore, #tpu.memory_space<semaphore_mem>>
    %dma_start3A_1419 = arith.constant 0 : i32
    %dma_start3A_1420 = arith.constant 0 : i32
    %dma_start3A_1421 = tpu.memref_slice %arg4[%add3A_1406, %dma_start3A_1419, %dma_start3A_1420] : memref<16384x56x128xf32, #tpu.memory_space<hbm>> -> memref<1x50x64xf32, #tpu.memory_space<hbm>>
    %dma_start3A_1422 = tpu.memref_squeeze %dma_start3A_1421 : memref<1x50x64xf32, #tpu.memory_space<hbm>> -> memref<50x64xf32, #tpu.memory_space<hbm>>
    %dma_start3A_1423 = arith.constant 50 : i32
    %dma_start3A_1424 = arith.constant 0 : i32
    %dma_start3A_1425 = tpu.memref_slice %arg6[%dma_start3A_1407, %dma_start3A_1423, %dma_start3A_1424] : memref<4x200x64xf32, #tpu.memory_space<vmem>> -> memref<1x50x64xf32, #tpu.memory_space<vmem>>
    %dma_start3A_1426 = tpu.memref_squeeze %dma_start3A_1425 : memref<1x50x64xf32, #tpu.memory_space<vmem>> -> memref<50x64xf32, #tpu.memory_space<vmem>>
    tpu.enqueue_dma source(%dma_start3A_1426 : memref<50x64xf32, #tpu.memory_space<vmem>>) target(%dma_start3A_1422 : memref<50x64xf32, #tpu.memory_space<hbm>>) target_semaphore(%dma_start3A_1418 : memref<!tpu.dma_semaphore, #tpu.memory_space<semaphore_mem>>)
    %add3A_1427 = arith.constant 126 : i32
    %add3A_1428 = arith.addi %mul3A_2, %add3A_1427 : i32
    %mul3A_1429 = arith.constant 4 : i32
    %mul3A_1430 = arith.muli %add3A_1428, %mul3A_1429 : i32
    %add3A_1431 = arith.constant 2 : i32
    %add3A_1432 = arith.addi %mul3A_1430, %add3A_1431 : i32
    %dma_start3A_1433 = arith.constant 2 : i32
    %dma_start3A_1434 = arith.constant 2 : i32
    %dma_start3A_1435 = arith.constant 100 : i32
    %dma_start3A_1436 = arith.constant 0 : i32
    %dma_start3A_1437 = tpu.memref_slice %arg6[%dma_start3A_1433, %dma_start3A_1435, %dma_start3A_1436] : memref<4x200x64xf32, #tpu.memory_space<vmem>> -> memref<1x50x64xf32, #tpu.memory_space<vmem>>
    %dma_start3A_1438 = tpu.memref_squeeze %dma_start3A_1437 : memref<1x50x64xf32, #tpu.memory_space<vmem>> -> memref<50x64xf32, #tpu.memory_space<vmem>>
    %dma_start3A_1439 = arith.constant 0 : i32
    %dma_start3A_1440 = arith.constant 0 : i32
    %dma_start3A_1441 = tpu.memref_slice %arg4[%add3A_1432, %dma_start3A_1439, %dma_start3A_1440] : memref<16384x56x128xf32, #tpu.memory_space<hbm>> -> memref<1x50x64xf32, #tpu.memory_space<hbm>>
    %dma_start3A_1442 = tpu.memref_squeeze %dma_start3A_1441 : memref<1x50x64xf32, #tpu.memory_space<hbm>> -> memref<50x64xf32, #tpu.memory_space<hbm>>
    %dma_start3A_1443 = tpu.memref_slice %arg8[%dma_start3A_1434] : memref<4x!tpu.dma_semaphore, #tpu.memory_space<semaphore_mem>> -> memref<1x!tpu.dma_semaphore, #tpu.memory_space<semaphore_mem>>
    %dma_start3A_1444 = tpu.memref_squeeze %dma_start3A_1443 : memref<1x!tpu.dma_semaphore, #tpu.memory_space<semaphore_mem>> -> memref<!tpu.dma_semaphore, #tpu.memory_space<semaphore_mem>>
    %dma_start3A_1445 = arith.constant 0 : i32
    %dma_start3A_1446 = arith.constant 0 : i32
    %dma_start3A_1447 = tpu.memref_slice %arg4[%add3A_1432, %dma_start3A_1445, %dma_start3A_1446] : memref<16384x56x128xf32, #tpu.memory_space<hbm>> -> memref<1x50x64xf32, #tpu.memory_space<hbm>>
    %dma_start3A_1448 = tpu.memref_squeeze %dma_start3A_1447 : memref<1x50x64xf32, #tpu.memory_space<hbm>> -> memref<50x64xf32, #tpu.memory_space<hbm>>
    %dma_start3A_1449 = arith.constant 100 : i32
    %dma_start3A_1450 = arith.constant 0 : i32
    %dma_start3A_1451 = tpu.memref_slice %arg6[%dma_start3A_1433, %dma_start3A_1449, %dma_start3A_1450] : memref<4x200x64xf32, #tpu.memory_space<vmem>> -> memref<1x50x64xf32, #tpu.memory_space<vmem>>
    %dma_start3A_1452 = tpu.memref_squeeze %dma_start3A_1451 : memref<1x50x64xf32, #tpu.memory_space<vmem>> -> memref<50x64xf32, #tpu.memory_space<vmem>>
    tpu.enqueue_dma source(%dma_start3A_1452 : memref<50x64xf32, #tpu.memory_space<vmem>>) target(%dma_start3A_1448 : memref<50x64xf32, #tpu.memory_space<hbm>>) target_semaphore(%dma_start3A_1444 : memref<!tpu.dma_semaphore, #tpu.memory_space<semaphore_mem>>)
    %add3A_1453 = arith.constant 126 : i32
    %add3A_1454 = arith.addi %mul3A_2, %add3A_1453 : i32
    %mul3A_1455 = arith.constant 4 : i32
    %mul3A_1456 = arith.muli %add3A_1454, %mul3A_1455 : i32
    %add3A_1457 = arith.constant 3 : i32
    %add3A_1458 = arith.addi %mul3A_1456, %add3A_1457 : i32
    %dma_start3A_1459 = arith.constant 2 : i32
    %dma_start3A_1460 = arith.constant 2 : i32
    %dma_start3A_1461 = arith.constant 150 : i32
    %dma_start3A_1462 = arith.constant 0 : i32
    %dma_start3A_1463 = tpu.memref_slice %arg6[%dma_start3A_1459, %dma_start3A_1461, %dma_start3A_1462] : memref<4x200x64xf32, #tpu.memory_space<vmem>> -> memref<1x50x64xf32, #tpu.memory_space<vmem>>
    %dma_start3A_1464 = tpu.memref_squeeze %dma_start3A_1463 : memref<1x50x64xf32, #tpu.memory_space<vmem>> -> memref<50x64xf32, #tpu.memory_space<vmem>>
    %dma_start3A_1465 = arith.constant 0 : i32
    %dma_start3A_1466 = arith.constant 0 : i32
    %dma_start3A_1467 = tpu.memref_slice %arg4[%add3A_1458, %dma_start3A_1465, %dma_start3A_1466] : memref<16384x56x128xf32, #tpu.memory_space<hbm>> -> memref<1x50x64xf32, #tpu.memory_space<hbm>>
    %dma_start3A_1468 = tpu.memref_squeeze %dma_start3A_1467 : memref<1x50x64xf32, #tpu.memory_space<hbm>> -> memref<50x64xf32, #tpu.memory_space<hbm>>
    %dma_start3A_1469 = tpu.memref_slice %arg8[%dma_start3A_1460] : memref<4x!tpu.dma_semaphore, #tpu.memory_space<semaphore_mem>> -> memref<1x!tpu.dma_semaphore, #tpu.memory_space<semaphore_mem>>
    %dma_start3A_1470 = tpu.memref_squeeze %dma_start3A_1469 : memref<1x!tpu.dma_semaphore, #tpu.memory_space<semaphore_mem>> -> memref<!tpu.dma_semaphore, #tpu.memory_space<semaphore_mem>>
    %dma_start3A_1471 = arith.constant 0 : i32
    %dma_start3A_1472 = arith.constant 0 : i32
    %dma_start3A_1473 = tpu.memref_slice %arg4[%add3A_1458, %dma_start3A_1471, %dma_start3A_1472] : memref<16384x56x128xf32, #tpu.memory_space<hbm>> -> memref<1x50x64xf32, #tpu.memory_space<hbm>>
    %dma_start3A_1474 = tpu.memref_squeeze %dma_start3A_1473 : memref<1x50x64xf32, #tpu.memory_space<hbm>> -> memref<50x64xf32, #tpu.memory_space<hbm>>
    %dma_start3A_1475 = arith.constant 150 : i32
    %dma_start3A_1476 = arith.constant 0 : i32
    %dma_start3A_1477 = tpu.memref_slice %arg6[%dma_start3A_1459, %dma_start3A_1475, %dma_start3A_1476] : memref<4x200x64xf32, #tpu.memory_space<vmem>> -> memref<1x50x64xf32, #tpu.memory_space<vmem>>
    %dma_start3A_1478 = tpu.memref_squeeze %dma_start3A_1477 : memref<1x50x64xf32, #tpu.memory_space<vmem>> -> memref<50x64xf32, #tpu.memory_space<vmem>>
    tpu.enqueue_dma source(%dma_start3A_1478 : memref<50x64xf32, #tpu.memory_space<vmem>>) target(%dma_start3A_1474 : memref<50x64xf32, #tpu.memory_space<hbm>>) target_semaphore(%dma_start3A_1470 : memref<!tpu.dma_semaphore, #tpu.memory_space<semaphore_mem>>)
    %add3A_1479 = arith.constant 125 : i32
    %add3A_1480 = arith.addi %mul3A_2, %add3A_1479 : i32
    %mul3A_1481 = arith.constant 4 : i32
    %mul3A_1482 = arith.muli %add3A_1480, %mul3A_1481 : i32
    %add3A_1483 = arith.constant 0 : i32
    %add3A_1484 = arith.addi %mul3A_1482, %add3A_1483 : i32
    %dma_wait3A_1485 = arith.constant 1 : i32
    %dma_wait3A_1486 = arith.constant 1 : i32
    %dma_wait3A_1487 = arith.constant 0 : i32
    %dma_wait3A_1488 = arith.constant 0 : i32
    %dma_wait3A_1489 = tpu.memref_slice %arg6[%dma_wait3A_1485, %dma_wait3A_1487, %dma_wait3A_1488] : memref<4x200x64xf32, #tpu.memory_space<vmem>> -> memref<1x50x64xf32, #tpu.memory_space<vmem>>
    %dma_wait3A_1490 = tpu.memref_squeeze %dma_wait3A_1489 : memref<1x50x64xf32, #tpu.memory_space<vmem>> -> memref<50x64xf32, #tpu.memory_space<vmem>>
    %dma_wait3A_1491 = arith.constant 0 : i32
    %dma_wait3A_1492 = arith.constant 0 : i32
    %dma_wait3A_1493 = tpu.memref_slice %arg4[%add3A_1484, %dma_wait3A_1491, %dma_wait3A_1492] : memref<16384x56x128xf32, #tpu.memory_space<hbm>> -> memref<1x50x64xf32, #tpu.memory_space<hbm>>
    %dma_wait3A_1494 = tpu.memref_squeeze %dma_wait3A_1493 : memref<1x50x64xf32, #tpu.memory_space<hbm>> -> memref<50x64xf32, #tpu.memory_space<hbm>>
    %dma_wait3A_1495 = tpu.memref_slice %arg8[%dma_wait3A_1486] : memref<4x!tpu.dma_semaphore, #tpu.memory_space<semaphore_mem>> -> memref<1x!tpu.dma_semaphore, #tpu.memory_space<semaphore_mem>>
    %dma_wait3A_1496 = tpu.memref_squeeze %dma_wait3A_1495 : memref<1x!tpu.dma_semaphore, #tpu.memory_space<semaphore_mem>> -> memref<!tpu.dma_semaphore, #tpu.memory_space<semaphore_mem>>
    %dma_wait3A_1497 = arith.constant 0 : i32
    %dma_wait3A_1498 = arith.constant 0 : i32
    %dma_wait3A_1499 = tpu.memref_slice %arg4[%add3A_1484, %dma_wait3A_1497, %dma_wait3A_1498] : memref<16384x56x128xf32, #tpu.memory_space<hbm>> -> memref<1x50x64xf32, #tpu.memory_space<hbm>>
    %dma_wait3A_1500 = tpu.memref_squeeze %dma_wait3A_1499 : memref<1x50x64xf32, #tpu.memory_space<hbm>> -> memref<50x64xf32, #tpu.memory_space<hbm>>
    %dma_wait3A_1501 = arith.constant 0 : i32
    %dma_wait3A_1502 = arith.constant 0 : i32
    %dma_wait3A_1503 = tpu.memref_slice %arg6[%dma_wait3A_1485, %dma_wait3A_1501, %dma_wait3A_1502] : memref<4x200x64xf32, #tpu.memory_space<vmem>> -> memref<1x50x64xf32, #tpu.memory_space<vmem>>
    %dma_wait3A_1504 = tpu.memref_squeeze %dma_wait3A_1503 : memref<1x50x64xf32, #tpu.memory_space<vmem>> -> memref<50x64xf32, #tpu.memory_space<vmem>>
    tpu.wait_dma2 semaphore(%dma_wait3A_1496 : memref<!tpu.dma_semaphore, #tpu.memory_space<semaphore_mem>>) src(%dma_wait3A_1504 : memref<50x64xf32, #tpu.memory_space<vmem>>) dst(%dma_wait3A_1500 : memref<50x64xf32, #tpu.memory_space<hbm>>)
    %add3A_1505 = arith.constant 125 : i32
    %add3A_1506 = arith.addi %mul3A_2, %add3A_1505 : i32
    %mul3A_1507 = arith.constant 4 : i32
    %mul3A_1508 = arith.muli %add3A_1506, %mul3A_1507 : i32
    %add3A_1509 = arith.constant 1 : i32
    %add3A_1510 = arith.addi %mul3A_1508, %add3A_1509 : i32
    %dma_wait3A_1511 = arith.constant 1 : i32
    %dma_wait3A_1512 = arith.constant 1 : i32
    %dma_wait3A_1513 = arith.constant 50 : i32
    %dma_wait3A_1514 = arith.constant 0 : i32
    %dma_wait3A_1515 = tpu.memref_slice %arg6[%dma_wait3A_1511, %dma_wait3A_1513, %dma_wait3A_1514] : memref<4x200x64xf32, #tpu.memory_space<vmem>> -> memref<1x50x64xf32, #tpu.memory_space<vmem>>
    %dma_wait3A_1516 = tpu.memref_squeeze %dma_wait3A_1515 : memref<1x50x64xf32, #tpu.memory_space<vmem>> -> memref<50x64xf32, #tpu.memory_space<vmem>>
    %dma_wait3A_1517 = arith.constant 0 : i32
    %dma_wait3A_1518 = arith.constant 0 : i32
    %dma_wait3A_1519 = tpu.memref_slice %arg4[%add3A_1510, %dma_wait3A_1517, %dma_wait3A_1518] : memref<16384x56x128xf32, #tpu.memory_space<hbm>> -> memref<1x50x64xf32, #tpu.memory_space<hbm>>
    %dma_wait3A_1520 = tpu.memref_squeeze %dma_wait3A_1519 : memref<1x50x64xf32, #tpu.memory_space<hbm>> -> memref<50x64xf32, #tpu.memory_space<hbm>>
    %dma_wait3A_1521 = tpu.memref_slice %arg8[%dma_wait3A_1512] : memref<4x!tpu.dma_semaphore, #tpu.memory_space<semaphore_mem>> -> memref<1x!tpu.dma_semaphore, #tpu.memory_space<semaphore_mem>>
    %dma_wait3A_1522 = tpu.memref_squeeze %dma_wait3A_1521 : memref<1x!tpu.dma_semaphore, #tpu.memory_space<semaphore_mem>> -> memref<!tpu.dma_semaphore, #tpu.memory_space<semaphore_mem>>
    %dma_wait3A_1523 = arith.constant 0 : i32
    %dma_wait3A_1524 = arith.constant 0 : i32
    %dma_wait3A_1525 = tpu.memref_slice %arg4[%add3A_1510, %dma_wait3A_1523, %dma_wait3A_1524] : memref<16384x56x128xf32, #tpu.memory_space<hbm>> -> memref<1x50x64xf32, #tpu.memory_space<hbm>>
    %dma_wait3A_1526 = tpu.memref_squeeze %dma_wait3A_1525 : memref<1x50x64xf32, #tpu.memory_space<hbm>> -> memref<50x64xf32, #tpu.memory_space<hbm>>
    %dma_wait3A_1527 = arith.constant 50 : i32
    %dma_wait3A_1528 = arith.constant 0 : i32
    %dma_wait3A_1529 = tpu.memref_slice %arg6[%dma_wait3A_1511, %dma_wait3A_1527, %dma_wait3A_1528] : memref<4x200x64xf32, #tpu.memory_space<vmem>> -> memref<1x50x64xf32, #tpu.memory_space<vmem>>
    %dma_wait3A_1530 = tpu.memref_squeeze %dma_wait3A_1529 : memref<1x50x64xf32, #tpu.memory_space<vmem>> -> memref<50x64xf32, #tpu.memory_space<vmem>>
    tpu.wait_dma2 semaphore(%dma_wait3A_1522 : memref<!tpu.dma_semaphore, #tpu.memory_space<semaphore_mem>>) src(%dma_wait3A_1530 : memref<50x64xf32, #tpu.memory_space<vmem>>) dst(%dma_wait3A_1526 : memref<50x64xf32, #tpu.memory_space<hbm>>)
    %add3A_1531 = arith.constant 125 : i32
    %add3A_1532 = arith.addi %mul3A_2, %add3A_1531 : i32
    %mul3A_1533 = arith.constant 4 : i32
    %mul3A_1534 = arith.muli %add3A_1532, %mul3A_1533 : i32
    %add3A_1535 = arith.constant 2 : i32
    %add3A_1536 = arith.addi %mul3A_1534, %add3A_1535 : i32
    %dma_wait3A_1537 = arith.constant 1 : i32
    %dma_wait3A_1538 = arith.constant 1 : i32
    %dma_wait3A_1539 = arith.constant 100 : i32
    %dma_wait3A_1540 = arith.constant 0 : i32
    %dma_wait3A_1541 = tpu.memref_slice %arg6[%dma_wait3A_1537, %dma_wait3A_1539, %dma_wait3A_1540] : memref<4x200x64xf32, #tpu.memory_space<vmem>> -> memref<1x50x64xf32, #tpu.memory_space<vmem>>
    %dma_wait3A_1542 = tpu.memref_squeeze %dma_wait3A_1541 : memref<1x50x64xf32, #tpu.memory_space<vmem>> -> memref<50x64xf32, #tpu.memory_space<vmem>>
    %dma_wait3A_1543 = arith.constant 0 : i32
    %dma_wait3A_1544 = arith.constant 0 : i32
    %dma_wait3A_1545 = tpu.memref_slice %arg4[%add3A_1536, %dma_wait3A_1543, %dma_wait3A_1544] : memref<16384x56x128xf32, #tpu.memory_space<hbm>> -> memref<1x50x64xf32, #tpu.memory_space<hbm>>
    %dma_wait3A_1546 = tpu.memref_squeeze %dma_wait3A_1545 : memref<1x50x64xf32, #tpu.memory_space<hbm>> -> memref<50x64xf32, #tpu.memory_space<hbm>>
    %dma_wait3A_1547 = tpu.memref_slice %arg8[%dma_wait3A_1538] : memref<4x!tpu.dma_semaphore, #tpu.memory_space<semaphore_mem>> -> memref<1x!tpu.dma_semaphore, #tpu.memory_space<semaphore_mem>>
    %dma_wait3A_1548 = tpu.memref_squeeze %dma_wait3A_1547 : memref<1x!tpu.dma_semaphore, #tpu.memory_space<semaphore_mem>> -> memref<!tpu.dma_semaphore, #tpu.memory_space<semaphore_mem>>
    %dma_wait3A_1549 = arith.constant 0 : i32
    %dma_wait3A_1550 = arith.constant 0 : i32
    %dma_wait3A_1551 = tpu.memref_slice %arg4[%add3A_1536, %dma_wait3A_1549, %dma_wait3A_1550] : memref<16384x56x128xf32, #tpu.memory_space<hbm>> -> memref<1x50x64xf32, #tpu.memory_space<hbm>>
    %dma_wait3A_1552 = tpu.memref_squeeze %dma_wait3A_1551 : memref<1x50x64xf32, #tpu.memory_space<hbm>> -> memref<50x64xf32, #tpu.memory_space<hbm>>
    %dma_wait3A_1553 = arith.constant 100 : i32
    %dma_wait3A_1554 = arith.constant 0 : i32
    %dma_wait3A_1555 = tpu.memref_slice %arg6[%dma_wait3A_1537, %dma_wait3A_1553, %dma_wait3A_1554] : memref<4x200x64xf32, #tpu.memory_space<vmem>> -> memref<1x50x64xf32, #tpu.memory_space<vmem>>
    %dma_wait3A_1556 = tpu.memref_squeeze %dma_wait3A_1555 : memref<1x50x64xf32, #tpu.memory_space<vmem>> -> memref<50x64xf32, #tpu.memory_space<vmem>>
    tpu.wait_dma2 semaphore(%dma_wait3A_1548 : memref<!tpu.dma_semaphore, #tpu.memory_space<semaphore_mem>>) src(%dma_wait3A_1556 : memref<50x64xf32, #tpu.memory_space<vmem>>) dst(%dma_wait3A_1552 : memref<50x64xf32, #tpu.memory_space<hbm>>)
    %add3A_1557 = arith.constant 125 : i32
    %add3A_1558 = arith.addi %mul3A_2, %add3A_1557 : i32
    %mul3A_1559 = arith.constant 4 : i32
    %mul3A_1560 = arith.muli %add3A_1558, %mul3A_1559 : i32
    %add3A_1561 = arith.constant 3 : i32
    %add3A_1562 = arith.addi %mul3A_1560, %add3A_1561 : i32
    %dma_wait3A_1563 = arith.constant 1 : i32
    %dma_wait3A_1564 = arith.constant 1 : i32
    %dma_wait3A_1565 = arith.constant 150 : i32
    %dma_wait3A_1566 = arith.constant 0 : i32
    %dma_wait3A_1567 = tpu.memref_slice %arg6[%dma_wait3A_1563, %dma_wait3A_1565, %dma_wait3A_1566] : memref<4x200x64xf32, #tpu.memory_space<vmem>> -> memref<1x50x64xf32, #tpu.memory_space<vmem>>
    %dma_wait3A_1568 = tpu.memref_squeeze %dma_wait3A_1567 : memref<1x50x64xf32, #tpu.memory_space<vmem>> -> memref<50x64xf32, #tpu.memory_space<vmem>>
    %dma_wait3A_1569 = arith.constant 0 : i32
    %dma_wait3A_1570 = arith.constant 0 : i32
    %dma_wait3A_1571 = tpu.memref_slice %arg4[%add3A_1562, %dma_wait3A_1569, %dma_wait3A_1570] : memref<16384x56x128xf32, #tpu.memory_space<hbm>> -> memref<1x50x64xf32, #tpu.memory_space<hbm>>
    %dma_wait3A_1572 = tpu.memref_squeeze %dma_wait3A_1571 : memref<1x50x64xf32, #tpu.memory_space<hbm>> -> memref<50x64xf32, #tpu.memory_space<hbm>>
    %dma_wait3A_1573 = tpu.memref_slice %arg8[%dma_wait3A_1564] : memref<4x!tpu.dma_semaphore, #tpu.memory_space<semaphore_mem>> -> memref<1x!tpu.dma_semaphore, #tpu.memory_space<semaphore_mem>>
    %dma_wait3A_1574 = tpu.memref_squeeze %dma_wait3A_1573 : memref<1x!tpu.dma_semaphore, #tpu.memory_space<semaphore_mem>> -> memref<!tpu.dma_semaphore, #tpu.memory_space<semaphore_mem>>
    %dma_wait3A_1575 = arith.constant 0 : i32
    %dma_wait3A_1576 = arith.constant 0 : i32
    %dma_wait3A_1577 = tpu.memref_slice %arg4[%add3A_1562, %dma_wait3A_1575, %dma_wait3A_1576] : memref<16384x56x128xf32, #tpu.memory_space<hbm>> -> memref<1x50x64xf32, #tpu.memory_space<hbm>>
    %dma_wait3A_1578 = tpu.memref_squeeze %dma_wait3A_1577 : memref<1x50x64xf32, #tpu.memory_space<hbm>> -> memref<50x64xf32, #tpu.memory_space<hbm>>
    %dma_wait3A_1579 = arith.constant 150 : i32
    %dma_wait3A_1580 = arith.constant 0 : i32
    %dma_wait3A_1581 = tpu.memref_slice %arg6[%dma_wait3A_1563, %dma_wait3A_1579, %dma_wait3A_1580] : memref<4x200x64xf32, #tpu.memory_space<vmem>> -> memref<1x50x64xf32, #tpu.memory_space<vmem>>
    %dma_wait3A_1582 = tpu.memref_squeeze %dma_wait3A_1581 : memref<1x50x64xf32, #tpu.memory_space<vmem>> -> memref<50x64xf32, #tpu.memory_space<vmem>>
    tpu.wait_dma2 semaphore(%dma_wait3A_1574 : memref<!tpu.dma_semaphore, #tpu.memory_space<semaphore_mem>>) src(%dma_wait3A_1582 : memref<50x64xf32, #tpu.memory_space<vmem>>) dst(%dma_wait3A_1578 : memref<50x64xf32, #tpu.memory_space<hbm>>)
    %dma_wait3A_1583 = arith.constant 127 : i32
    %dma_wait3A_1584 = arith.constant 3 : i32
    %dma_wait3A_1585 = arith.constant 3 : i32
    %dma_wait3A_1586 = arith.constant 0 : i32
    %dma_wait3A_1587 = arith.constant 0 : i32
    %dma_wait3A_1588 = tpu.memref_slice %arg6[%dma_wait3A_1584, %dma_wait3A_1586, %dma_wait3A_1587] : memref<4x200x64xf32, #tpu.memory_space<vmem>> -> memref<1x200x64xf32, #tpu.memory_space<vmem>>
    %dma_wait3A_1589 = tpu.memref_squeeze %dma_wait3A_1588 : memref<1x200x64xf32, #tpu.memory_space<vmem>> -> memref<200x64xf32, #tpu.memory_space<vmem>>
    %dma_wait3A_1590 = arith.constant 0 : i32
    %dma_wait3A_1591 = tpu.memref_slice %arg5[%dma_wait3A_1583, %dma_wait3A_1590] : memref<128x200xi32, #tpu.memory_space<vmem>> -> memref<1x200xi32, #tpu.memory_space<vmem>>
    %dma_wait3A_1592 = tpu.memref_squeeze %dma_wait3A_1591 : memref<1x200xi32, #tpu.memory_space<vmem>> -> memref<200xi32, #tpu.memory_space<vmem>>
    %dma_wait3A_1593 = arith.constant 0 : i32
    %dma_wait3A_1594 = arith.constant 0 : i32
    %dma_wait3A_1595 = tpu.memref_slice %arg3[%dma_wait3A_1593, %dma_wait3A_1594] : memref<1000000x64xf32, #tpu.memory_space<hbm>> -> memref<1000000x64xf32, #tpu.memory_space<hbm>>
    %dma_wait3A_1596 = tpu.memref_slice %arg7[%dma_wait3A_1585] : memref<4x!tpu.dma_semaphore, #tpu.memory_space<semaphore_mem>> -> memref<1x!tpu.dma_semaphore, #tpu.memory_space<semaphore_mem>>
    %dma_wait3A_1597 = tpu.memref_squeeze %dma_wait3A_1596 : memref<1x!tpu.dma_semaphore, #tpu.memory_space<semaphore_mem>> -> memref<!tpu.dma_semaphore, #tpu.memory_space<semaphore_mem>>
    tpu.wait_indirect_dma semaphore(%dma_wait3A_1597 : memref<!tpu.dma_semaphore, #tpu.memory_space<semaphore_mem>>) src(%dma_wait3A_1595 : memref<1000000x64xf32, #tpu.memory_space<hbm>>) dst(%dma_wait3A_1589 : memref<200x64xf32, #tpu.memory_space<vmem>>)
    %add3A_1598 = arith.constant 127 : i32
    %add3A_1599 = arith.addi %mul3A_2, %add3A_1598 : i32
    %mul3A_1600 = arith.constant 4 : i32
    %mul3A_1601 = arith.muli %add3A_1599, %mul3A_1600 : i32
    %add3A_1602 = arith.constant 0 : i32
    %add3A_1603 = arith.addi %mul3A_1601, %add3A_1602 : i32
    %dma_start3A_1604 = arith.constant 3 : i32
    %dma_start3A_1605 = arith.constant 3 : i32
    %dma_start3A_1606 = arith.constant 0 : i32
    %dma_start3A_1607 = arith.constant 0 : i32
    %dma_start3A_1608 = tpu.memref_slice %arg6[%dma_start3A_1604, %dma_start3A_1606, %dma_start3A_1607] : memref<4x200x64xf32, #tpu.memory_space<vmem>> -> memref<1x50x64xf32, #tpu.memory_space<vmem>>
    %dma_start3A_1609 = tpu.memref_squeeze %dma_start3A_1608 : memref<1x50x64xf32, #tpu.memory_space<vmem>> -> memref<50x64xf32, #tpu.memory_space<vmem>>
    %dma_start3A_1610 = arith.constant 0 : i32
    %dma_start3A_1611 = arith.constant 0 : i32
    %dma_start3A_1612 = tpu.memref_slice %arg4[%add3A_1603, %dma_start3A_1610, %dma_start3A_1611] : memref<16384x56x128xf32, #tpu.memory_space<hbm>> -> memref<1x50x64xf32, #tpu.memory_space<hbm>>
    %dma_start3A_1613 = tpu.memref_squeeze %dma_start3A_1612 : memref<1x50x64xf32, #tpu.memory_space<hbm>> -> memref<50x64xf32, #tpu.memory_space<hbm>>
    %dma_start3A_1614 = tpu.memref_slice %arg8[%dma_start3A_1605] : memref<4x!tpu.dma_semaphore, #tpu.memory_space<semaphore_mem>> -> memref<1x!tpu.dma_semaphore, #tpu.memory_space<semaphore_mem>>
    %dma_start3A_1615 = tpu.memref_squeeze %dma_start3A_1614 : memref<1x!tpu.dma_semaphore, #tpu.memory_space<semaphore_mem>> -> memref<!tpu.dma_semaphore, #tpu.memory_space<semaphore_mem>>
    %dma_start3A_1616 = arith.constant 0 : i32
    %dma_start3A_1617 = arith.constant 0 : i32
    %dma_start3A_1618 = tpu.memref_slice %arg4[%add3A_1603, %dma_start3A_1616, %dma_start3A_1617] : memref<16384x56x128xf32, #tpu.memory_space<hbm>> -> memref<1x50x64xf32, #tpu.memory_space<hbm>>
    %dma_start3A_1619 = tpu.memref_squeeze %dma_start3A_1618 : memref<1x50x64xf32, #tpu.memory_space<hbm>> -> memref<50x64xf32, #tpu.memory_space<hbm>>
    %dma_start3A_1620 = arith.constant 0 : i32
    %dma_start3A_1621 = arith.constant 0 : i32
    %dma_start3A_1622 = tpu.memref_slice %arg6[%dma_start3A_1604, %dma_start3A_1620, %dma_start3A_1621] : memref<4x200x64xf32, #tpu.memory_space<vmem>> -> memref<1x50x64xf32, #tpu.memory_space<vmem>>
    %dma_start3A_1623 = tpu.memref_squeeze %dma_start3A_1622 : memref<1x50x64xf32, #tpu.memory_space<vmem>> -> memref<50x64xf32, #tpu.memory_space<vmem>>
    tpu.enqueue_dma source(%dma_start3A_1623 : memref<50x64xf32, #tpu.memory_space<vmem>>) target(%dma_start3A_1619 : memref<50x64xf32, #tpu.memory_space<hbm>>) target_semaphore(%dma_start3A_1615 : memref<!tpu.dma_semaphore, #tpu.memory_space<semaphore_mem>>)
    %add3A_1624 = arith.constant 127 : i32
    %add3A_1625 = arith.addi %mul3A_2, %add3A_1624 : i32
    %mul3A_1626 = arith.constant 4 : i32
    %mul3A_1627 = arith.muli %add3A_1625, %mul3A_1626 : i32
    %add3A_1628 = arith.constant 1 : i32
    %add3A_1629 = arith.addi %mul3A_1627, %add3A_1628 : i32
    %dma_start3A_1630 = arith.constant 3 : i32
    %dma_start3A_1631 = arith.constant 3 : i32
    %dma_start3A_1632 = arith.constant 50 : i32
    %dma_start3A_1633 = arith.constant 0 : i32
    %dma_start3A_1634 = tpu.memref_slice %arg6[%dma_start3A_1630, %dma_start3A_1632, %dma_start3A_1633] : memref<4x200x64xf32, #tpu.memory_space<vmem>> -> memref<1x50x64xf32, #tpu.memory_space<vmem>>
    %dma_start3A_1635 = tpu.memref_squeeze %dma_start3A_1634 : memref<1x50x64xf32, #tpu.memory_space<vmem>> -> memref<50x64xf32, #tpu.memory_space<vmem>>
    %dma_start3A_1636 = arith.constant 0 : i32
    %dma_start3A_1637 = arith.constant 0 : i32
    %dma_start3A_1638 = tpu.memref_slice %arg4[%add3A_1629, %dma_start3A_1636, %dma_start3A_1637] : memref<16384x56x128xf32, #tpu.memory_space<hbm>> -> memref<1x50x64xf32, #tpu.memory_space<hbm>>
    %dma_start3A_1639 = tpu.memref_squeeze %dma_start3A_1638 : memref<1x50x64xf32, #tpu.memory_space<hbm>> -> memref<50x64xf32, #tpu.memory_space<hbm>>
    %dma_start3A_1640 = tpu.memref_slice %arg8[%dma_start3A_1631] : memref<4x!tpu.dma_semaphore, #tpu.memory_space<semaphore_mem>> -> memref<1x!tpu.dma_semaphore, #tpu.memory_space<semaphore_mem>>
    %dma_start3A_1641 = tpu.memref_squeeze %dma_start3A_1640 : memref<1x!tpu.dma_semaphore, #tpu.memory_space<semaphore_mem>> -> memref<!tpu.dma_semaphore, #tpu.memory_space<semaphore_mem>>
    %dma_start3A_1642 = arith.constant 0 : i32
    %dma_start3A_1643 = arith.constant 0 : i32
    %dma_start3A_1644 = tpu.memref_slice %arg4[%add3A_1629, %dma_start3A_1642, %dma_start3A_1643] : memref<16384x56x128xf32, #tpu.memory_space<hbm>> -> memref<1x50x64xf32, #tpu.memory_space<hbm>>
    %dma_start3A_1645 = tpu.memref_squeeze %dma_start3A_1644 : memref<1x50x64xf32, #tpu.memory_space<hbm>> -> memref<50x64xf32, #tpu.memory_space<hbm>>
    %dma_start3A_1646 = arith.constant 50 : i32
    %dma_start3A_1647 = arith.constant 0 : i32
    %dma_start3A_1648 = tpu.memref_slice %arg6[%dma_start3A_1630, %dma_start3A_1646, %dma_start3A_1647] : memref<4x200x64xf32, #tpu.memory_space<vmem>> -> memref<1x50x64xf32, #tpu.memory_space<vmem>>
    %dma_start3A_1649 = tpu.memref_squeeze %dma_start3A_1648 : memref<1x50x64xf32, #tpu.memory_space<vmem>> -> memref<50x64xf32, #tpu.memory_space<vmem>>
    tpu.enqueue_dma source(%dma_start3A_1649 : memref<50x64xf32, #tpu.memory_space<vmem>>) target(%dma_start3A_1645 : memref<50x64xf32, #tpu.memory_space<hbm>>) target_semaphore(%dma_start3A_1641 : memref<!tpu.dma_semaphore, #tpu.memory_space<semaphore_mem>>)
    %add3A_1650 = arith.constant 127 : i32
    %add3A_1651 = arith.addi %mul3A_2, %add3A_1650 : i32
    %mul3A_1652 = arith.constant 4 : i32
    %mul3A_1653 = arith.muli %add3A_1651, %mul3A_1652 : i32
    %add3A_1654 = arith.constant 2 : i32
    %add3A_1655 = arith.addi %mul3A_1653, %add3A_1654 : i32
    %dma_start3A_1656 = arith.constant 3 : i32
    %dma_start3A_1657 = arith.constant 3 : i32
    %dma_start3A_1658 = arith.constant 100 : i32
    %dma_start3A_1659 = arith.constant 0 : i32
    %dma_start3A_1660 = tpu.memref_slice %arg6[%dma_start3A_1656, %dma_start3A_1658, %dma_start3A_1659] : memref<4x200x64xf32, #tpu.memory_space<vmem>> -> memref<1x50x64xf32, #tpu.memory_space<vmem>>
    %dma_start3A_1661 = tpu.memref_squeeze %dma_start3A_1660 : memref<1x50x64xf32, #tpu.memory_space<vmem>> -> memref<50x64xf32, #tpu.memory_space<vmem>>
    %dma_start3A_1662 = arith.constant 0 : i32
    %dma_start3A_1663 = arith.constant 0 : i32
    %dma_start3A_1664 = tpu.memref_slice %arg4[%add3A_1655, %dma_start3A_1662, %dma_start3A_1663] : memref<16384x56x128xf32, #tpu.memory_space<hbm>> -> memref<1x50x64xf32, #tpu.memory_space<hbm>>
    %dma_start3A_1665 = tpu.memref_squeeze %dma_start3A_1664 : memref<1x50x64xf32, #tpu.memory_space<hbm>> -> memref<50x64xf32, #tpu.memory_space<hbm>>
    %dma_start3A_1666 = tpu.memref_slice %arg8[%dma_start3A_1657] : memref<4x!tpu.dma_semaphore, #tpu.memory_space<semaphore_mem>> -> memref<1x!tpu.dma_semaphore, #tpu.memory_space<semaphore_mem>>
    %dma_start3A_1667 = tpu.memref_squeeze %dma_start3A_1666 : memref<1x!tpu.dma_semaphore, #tpu.memory_space<semaphore_mem>> -> memref<!tpu.dma_semaphore, #tpu.memory_space<semaphore_mem>>
    %dma_start3A_1668 = arith.constant 0 : i32
    %dma_start3A_1669 = arith.constant 0 : i32
    %dma_start3A_1670 = tpu.memref_slice %arg4[%add3A_1655, %dma_start3A_1668, %dma_start3A_1669] : memref<16384x56x128xf32, #tpu.memory_space<hbm>> -> memref<1x50x64xf32, #tpu.memory_space<hbm>>
    %dma_start3A_1671 = tpu.memref_squeeze %dma_start3A_1670 : memref<1x50x64xf32, #tpu.memory_space<hbm>> -> memref<50x64xf32, #tpu.memory_space<hbm>>
    %dma_start3A_1672 = arith.constant 100 : i32
    %dma_start3A_1673 = arith.constant 0 : i32
    %dma_start3A_1674 = tpu.memref_slice %arg6[%dma_start3A_1656, %dma_start3A_1672, %dma_start3A_1673] : memref<4x200x64xf32, #tpu.memory_space<vmem>> -> memref<1x50x64xf32, #tpu.memory_space<vmem>>
    %dma_start3A_1675 = tpu.memref_squeeze %dma_start3A_1674 : memref<1x50x64xf32, #tpu.memory_space<vmem>> -> memref<50x64xf32, #tpu.memory_space<vmem>>
    tpu.enqueue_dma source(%dma_start3A_1675 : memref<50x64xf32, #tpu.memory_space<vmem>>) target(%dma_start3A_1671 : memref<50x64xf32, #tpu.memory_space<hbm>>) target_semaphore(%dma_start3A_1667 : memref<!tpu.dma_semaphore, #tpu.memory_space<semaphore_mem>>)
    %add3A_1676 = arith.constant 127 : i32
    %add3A_1677 = arith.addi %mul3A_2, %add3A_1676 : i32
    %mul3A_1678 = arith.constant 4 : i32
    %mul3A_1679 = arith.muli %add3A_1677, %mul3A_1678 : i32
    %add3A_1680 = arith.constant 3 : i32
    %add3A_1681 = arith.addi %mul3A_1679, %add3A_1680 : i32
    %dma_start3A_1682 = arith.constant 3 : i32
    %dma_start3A_1683 = arith.constant 3 : i32
    %dma_start3A_1684 = arith.constant 150 : i32
    %dma_start3A_1685 = arith.constant 0 : i32
    %dma_start3A_1686 = tpu.memref_slice %arg6[%dma_start3A_1682, %dma_start3A_1684, %dma_start3A_1685] : memref<4x200x64xf32, #tpu.memory_space<vmem>> -> memref<1x50x64xf32, #tpu.memory_space<vmem>>
    %dma_start3A_1687 = tpu.memref_squeeze %dma_start3A_1686 : memref<1x50x64xf32, #tpu.memory_space<vmem>> -> memref<50x64xf32, #tpu.memory_space<vmem>>
    %dma_start3A_1688 = arith.constant 0 : i32
    %dma_start3A_1689 = arith.constant 0 : i32
    %dma_start3A_1690 = tpu.memref_slice %arg4[%add3A_1681, %dma_start3A_1688, %dma_start3A_1689] : memref<16384x56x128xf32, #tpu.memory_space<hbm>> -> memref<1x50x64xf32, #tpu.memory_space<hbm>>
    %dma_start3A_1691 = tpu.memref_squeeze %dma_start3A_1690 : memref<1x50x64xf32, #tpu.memory_space<hbm>> -> memref<50x64xf32, #tpu.memory_space<hbm>>
    %dma_start3A_1692 = tpu.memref_slice %arg8[%dma_start3A_1683] : memref<4x!tpu.dma_semaphore, #tpu.memory_space<semaphore_mem>> -> memref<1x!tpu.dma_semaphore, #tpu.memory_space<semaphore_mem>>
    %dma_start3A_1693 = tpu.memref_squeeze %dma_start3A_1692 : memref<1x!tpu.dma_semaphore, #tpu.memory_space<semaphore_mem>> -> memref<!tpu.dma_semaphore, #tpu.memory_space<semaphore_mem>>
    %dma_start3A_1694 = arith.constant 0 : i32
    %dma_start3A_1695 = arith.constant 0 : i32
    %dma_start3A_1696 = tpu.memref_slice %arg4[%add3A_1681, %dma_start3A_1694, %dma_start3A_1695] : memref<16384x56x128xf32, #tpu.memory_space<hbm>> -> memref<1x50x64xf32, #tpu.memory_space<hbm>>
    %dma_start3A_1697 = tpu.memref_squeeze %dma_start3A_1696 : memref<1x50x64xf32, #tpu.memory_space<hbm>> -> memref<50x64xf32, #tpu.memory_space<hbm>>
    %dma_start3A_1698 = arith.constant 150 : i32
    %dma_start3A_1699 = arith.constant 0 : i32
    %dma_start3A_1700 = tpu.memref_slice %arg6[%dma_start3A_1682, %dma_start3A_1698, %dma_start3A_1699] : memref<4x200x64xf32, #tpu.memory_space<vmem>> -> memref<1x50x64xf32, #tpu.memory_space<vmem>>
    %dma_start3A_1701 = tpu.memref_squeeze %dma_start3A_1700 : memref<1x50x64xf32, #tpu.memory_space<vmem>> -> memref<50x64xf32, #tpu.memory_space<vmem>>
    tpu.enqueue_dma source(%dma_start3A_1701 : memref<50x64xf32, #tpu.memory_space<vmem>>) target(%dma_start3A_1697 : memref<50x64xf32, #tpu.memory_space<hbm>>) target_semaphore(%dma_start3A_1693 : memref<!tpu.dma_semaphore, #tpu.memory_space<semaphore_mem>>)
    %add3A_1702 = arith.constant 126 : i32
    %add3A_1703 = arith.addi %mul3A_2, %add3A_1702 : i32
    %mul3A_1704 = arith.constant 4 : i32
    %mul3A_1705 = arith.muli %add3A_1703, %mul3A_1704 : i32
    %add3A_1706 = arith.constant 0 : i32
    %add3A_1707 = arith.addi %mul3A_1705, %add3A_1706 : i32
    %dma_wait3A_1708 = arith.constant 2 : i32
    %dma_wait3A_1709 = arith.constant 2 : i32
    %dma_wait3A_1710 = arith.constant 0 : i32
    %dma_wait3A_1711 = arith.constant 0 : i32
    %dma_wait3A_1712 = tpu.memref_slice %arg6[%dma_wait3A_1708, %dma_wait3A_1710, %dma_wait3A_1711] : memref<4x200x64xf32, #tpu.memory_space<vmem>> -> memref<1x50x64xf32, #tpu.memory_space<vmem>>
    %dma_wait3A_1713 = tpu.memref_squeeze %dma_wait3A_1712 : memref<1x50x64xf32, #tpu.memory_space<vmem>> -> memref<50x64xf32, #tpu.memory_space<vmem>>
    %dma_wait3A_1714 = arith.constant 0 : i32
    %dma_wait3A_1715 = arith.constant 0 : i32
    %dma_wait3A_1716 = tpu.memref_slice %arg4[%add3A_1707, %dma_wait3A_1714, %dma_wait3A_1715] : memref<16384x56x128xf32, #tpu.memory_space<hbm>> -> memref<1x50x64xf32, #tpu.memory_space<hbm>>
    %dma_wait3A_1717 = tpu.memref_squeeze %dma_wait3A_1716 : memref<1x50x64xf32, #tpu.memory_space<hbm>> -> memref<50x64xf32, #tpu.memory_space<hbm>>
    %dma_wait3A_1718 = tpu.memref_slice %arg8[%dma_wait3A_1709] : memref<4x!tpu.dma_semaphore, #tpu.memory_space<semaphore_mem>> -> memref<1x!tpu.dma_semaphore, #tpu.memory_space<semaphore_mem>>
    %dma_wait3A_1719 = tpu.memref_squeeze %dma_wait3A_1718 : memref<1x!tpu.dma_semaphore, #tpu.memory_space<semaphore_mem>> -> memref<!tpu.dma_semaphore, #tpu.memory_space<semaphore_mem>>
    %dma_wait3A_1720 = arith.constant 0 : i32
    %dma_wait3A_1721 = arith.constant 0 : i32
    %dma_wait3A_1722 = tpu.memref_slice %arg4[%add3A_1707, %dma_wait3A_1720, %dma_wait3A_1721] : memref<16384x56x128xf32, #tpu.memory_space<hbm>> -> memref<1x50x64xf32, #tpu.memory_space<hbm>>
    %dma_wait3A_1723 = tpu.memref_squeeze %dma_wait3A_1722 : memref<1x50x64xf32, #tpu.memory_space<hbm>> -> memref<50x64xf32, #tpu.memory_space<hbm>>
    %dma_wait3A_1724 = arith.constant 0 : i32
    %dma_wait3A_1725 = arith.constant 0 : i32
    %dma_wait3A_1726 = tpu.memref_slice %arg6[%dma_wait3A_1708, %dma_wait3A_1724, %dma_wait3A_1725] : memref<4x200x64xf32, #tpu.memory_space<vmem>> -> memref<1x50x64xf32, #tpu.memory_space<vmem>>
    %dma_wait3A_1727 = tpu.memref_squeeze %dma_wait3A_1726 : memref<1x50x64xf32, #tpu.memory_space<vmem>> -> memref<50x64xf32, #tpu.memory_space<vmem>>
    tpu.wait_dma2 semaphore(%dma_wait3A_1719 : memref<!tpu.dma_semaphore, #tpu.memory_space<semaphore_mem>>) src(%dma_wait3A_1727 : memref<50x64xf32, #tpu.memory_space<vmem>>) dst(%dma_wait3A_1723 : memref<50x64xf32, #tpu.memory_space<hbm>>)
    %add3A_1728 = arith.constant 126 : i32
    %add3A_1729 = arith.addi %mul3A_2, %add3A_1728 : i32
    %mul3A_1730 = arith.constant 4 : i32
    %mul3A_1731 = arith.muli %add3A_1729, %mul3A_1730 : i32
    %add3A_1732 = arith.constant 1 : i32
    %add3A_1733 = arith.addi %mul3A_1731, %add3A_1732 : i32
    %dma_wait3A_1734 = arith.constant 2 : i32
    %dma_wait3A_1735 = arith.constant 2 : i32
    %dma_wait3A_1736 = arith.constant 50 : i32
    %dma_wait3A_1737 = arith.constant 0 : i32
    %dma_wait3A_1738 = tpu.memref_slice %arg6[%dma_wait3A_1734, %dma_wait3A_1736, %dma_wait3A_1737] : memref<4x200x64xf32, #tpu.memory_space<vmem>> -> memref<1x50x64xf32, #tpu.memory_space<vmem>>
    %dma_wait3A_1739 = tpu.memref_squeeze %dma_wait3A_1738 : memref<1x50x64xf32, #tpu.memory_space<vmem>> -> memref<50x64xf32, #tpu.memory_space<vmem>>
    %dma_wait3A_1740 = arith.constant 0 : i32
    %dma_wait3A_1741 = arith.constant 0 : i32
    %dma_wait3A_1742 = tpu.memref_slice %arg4[%add3A_1733, %dma_wait3A_1740, %dma_wait3A_1741] : memref<16384x56x128xf32, #tpu.memory_space<hbm>> -> memref<1x50x64xf32, #tpu.memory_space<hbm>>
    %dma_wait3A_1743 = tpu.memref_squeeze %dma_wait3A_1742 : memref<1x50x64xf32, #tpu.memory_space<hbm>> -> memref<50x64xf32, #tpu.memory_space<hbm>>
    %dma_wait3A_1744 = tpu.memref_slice %arg8[%dma_wait3A_1735] : memref<4x!tpu.dma_semaphore, #tpu.memory_space<semaphore_mem>> -> memref<1x!tpu.dma_semaphore, #tpu.memory_space<semaphore_mem>>
    %dma_wait3A_1745 = tpu.memref_squeeze %dma_wait3A_1744 : memref<1x!tpu.dma_semaphore, #tpu.memory_space<semaphore_mem>> -> memref<!tpu.dma_semaphore, #tpu.memory_space<semaphore_mem>>
    %dma_wait3A_1746 = arith.constant 0 : i32
    %dma_wait3A_1747 = arith.constant 0 : i32
    %dma_wait3A_1748 = tpu.memref_slice %arg4[%add3A_1733, %dma_wait3A_1746, %dma_wait3A_1747] : memref<16384x56x128xf32, #tpu.memory_space<hbm>> -> memref<1x50x64xf32, #tpu.memory_space<hbm>>
    %dma_wait3A_1749 = tpu.memref_squeeze %dma_wait3A_1748 : memref<1x50x64xf32, #tpu.memory_space<hbm>> -> memref<50x64xf32, #tpu.memory_space<hbm>>
    %dma_wait3A_1750 = arith.constant 50 : i32
    %dma_wait3A_1751 = arith.constant 0 : i32
    %dma_wait3A_1752 = tpu.memref_slice %arg6[%dma_wait3A_1734, %dma_wait3A_1750, %dma_wait3A_1751] : memref<4x200x64xf32, #tpu.memory_space<vmem>> -> memref<1x50x64xf32, #tpu.memory_space<vmem>>
    %dma_wait3A_1753 = tpu.memref_squeeze %dma_wait3A_1752 : memref<1x50x64xf32, #tpu.memory_space<vmem>> -> memref<50x64xf32, #tpu.memory_space<vmem>>
    tpu.wait_dma2 semaphore(%dma_wait3A_1745 : memref<!tpu.dma_semaphore, #tpu.memory_space<semaphore_mem>>) src(%dma_wait3A_1753 : memref<50x64xf32, #tpu.memory_space<vmem>>) dst(%dma_wait3A_1749 : memref<50x64xf32, #tpu.memory_space<hbm>>)
    %add3A_1754 = arith.constant 126 : i32
    %add3A_1755 = arith.addi %mul3A_2, %add3A_1754 : i32
    %mul3A_1756 = arith.constant 4 : i32
    %mul3A_1757 = arith.muli %add3A_1755, %mul3A_1756 : i32
    %add3A_1758 = arith.constant 2 : i32
    %add3A_1759 = arith.addi %mul3A_1757, %add3A_1758 : i32
    %dma_wait3A_1760 = arith.constant 2 : i32
    %dma_wait3A_1761 = arith.constant 2 : i32
    %dma_wait3A_1762 = arith.constant 100 : i32
    %dma_wait3A_1763 = arith.constant 0 : i32
    %dma_wait3A_1764 = tpu.memref_slice %arg6[%dma_wait3A_1760, %dma_wait3A_1762, %dma_wait3A_1763] : memref<4x200x64xf32, #tpu.memory_space<vmem>> -> memref<1x50x64xf32, #tpu.memory_space<vmem>>
    %dma_wait3A_1765 = tpu.memref_squeeze %dma_wait3A_1764 : memref<1x50x64xf32, #tpu.memory_space<vmem>> -> memref<50x64xf32, #tpu.memory_space<vmem>>
    %dma_wait3A_1766 = arith.constant 0 : i32
    %dma_wait3A_1767 = arith.constant 0 : i32
    %dma_wait3A_1768 = tpu.memref_slice %arg4[%add3A_1759, %dma_wait3A_1766, %dma_wait3A_1767] : memref<16384x56x128xf32, #tpu.memory_space<hbm>> -> memref<1x50x64xf32, #tpu.memory_space<hbm>>
    %dma_wait3A_1769 = tpu.memref_squeeze %dma_wait3A_1768 : memref<1x50x64xf32, #tpu.memory_space<hbm>> -> memref<50x64xf32, #tpu.memory_space<hbm>>
    %dma_wait3A_1770 = tpu.memref_slice %arg8[%dma_wait3A_1761] : memref<4x!tpu.dma_semaphore, #tpu.memory_space<semaphore_mem>> -> memref<1x!tpu.dma_semaphore, #tpu.memory_space<semaphore_mem>>
    %dma_wait3A_1771 = tpu.memref_squeeze %dma_wait3A_1770 : memref<1x!tpu.dma_semaphore, #tpu.memory_space<semaphore_mem>> -> memref<!tpu.dma_semaphore, #tpu.memory_space<semaphore_mem>>
    %dma_wait3A_1772 = arith.constant 0 : i32
    %dma_wait3A_1773 = arith.constant 0 : i32
    %dma_wait3A_1774 = tpu.memref_slice %arg4[%add3A_1759, %dma_wait3A_1772, %dma_wait3A_1773] : memref<16384x56x128xf32, #tpu.memory_space<hbm>> -> memref<1x50x64xf32, #tpu.memory_space<hbm>>
    %dma_wait3A_1775 = tpu.memref_squeeze %dma_wait3A_1774 : memref<1x50x64xf32, #tpu.memory_space<hbm>> -> memref<50x64xf32, #tpu.memory_space<hbm>>
    %dma_wait3A_1776 = arith.constant 100 : i32
    %dma_wait3A_1777 = arith.constant 0 : i32
    %dma_wait3A_1778 = tpu.memref_slice %arg6[%dma_wait3A_1760, %dma_wait3A_1776, %dma_wait3A_1777] : memref<4x200x64xf32, #tpu.memory_space<vmem>> -> memref<1x50x64xf32, #tpu.memory_space<vmem>>
    %dma_wait3A_1779 = tpu.memref_squeeze %dma_wait3A_1778 : memref<1x50x64xf32, #tpu.memory_space<vmem>> -> memref<50x64xf32, #tpu.memory_space<vmem>>
    tpu.wait_dma2 semaphore(%dma_wait3A_1771 : memref<!tpu.dma_semaphore, #tpu.memory_space<semaphore_mem>>) src(%dma_wait3A_1779 : memref<50x64xf32, #tpu.memory_space<vmem>>) dst(%dma_wait3A_1775 : memref<50x64xf32, #tpu.memory_space<hbm>>)
    %add3A_1780 = arith.constant 126 : i32
    %add3A_1781 = arith.addi %mul3A_2, %add3A_1780 : i32
    %mul3A_1782 = arith.constant 4 : i32
    %mul3A_1783 = arith.muli %add3A_1781, %mul3A_1782 : i32
    %add3A_1784 = arith.constant 3 : i32
    %add3A_1785 = arith.addi %mul3A_1783, %add3A_1784 : i32
    %dma_wait3A_1786 = arith.constant 2 : i32
    %dma_wait3A_1787 = arith.constant 2 : i32
    %dma_wait3A_1788 = arith.constant 150 : i32
    %dma_wait3A_1789 = arith.constant 0 : i32
    %dma_wait3A_1790 = tpu.memref_slice %arg6[%dma_wait3A_1786, %dma_wait3A_1788, %dma_wait3A_1789] : memref<4x200x64xf32, #tpu.memory_space<vmem>> -> memref<1x50x64xf32, #tpu.memory_space<vmem>>
    %dma_wait3A_1791 = tpu.memref_squeeze %dma_wait3A_1790 : memref<1x50x64xf32, #tpu.memory_space<vmem>> -> memref<50x64xf32, #tpu.memory_space<vmem>>
    %dma_wait3A_1792 = arith.constant 0 : i32
    %dma_wait3A_1793 = arith.constant 0 : i32
    %dma_wait3A_1794 = tpu.memref_slice %arg4[%add3A_1785, %dma_wait3A_1792, %dma_wait3A_1793] : memref<16384x56x128xf32, #tpu.memory_space<hbm>> -> memref<1x50x64xf32, #tpu.memory_space<hbm>>
    %dma_wait3A_1795 = tpu.memref_squeeze %dma_wait3A_1794 : memref<1x50x64xf32, #tpu.memory_space<hbm>> -> memref<50x64xf32, #tpu.memory_space<hbm>>
    %dma_wait3A_1796 = tpu.memref_slice %arg8[%dma_wait3A_1787] : memref<4x!tpu.dma_semaphore, #tpu.memory_space<semaphore_mem>> -> memref<1x!tpu.dma_semaphore, #tpu.memory_space<semaphore_mem>>
    %dma_wait3A_1797 = tpu.memref_squeeze %dma_wait3A_1796 : memref<1x!tpu.dma_semaphore, #tpu.memory_space<semaphore_mem>> -> memref<!tpu.dma_semaphore, #tpu.memory_space<semaphore_mem>>
    %dma_wait3A_1798 = arith.constant 0 : i32
    %dma_wait3A_1799 = arith.constant 0 : i32
    %dma_wait3A_1800 = tpu.memref_slice %arg4[%add3A_1785, %dma_wait3A_1798, %dma_wait3A_1799] : memref<16384x56x128xf32, #tpu.memory_space<hbm>> -> memref<1x50x64xf32, #tpu.memory_space<hbm>>
    %dma_wait3A_1801 = tpu.memref_squeeze %dma_wait3A_1800 : memref<1x50x64xf32, #tpu.memory_space<hbm>> -> memref<50x64xf32, #tpu.memory_space<hbm>>
    %dma_wait3A_1802 = arith.constant 150 : i32
    %dma_wait3A_1803 = arith.constant 0 : i32
    %dma_wait3A_1804 = tpu.memref_slice %arg6[%dma_wait3A_1786, %dma_wait3A_1802, %dma_wait3A_1803] : memref<4x200x64xf32, #tpu.memory_space<vmem>> -> memref<1x50x64xf32, #tpu.memory_space<vmem>>
    %dma_wait3A_1805 = tpu.memref_squeeze %dma_wait3A_1804 : memref<1x50x64xf32, #tpu.memory_space<vmem>> -> memref<50x64xf32, #tpu.memory_space<vmem>>
    tpu.wait_dma2 semaphore(%dma_wait3A_1797 : memref<!tpu.dma_semaphore, #tpu.memory_space<semaphore_mem>>) src(%dma_wait3A_1805 : memref<50x64xf32, #tpu.memory_space<vmem>>) dst(%dma_wait3A_1801 : memref<50x64xf32, #tpu.memory_space<hbm>>)
    %add3A_1806 = arith.constant 127 : i32
    %add3A_1807 = arith.addi %mul3A_2, %add3A_1806 : i32
    %mul3A_1808 = arith.constant 4 : i32
    %mul3A_1809 = arith.muli %add3A_1807, %mul3A_1808 : i32
    %add3A_1810 = arith.constant 0 : i32
    %add3A_1811 = arith.addi %mul3A_1809, %add3A_1810 : i32
    %dma_wait3A_1812 = arith.constant 3 : i32
    %dma_wait3A_1813 = arith.constant 3 : i32
    %dma_wait3A_1814 = arith.constant 0 : i32
    %dma_wait3A_1815 = arith.constant 0 : i32
    %dma_wait3A_1816 = tpu.memref_slice %arg6[%dma_wait3A_1812, %dma_wait3A_1814, %dma_wait3A_1815] : memref<4x200x64xf32, #tpu.memory_space<vmem>> -> memref<1x50x64xf32, #tpu.memory_space<vmem>>
    %dma_wait3A_1817 = tpu.memref_squeeze %dma_wait3A_1816 : memref<1x50x64xf32, #tpu.memory_space<vmem>> -> memref<50x64xf32, #tpu.memory_space<vmem>>
    %dma_wait3A_1818 = arith.constant 0 : i32
    %dma_wait3A_1819 = arith.constant 0 : i32
    %dma_wait3A_1820 = tpu.memref_slice %arg4[%add3A_1811, %dma_wait3A_1818, %dma_wait3A_1819] : memref<16384x56x128xf32, #tpu.memory_space<hbm>> -> memref<1x50x64xf32, #tpu.memory_space<hbm>>
    %dma_wait3A_1821 = tpu.memref_squeeze %dma_wait3A_1820 : memref<1x50x64xf32, #tpu.memory_space<hbm>> -> memref<50x64xf32, #tpu.memory_space<hbm>>
    %dma_wait3A_1822 = tpu.memref_slice %arg8[%dma_wait3A_1813] : memref<4x!tpu.dma_semaphore, #tpu.memory_space<semaphore_mem>> -> memref<1x!tpu.dma_semaphore, #tpu.memory_space<semaphore_mem>>
    %dma_wait3A_1823 = tpu.memref_squeeze %dma_wait3A_1822 : memref<1x!tpu.dma_semaphore, #tpu.memory_space<semaphore_mem>> -> memref<!tpu.dma_semaphore, #tpu.memory_space<semaphore_mem>>
    %dma_wait3A_1824 = arith.constant 0 : i32
    %dma_wait3A_1825 = arith.constant 0 : i32
    %dma_wait3A_1826 = tpu.memref_slice %arg4[%add3A_1811, %dma_wait3A_1824, %dma_wait3A_1825] : memref<16384x56x128xf32, #tpu.memory_space<hbm>> -> memref<1x50x64xf32, #tpu.memory_space<hbm>>
    %dma_wait3A_1827 = tpu.memref_squeeze %dma_wait3A_1826 : memref<1x50x64xf32, #tpu.memory_space<hbm>> -> memref<50x64xf32, #tpu.memory_space<hbm>>
    %dma_wait3A_1828 = arith.constant 0 : i32
    %dma_wait3A_1829 = arith.constant 0 : i32
    %dma_wait3A_1830 = tpu.memref_slice %arg6[%dma_wait3A_1812, %dma_wait3A_1828, %dma_wait3A_1829] : memref<4x200x64xf32, #tpu.memory_space<vmem>> -> memref<1x50x64xf32, #tpu.memory_space<vmem>>
    %dma_wait3A_1831 = tpu.memref_squeeze %dma_wait3A_1830 : memref<1x50x64xf32, #tpu.memory_space<vmem>> -> memref<50x64xf32, #tpu.memory_space<vmem>>
    tpu.wait_dma2 semaphore(%dma_wait3A_1823 : memref<!tpu.dma_semaphore, #tpu.memory_space<semaphore_mem>>) src(%dma_wait3A_1831 : memref<50x64xf32, #tpu.memory_space<vmem>>) dst(%dma_wait3A_1827 : memref<50x64xf32, #tpu.memory_space<hbm>>)
    %add3A_1832 = arith.constant 127 : i32
    %add3A_1833 = arith.addi %mul3A_2, %add3A_1832 : i32
    %mul3A_1834 = arith.constant 4 : i32
    %mul3A_1835 = arith.muli %add3A_1833, %mul3A_1834 : i32
    %add3A_1836 = arith.constant 1 : i32
    %add3A_1837 = arith.addi %mul3A_1835, %add3A_1836 : i32
    %dma_wait3A_1838 = arith.constant 3 : i32
    %dma_wait3A_1839 = arith.constant 3 : i32
    %dma_wait3A_1840 = arith.constant 50 : i32
    %dma_wait3A_1841 = arith.constant 0 : i32
    %dma_wait3A_1842 = tpu.memref_slice %arg6[%dma_wait3A_1838, %dma_wait3A_1840, %dma_wait3A_1841] : memref<4x200x64xf32, #tpu.memory_space<vmem>> -> memref<1x50x64xf32, #tpu.memory_space<vmem>>
    %dma_wait3A_1843 = tpu.memref_squeeze %dma_wait3A_1842 : memref<1x50x64xf32, #tpu.memory_space<vmem>> -> memref<50x64xf32, #tpu.memory_space<vmem>>
    %dma_wait3A_1844 = arith.constant 0 : i32
    %dma_wait3A_1845 = arith.constant 0 : i32
    %dma_wait3A_1846 = tpu.memref_slice %arg4[%add3A_1837, %dma_wait3A_1844, %dma_wait3A_1845] : memref<16384x56x128xf32, #tpu.memory_space<hbm>> -> memref<1x50x64xf32, #tpu.memory_space<hbm>>
    %dma_wait3A_1847 = tpu.memref_squeeze %dma_wait3A_1846 : memref<1x50x64xf32, #tpu.memory_space<hbm>> -> memref<50x64xf32, #tpu.memory_space<hbm>>
    %dma_wait3A_1848 = tpu.memref_slice %arg8[%dma_wait3A_1839] : memref<4x!tpu.dma_semaphore, #tpu.memory_space<semaphore_mem>> -> memref<1x!tpu.dma_semaphore, #tpu.memory_space<semaphore_mem>>
    %dma_wait3A_1849 = tpu.memref_squeeze %dma_wait3A_1848 : memref<1x!tpu.dma_semaphore, #tpu.memory_space<semaphore_mem>> -> memref<!tpu.dma_semaphore, #tpu.memory_space<semaphore_mem>>
    %dma_wait3A_1850 = arith.constant 0 : i32
    %dma_wait3A_1851 = arith.constant 0 : i32
    %dma_wait3A_1852 = tpu.memref_slice %arg4[%add3A_1837, %dma_wait3A_1850, %dma_wait3A_1851] : memref<16384x56x128xf32, #tpu.memory_space<hbm>> -> memref<1x50x64xf32, #tpu.memory_space<hbm>>
    %dma_wait3A_1853 = tpu.memref_squeeze %dma_wait3A_1852 : memref<1x50x64xf32, #tpu.memory_space<hbm>> -> memref<50x64xf32, #tpu.memory_space<hbm>>
    %dma_wait3A_1854 = arith.constant 50 : i32
    %dma_wait3A_1855 = arith.constant 0 : i32
    %dma_wait3A_1856 = tpu.memref_slice %arg6[%dma_wait3A_1838, %dma_wait3A_1854, %dma_wait3A_1855] : memref<4x200x64xf32, #tpu.memory_space<vmem>> -> memref<1x50x64xf32, #tpu.memory_space<vmem>>
    %dma_wait3A_1857 = tpu.memref_squeeze %dma_wait3A_1856 : memref<1x50x64xf32, #tpu.memory_space<vmem>> -> memref<50x64xf32, #tpu.memory_space<vmem>>
    tpu.wait_dma2 semaphore(%dma_wait3A_1849 : memref<!tpu.dma_semaphore, #tpu.memory_space<semaphore_mem>>) src(%dma_wait3A_1857 : memref<50x64xf32, #tpu.memory_space<vmem>>) dst(%dma_wait3A_1853 : memref<50x64xf32, #tpu.memory_space<hbm>>)
    %add3A_1858 = arith.constant 127 : i32
    %add3A_1859 = arith.addi %mul3A_2, %add3A_1858 : i32
    %mul3A_1860 = arith.constant 4 : i32
    %mul3A_1861 = arith.muli %add3A_1859, %mul3A_1860 : i32
    %add3A_1862 = arith.constant 2 : i32
    %add3A_1863 = arith.addi %mul3A_1861, %add3A_1862 : i32
    %dma_wait3A_1864 = arith.constant 3 : i32
    %dma_wait3A_1865 = arith.constant 3 : i32
    %dma_wait3A_1866 = arith.constant 100 : i32
    %dma_wait3A_1867 = arith.constant 0 : i32
    %dma_wait3A_1868 = tpu.memref_slice %arg6[%dma_wait3A_1864, %dma_wait3A_1866, %dma_wait3A_1867] : memref<4x200x64xf32, #tpu.memory_space<vmem>> -> memref<1x50x64xf32, #tpu.memory_space<vmem>>
    %dma_wait3A_1869 = tpu.memref_squeeze %dma_wait3A_1868 : memref<1x50x64xf32, #tpu.memory_space<vmem>> -> memref<50x64xf32, #tpu.memory_space<vmem>>
    %dma_wait3A_1870 = arith.constant 0 : i32
    %dma_wait3A_1871 = arith.constant 0 : i32
    %dma_wait3A_1872 = tpu.memref_slice %arg4[%add3A_1863, %dma_wait3A_1870, %dma_wait3A_1871] : memref<16384x56x128xf32, #tpu.memory_space<hbm>> -> memref<1x50x64xf32, #tpu.memory_space<hbm>>
    %dma_wait3A_1873 = tpu.memref_squeeze %dma_wait3A_1872 : memref<1x50x64xf32, #tpu.memory_space<hbm>> -> memref<50x64xf32, #tpu.memory_space<hbm>>
    %dma_wait3A_1874 = tpu.memref_slice %arg8[%dma_wait3A_1865] : memref<4x!tpu.dma_semaphore, #tpu.memory_space<semaphore_mem>> -> memref<1x!tpu.dma_semaphore, #tpu.memory_space<semaphore_mem>>
    %dma_wait3A_1875 = tpu.memref_squeeze %dma_wait3A_1874 : memref<1x!tpu.dma_semaphore, #tpu.memory_space<semaphore_mem>> -> memref<!tpu.dma_semaphore, #tpu.memory_space<semaphore_mem>>
    %dma_wait3A_1876 = arith.constant 0 : i32
    %dma_wait3A_1877 = arith.constant 0 : i32
    %dma_wait3A_1878 = tpu.memref_slice %arg4[%add3A_1863, %dma_wait3A_1876, %dma_wait3A_1877] : memref<16384x56x128xf32, #tpu.memory_space<hbm>> -> memref<1x50x64xf32, #tpu.memory_space<hbm>>
    %dma_wait3A_1879 = tpu.memref_squeeze %dma_wait3A_1878 : memref<1x50x64xf32, #tpu.memory_space<hbm>> -> memref<50x64xf32, #tpu.memory_space<hbm>>
    %dma_wait3A_1880 = arith.constant 100 : i32
    %dma_wait3A_1881 = arith.constant 0 : i32
    %dma_wait3A_1882 = tpu.memref_slice %arg6[%dma_wait3A_1864, %dma_wait3A_1880, %dma_wait3A_1881] : memref<4x200x64xf32, #tpu.memory_space<vmem>> -> memref<1x50x64xf32, #tpu.memory_space<vmem>>
    %dma_wait3A_1883 = tpu.memref_squeeze %dma_wait3A_1882 : memref<1x50x64xf32, #tpu.memory_space<vmem>> -> memref<50x64xf32, #tpu.memory_space<vmem>>
    tpu.wait_dma2 semaphore(%dma_wait3A_1875 : memref<!tpu.dma_semaphore, #tpu.memory_space<semaphore_mem>>) src(%dma_wait3A_1883 : memref<50x64xf32, #tpu.memory_space<vmem>>) dst(%dma_wait3A_1879 : memref<50x64xf32, #tpu.memory_space<hbm>>)
    %add3A_1884 = arith.constant 127 : i32
    %add3A_1885 = arith.addi %mul3A_2, %add3A_1884 : i32
    %mul3A_1886 = arith.constant 4 : i32
    %mul3A_1887 = arith.muli %add3A_1885, %mul3A_1886 : i32
    %add3A_1888 = arith.constant 3 : i32
    %add3A_1889 = arith.addi %mul3A_1887, %add3A_1888 : i32
    %dma_wait3A_1890 = arith.constant 3 : i32
    %dma_wait3A_1891 = arith.constant 3 : i32
    %dma_wait3A_1892 = arith.constant 150 : i32
    %dma_wait3A_1893 = arith.constant 0 : i32
    %dma_wait3A_1894 = tpu.memref_slice %arg6[%dma_wait3A_1890, %dma_wait3A_1892, %dma_wait3A_1893] : memref<4x200x64xf32, #tpu.memory_space<vmem>> -> memref<1x50x64xf32, #tpu.memory_space<vmem>>
    %dma_wait3A_1895 = tpu.memref_squeeze %dma_wait3A_1894 : memref<1x50x64xf32, #tpu.memory_space<vmem>> -> memref<50x64xf32, #tpu.memory_space<vmem>>
    %dma_wait3A_1896 = arith.constant 0 : i32
    %dma_wait3A_1897 = arith.constant 0 : i32
    %dma_wait3A_1898 = tpu.memref_slice %arg4[%add3A_1889, %dma_wait3A_1896, %dma_wait3A_1897] : memref<16384x56x128xf32, #tpu.memory_space<hbm>> -> memref<1x50x64xf32, #tpu.memory_space<hbm>>
    %dma_wait3A_1899 = tpu.memref_squeeze %dma_wait3A_1898 : memref<1x50x64xf32, #tpu.memory_space<hbm>> -> memref<50x64xf32, #tpu.memory_space<hbm>>
    %dma_wait3A_1900 = tpu.memref_slice %arg8[%dma_wait3A_1891] : memref<4x!tpu.dma_semaphore, #tpu.memory_space<semaphore_mem>> -> memref<1x!tpu.dma_semaphore, #tpu.memory_space<semaphore_mem>>
    %dma_wait3A_1901 = tpu.memref_squeeze %dma_wait3A_1900 : memref<1x!tpu.dma_semaphore, #tpu.memory_space<semaphore_mem>> -> memref<!tpu.dma_semaphore, #tpu.memory_space<semaphore_mem>>
    %dma_wait3A_1902 = arith.constant 0 : i32
    %dma_wait3A_1903 = arith.constant 0 : i32
    %dma_wait3A_1904 = tpu.memref_slice %arg4[%add3A_1889, %dma_wait3A_1902, %dma_wait3A_1903] : memref<16384x56x128xf32, #tpu.memory_space<hbm>> -> memref<1x50x64xf32, #tpu.memory_space<hbm>>
    %dma_wait3A_1905 = tpu.memref_squeeze %dma_wait3A_1904 : memref<1x50x64xf32, #tpu.memory_space<hbm>> -> memref<50x64xf32, #tpu.memory_space<hbm>>
    %dma_wait3A_1906 = arith.constant 150 : i32
    %dma_wait3A_1907 = arith.constant 0 : i32
    %dma_wait3A_1908 = tpu.memref_slice %arg6[%dma_wait3A_1890, %dma_wait3A_1906, %dma_wait3A_1907] : memref<4x200x64xf32, #tpu.memory_space<vmem>> -> memref<1x50x64xf32, #tpu.memory_space<vmem>>
    %dma_wait3A_1909 = tpu.memref_squeeze %dma_wait3A_1908 : memref<1x50x64xf32, #tpu.memory_space<vmem>> -> memref<50x64xf32, #tpu.memory_space<vmem>>
    tpu.wait_dma2 semaphore(%dma_wait3A_1901 : memref<!tpu.dma_semaphore, #tpu.memory_space<semaphore_mem>>) src(%dma_wait3A_1909 : memref<50x64xf32, #tpu.memory_space<vmem>>) dst(%dma_wait3A_1905 : memref<50x64xf32, #tpu.memory_space<hbm>>)
    return
  }
}

</mosaic_0001>

<sc_bundles>
// kernel: kernel.3.cloned.1.call-start
scs
__scs_entry_jumppad:
0x0: {  	(pc) =	sbr.rel $0x88, $3  }
0x1: {  	(tag) =	ssettag $0x0;
	lr =	simm.s32 $0x1  }
0x2: {  	[smem:$0x3F9F] =	sst lr;
	_ =	strace $0xD0000000  }
0x3: {  	_ = 	snop  }
0x4: {  	_ = 	snop  }
0x5: {  	_ = 	snop  }
0x6: {  	_ = 	snop  }
0x7: {  	_ = 	snop  }
__scs_overlays_trampoline_lowered:
0x8: {  	[smem:$0x3FAE] =	sst s0  }
0x9: {  	[smem:$0x3FAF] =	sst s1  }
0xa: {  	[smem:$0x3FB0] =	sst s2  }
0xb: {  	[smem:$0x3FB1] =	sst s3  }
0xc: {  	[smem:$0x3FB2] =	sst s4  }
0xd: {  	[smem:$0x3FB3] =	sst s5  }
0xe: {  	[smem:$0x3FB4] =	sst s6  }
0xf: {  	[smem:$0x3FB5] =	sst s7  }
0x10: {  	[smem:$0x3FB6] =	sst s8  }
0x11: {  	[smem:$0x3FB7] =	sst s9;
	s0 =	simm.s32 @!p0 $0x0  }
0x12: {  	s1 =	sld [smem:$0x3F9D];
	s0 =	simm.s32 @p0 $0x1  }
0x13: {  	[smem:$0x3FB8] =	sst s0;
	s0 =	simm.s32 @!p1 $0x0  }
0x14: {  	s2 =	sld [smem:$0x3F9C];
	s0 =	simm.s32 @p1 $0x1  }
0x15: {  	[smem:$0x3FB9] =	sst s0;
	s0 =	simm.s32 @!p2 $0x0  }
0x16: {  	s3 =	sld [smem:$0x3FDB];
	s0 =	simm.s32 @p2 $0x1  }
0x17: {  	s4 =	simm.s32 $0x1BF5;
	[smem:$0x3FBB] =	sst s0  }
0x18: {  	s0 =	sld [smem:$0x3F9E];
	_ =	swait.ge [sflag:s4], $0x0  }
0x19: {  	s7 =	sld [smem:$0x3F9F]  }
0x1a: {  	s8 =	sadd.s32 $0xFFFFE003, lr  }
0x1b: {  	s9 =	sadd.s32 $0xFFFFFEF7, lr;
	s5 =	simm.s32 $0xFFFFFFFF;
	p2 =	slt.u32 s8, $0xFFFFF086  }
0x1c: {  	p1 =	slt.u32 s9, $0xF7A;
	s5 =	simm.s32 @!p2 $0x0  }
0x1d: {  	s5 =	simm.s32 @p1 $0x1;
	p0 =	seq.s32 s7, s2  }
0x1e: {  	s7 =	smul.u32 @!p0 $0xF7A, s2;
	p2 =	seq.s32 @!p0 s5, $0x0  }
0x1f: {  	s9 =	smul.u32 $0xF7A, s1;
	s8 =	simm.s32 @!p0 $0x1BF5;
	p2 =	por !p2, p0  }
0x20: {  	[sflag:s8] =	ssyncset.s32 @!p0 $0xFFFFF086;
	s6 =	sadd.s32 @!p0 s3, s7;
	s7 =	simm.s32 @!p0 $0x108  }
0x21: {  	s3 =	sadd.s32 s3, s9;
	s6 =	sadd.s32 @!p0 $0x88, s6;
	s7 =	simm.s32 @p2 $0x1082  }
0x22: {  	[simem:s7], [sflag:s8] =	dma.local @!p0 [hbm:s6], $0xF7A  }
0x23: {  	s9 =	sor.u32 $0xD0000000, s2;
	s6 =	simm.s32 $0x108;
	_ =	swait.ge @!p0 [sflag:s8], $0x0  }
0x24: {  	s3 =	sadd.s32 $0x88, s3;
	s6 =	simm.s32 @!p1 $0x1082;
	[sflag:s4] =	ssyncset.s32 $0xFFFFF086  }
0x25: {  	[simem:s6], [sflag:s4] =	dma.local [hbm:s3], $0xF7A  }
0x26: {  	[smem:$0x3F9F] =	sst s1;
	(tag) =	ssettag s2;
	_ =	strace s9  }
0x27: {  	s1 =	sld [smem:$0x3FAF]  }
0x28: {  	s2 =	sld [smem:$0x3FB0]  }
0x29: {  	s4 =	sld [smem:$0x3FB2]  }
0x2a: {  	p0 =	seq.s32 s5, $0x0;
	s5 =	sld [smem:$0x3FB3]  }
0x2b: {  	s6 =	sld [smem:$0x3FB4]  }
0x2c: {  	s7 =	sld [smem:$0x3FB5]  }
0x2d: {  	s3 =	simm.s32 $0x108;
	s8 =	sld [smem:$0x3FB6]  }
0x2e: {  	s3 =	simm.s32 @!p0 $0x1082;
	s9 =	sld [smem:$0x3FB7]  }
0x2f: {  	lr =	sadd.s32 s0, s3;
	s0 =	sld [smem:$0x3FAE]  }
0x30: {  	s3 =	sld [smem:$0x3FB1]  }
0x31: {  	[smem:$0x3FBA] =	sst s10  }
0x32: {  	s10 =	sld [smem:$0x3FB8];
	_ =	sdelay $0x3  }
0x33: {  	p0 =	seq.s32 s10, $0x1;
	s10 =	sld [smem:$0x3FBA];
	_ =	sdelay $0x3  }
0x34: {  	[smem:$0x3FBA] =	sst s10  }
0x35: {  	s10 =	sld [smem:$0x3FB9];
	_ =	sdelay $0x3  }
0x36: {  	p1 =	seq.s32 s10, $0x1;
	s10 =	sld [smem:$0x3FBA];
	_ =	sdelay $0x3  }
0x37: {  	[smem:$0x3FBA] =	sst s10  }
0x38: {  	s10 =	sld [smem:$0x3FBB]  }
0x39: {  	_ = 	snop;
	(pc) =	sbr.ind lr, $3  }
0x3a: {  	_ = 	snop  }
0x3b: {  	_ = 	snop  }
0x3c: {  	p2 =	seq.s32 s10, $0x1;
	s10 =	sld [smem:$0x3FBA]  }
0x3d: {  	_ =	shalt  }
0x3e: {  	_ =	shalt  }
0x3f: {  	_ =	shalt  }
0x40: {  	_ =	shalt  }
0x41: {  	_ =	shalt  }
0x42: {  	_ =	shalt  }
0x43: {  	_ =	shalt  }
0x44: {  	_ =	shalt  }
0x45: {  	_ =	shalt  }
0x46: {  	_ =	shalt  }
0x47: {  	_ =	shalt  }
0x48: {  	_ =	shalt  }
0x49: {  	_ =	shalt  }
0x4a: {  	_ =	shalt  }
0x4b: {  	_ =	shalt  }
0x4c: {  	_ =	shalt  }
0x4d: {  	_ =	shalt  }
0x4e: {  	_ =	shalt  }
0x4f: {  	_ =	shalt  }
0x50: {  	_ =	shalt  }
0x51: {  	_ =	shalt  }
0x52: {  	_ =	shalt  }
0x53: {  	_ =	shalt  }
0x54: {  	_ =	shalt  }
0x55: {  	_ =	shalt  }
0x56: {  	_ =	shalt  }
0x57: {  	_ =	shalt  }
0x58: {  	_ =	shalt  }
0x59: {  	_ =	shalt  }
0x5a: {  	_ =	shalt  }
0x5b: {  	_ =	shalt  }
0x5c: {  	_ =	shalt  }
0x5d: {  	_ =	shalt  }
0x5e: {  	_ =	shalt  }
0x5f: {  	_ =	shalt  }
0x60: {  	_ =	shalt  }
0x61: {  	_ =	shalt  }
0x62: {  	_ =	shalt  }
0x63: {  	_ =	shalt  }
0x64: {  	_ =	shalt  }
0x65: {  	_ =	shalt  }
0x66: {  	_ =	shalt  }
0x67: {  	_ =	shalt  }
0x68: {  	_ =	shalt  }
0x69: {  	_ =	shalt  }
0x6a: {  	_ =	shalt  }
0x6b: {  	_ =	shalt  }
0x6c: {  	_ =	shalt  }
0x6d: {  	_ =	shalt  }
0x6e: {  	_ =	shalt  }
0x6f: {  	_ =	shalt  }
0x70: {  	_ =	shalt  }
0x71: {  	_ =	shalt  }
0x72: {  	_ =	shalt  }
0x73: {  	_ =	shalt  }
0x74: {  	_ =	shalt  }
0x75: {  	_ =	shalt  }
0x76: {  	_ =	shalt  }
0x77: {  	_ =	shalt  }
0x78: {  	_ =	shalt  }
0x79: {  	_ =	shalt  }
0x7a: {  	_ =	shalt  }
0x7b: {  	_ =	shalt  }
0x7c: {  	_ =	shalt  }
0x7d: {  	_ =	shalt  }
0x7e: {  	_ =	shalt  }
0x7f: {  	_ =	shalt  }
0x80: {  	_ =	shalt  }
0x81: {  	_ =	shalt  }
0x82: {  	_ =	shalt  }
0x83: {  	_ =	shalt  }
0x84: {  	_ =	shalt  }
0x85: {  	_ =	shalt  }
0x86: {  	_ =	shalt  }
0x87: {  	_ =	shalt  }
.Lfunc_end0:
.L_simem_size_0:
called_computation.1_lowered:
.L_overlay_start_0:
0x88: {  	s2 =	sld [smem:$0x3FD9]  }
0x89: {  	s3 =	sld [smem:$0x3FFE];
	_ =	sdelay $0x1  }
0x8a: {  	s1 =	srdreg.scid  }
0x8b: {  	s0 =	sand.u32 $0x1, s1  }
0x8c: {  	s17 =	sshll.u32 s0, $0xA;
	s2 =	sadd.s32 s3, s2  }
0x8d: {  	s2 =	sadd.s32 s2, s17  }
0x8e: {  	[smem:$0x3FC6] =	sst s2  }
0x8f: {  	_ = 	snop  }
0x90: {  	s2 =	sld [smem:$0x3FD0];
	(tm) =	ssettm $0x1  }
0x91: {  	s18 =	sld [smem:$0x3FFB];
	_ =	sdelay $0x3  }
0x92: {  	_ =	strace s18  }
0x93: {  	s3 =	sld [smem:$0x3FFC];
	_ =	sdelay $0x3  }
0x94: {  	_ =	strace s3  }
0x95: {  	s3 =	sld [smem:$0x3FFD];
	_ =	sdelay $0x3  }
0x96: {  	_ =	strace s3  }
0x97: {  	_ =	strace $0x8FFFFFFF  }
0x98: {  	s19 =	sld [smem:$0x3FDB];
	_ =	sdelay $0x1  }
0x99: {  	s4 =	simm.s32 $_scs_section_size  }
0x9a: {  	s5 =	simm.s32 $_size__tile_overlayer_lowered;
	s6 =	simm.s32 $_tile_overlayer_lowered  }
0x9b: {  	s22 =	simm.s32 $0x1BFF;
	s21 =	sshll.u32 s6, $0x1;
	s3 =	sadd.s32 s4, s19  }
0x9c: {  	s7 =	simm.s32 $0x0;
	s20 =	sshll.u32 s5, $0x1;
	s5 =	sadd.s32 s21, s3  }
0x9d: {  	[timem:s7], [sflag:s22] =	dma.local [hbm:s5], s20  }
0x9e: {  	_ =	swait.ge [sflag:s22], s20  }
0x9f: {  	s4 =	ssub.s32 $0x0, s20;
	[sflag:s22] =	ssyncset.done $0x0  }
0xa0: {  	[sflag:s22] =	ssyncadd.s32 s4;
	_ =	sdelay $0x1  }
0xa1: {  	s23 =	simm.s32 $0x1B8B  }
0xa2: {  	_ =	swait.ge [sflag:s23], $0x1  }
0xa3: {  	[sflag:s23] =	ssyncset.done $0x0  }
0xa4: {  	s25 =	simm.s32 $0x1B8E;
	s24 =	sld [smem:$0x3FFE];
	[sflag:s23] =	ssyncadd.s32 $0xFFFFFFFF  }
0xa5: {  	s26 =	simm.s32 $execute0_lowered;
	[smem:$0x3FD2] =	sst s25  }
0xa6: {  	s5 =	sshll.u32 s26, $0x1;
	_ =	strace $0x80000046;
	[dreg:$0x1] =	wrdreg $0xFFFFFFFF  }
0xa7: {  	s28 =	simm.s32 $_size_execute0_lowered;
	s3 =	sadd.s32 s3, s5;
	[dreg:$0x0] =	wrdreg $0x0  }
0xa8: {  	s5 =	sshll.u32 s28, $0x1;
	[dreg:$0x2] =	wrdreg s3  }
0xa9: {  	[dreg:$0x3] =	wrdreg s5  }
0xaa: {  	[dreg:$0x4] =	wrdreg $0xC0  }
0xab: {  	_ =	task [dreg:s7], $0x5FFFF  }
0xac: {  	[dreg:$0x1] =	wrdreg $0xFFFFFFFF  }
0xad: {  	[dreg:$0x0] =	wrdreg $0x60  }
0xae: {  	[dreg:$0x2] =	wrdreg s2  }
0xaf: {  	[dreg:$0x3] =	wrdreg s24  }
0xb0: {  	[dreg:$0x4] =	wrdreg $0x9  }
0xb1: {  	_ =	task.clear_ibuf [dreg:s7], $0x5FFFF;
	_ =	strace $0x90000046  }
0xb2: {  	s29 =	simm.s32 $0x9;
	_ =	strace $0x80000048  }
0xb3: {  	_ =	swait.ge [sflag:s29], $0x1  }
0xb4: {  	[sflag:s29] =	ssyncadd.s32 $0xFFFFFFFF  }
0xb5: {  	_ =	strace $0x90000048  }
0xb6: {  	_ =	sfence  }
0xb7: {  	s30 =	sld [smem:$0x0];
	_ =	sdelay $0x2  }
0xb8: {  	s31 =	sshll.u32 s1, $0xD;
	s1 =	sshrl.u32 s1, $0x2  }
0xb9: {  	s3 =	sand.u32 $0x4000, s31;
	s1 =	sadd.s32 s1, s30  }
0xba: {  	s0 =	sor.u32 s3, s0;
	s1 =	sshll.u32 s1, $0x11  }
0xbb: {  	s0 =	sor.u32 s1, s0  }
0xbc: {  	s0 =	sadd.s32 $0x8F2B, s0  }
0xbd: {  	[sflag:s0] =	ssyncadd.remote.s32 $0x1  }
0xbe: {  	_ =	sfence.sel $0xFFFF  }
0xbf: {  	[dreg:$0x0] =	wrdreg $0xFFFFFFFF;
	(pc) =	sbr.abs _section_cstart, $3  }
0xc0: {  	[dreg:$0x1] =	wrdreg $0xFFFFFFFF  }
0xc1: {  	_ =	task.clear_ibuf [dreg:s7], $0x2FFFF;
	_ =	strace $0x9FFFFFFF  }
0xc2: {  	(tm) =	ssettm $0x7FFFFFFF  }
0xc3: {  	_ =	shalt  }
tec
execute0_lowered:
.L_overlay_start_1:
0x0: {  	(tag) =	ssettag $0x1  }
0x1: {  	s2 =	rddreg [dreg:$0x0]  }
0x2: {  	s0 =	srdreg.scid;
	s10 =	stileid.u32  }
0x3: {  	s3 =	rddreg [dreg:$0x1];
	s4 =	sand.u32 $0x1, s0;
	s15 =	smul.u32 $0xE0000, s10  }
0x4: {  	s1 =	simm.s32 $0x0;
	s17 =	sshll.u32 s10, $0x1;
	s24 =	smul.u32 $0x380000, s4  }
0x5: {  	s0 =	sor.u32 s4, s17;
	s6 =	ssub.s32 $0x2, s4;
	s4 =	smul.u32 $0x70000, s4  }
0x6: {  	[smem:$0x7FF] =	sst s1;
	s1 =	sadd.s32 $0xA00, s3;
	s5 =	smul.u32 $0xC80, s0  }
0x7: {  	_ =	strace $0x80000047;
	s7 =	smul.u32 $0x70000, s0;
	s17 =	sadd.s32 s15, s1  }
0x8: {  	s8 =	sshrl.u32 s6, $0x1;
	s9 =	smul.u32 $0x380000, s0;
	s4 =	sadd.s32 s4, s17  }
0x9: {  	s0 =	ssub.s32 s6, s8;
	s2 =	sadd.s32 s2, s5;
	[dreg:$0x5] =	wrdreg s4  }
0xa: {  	s0 =	smax.u32 s0, $0x1;
	[dreg:$0xe] =	wrdreg s2  }
0xb: {  	s11 =	sadd.s32 s1, s7;
	[smem:$0x7F1] =	sst s0  }
0xc: {  	s18 =	sadd.s32 $0x380, s11;
	[dreg:$0xd] =	wrdreg s11  }
0xd: {  	s19 =	sshrl.u32 s9, $0x3;
	s20 =	sadd.s32 $0x700, s11;
	[dreg:$0xf] =	wrdreg s18  }
0xe: {  	s2 =	sadd.s32 s1, s19;
	s22 =	sadd.s32 $0xA80, s11;
	[dreg:$0x10] =	wrdreg s20  }
0xf: {  	[dreg:$0x11] =	wrdreg s22;
	s23 =	sadd.s32 $0x6C800, s2  }
0x10: {  	s25 =	sadd.s32 $0x6CB80, s2;
	[dreg:$0x12] =	wrdreg s23  }
0x11: {  	s31 =	simm.s32 $0x6;
	s26 =	sadd.s32 $0x6CF00, s2;
	[dreg:$0x13] =	wrdreg s25  }
0x12: {  	s21 =	smul.u32 $0x700000, s10;
	s28 =	sadd.s32 $0x6D280, s2;
	[dreg:$0x14] =	wrdreg s26  }
0x13: {  	s3 =	sadd.s32 $0xF42E00, s3;
	s29 =	sadd.s32 $0x6D600, s2;
	[dreg:$0x15] =	wrdreg s28  }
0x14: {  	s5 =	sadd.s32 s24, s21;
	s30 =	sadd.s32 $0x6D980, s2;
	[dreg:$0x16] =	wrdreg s29  }
0x15: {  	s12 =	sor.u32 $0x2F400, s5;
	s8 =	sadd.s32 $0x6DD00, s2;
	[dreg:$0x17] =	wrdreg s30  }
0x16: {  	s14 =	sor.u32 $0x2D800, s5;
	s9 =	sadd.s32 $0x6E080, s2;
	[dreg:$0x18] =	wrdreg s8  }
0x17: {  	s24 =	sor.u32 $0x24C00, s5;
	s13 =	sadd.s32 $0x6E400, s2;
	[dreg:$0x19] =	wrdreg s9  }
0x18: {  	s0 =	simm.s32 $0x0;
	s19 =	sadd.s32 $0x6E780, s2;
	[dreg:$0x1a] =	wrdreg s13  }
0x19: {  	s6 =	sshrl.u32 s12, $0x3;
	s12 =	sadd.s32 $0x6EE80, s2;
	[dreg:$0x1b] =	wrdreg s19  }
0x1a: {  	s7 =	sshrl.u32 s14, $0x3;
	s14 =	sadd.s32 $0x6F200, s2;
	[dreg:$0x1d] =	wrdreg s12  }
0x1b: {  	s18 =	sor.u32 $0x28400, s5;
	s15 =	sadd.s32 $0x6F580, s2;
	[dreg:$0x1e] =	wrdreg s14  }
0x1c: {  	s22 =	sor.u32 $0x26800, s5;
	s17 =	sadd.s32 $0x6FC80, s2;
	[dreg:$0x1f] =	wrdreg s15  }
0x1d: {  	s6 =	sadd.s32 s6, s1;
	s16 =	sadd.s32 s7, s1;
	[smem:$0x7F0] =	sst s17  }
0x1e: {  	s20 =	sshrl.u32 s18, $0x3;
	s23 =	sshrl.u32 s22, $0x3;
	[dreg:$0x3] =	wrdreg s6  }
0x1f: {  	s25 =	sor.u32 $0x21400, s5;
	s9 =	sadd.s32 $0x6EB00, s2;
	[dreg:$0x4] =	wrdreg s16  }
0x20: {  	s30 =	sor.u32 $0x36400, s5;
	s18 =	sadd.s32 $0xE00, s11;
	[dreg:$0x1c] =	wrdreg s9  }
0x21: {  	s8 =	sor.u32 $0x34800, s5;
	s19 =	sadd.s32 $0x1180, s11;
	[smem:$0x7F2] =	sst s18  }
0x22: {  	s5 =	sor.u32 $0x32C00, s5;
	s22 =	sadd.s32 $0x1C00, s11;
	[smem:$0x7F3] =	sst s19  }
0x23: {  	s12 =	simm.s32 $0x9600;
	s21 =	sadd.s32 s20, s1;
	[smem:$0x7F6] =	sst s22  }
0x24: {  	s14 =	simm.s32 $0x1;
	s4 =	sadd.s32 s23, s1;
	[dreg:$0x6] =	wrdreg s21  }
0x25: {  	s15 =	simm.s32 $0x40;
	s16 =	sadd.s32 $0x6F900, s2;
	[dreg:$0x7] =	wrdreg s4  }
0x26: {  	s7 =	simm.s32 $0x8;
	s20 =	sadd.s32 $0x1500, s11;
	[smem:$0x7EF] =	sst s16  }
0x27: {  	s6 =	sshrl.u32 s24, $0x3;
	s23 =	sadd.s32 $0x1F80, s11;
	[smem:$0x7F4] =	sst s20  }
0x28: {  	s28 =	sshrl.u32 s25, $0x3;
	s24 =	sadd.s32 $0x2300, s11;
	[smem:$0x7F7] =	sst s23  }
0x29: {  	s13 =	sshrl.u32 s5, $0x3;
	s25 =	sadd.s32 $0x2680, s11;
	[smem:$0x7F8] =	sst s24  }
0x2a: {  	s26 =	sadd.s32 s6, s1;
	s29 =	sadd.s32 s28, s1;
	[smem:$0x7F9] =	sst s25  }
0x2b: {  	s6 =	sshrl.u32 s30, $0x3;
	s21 =	sadd.s32 $0x1880, s11;
	[dreg:$0x8] =	wrdreg s26  }
0x2c: {  	s28 =	sadd.s32 $0x2D80, s11;
	s30 =	sadd.s32 $0x3480, s11;
	[dreg:$0x9] =	wrdreg s29  }
0x2d: {  	s16 =	simm.s32 $0x80;
	s20 =	simm.s32 $0xFA00;
	[smem:$0x7F5] =	sst s21  }
0x2e: {  	s25 =	simm.s32 $0x5;
	s4 =	sadd.s32 s6, s1;
	[smem:$0x7FB] =	sst s28  }
0x2f: {  	s6 =	sshrl.u32 s8, $0x3;
	s26 =	sadd.s32 $0x2A00, s11;
	[smem:$0x7FD] =	sst s30  }
0x30: {  	s29 =	sadd.s32 $0x3100, s11;
	s11 =	simm.s32 $0x6400;
	[dreg:$0xa] =	wrdreg s4  }
0x31: {  	s21 =	simm.s32 $0x2;
	s10 =	sadd.s32 s6, s1;
	[smem:$0x7FA] =	sst s26  }
0x32: {  	s1 =	sadd.s32 s13, s1;
	[smem:$0x7FC] =	sst s29;
	s13 =	simm.s32 $0xC800  }
0x33: {  	s26 =	simm.s32 $0x3;
	s6 =	simm.s32 $0x7;
	[dreg:$0xb] =	wrdreg s10  }
0x34: {  	[dreg:$0xc] =	wrdreg s1;
	s10 =	simm.s32 $0xC8;
	s1 =	simm.s32 $0x4  }
.LBB2_1:
0x35: {  	[smem:$0x7EE] =	sst s0  }
0x36: {  	s4 =	simm.s32 $0x0;
	s8 =	rddreg [dreg:$0xe];
	s9 =	simm.s32 $0x9  }
0x37: {  	[tilespmem:s4], [sflag:$0x9] =	stream.linear.gather [hbm4b:s8+s4], $0x6400, $0x38;
	[tilespmem:$0x12C00] =	vst v63  }
0x38: {  	_ =	swait.ge [sflag:s9], $0x6400  }
0x39: {  	[sflag:s9] =	ssyncset.done $0x0  }
0x3a: {  	[sflag:s9] =	ssyncadd.s32 $0xFFFF9C00  }
0x3b: {  	[tilespmem:s11], [sflag:$0x1] =	stream.indirect.gather [hbm4b:s3+s10], $0x40, s4, s10, $0xb8;
	[tilespmem:$0x12C00] =	vst v63  }
0x3c: {  	_ = 	snop  }
0x3d: {  	[tilespmem:s12], [sflag:$0x2] =	stream.indirect.gather [hbm4b:s3+s10], $0x40, s10, s10, $0xb8;
	[tilespmem:$0x12C00] =	vst v63  }
0x3e: {  	s17 =	simm.s32 $0x190  }
0x3f: {  	[tilespmem:s13], [sflag:$0x3] =	stream.indirect.gather [hbm4b:s3+s10], $0x40, s17, s10, $0xb8;
	[tilespmem:$0x12C00] =	vst v63  }
0x40: {  	_ =	swait.ge [sflag:s14], $0x3200  }
0x41: {  	[sflag:s14] =	ssyncset.done $0x0  }
0x42: {  	s18 =	rddreg [dreg:$0xd];
	[sflag:s14] =	ssyncadd.s32 $0xFFFFCE00  }
0x43: {  	[hbm4b:s18+s15] =	stream.strided.scatter [tilespmem:s11], [sflag:$0x5], $0xC80, s16, s15, $0x38;
	[tilespmem:$0x12C00] =	vst v63  }
0x44: {  	s17 =	simm.s32 $0x7080;
	s19 =	rddreg [dreg:$0xf]  }
0x45: {  	[hbm4b:s19+s15] =	stream.strided.scatter [tilespmem:s17], [sflag:$0x5], $0xC80, s16, s15, $0x38;
	[tilespmem:$0x12C00] =	vst v63  }
0x46: {  	s22 =	rddreg [dreg:$0x10];
	s18 =	simm.s32 $0x7D00  }
0x47: {  	[hbm4b:s22+s15] =	stream.strided.scatter [tilespmem:s18], [sflag:$0x5], $0xC80, s16, s15, $0x38;
	[tilespmem:$0x12C00] =	vst v63  }
0x48: {  	s23 =	rddreg [dreg:$0x11];
	s19 =	simm.s32 $0x8980  }
0x49: {  	[hbm4b:s23+s15] =	stream.strided.scatter [tilespmem:s19], [sflag:$0x5], $0xC80, s16, s15, $0x38;
	[tilespmem:$0x12C00] =	vst v63  }
0x4a: {  	s24 =	simm.s32 $0x258  }
0x4b: {  	[tilespmem:s20], [sflag:$0x4] =	stream.indirect.gather [hbm4b:s3+s10], $0x40, s24, s10, $0xb8;
	[tilespmem:$0x12C00] =	vst v63  }
0x4c: {  	_ =	swait.ge [sflag:s21], $0x3200  }
0x4d: {  	s0 =	sld [smem:$0x7F2]  }
0x4e: {  	[sflag:s21] =	ssyncset.done $0x0  }
0x4f: {  	s2 =	sld [smem:$0x7F3];
	[sflag:s21] =	ssyncadd.s32 $0xFFFFCE00  }
0x50: {  	[hbm4b:s0+s15] =	stream.strided.scatter [tilespmem:s12], [sflag:$0x6], $0xC80, s16, s15, $0x38;
	[tilespmem:$0x12C00] =	vst v63  }
0x51: {  	s22 =	simm.s32 $0xA280;
	s5 =	sld [smem:$0x7F4]  }
0x52: {  	[hbm4b:s2+s15] =	stream.strided.scatter [tilespmem:s22], [sflag:$0x6], $0xC80, s16, s15, $0x38;
	[tilespmem:$0x12C00] =	vst v63  }
0x53: {  	s23 =	simm.s32 $0xAF00;
	s8 =	sld [smem:$0x7F5]  }
0x54: {  	[hbm4b:s5+s15] =	stream.strided.scatter [tilespmem:s23], [sflag:$0x6], $0xC80, s16, s15, $0x38;
	[tilespmem:$0x12C00] =	vst v63  }
0x55: {  	s5 =	simm.s32 $0xBB80  }
0x56: {  	[hbm4b:s8+s15] =	stream.strided.scatter [tilespmem:s5], [sflag:$0x6], $0xC80, s16, s15, $0x38;
	[tilespmem:$0x12C00] =	vst v63  }
0x57: {  	_ =	swait.ge [sflag:s25], $0xC80  }
0x58: {  	[sflag:s25] =	ssyncset.done $0x0  }
0x59: {  	[sflag:s25] =	ssyncadd.s32 $0xFFFFF380  }
0x5a: {  	_ =	swait.ge [sflag:s25], $0xC80  }
0x5b: {  	[sflag:s25] =	ssyncset.done $0x0  }
0x5c: {  	[sflag:s25] =	ssyncadd.s32 $0xFFFFF380  }
0x5d: {  	_ =	swait.ge [sflag:s25], $0xC80  }
0x5e: {  	[sflag:s25] =	ssyncset.done $0x0  }
0x5f: {  	[sflag:s25] =	ssyncadd.s32 $0xFFFFF380  }
0x60: {  	_ =	swait.ge [sflag:s25], $0xC80  }
0x61: {  	[sflag:s25] =	ssyncset.done $0x0  }
0x62: {  	s9 =	simm.s32 $0x320;
	[sflag:s25] =	ssyncadd.s32 $0xFFFFF380  }
0x63: {  	[tilespmem:s11], [sflag:$0x1] =	stream.indirect.gather [hbm4b:s3+s10], $0x40, s9, s10, $0xb8;
	[tilespmem:$0x12C00] =	vst v63  }
0x64: {  	_ =	swait.ge [sflag:s26], $0x3200  }
0x65: {  	s24 =	sld [smem:$0x7F6]  }
0x66: {  	[sflag:s26] =	ssyncset.done $0x0  }
0x67: {  	s0 =	sld [smem:$0x7F7];
	[sflag:s26] =	ssyncadd.s32 $0xFFFFCE00  }
0x68: {  	[hbm4b:s24+s15] =	stream.strided.scatter [tilespmem:s13], [sflag:$0x7], $0xC80, s16, s15, $0x38;
	[tilespmem:$0x12C00] =	vst v63  }
0x69: {  	s2 =	sld [smem:$0x7F8];
	s24 =	simm.s32 $0xD480  }
0x6a: {  	[hbm4b:s0+s15] =	stream.strided.scatter [tilespmem:s24], [sflag:$0x7], $0xC80, s16, s15, $0x38;
	[tilespmem:$0x12C00] =	vst v63  }
0x6b: {  	s28 =	simm.s32 $0xE100;
	s8 =	sld [smem:$0x7F9]  }
0x6c: {  	[hbm4b:s2+s15] =	stream.strided.scatter [tilespmem:s28], [sflag:$0x7], $0xC80, s16, s15, $0x38;
	[tilespmem:$0x12C00] =	vst v63  }
0x6d: {  	s29 =	simm.s32 $0xED80  }
0x6e: {  	[hbm4b:s8+s15] =	stream.strided.scatter [tilespmem:s29], [sflag:$0x7], $0xC80, s16, s15, $0x38;
	[tilespmem:$0x12C00] =	vst v63  }
0x6f: {  	_ =	swait.ge [sflag:s31], $0xC80  }
0x70: {  	[sflag:s31] =	ssyncset.done $0x0  }
0x71: {  	[sflag:s31] =	ssyncadd.s32 $0xFFFFF380  }
0x72: {  	_ =	swait.ge [sflag:s31], $0xC80  }
0x73: {  	[sflag:s31] =	ssyncset.done $0x0  }
0x74: {  	[sflag:s31] =	ssyncadd.s32 $0xFFFFF380  }
0x75: {  	_ =	swait.ge [sflag:s31], $0xC80  }
0x76: {  	[sflag:s31] =	ssyncset.done $0x0  }
0x77: {  	[sflag:s31] =	ssyncadd.s32 $0xFFFFF380  }
0x78: {  	_ =	swait.ge [sflag:s31], $0xC80  }
0x79: {  	[sflag:s31] =	ssyncset.done $0x0  }
0x7a: {  	s9 =	simm.s32 $0x3E8;
	[sflag:s31] =	ssyncadd.s32 $0xFFFFF380  }
0x7b: {  	[tilespmem:s12], [sflag:$0x2] =	stream.indirect.gather [hbm4b:s3+s10], $0x40, s9, s10, $0xb8;
	[tilespmem:$0x12C00] =	vst v63  }
0x7c: {  	_ =	swait.ge [sflag:s1], $0x3200  }
0x7d: {  	s0 =	sld [smem:$0x7FA]  }
0x7e: {  	[sflag:s1] =	ssyncset.done $0x0  }
0x7f: {  	s2 =	sld [smem:$0x7FB];
	[sflag:s1] =	ssyncadd.s32 $0xFFFFCE00  }
0x80: {  	[hbm4b:s0+s15] =	stream.strided.scatter [tilespmem:s20], [sflag:$0x8], $0xC80, s16, s15, $0x38;
	[tilespmem:$0x12C00] =	vst v63  }
0x81: {  	s30 =	simm.s32 $0x10680;
	s8 =	sld [smem:$0x7FC]  }
0x82: {  	[hbm4b:s2+s15] =	stream.strided.scatter [tilespmem:s30], [sflag:$0x8], $0xC80, s16, s15, $0x38;
	[tilespmem:$0x12C00] =	vst v63  }
0x83: {  	s9 =	simm.s32 $0x11300;
	s2 =	sld [smem:$0x7FD]  }
0x84: {  	[hbm4b:s8+s15] =	stream.strided.scatter [tilespmem:s9], [sflag:$0x8], $0xC80, s16, s15, $0x38;
	[tilespmem:$0x12C00] =	vst v63  }
0x85: {  	s0 =	simm.s32 $0x11F80  }
0x86: {  	[hbm4b:s2+s15] =	stream.strided.scatter [tilespmem:s0], [sflag:$0x8], $0xC80, s16, s15, $0x38;
	[tilespmem:$0x12C00] =	vst v63  }
0x87: {  	_ =	swait.ge [sflag:s6], $0xC80  }
0x88: {  	[sflag:s6] =	ssyncset.done $0x0  }
0x89: {  	[sflag:s6] =	ssyncadd.s32 $0xFFFFF380  }
0x8a: {  	_ =	swait.ge [sflag:s6], $0xC80  }
0x8b: {  	[sflag:s6] =	ssyncset.done $0x0  }
0x8c: {  	[sflag:s6] =	ssyncadd.s32 $0xFFFFF380  }
0x8d: {  	_ =	swait.ge [sflag:s6], $0xC80  }
0x8e: {  	[sflag:s6] =	ssyncset.done $0x0  }
0x8f: {  	[sflag:s6] =	ssyncadd.s32 $0xFFFFF380  }
0x90: {  	_ =	swait.ge [sflag:s6], $0xC80  }
0x91: {  	[sflag:s6] =	ssyncset.done $0x0  }
0x92: {  	s2 =	simm.s32 $0x4B0;
	[sflag:s6] =	ssyncadd.s32 $0xFFFFF380  }
0x93: {  	[tilespmem:s13], [sflag:$0x3] =	stream.indirect.gather [hbm4b:s3+s10], $0x40, s2, s10, $0xb8;
	[tilespmem:$0x12C00] =	vst v63  }
0x94: {  	_ =	swait.ge [sflag:s14], $0x3200  }
0x95: {  	s8 =	rddreg [dreg:$0x5]  }
0x96: {  	[sflag:s14] =	ssyncset.done $0x0;
	s4 =	sadd.s32 $0x0, s8  }
0x97: {  	[sflag:s14] =	ssyncadd.s32 $0xFFFFCE00;
	s9 =	sadd.s32 $0x3800, s4  }
0x98: {  	[hbm4b:s9+s15] =	stream.strided.scatter [tilespmem:s11], [sflag:$0x5], $0xC80, s16, s15, $0x38;
	[tilespmem:$0x12C00] =	vst v63  }
0x99: {  	s2 =	sadd.s32 $0x3B80, s4  }
0x9a: {  	[hbm4b:s2+s15] =	stream.strided.scatter [tilespmem:s17], [sflag:$0x5], $0xC80, s16, s15, $0x38;
	[tilespmem:$0x12C00] =	vst v63  }
0x9b: {  	s9 =	rddreg [dreg:$0x9];
	s17 =	sadd.s32 $0x3F00, s4  }
0x9c: {  	[hbm4b:s17+s15] =	stream.strided.scatter [tilespmem:s18], [sflag:$0x5], $0xC80, s16, s15, $0x38;
	[tilespmem:$0x12C00] =	vst v63  }
0x9d: {  	s18 =	sadd.s32 $0x0, s9  }
0x9e: {  	[hbm4b:s18+s15] =	stream.strided.scatter [tilespmem:s19], [sflag:$0x5], $0xC80, s16, s15, $0x38;
	[tilespmem:$0x12C00] =	vst v63  }
0x9f: {  	_ =	swait.ge [sflag:s7], $0xC80  }
0xa0: {  	[sflag:s7] =	ssyncset.done $0x0  }
0xa1: {  	[sflag:s7] =	ssyncadd.s32 $0xFFFFF380  }
0xa2: {  	_ =	swait.ge [sflag:s7], $0xC80  }
0xa3: {  	[sflag:s7] =	ssyncset.done $0x0  }
0xa4: {  	[sflag:s7] =	ssyncadd.s32 $0xFFFFF380  }
0xa5: {  	_ =	swait.ge [sflag:s7], $0xC80  }
0xa6: {  	[sflag:s7] =	ssyncset.done $0x0  }
0xa7: {  	[sflag:s7] =	ssyncadd.s32 $0xFFFFF380  }
0xa8: {  	_ =	swait.ge [sflag:s7], $0xC80  }
0xa9: {  	[sflag:s7] =	ssyncset.done $0x0  }
0xaa: {  	s19 =	simm.s32 $0x578;
	[sflag:s7] =	ssyncadd.s32 $0xFFFFF380  }
0xab: {  	[tilespmem:s20], [sflag:$0x4] =	stream.indirect.gather [hbm4b:s3+s10], $0x40, s19, s10, $0xb8;
	[tilespmem:$0x12C00] =	vst v63  }
0xac: {  	_ =	swait.ge [sflag:s21], $0x3200  }
0xad: {  	[sflag:s21] =	ssyncset.done $0x0  }
0xae: {  	s17 =	sadd.s32 $0x4600, s4;
	s2 =	rddreg [dreg:$0x8];
	[sflag:s21] =	ssyncadd.s32 $0xFFFFCE00  }
0xaf: {  	[hbm4b:s17+s15] =	stream.strided.scatter [tilespmem:s12], [sflag:$0x6], $0xC80, s16, s15, $0x38;
	[tilespmem:$0x12C00] =	vst v63  }
0xb0: {  	s18 =	rddreg [dreg:$0x7];
	s8 =	sadd.s32 $0x0, s2  }
0xb1: {  	[hbm4b:s8+s15] =	stream.strided.scatter [tilespmem:s22], [sflag:$0x6], $0xC80, s16, s15, $0x38;
	[tilespmem:$0x12C00] =	vst v63  }
0xb2: {  	s19 =	rddreg [dreg:$0x6];
	s9 =	sadd.s32 $0x0, s18  }
0xb3: {  	[hbm4b:s9+s15] =	stream.strided.scatter [tilespmem:s23], [sflag:$0x6], $0xC80, s16, s15, $0x38;
	[tilespmem:$0x12C00] =	vst v63  }
0xb4: {  	s8 =	sadd.s32 $0x0, s19  }
0xb5: {  	[hbm4b:s8+s15] =	stream.strided.scatter [tilespmem:s5], [sflag:$0x6], $0xC80, s16, s15, $0x38;
	[tilespmem:$0x12C00] =	vst v63  }
0xb6: {  	_ =	swait.ge [sflag:s25], $0xC80  }
0xb7: {  	[sflag:s25] =	ssyncset.done $0x0  }
0xb8: {  	[sflag:s25] =	ssyncadd.s32 $0xFFFFF380  }
0xb9: {  	_ =	swait.ge [sflag:s25], $0xC80  }
0xba: {  	[sflag:s25] =	ssyncset.done $0x0  }
0xbb: {  	[sflag:s25] =	ssyncadd.s32 $0xFFFFF380  }
0xbc: {  	_ =	swait.ge [sflag:s25], $0xC80  }
0xbd: {  	[sflag:s25] =	ssyncset.done $0x0  }
0xbe: {  	[sflag:s25] =	ssyncadd.s32 $0xFFFFF380  }
0xbf: {  	_ =	swait.ge [sflag:s25], $0xC80  }
0xc0: {  	[sflag:s25] =	ssyncset.done $0x0  }
0xc1: {  	s22 =	simm.s32 $0x640;
	[sflag:s25] =	ssyncadd.s32 $0xFFFFF380  }
0xc2: {  	[tilespmem:s11], [sflag:$0x1] =	stream.indirect.gather [hbm4b:s3+s10], $0x40, s22, s10, $0xb8;
	[tilespmem:$0x12C00] =	vst v63  }
0xc3: {  	_ =	swait.ge [sflag:s26], $0x3200  }
0xc4: {  	[sflag:s26] =	ssyncset.done $0x0  }
0xc5: {  	s23 =	sadd.s32 $0x5400, s4;
	[sflag:s26] =	ssyncadd.s32 $0xFFFFCE00  }
0xc6: {  	[hbm4b:s23+s15] =	stream.strided.scatter [tilespmem:s13], [sflag:$0x7], $0xC80, s16, s15, $0x38;
	[tilespmem:$0x12C00] =	vst v63  }
0xc7: {  	s17 =	sadd.s32 $0x5780, s4;
	s2 =	rddreg [dreg:$0x4]  }
0xc8: {  	[hbm4b:s17+s15] =	stream.strided.scatter [tilespmem:s24], [sflag:$0x7], $0xC80, s16, s15, $0x38;
	[tilespmem:$0x12C00] =	vst v63  }
0xc9: {  	s18 =	rddreg [dreg:$0x3];
	s8 =	sadd.s32 $0x0, s2  }
0xca: {  	[hbm4b:s8+s15] =	stream.strided.scatter [tilespmem:s28], [sflag:$0x7], $0xC80, s16, s15, $0x38;
	[tilespmem:$0x12C00] =	vst v63  }
0xcb: {  	s19 =	sadd.s32 $0x0, s18  }
0xcc: {  	[hbm4b:s19+s15] =	stream.strided.scatter [tilespmem:s29], [sflag:$0x7], $0xC80, s16, s15, $0x38;
	[tilespmem:$0x12C00] =	vst v63  }
0xcd: {  	_ =	swait.ge [sflag:s31], $0xC80  }
0xce: {  	[sflag:s31] =	ssyncset.done $0x0  }
0xcf: {  	[sflag:s31] =	ssyncadd.s32 $0xFFFFF380  }
0xd0: {  	_ =	swait.ge [sflag:s31], $0xC80  }
0xd1: {  	[sflag:s31] =	ssyncset.done $0x0  }
0xd2: {  	[sflag:s31] =	ssyncadd.s32 $0xFFFFF380  }
0xd3: {  	_ =	swait.ge [sflag:s31], $0xC80  }
0xd4: {  	[sflag:s31] =	ssyncset.done $0x0  }
0xd5: {  	[sflag:s31] =	ssyncadd.s32 $0xFFFFF380  }
0xd6: {  	_ =	swait.ge [sflag:s31], $0xC80  }
0xd7: {  	[sflag:s31] =	ssyncset.done $0x0  }
0xd8: {  	s22 =	simm.s32 $0x708;
	[sflag:s31] =	ssyncadd.s32 $0xFFFFF380  }
0xd9: {  	[tilespmem:s12], [sflag:$0x2] =	stream.indirect.gather [hbm4b:s3+s10], $0x40, s22, s10, $0xb8;
	[tilespmem:$0x12C00] =	vst v63  }
0xda: {  	_ =	swait.ge [sflag:s1], $0x3200  }
0xdb: {  	[sflag:s1] =	ssyncset.done $0x0  }
0xdc: {  	s4 =	sadd.s32 $0x6200, s4;
	s23 =	rddreg [dreg:$0xc];
	[sflag:s1] =	ssyncadd.s32 $0xFFFFCE00  }
0xdd: {  	[hbm4b:s4+s15] =	stream.strided.scatter [tilespmem:s20], [sflag:$0x8], $0xC80, s16, s15, $0x38;
	[tilespmem:$0x12C00] =	vst v63  }
0xde: {  	s2 =	rddreg [dreg:$0xb];
	s17 =	sadd.s32 $0x0, s23  }
0xdf: {  	[hbm4b:s17+s15] =	stream.strided.scatter [tilespmem:s30], [sflag:$0x8], $0xC80, s16, s15, $0x38;
	[tilespmem:$0x12C00] =	vst v63  }
0xe0: {  	s22 =	simm.s32 $0x11300;
	s18 =	rddreg [dreg:$0xa];
	s19 =	sadd.s32 $0x0, s2  }
0xe1: {  	[hbm4b:s19+s15] =	stream.strided.scatter [tilespmem:s22], [sflag:$0x8], $0xC80, s16, s15, $0x38;
	[tilespmem:$0x12C00] =	vst v63  }
0xe2: {  	s23 =	sadd.s32 $0x0, s18  }
0xe3: {  	[hbm4b:s23+s15] =	stream.strided.scatter [tilespmem:s0], [sflag:$0x8], $0xC80, s16, s15, $0x38;
	[tilespmem:$0x12C00] =	vst v63  }
0xe4: {  	_ =	swait.ge [sflag:s6], $0xC80  }
0xe5: {  	[sflag:s6] =	ssyncset.done $0x0  }
0xe6: {  	[sflag:s6] =	ssyncadd.s32 $0xFFFFF380  }
0xe7: {  	_ =	swait.ge [sflag:s6], $0xC80  }
0xe8: {  	[sflag:s6] =	ssyncset.done $0x0  }
0xe9: {  	[sflag:s6] =	ssyncadd.s32 $0xFFFFF380  }
0xea: {  	_ =	swait.ge [sflag:s6], $0xC80  }
0xeb: {  	s9 =	simm.s32 $0x3800;
	[sflag:s6] =	ssyncset.done $0x0  }
0xec: {  	s5 =	simm.s32 $0xD480;
	s24 =	simm.s32 $0xE100;
	[sflag:s6] =	ssyncadd.s32 $0xFFFFF380  }
0xed: {  	s28 =	simm.s32 $0xED80;
	s8 =	simm.s32 $0xAF0;
	_ =	swait.ge [sflag:s6], $0xC80  }
0xee: {  	s29 =	simm.s32 $0x10680;
	s2 =	simm.s32 $0x11F80;
	[sflag:s6] =	ssyncset.done $0x0  }
0xef: {  	s4 =	simm.s32 $0x7D0;
	s30 =	simm.s32 $0x11300;
	[sflag:s6] =	ssyncadd.s32 $0xFFFFF380  }
.LBB2_2:
0xf0: {  	[tilespmem:s13], [sflag:$0x3] =	stream.indirect.gather [hbm4b:s3+s10], $0x40, s4, s10, $0xb8;
	[tilespmem:$0x12C00] =	vst v63  }
0xf1: {  	_ =	swait.ge [sflag:s14], $0x3200  }
0xf2: {  	s17 =	smov.u32 s9;
	s18 =	rddreg [dreg:$0x5]  }
0xf3: {  	[sflag:s14] =	ssyncset.done $0x0;
	s18 =	sadd.s32 s17, s18  }
0xf4: {  	[sflag:s14] =	ssyncadd.s32 $0xFFFFCE00;
	s19 =	sadd.s32 $0x3800, s18  }
0xf5: {  	[hbm4b:s19+s15] =	stream.strided.scatter [tilespmem:s11], [sflag:$0x5], $0xC80, s16, s15, $0x38;
	[tilespmem:$0x12C00] =	vst v63  }
0xf6: {  	s23 =	simm.s32 $0x7080;
	s0 =	sadd.s32 $0x3B80, s18  }
0xf7: {  	[hbm4b:s0+s15] =	stream.strided.scatter [tilespmem:s23], [sflag:$0x5], $0xC80, s16, s15, $0x38;
	[tilespmem:$0x12C00] =	vst v63  }
0xf8: {  	s22 =	rddreg [dreg:$0x9];
	s23 =	sadd.s32 $0x3F00, s18;
	s0 =	simm.s32 $0x7D00  }
0xf9: {  	[hbm4b:s23+s15] =	stream.strided.scatter [tilespmem:s0], [sflag:$0x5], $0xC80, s16, s15, $0x38;
	[tilespmem:$0x12C00] =	vst v63  }
0xfa: {  	s23 =	sadd.s32 s17, s22;
	s0 =	simm.s32 $0x8980  }
0xfb: {  	[hbm4b:s23+s15] =	stream.strided.scatter [tilespmem:s0], [sflag:$0x5], $0xC80, s16, s15, $0x38;
	[tilespmem:$0x12C00] =	vst v63  }
0xfc: {  	_ =	swait.ge [sflag:s7], $0xC80  }
0xfd: {  	[sflag:s7] =	ssyncset.done $0x0  }
0xfe: {  	[sflag:s7] =	ssyncadd.s32 $0xFFFFF380  }
0xff: {  	_ =	swait.ge [sflag:s7], $0xC80  }
0x100: {  	[sflag:s7] =	ssyncset.done $0x0  }
0x101: {  	[sflag:s7] =	ssyncadd.s32 $0xFFFFF380  }
0x102: {  	_ =	swait.ge [sflag:s7], $0xC80  }
0x103: {  	[sflag:s7] =	ssyncset.done $0x0  }
0x104: {  	[sflag:s7] =	ssyncadd.s32 $0xFFFFF380  }
0x105: {  	_ =	swait.ge [sflag:s7], $0xC80  }
0x106: {  	[sflag:s7] =	ssyncset.done $0x0  }
0x107: {  	s23 =	sadd.s32 $0xFFFFFDA8, s8;
	[sflag:s7] =	ssyncadd.s32 $0xFFFFF380  }
0x108: {  	[tilespmem:s20], [sflag:$0x4] =	stream.indirect.gather [hbm4b:s3+s10], $0x40, s23, s10, $0xb8;
	[tilespmem:$0x12C00] =	vst v63  }
0x109: {  	_ =	swait.ge [sflag:s21], $0x3200  }
0x10a: {  	[sflag:s21] =	ssyncset.done $0x0  }
0x10b: {  	s0 =	sadd.s32 $0x4600, s18;
	s19 =	rddreg [dreg:$0x8];
	[sflag:s21] =	ssyncadd.s32 $0xFFFFCE00  }
0x10c: {  	[hbm4b:s0+s15] =	stream.strided.scatter [tilespmem:s12], [sflag:$0x6], $0xC80, s16, s15, $0x38;
	[tilespmem:$0x12C00] =	vst v63  }
0x10d: {  	s23 =	rddreg [dreg:$0x7];
	s19 =	sadd.s32 s17, s19;
	s0 =	simm.s32 $0xA280  }
0x10e: {  	[hbm4b:s19+s15] =	stream.strided.scatter [tilespmem:s0], [sflag:$0x6], $0xC80, s16, s15, $0x38;
	[tilespmem:$0x12C00] =	vst v63  }
0x10f: {  	s22 =	rddreg [dreg:$0x6];
	s0 =	sadd.s32 s17, s23;
	s23 =	simm.s32 $0xAF00  }
0x110: {  	[hbm4b:s0+s15] =	stream.strided.scatter [tilespmem:s23], [sflag:$0x6], $0xC80, s16, s15, $0x38;
	[tilespmem:$0x12C00] =	vst v63  }
0x111: {  	s22 =	sadd.s32 s17, s22;
	s23 =	simm.s32 $0xBB80  }
0x112: {  	[hbm4b:s22+s15] =	stream.strided.scatter [tilespmem:s23], [sflag:$0x6], $0xC80, s16, s15, $0x38;
	[tilespmem:$0x12C00] =	vst v63  }
0x113: {  	_ =	swait.ge [sflag:s25], $0xC80  }
0x114: {  	[sflag:s25] =	ssyncset.done $0x0  }
0x115: {  	[sflag:s25] =	ssyncadd.s32 $0xFFFFF380  }
0x116: {  	_ =	swait.ge [sflag:s25], $0xC80  }
0x117: {  	[sflag:s25] =	ssyncset.done $0x0  }
0x118: {  	[sflag:s25] =	ssyncadd.s32 $0xFFFFF380  }
0x119: {  	_ =	swait.ge [sflag:s25], $0xC80  }
0x11a: {  	[sflag:s25] =	ssyncset.done $0x0  }
0x11b: {  	[sflag:s25] =	ssyncadd.s32 $0xFFFFF380  }
0x11c: {  	_ =	swait.ge [sflag:s25], $0xC80  }
0x11d: {  	[sflag:s25] =	ssyncset.done $0x0  }
0x11e: {  	s22 =	sadd.s32 $0xFFFFFE70, s8;
	[sflag:s25] =	ssyncadd.s32 $0xFFFFF380  }
0x11f: {  	[tilespmem:s11], [sflag:$0x1] =	stream.indirect.gather [hbm4b:s3+s10], $0x40, s22, s10, $0xb8;
	[tilespmem:$0x12C00] =	vst v63  }
0x120: {  	_ =	swait.ge [sflag:s26], $0x3200  }
0x121: {  	[sflag:s26] =	ssyncset.done $0x0  }
0x122: {  	s23 =	sadd.s32 $0x5400, s18;
	[sflag:s26] =	ssyncadd.s32 $0xFFFFCE00  }
0x123: {  	[hbm4b:s23+s15] =	stream.strided.scatter [tilespmem:s13], [sflag:$0x7], $0xC80, s16, s15, $0x38;
	[tilespmem:$0x12C00] =	vst v63  }
0x124: {  	s0 =	sadd.s32 $0x5780, s18;
	s22 =	rddreg [dreg:$0x4]  }
0x125: {  	[hbm4b:s0+s15] =	stream.strided.scatter [tilespmem:s5], [sflag:$0x7], $0xC80, s16, s15, $0x38;
	[tilespmem:$0x12C00] =	vst v63  }
0x126: {  	s23 =	rddreg [dreg:$0x3];
	s0 =	sadd.s32 s17, s22  }
0x127: {  	[hbm4b:s0+s15] =	stream.strided.scatter [tilespmem:s24], [sflag:$0x7], $0xC80, s16, s15, $0x38;
	[tilespmem:$0x12C00] =	vst v63  }
0x128: {  	s22 =	sadd.s32 s17, s23  }
0x129: {  	[hbm4b:s22+s15] =	stream.strided.scatter [tilespmem:s28], [sflag:$0x7], $0xC80, s16, s15, $0x38;
	[tilespmem:$0x12C00] =	vst v63  }
0x12a: {  	_ =	swait.ge [sflag:s31], $0xC80  }
0x12b: {  	[sflag:s31] =	ssyncset.done $0x0  }
0x12c: {  	[sflag:s31] =	ssyncadd.s32 $0xFFFFF380  }
0x12d: {  	_ =	swait.ge [sflag:s31], $0xC80  }
0x12e: {  	[sflag:s31] =	ssyncset.done $0x0  }
0x12f: {  	[sflag:s31] =	ssyncadd.s32 $0xFFFFF380  }
0x130: {  	_ =	swait.ge [sflag:s31], $0xC80  }
0x131: {  	[sflag:s31] =	ssyncset.done $0x0  }
0x132: {  	[sflag:s31] =	ssyncadd.s32 $0xFFFFF380  }
0x133: {  	_ =	swait.ge [sflag:s31], $0xC80  }
0x134: {  	[sflag:s31] =	ssyncset.done $0x0  }
0x135: {  	s23 =	sadd.s32 $0xFFFFFF38, s8;
	[sflag:s31] =	ssyncadd.s32 $0xFFFFF380  }
0x136: {  	[tilespmem:s12], [sflag:$0x2] =	stream.indirect.gather [hbm4b:s3+s10], $0x40, s23, s10, $0xb8;
	[tilespmem:$0x12C00] =	vst v63  }
0x137: {  	_ =	swait.ge [sflag:s1], $0x3200  }
0x138: {  	[sflag:s1] =	ssyncset.done $0x0  }
0x139: {  	s18 =	sadd.s32 $0x6200, s18;
	s0 =	rddreg [dreg:$0xc];
	[sflag:s1] =	ssyncadd.s32 $0xFFFFCE00  }
0x13a: {  	[hbm4b:s18+s15] =	stream.strided.scatter [tilespmem:s20], [sflag:$0x8], $0xC80, s16, s15, $0x38;
	[tilespmem:$0x12C00] =	vst v63  }
0x13b: {  	s22 =	rddreg [dreg:$0xb];
	s23 =	sadd.s32 s17, s0  }
0x13c: {  	[hbm4b:s23+s15] =	stream.strided.scatter [tilespmem:s29], [sflag:$0x8], $0xC80, s16, s15, $0x38;
	[tilespmem:$0x12C00] =	vst v63  }
0x13d: {  	s0 =	rddreg [dreg:$0xa];
	s23 =	sadd.s32 s17, s22  }
0x13e: {  	[hbm4b:s23+s15] =	stream.strided.scatter [tilespmem:s30], [sflag:$0x8], $0xC80, s16, s15, $0x38;
	[tilespmem:$0x12C00] =	vst v63  }
0x13f: {  	s17 =	sadd.s32 s17, s0  }
0x140: {  	[hbm4b:s17+s15] =	stream.strided.scatter [tilespmem:s2], [sflag:$0x8], $0xC80, s16, s15, $0x38;
	[tilespmem:$0x12C00] =	vst v63  }
0x141: {  	_ =	swait.ge [sflag:s6], $0xC80  }
0x142: {  	[sflag:s6] =	ssyncset.done $0x0  }
0x143: {  	[sflag:s6] =	ssyncadd.s32 $0xFFFFF380  }
0x144: {  	_ =	swait.ge [sflag:s6], $0xC80  }
0x145: {  	[sflag:s6] =	ssyncset.done $0x0  }
0x146: {  	[sflag:s6] =	ssyncadd.s32 $0xFFFFF380  }
0x147: {  	p0 =	sne.s32 s9, $0x65800;
	_ =	swait.ge [sflag:s6], $0xC80  }
.Ltmp0:
0x148: {  	[sflag:s6] =	ssyncset.done $0x0;
	(pc) =	sbr.rel @p0 .LBB2_2-.Ltmp0, $4  }
0x149: {  	[sflag:s6] =	ssyncadd.s32 $0xFFFFF380  }
0x14a: {  	_ =	swait.ge [sflag:s6], $0xC80  }
0x14b: {  	s4 =	smov.u32 s8;
	[sflag:s6] =	ssyncset.done $0x0  }
0x14c: {  	s9 =	sadd.s32 $0x3800, s9;
	s8 =	sadd.s32 $0x320, s8;
	[sflag:s6] =	ssyncadd.s32 $0xFFFFF380  }
0x14d: {  	[tilespmem:s13], [sflag:$0x3] =	stream.indirect.gather [hbm4b:s3+s10], $0x40, s4, s10, $0xb8;
	[tilespmem:$0x12C00] =	vst v63  }
0x14e: {  	_ =	swait.ge [sflag:s14], $0x3200  }
0x14f: {  	[sflag:s14] =	ssyncset.done $0x0  }
0x150: {  	s19 =	rddreg [dreg:$0x12];
	[sflag:s14] =	ssyncadd.s32 $0xFFFFCE00  }
0x151: {  	[hbm4b:s19+s15] =	stream.strided.scatter [tilespmem:s11], [sflag:$0x5], $0xC80, s16, s15, $0x38;
	[tilespmem:$0x12C00] =	vst v63  }
0x152: {  	s8 =	simm.s32 $0x7080;
	s22 =	rddreg [dreg:$0x13]  }
0x153: {  	[hbm4b:s22+s15] =	stream.strided.scatter [tilespmem:s8], [sflag:$0x5], $0xC80, s16, s15, $0x38;
	[tilespmem:$0x12C00] =	vst v63  }
0x154: {  	s0 =	simm.s32 $0x7D00;
	s23 =	rddreg [dreg:$0x14]  }
0x155: {  	[hbm4b:s23+s15] =	stream.strided.scatter [tilespmem:s0], [sflag:$0x5], $0xC80, s16, s15, $0x38;
	[tilespmem:$0x12C00] =	vst v63  }
0x156: {  	s9 =	simm.s32 $0x8980;
	s8 =	rddreg [dreg:$0x15]  }
0x157: {  	[hbm4b:s8+s15] =	stream.strided.scatter [tilespmem:s9], [sflag:$0x5], $0xC80, s16, s15, $0x38;
	[tilespmem:$0x12C00] =	vst v63  }
0x158: {  	_ =	swait.ge [sflag:s7], $0xC80  }
0x159: {  	[sflag:s7] =	ssyncset.done $0x0  }
0x15a: {  	[sflag:s7] =	ssyncadd.s32 $0xFFFFF380  }
0x15b: {  	_ =	swait.ge [sflag:s7], $0xC80  }
0x15c: {  	[sflag:s7] =	ssyncset.done $0x0  }
0x15d: {  	[sflag:s7] =	ssyncadd.s32 $0xFFFFF380  }
0x15e: {  	_ =	swait.ge [sflag:s7], $0xC80  }
0x15f: {  	[sflag:s7] =	ssyncset.done $0x0  }
0x160: {  	[sflag:s7] =	ssyncadd.s32 $0xFFFFF380  }
0x161: {  	_ =	swait.ge [sflag:s7], $0xC80  }
0x162: {  	[sflag:s7] =	ssyncset.done $0x0  }
0x163: {  	s0 =	simm.s32 $0x6338;
	[sflag:s7] =	ssyncadd.s32 $0xFFFFF380  }
0x164: {  	[tilespmem:s20], [sflag:$0x4] =	stream.indirect.gather [hbm4b:s3+s10], $0x40, s0, s10, $0xb8;
	[tilespmem:$0x12C00] =	vst v63  }
0x165: {  	_ =	swait.ge [sflag:s21], $0x3200  }
0x166: {  	[sflag:s21] =	ssyncset.done $0x0  }
0x167: {  	s17 =	rddreg [dreg:$0x16];
	[sflag:s21] =	ssyncadd.s32 $0xFFFFCE00  }
0x168: {  	[hbm4b:s17+s15] =	stream.strided.scatter [tilespmem:s12], [sflag:$0x6], $0xC80, s16, s15, $0x38;
	[tilespmem:$0x12C00] =	vst v63  }
0x169: {  	s19 =	simm.s32 $0xA280;
	s18 =	rddreg [dreg:$0x17]  }
0x16a: {  	[hbm4b:s18+s15] =	stream.strided.scatter [tilespmem:s19], [sflag:$0x6], $0xC80, s16, s15, $0x38;
	[tilespmem:$0x12C00] =	vst v63  }
0x16b: {  	s23 =	simm.s32 $0xAF00;
	s22 =	rddreg [dreg:$0x18]  }
0x16c: {  	[hbm4b:s22+s15] =	stream.strided.scatter [tilespmem:s23], [sflag:$0x6], $0xC80, s16, s15, $0x38;
	[tilespmem:$0x12C00] =	vst v63  }
0x16d: {  	s8 =	simm.s32 $0xBB80;
	s0 =	rddreg [dreg:$0x19]  }
0x16e: {  	[hbm4b:s0+s15] =	stream.strided.scatter [tilespmem:s8], [sflag:$0x6], $0xC80, s16, s15, $0x38;
	[tilespmem:$0x12C00] =	vst v63  }
0x16f: {  	_ =	swait.ge [sflag:s25], $0xC80  }
0x170: {  	[sflag:s25] =	ssyncset.done $0x0  }
0x171: {  	[sflag:s25] =	ssyncadd.s32 $0xFFFFF380  }
0x172: {  	_ =	swait.ge [sflag:s25], $0xC80  }
0x173: {  	[sflag:s25] =	ssyncset.done $0x0  }
0x174: {  	[sflag:s25] =	ssyncadd.s32 $0xFFFFF380  }
0x175: {  	_ =	swait.ge [sflag:s25], $0xC80  }
0x176: {  	[sflag:s25] =	ssyncset.done $0x0  }
0x177: {  	[sflag:s25] =	ssyncadd.s32 $0xFFFFF380  }
0x178: {  	_ =	swait.ge [sflag:s25], $0xC80  }
0x179: {  	[sflag:s25] =	ssyncset.done $0x0  }
0x17a: {  	[sflag:s25] =	ssyncadd.s32 $0xFFFFF380  }
0x17b: {  	_ =	swait.ge [sflag:s26], $0x3200  }
0x17c: {  	[sflag:s26] =	ssyncset.done $0x0  }
0x17d: {  	s9 =	rddreg [dreg:$0x1a];
	[sflag:s26] =	ssyncadd.s32 $0xFFFFCE00  }
0x17e: {  	[hbm4b:s9+s15] =	stream.strided.scatter [tilespmem:s13], [sflag:$0x7], $0xC80, s16, s15, $0x38;
	[tilespmem:$0x12C00] =	vst v63  }
0x17f: {  	s17 =	rddreg [dreg:$0x1b]  }
0x180: {  	[hbm4b:s17+s15] =	stream.strided.scatter [tilespmem:s5], [sflag:$0x7], $0xC80, s16, s15, $0x38;
	[tilespmem:$0x12C00] =	vst v63  }
0x181: {  	s18 =	rddreg [dreg:$0x1c]  }
0x182: {  	[hbm4b:s18+s15] =	stream.strided.scatter [tilespmem:s24], [sflag:$0x7], $0xC80, s16, s15, $0x38;
	[tilespmem:$0x12C00] =	vst v63  }
0x183: {  	s19 =	rddreg [dreg:$0x1d]  }
0x184: {  	[hbm4b:s19+s15] =	stream.strided.scatter [tilespmem:s28], [sflag:$0x7], $0xC80, s16, s15, $0x38;
	[tilespmem:$0x12C00] =	vst v63  }
0x185: {  	_ =	swait.ge [sflag:s31], $0xC80  }
0x186: {  	[sflag:s31] =	ssyncset.done $0x0  }
0x187: {  	[sflag:s31] =	ssyncadd.s32 $0xFFFFF380  }
0x188: {  	_ =	swait.ge [sflag:s31], $0xC80  }
0x189: {  	[sflag:s31] =	ssyncset.done $0x0  }
0x18a: {  	[sflag:s31] =	ssyncadd.s32 $0xFFFFF380  }
0x18b: {  	_ =	swait.ge [sflag:s31], $0xC80  }
0x18c: {  	[sflag:s31] =	ssyncset.done $0x0  }
0x18d: {  	[sflag:s31] =	ssyncadd.s32 $0xFFFFF380  }
0x18e: {  	_ =	swait.ge [sflag:s31], $0xC80  }
0x18f: {  	[sflag:s31] =	ssyncset.done $0x0  }
0x190: {  	[sflag:s31] =	ssyncadd.s32 $0xFFFFF380  }
0x191: {  	_ =	swait.ge [sflag:s1], $0x3200  }
0x192: {  	[sflag:s1] =	ssyncset.done $0x0;
	s22 =	rddreg [dreg:$0x1e]  }
0x193: {  	s23 =	rddreg [dreg:$0x1f];
	[sflag:s1] =	ssyncadd.s32 $0xFFFFCE00  }
0x194: {  	[hbm4b:s22+s15] =	stream.strided.scatter [tilespmem:s20], [sflag:$0x8], $0xC80, s16, s15, $0x38;
	[tilespmem:$0x12C00] =	vst v63  }
0x195: {  	s24 =	sld [smem:$0x7EF]  }
0x196: {  	[hbm4b:s23+s15] =	stream.strided.scatter [tilespmem:s29], [sflag:$0x8], $0xC80, s16, s15, $0x38;
	[tilespmem:$0x12C00] =	vst v63  }
0x197: {  	s28 =	sld [smem:$0x7F0]  }
0x198: {  	[hbm4b:s24+s15] =	stream.strided.scatter [tilespmem:s30], [sflag:$0x8], $0xC80, s16, s15, $0x38;
	[tilespmem:$0x12C00] =	vst v63  }
0x199: {  	_ = 	snop  }
0x19a: {  	[hbm4b:s28+s15] =	stream.strided.scatter [tilespmem:s2], [sflag:$0x8], $0xC80, s16, s15, $0x38;
	[tilespmem:$0x12C00] =	vst v63  }
0x19b: {  	_ =	swait.ge [sflag:s6], $0xC80  }
0x19c: {  	[sflag:s6] =	ssyncset.done $0x0  }
0x19d: {  	[sflag:s6] =	ssyncadd.s32 $0xFFFFF380  }
0x19e: {  	_ =	swait.ge [sflag:s6], $0xC80  }
0x19f: {  	[sflag:s6] =	ssyncset.done $0x0  }
0x1a0: {  	[sflag:s6] =	ssyncadd.s32 $0xFFFFF380  }
0x1a1: {  	_ =	swait.ge [sflag:s6], $0xC80  }
0x1a2: {  	[sflag:s6] =	ssyncset.done $0x0  }
0x1a3: {  	[sflag:s6] =	ssyncadd.s32 $0xFFFFF380  }
0x1a4: {  	_ =	swait.ge [sflag:s6], $0xC80  }
0x1a5: {  	[sflag:s6] =	ssyncset.done $0x0  }
0x1a6: {  	[sflag:s6] =	ssyncadd.s32 $0xFFFFF380  }
0x1a7: {  	_ =	swait.ge [sflag:s7], $0xC80  }
0x1a8: {  	[sflag:s7] =	ssyncset.done $0x0  }
0x1a9: {  	[sflag:s7] =	ssyncadd.s32 $0xFFFFF380  }
0x1aa: {  	_ =	swait.ge [sflag:s7], $0xC80  }
0x1ab: {  	[sflag:s7] =	ssyncset.done $0x0  }
0x1ac: {  	[sflag:s7] =	ssyncadd.s32 $0xFFFFF380  }
0x1ad: {  	_ =	swait.ge [sflag:s7], $0xC80  }
0x1ae: {  	[sflag:s7] =	ssyncset.done $0x0  }
0x1af: {  	[sflag:s7] =	ssyncadd.s32 $0xFFFFF380  }
0x1b0: {  	_ =	swait.ge [sflag:s7], $0xC80  }
0x1b1: {  	s29 =	sld [smem:$0x7EE]  }
0x1b2: {  	s30 =	sld [smem:$0x7F1];
	_ =	sdelay $0x1  }
0x1b3: {  	s0 =	sadd.s32 $0x1, s29  }
0x1b4: {  	p0 =	sne.s32 s0, s30  }
.Ltmp1:
0x1b5: {  	_ = 	snop;
	(pc) =	sbr.rel @p0 .LBB2_1-.Ltmp1, $3  }
0x1b6: {  	_ =	sdelay $0x1  }
0x1b7: {  	[sflag:s7] =	ssyncset.done $0x0  }
0x1b8: {  	[sflag:s7] =	ssyncadd.s32 $0xFFFFF380  }
0x1b9: {  	_ =	sfence.sel $0x180000  }
0x1ba: {  	[bflag:$0x0] =	sbarrier.arrive $0xFFFF  }
0x1bb: {  	_ =	strace $0x90000047  }
0x1bc: {  	s0 =	stileid.u32;
	[bflag:$0x2] =	sbarrier.arrive $0xFFFF  }
0x1bd: {  	p0 =	sne.s32 s0, $0x0;
	s0 =	rddreg [dreg:$0x2]  }
0x1be: {  	s0 =	sadd.s32 @!p0 $0x100000, s0  }
0x1bf: {  	[sflag:s0] =	ssyncadd.tile.s32 @!p0 $0x1;
	_ =	shalt  }
.Lfunc_end2:
_tile_overlayer_lowered:
.L_overlay_start_2:
0x1c0: {  	(tag) =	ssettag $0x2  }
0x1c1: {  	s0 =	rddreg [dreg:$0x0];
	s2 =	stileid.u32  }
0x1c2: {  	s1 =	rddreg [dreg:$0x1];
	p0 =	sne.s32 s2, $0x0  }
0x1c3: {  	s3 =	rddreg [dreg:$0x2];
	[bflag:$0x3] =	sbarrier.arrive $0xFFFF;
	s2 =	simm.s32 @!p0 $0x1C09  }
0x1c4: {  	[timem:s3], [sflag:s2] =	dma.local @!p0 [hbm:s0], s1  }
0x1c5: {  	s0 =	simm.s32 @!p0 $0x9  }
0x1c6: {  	_ =	swait.ge @!p0 [sflag:s0], s1  }
0x1c7: {  	s1 =	ssub.s32 @!p0 $0x0, s1;
	[sflag:s0] =	ssyncset.done @!p0 $0x0  }
0x1c8: {  	[sflag:s0] =	ssyncadd.s32 @!p0 s1  }
0x1c9: {  	[bflag:$0x3] =	sbarrier.arrive $0xFFFF  }
0x1ca: {  	_ =	shalt  }

// kernel: sparse-core-data-format-call.cloned.1.call-start
scs
called_computation_lowered:
.L_overlay_start_0:
0x0: {  	s2 =	sld [smem:$0x3FD9]  }
0x1: {  	s3 =	sld [smem:$0x3FFE];
	_ =	sdelay $0x1  }
0x2: {  	s1 =	srdreg.scid  }
0x3: {  	s0 =	sand.u32 $0x1, s1  }
0x4: {  	s18 =	sshll.u32 s0, $0xA;
	s2 =	sadd.s32 s3, s2  }
0x5: {  	s2 =	sadd.s32 s2, s18  }
0x6: {  	[smem:$0x3FC6] =	sst s2  }
0x7: {  	_ = 	snop  }
0x8: {  	s2 =	sld [smem:$0x3FD0];
	(tm) =	ssettm $0x1  }
0x9: {  	s19 =	sld [smem:$0x3FFB];
	_ =	sdelay $0x3  }
0xa: {  	_ =	strace s19  }
0xb: {  	s3 =	sld [smem:$0x3FFC];
	_ =	sdelay $0x3  }
0xc: {  	_ =	strace s3  }
0xd: {  	s3 =	sld [smem:$0x3FFD];
	_ =	sdelay $0x3  }
0xe: {  	_ =	strace s3  }
0xf: {  	_ =	strace $0x8FFFFFFF  }
0x10: {  	s20 =	sld [smem:$0x3FDB];
	_ =	sdelay $0x1  }
0x11: {  	s4 =	simm.s32 $_scs_section_size  }
0x12: {  	s5 =	simm.s32 $_size__tile_overlayer_lowered;
	s6 =	simm.s32 $_tile_overlayer_lowered  }
0x13: {  	s23 =	simm.s32 $0x1BFF;
	s22 =	sshll.u32 s6, $0x1;
	s3 =	sadd.s32 s4, s20  }
0x14: {  	s7 =	simm.s32 $0x0;
	s21 =	sshll.u32 s5, $0x1;
	s5 =	sadd.s32 s22, s3  }
0x15: {  	[timem:s7], [sflag:s23] =	dma.local [hbm:s5], s21  }
0x16: {  	_ =	swait.ge [sflag:s23], s21  }
0x17: {  	s4 =	ssub.s32 $0x0, s21;
	[sflag:s23] =	ssyncset.done $0x0  }
0x18: {  	[sflag:s23] =	ssyncadd.s32 s4;
	_ =	sdelay $0x1  }
0x19: {  	s24 =	simm.s32 $0x1B8B  }
0x1a: {  	_ =	swait.ge [sflag:s24], $0x1  }
0x1b: {  	[sflag:s24] =	ssyncset.done $0x0  }
0x1c: {  	s26 =	simm.s32 $0x1B8E;
	s25 =	sld [smem:$0x3FFE];
	[sflag:s24] =	ssyncadd.s32 $0xFFFFFFFF  }
0x1d: {  	s27 =	simm.s32 $execute0_lowered;
	[smem:$0x3FD2] =	sst s26  }
0x1e: {  	s5 =	sshll.u32 s27, $0x1;
	_ =	strace $0x80000049;
	[dreg:$0x1] =	wrdreg $0xFFFFFFFF  }
0x1f: {  	s28 =	simm.s32 $_size_execute0_lowered;
	s3 =	sadd.s32 s3, s5;
	[dreg:$0x0] =	wrdreg $0x0  }
0x20: {  	s5 =	sshll.u32 s28, $0x1;
	[dreg:$0x2] =	wrdreg s3  }
0x21: {  	[dreg:$0x3] =	wrdreg s5  }
0x22: {  	[dreg:$0x4] =	wrdreg $0xC0  }
0x23: {  	_ =	task [dreg:s7], $0x5FFFF  }
0x24: {  	[dreg:$0x1] =	wrdreg $0xFFFFFFFF  }
0x25: {  	[dreg:$0x0] =	wrdreg $0x60  }
0x26: {  	[dreg:$0x2] =	wrdreg s25  }
0x27: {  	[dreg:$0x3] =	wrdreg s2  }
0x28: {  	[dreg:$0x4] =	wrdreg $0x9  }
0x29: {  	_ =	task.clear_ibuf [dreg:s7], $0x5FFFF;
	_ =	strace $0x90000049  }
0x2a: {  	s29 =	simm.s32 $0x9;
	_ =	strace $0x8000004B  }
0x2b: {  	_ =	swait.ge [sflag:s29], $0x1  }
0x2c: {  	[sflag:s29] =	ssyncadd.s32 $0xFFFFFFFF  }
0x2d: {  	_ =	strace $0x9000004B  }
0x2e: {  	_ =	sfence  }
0x2f: {  	s30 =	sld [smem:$0x0];
	_ =	sdelay $0x2  }
0x30: {  	s31 =	sshll.u32 s1, $0xD;
	s1 =	sshrl.u32 s1, $0x2  }
0x31: {  	s3 =	sand.u32 $0x4000, s31;
	s1 =	sadd.s32 s1, s30  }
0x32: {  	s0 =	sor.u32 s3, s0;
	s1 =	sshll.u32 s1, $0x11  }
0x33: {  	s0 =	sor.u32 s1, s0  }
0x34: {  	s0 =	sadd.s32 $0x8F2B, s0  }
0x35: {  	[sflag:s0] =	ssyncadd.remote.s32 $0x1  }
0x36: {  	_ =	sfence.sel $0xFFFF  }
0x37: {  	[dreg:$0x0] =	wrdreg $0xFFFFFFFF;
	(pc) =	sbr.abs _section_cstart, $3  }
0x38: {  	[dreg:$0x1] =	wrdreg $0xFFFFFFFF  }
0x39: {  	_ =	task.clear_ibuf [dreg:s7], $0x2FFFF;
	_ =	strace $0x9FFFFFFF  }
0x3a: {  	(tm) =	ssettm $0x7FFFFFFF  }
0x3b: {  	_ =	shalt  }
tec
execute0_lowered:
.L_overlay_start_1:
0x0: {  	(tag) =	ssettag $0x1  }
0x1: {  	s0 =	srdreg.scid  }
0x2: {  	s1 =	sshll.u32 s0, $0x4  }
0x3: {  	s0 =	stileid.u32;
	s1 =	sand.u32 $0x10, s1  }
0x4: {  	s1 =	sor.u32 s0, s1  }
0x5: {  	s6 =	rddreg [dreg:$0x0];
	s4 =	simm.s32 $0x1;
	s2 =	sshll.u32 s1, $0x7  }
0x6: {  	s7 =	simm.s32 $0x2;
	s12 =	simm.s32 $0x0;
	s1 =	ssub.s32 $0x4000, s2  }
0x7: {  	s8 =	simm.s32 $0x20000;
	s13 =	simm.s32 $0x0;
	s3 =	sand.u32 $0xF80, s1  }
0x8: {  	s9 =	simm.s32 $0x0;
	s5 =	sshrl.u32 s1, $0xC;
	p0 =	sne.s32 s3, $0x0  }
.Ltmp0:
0x9: {  	s1 =	rddreg [dreg:$0x2];
	s4 =	simm.s32 @!p0 $0x0;
	(pc) =	sbr.rel .LBB1_1-.Ltmp0, $4  }
0xa: {  	s11 =	simm.s32 $0x0;
	s3 =	rddreg [dreg:$0x1];
	s5 =	sadd.s32 s4, s5  }
0xb: {  	_ =	strace $0x8000004A;
	s4 =	simm.s32 $0x1;
	s5 =	smul.u32 $0x32, s5  }
0xc: {  	s6 =	sadd.s32 $0xA00, s6;
	s10 =	smov.u32 s2;
	[sflag:s4] =	ssyncpa.u1 $0x0  }
0xd: {  	p0 =	por $0x0, $0x0;
	[sflag:s7] =	ssyncpa.u1 $0x0;
	s7 =	sor.u32 $0x1, s5  }
.LBB1_4:
0xe: {  	s16 =	sshll.u32 s13, $0x3;
	s17 =	sand.u32 $0x78, s13  }
0xf: {  	s30 =	sand.u32 $0x1F800, s13;
	s12 =	sshll.u32 s12, $0x11;
	s16 =	sand.u32 $0x3C00, s16  }
0x10: {  	[tilespmem:s15+$0x810 ss:$0x81] =	vst.msk $0xffff, v2;
	s31 =	sand.u32 $0x7, s13;
	s16 =	sor.u32 s17, s16;
	s17 =	sadd.s32 s3, s30  }
0x11: {  	[tilespmem:s15+$0x1020 ss:$0x81] =	vst.msk $0xffff, v0;
	s13 =	sshll.u32 s31, $0x12;
	s12 =	sadd.s32 s12, s17;
	s16 =	sshrl.u32 s16, $0x3  }
0x12: {  	[tilespmem:s15+$0x0 ss:$0x81] =	vst.msk $0xffff, v1;
	s13 =	sor.u32 $0x400, s13;
	s12 =	sadd.s32 s16, s12  }
0x13: {  	[hbm4b:s12+s13] =	stream.strided.scatter [tilespmem:s14], [sflag:$0x2], $0x2000, s8, s13, $0x20;
	[tilespmem:$0x8080] =	vst v63  }
.LBB1_5:
0x14: {  	s14 =	sadd.s32 $0x1, s9  }
0x15: {  	s12 =	sadd.s32 $0x1000, s10;
	s16 =	smov.u32 s10;
	p2 =	sgt.s32 s14, $0x31  }
0x16: {  	s16 =	smov.u32 @p2 s12  }
0x17: {  	s14 =	simm.s32 @p2 $0x0;
	p2 =	sgt.s32 s16, $0x3FFF  }
0x18: {  	s16 =	smov.u32 @p2 s2;
	p2 =	sne.s32 s11, s7  }
.Ltmp1:
0x19: {  	p1 =	slt.u32 s11, $0x2;
	(pc) =	sbr.rel @!p2 .LBB1_6-.Ltmp1, $4  }
0x1a: {  	s15 =	simm.s32 @!p1 $0x2  }
0x1b: {  	s13 =	smov.u32 s10;
	p0 =	por !p0, !p0;
	_ =	swait.ge @!p1 [sflag:s15], $0x2000  }
0x1c: {  	s12 =	smov.u32 s9;
	[sflag:s15] =	ssyncset.done @!p1 $0x0;
	s9 =	smov.u32 s14  }
0x1d: {  	s11 =	sadd.s32 $0x1, s11;
	[sflag:s15] =	ssyncadd.s32 @!p1 $0xFFFFE000;
	s10 =	smov.u32 s16  }
.LBB1_1:
0x1e: {  	p1 =	sge.u32 s11, s5  }
0x1f: {  	s14 =	sand.u32 @!p1 $0x1FFFFFF, s9  }
0x20: {  	s15 =	smulhi.u32 @!p1 $0x4924925, s14;
	_ =	sdelay $0x1  }
0x21: {  	s15 =	smul.u32 @!p1 $0x38, s15  }
0x22: {  	s16 =	sxor.u32 @!p1 $0xFFFFFFFF, s11;
	s17 =	smul.u32 @!p1 $0x380, s10  }
0x23: {  	s31 =	sadd.s32 $0xFFFFFFFF, s11;
	s16 =	sshll.u32 @!p1 s16, $0xD;
	s14 =	ssub.s32 @!p1 s14, s15  }
0x24: {  	s15 =	sand.u32 @!p1 $0x2000, s16;
	s16 =	sadd.s32 @!p1 s6, s17;
	s14 =	sshll.u32 @!p1 s14, $0x4  }
0x25: {  	s17 =	simm.s32 @!p1 $0x1C00;
	s14 =	sadd.s32 @!p1 s14, s16;
	s16 =	simm.s32 @!p1 $0x40  }
0x26: {  	[tilespmem:s15], [sflag:$0x1] =	stream.strided.gather @!p1 [hbm4b:s14+s16], $0x2000, s17, s16, $0x38;
	[tilespmem:$0x8080] =	vst v63  }
0x27: {  	p1 =	sge.u32 s31, s5  }
.Ltmp2:
0x28: {  	_ = 	snop;
	(pc) =	sbr.rel @p1 .LBB1_5-.Ltmp2, $1  }
0x29: {  	_ =	sdelay $0x3  }
0x2a: {  	s14 =	simm.s32 $0x1  }
0x2b: {  	_ =	swait.ge [sflag:s4], $0x2000;
	s14 =	simm.s32 @!p0 $0x0  }
0x2c: {  	[sflag:s4] =	ssyncset.done $0x0;
	s15 =	sshll.u32 s14, $0xD  }
0x2d: {  	[sflag:s4] =	ssyncadd.s32 $0xFFFFE000;
	s18 =	sor.u32 $0x20, s15  }
0x2e: {  	s14 =	smul.u32 $0x8100, s14;
	v3 =	vld [tilespmem:s18+$0x10]  }
0x2f: {  	s30 =	sand.u32 $0x1, s11;
	v2 =	vld [tilespmem:s18+$0xFFFFFFF0]  }
0x30: {  	s15 =	smul.u32 $0x8100, s30;
	s14 =	sshrl.u32 s14, $0x2;
	v0 =	vld [tilespmem:s18+$0x0]  }
0x31: {  	v1 =	vld [tilespmem:s18+$0xFFFFFFE0];
	s16 =	sor.u32 $0x4000, s14  }
0x32: {  	s31 =	sshrl.u32 s15, $0x2;
	s15 =	sadd.s32 $0x0, s16  }
0x33: {  	s17 =	simm.s32 $0x4;
	s18 =	sadd.s32 $0x40, s18;
	s14 =	sor.u32 $0x4000, s31;
	[tilespmem:s15+$0x1830 ss:$0x81] =	vst.msk $0xffff, v3  }
.LBB1_3:
0x34: {  	v3 =	vld [tilespmem:s18+$0x10];
	p1 =	sne.s32 s17, $0x1FC;
	[tilespmem:s15+$0x810 ss:$0x81] =	vst.msk $0xffff, v2;
	s19 =	smov.u32 s17;
	s17 =	sadd.s32 $0x4, s17  }
.Ltmp3:
0x35: {  	v2 =	vld [tilespmem:s18+$0xFFFFFFF0];
	[tilespmem:s15+$0x1020 ss:$0x81] =	vst.msk $0xffff, v0;
	(pc) =	sbr.rel @p1 .LBB1_3-.Ltmp3, $4  }
0x36: {  	v0 =	vld [tilespmem:s18+$0x0];
	[tilespmem:s15+$0x0 ss:$0x81] =	vst.msk $0xffff, v1  }
0x37: {  	s15 =	sshra.s32 s19, $0x2;
	v1 =	vld [tilespmem:s18+$0xFFFFFFE0]  }
0x38: {  	s15 =	sadd.s32 s15, s16  }
0x39: {  	s18 =	sadd.s32 $0x40, s18;
	[tilespmem:s15+$0x1830 ss:$0x81] =	vst.msk $0xffff, v3  }
.Ltmp4:
0x3a: {  	_ = 	snop;
	(pc) =	sbr.rel .LBB1_4-.Ltmp4, $1  }
0x3b: {  	_ =	sdelay $0x3  }
.LBB1_6:
0x3c: {  	_ =	sfence.sel $0x180000  }
0x3d: {  	s2 =	simm.s32 $0x1;
	[bflag:$0x0] =	sbarrier.arrive $0xFFFF  }
0x3e: {  	s31 =	simm.s32 $0x2;
	[sflag:s2] =	ssyncpa.u1 $0x1  }
0x3f: {  	[sflag:s31] =	ssyncpa.u1 $0x1  }
0x40: {  	p0 =	sne.s32 s0, $0x0;
	_ =	strace $0x9000004A  }
0x41: {  	s0 =	sadd.s32 @!p0 $0x100000, s1;
	[bflag:$0x2] =	sbarrier.arrive $0xFFFF  }
0x42: {  	[sflag:s0] =	ssyncadd.tile.s32 @!p0 $0x1;
	_ =	shalt  }
.Lfunc_end1:
_tile_overlayer_lowered:
.L_overlay_start_2:
0x43: {  	(tag) =	ssettag $0x2  }
0x44: {  	s0 =	rddreg [dreg:$0x0];
	s2 =	stileid.u32  }
0x45: {  	s1 =	rddreg [dreg:$0x1];
	p0 =	sne.s32 s2, $0x0  }
0x46: {  	s3 =	rddreg [dreg:$0x2];
	[bflag:$0x3] =	sbarrier.arrive $0xFFFF;
	s2 =	simm.s32 @!p0 $0x1C01  }
0x47: {  	[timem:s3], [sflag:s2] =	dma.local @!p0 [hbm:s0], s1  }
0x48: {  	s0 =	simm.s32 @!p0 $0x1  }
0x49: {  	_ =	swait.ge @!p0 [sflag:s0], s1  }
0x4a: {  	s1 =	ssub.s32 @!p0 $0x0, s1;
	[sflag:s0] =	ssyncset.done @!p0 $0x0  }
0x4b: {  	[sflag:s0] =	ssyncadd.s32 @!p0 s1  }
0x4c: {  	[bflag:$0x3] =	sbarrier.arrive $0xFFFF  }
0x4d: {  	_ =	shalt  }

</sc_bundles>
